<compile_context>
chip_gen: v7x
topology: tpu7x:2x2x1
jax: 0.10.2.dev20260603
libtpu: 0.0.44.dev20260713+nightly
codegen_flags: <defaults>
</compile_context>

<pallas_src>
import functools

import jax
import jax.numpy as jnp
from jax import lax
from jax.experimental import pallas as pl
from jax.experimental.pallas import tpu as pltpu
from jax.experimental.pallas import tpu_sc as plsc

N_S = 10000
N_R = 10000
E = 320000
DIN = 128
DH = 128
H = 8
D = 16
NEG_SLOPE = 0.2

NW = 32
EPW = E // NW
CH = 40
NCHUNK = EPW // CH
NP = 10240
RPT = NP // 16
BLK = 400

_DNUMS = lax.GatherDimensionNumbers(
    offset_dims=(), collapsed_slice_dims=(0,), start_index_map=(0,))


def _proj_body(x_ref, w_ref, b_ref, a_ref, h_ref, ha_ref):
    h = jnp.dot(x_ref[...], w_ref[...], preferred_element_type=jnp.float32)
    h = h + b_ref[...]
    h_ref[...] = h
    ha_ref[...] = jnp.dot(h, a_ref[...], preferred_element_type=jnp.float32)


def _proj(x, W, b, A):
    n = x.shape[0]
    return pl.pallas_call(
        _proj_body,
        grid=(n // BLK,),
        in_specs=[
            pl.BlockSpec((BLK, DIN), lambda i: (i, 0)),
            pl.BlockSpec((DIN, DH), lambda i: (0, 0)),
            pl.BlockSpec((1, DH), lambda i: (0, 0)),
            pl.BlockSpec((DH, 128), lambda i: (0, 0)),
        ],
        out_specs=[
            pl.BlockSpec((BLK, DH), lambda i: (i, 0)),
            pl.BlockSpec((BLK, 128), lambda i: (i, 0)),
        ],
        out_shape=[
            jax.ShapeDtypeStruct((n, DH), jnp.float32),
            jax.ShapeDtypeStruct((n, 128), jnp.float32),
        ],
    )(x, W, b.reshape(1, DH), A)


def _edge_sc_body(src_hbm, dst_hbm, asrc_hbm, adst_hbm, h_hbm,
                  psum_hbm, pden_hbm,
                  sidx, didx, as_v, ad_v, h_v, ex_v, msg_v,
                  out_sh, den_sh, sem_i, sem_g, sem_s):
    c = lax.axis_index("c")
    s = lax.axis_index("s")
    wid = s * 2 + c
    base = wid * EPW

    zeros16 = jnp.zeros((16,), jnp.float32)
    lanes = lax.iota(jnp.int32, 16)
    mask = jnp.where(lanes < 8, 1.0, 0.0)
    idx_h = [(lanes * 0 + h).reshape(16, 1) for h in range(8)]

    def zrow(e, carry):
        for j in range(8):
            msg_v[e, pl.ds(16 * j, 16)] = zeros16
        ex_v[e, :] = zeros16
        return carry

    lax.fori_loop(0, CH, zrow, 0)

    def zblk(i, carry):
        off = s * RPT + i * CH
        pltpu.sync_copy(msg_v.at[pl.ds(0, CH)], out_sh.at[pl.ds(off, CH)])
        pltpu.sync_copy(ex_v.at[pl.ds(0, CH)], den_sh.at[pl.ds(off, CH)])
        return carry

    lax.fori_loop(0, RPT // CH, zblk, 0)
    plsc.subcore_barrier()

    def issue_idx(k):
        q = lax.rem(k, 4)
        b = base + k * CH
        pltpu.async_copy(src_hbm.at[pl.ds(b, CH)], sidx.at[q], sem_i)
        pltpu.async_copy(dst_hbm.at[pl.ds(b, CH)], didx.at[q], sem_i)

    def wait_idx():
        pltpu.make_async_copy(
            src_hbm.at[pl.ds(0, CH)], sidx.at[0], sem_i).wait()
        pltpu.make_async_copy(
            dst_hbm.at[pl.ds(0, CH)], didx.at[0], sem_i).wait()

    def issue_gathers(k):
        q = lax.rem(k, 4)
        p = lax.rem(k, 2)
        o = p * CH
        pltpu.async_copy(asrc_hbm.at[sidx.at[q]],
                         as_v.at[pl.ds(o, CH)], sem_g)
        pltpu.async_copy(adst_hbm.at[didx.at[q]],
                         ad_v.at[pl.ds(o, CH)], sem_g)
        pltpu.async_copy(h_hbm.at[sidx.at[q]],
                         h_v.at[pl.ds(o, CH)], sem_g)

    def wait_gathers():
        pltpu.make_async_copy(
            asrc_hbm.at[pl.ds(0, CH)], as_v.at[pl.ds(0, CH)], sem_g).wait()
        pltpu.make_async_copy(
            adst_hbm.at[pl.ds(0, CH)], ad_v.at[pl.ds(0, CH)], sem_g).wait()
        pltpu.make_async_copy(
            h_hbm.at[pl.ds(0, CH)], h_v.at[pl.ds(0, CH)], sem_g).wait()

    def wait_scatters():
        pltpu.make_async_copy(
            asrc_hbm.at[pl.ds(0, CH)], ex_v.at[pl.ds(0, CH)], sem_s).wait()
        pltpu.make_async_copy(
            h_hbm.at[pl.ds(0, CH)], msg_v.at[pl.ds(0, CH)], sem_s).wait()

    issue_idx(0)
    wait_idx()
    issue_gathers(0)
    issue_idx(1)

    def chunk(k, carry):
        p = lax.rem(k, 2)
        q = lax.rem(k, 4)
        o = p * CH
        wait_gathers()

        @pl.when(k >= 2)
        def _():
            wait_scatters()

        @pl.when(k + 1 < NCHUNK)
        def _():
            wait_idx()
            issue_gathers(k + 1)

        @pl.when(k + 2 < NCHUNK)
        def _():
            issue_idx(k + 2)

        @plsc.parallel_loop(0, CH, 1, unroll=4)
        def edge(e):
            eo = o + e
            alpha = as_v[eo, :] + ad_v[eo, :]
            alpha = jnp.where(alpha > 0, alpha, NEG_SLOPE * alpha)
            ex = jnp.exp(alpha) * mask
            ex_v[eo, :] = ex
            for h in range(8):
                spl = lax.gather(ex, idx_h[h], _DNUMS, (1,),
                                 mode=lax.GatherScatterMode.PROMISE_IN_BOUNDS)
                msg_v[eo, pl.ds(16 * h, 16)] = (
                    h_v[eo, pl.ds(16 * h, 16)] * spl)
        pltpu.async_copy(ex_v.at[pl.ds(o, CH)],
                         den_sh.at[didx.at[q]], sem_s, add=True)
        pltpu.async_copy(msg_v.at[pl.ds(o, CH)],
                         out_sh.at[didx.at[q]], sem_s, add=True)
        return carry

    lax.fori_loop(0, NCHUNK, chunk, 0)
    wait_scatters()
    wait_scatters()
    plsc.subcore_barrier()

    off = c * NP + s * RPT
    pltpu.sync_copy(out_sh.at[pl.ds(s * RPT, RPT)], psum_hbm.at[pl.ds(off, RPT)])
    pltpu.sync_copy(den_sh.at[pl.ds(s * RPT, RPT)], pden_hbm.at[pl.ds(off, RPT)])


def _edge_sc(src, dst, asrc, adst, h):
    mesh = plsc.VectorSubcoreMesh(core_axis_name="c", subcore_axis_name="s")
    f = pl.kernel(
        _edge_sc_body,
        out_type=[
            jax.ShapeDtypeStruct((2 * NP, 128), jnp.float32),
            jax.ShapeDtypeStruct((2 * NP, 16), jnp.float32),
        ],
        mesh=mesh,
        compiler_params=pltpu.CompilerParams(
            needs_layout_passes=False, use_tc_tiling_on_sc=False),
        scratch_types=[
            pltpu.VMEM((4, CH), jnp.int32),
            pltpu.VMEM((4, CH), jnp.int32),
            pltpu.VMEM((2 * CH, 16), jnp.float32),
            pltpu.VMEM((2 * CH, 16), jnp.float32),
            pltpu.VMEM((2 * CH, 128), jnp.float32),
            pltpu.VMEM((2 * CH, 16), jnp.float32),
            pltpu.VMEM((2 * CH, 128), jnp.float32),
            pltpu.VMEM_SHARED((NP, 128), jnp.float32),
            pltpu.VMEM_SHARED((NP, 16), jnp.float32),
            pltpu.SemaphoreType.DMA,
            pltpu.SemaphoreType.DMA,
            pltpu.SemaphoreType.DMA,
        ],
    )
    return f(src, dst, asrc, adst, h)


def _comb_body(p0_ref, p1_ref, d0_ref, d1_ref, r16_ref, wk_ref, bk_ref, q_ref,
               out_ref, s_ref):
    den = jnp.dot(d0_ref[...] + d1_ref[...], r16_ref[...],
                  preferred_element_type=jnp.float32) + 1e-16
    out = jnp.maximum((p0_ref[...] + p1_ref[...]) / den, 0.0)
    out_ref[...] = out
    t = jnp.tanh(jnp.dot(out, wk_ref[...],
                         preferred_element_type=jnp.float32) + bk_ref[...])

    @pl.when(pl.program_id(0) == 0)
    def _():
        s_ref[0, 0] = 0.0

    s_ref[0, 0] += jnp.sum(t * q_ref[...])


def _comb(p0, p1, d0, d1, r16, wk, bk, qrow):
    return pl.pallas_call(
        _comb_body,
        grid=(N_S // BLK,),
        in_specs=[
            pl.BlockSpec((BLK, 128), lambda i: (i, 0)),
            pl.BlockSpec((BLK, 128), lambda i: (i, 0)),
            pl.BlockSpec((BLK, 16), lambda i: (i, 0)),
            pl.BlockSpec((BLK, 16), lambda i: (i, 0)),
            pl.BlockSpec((16, 128), lambda i: (0, 0)),
            pl.BlockSpec((DH, DH), lambda i: (0, 0)),
            pl.BlockSpec((1, DH), lambda i: (0, 0)),
            pl.BlockSpec((1, DH), lambda i: (0, 0)),
        ],
        out_specs=[
            pl.BlockSpec((BLK, DH), lambda i: (i, 0)),
            pl.BlockSpec((1, 1), lambda i: (0, 0), memory_space=pltpu.SMEM),
        ],
        out_shape=[
            jax.ShapeDtypeStruct((N_S, DH), jnp.float32),
            jax.ShapeDtypeStruct((1, 1), jnp.float32),
        ],
    )(p0, p1, d0, d1, r16, wk, bk, qrow)


def _final_body(ss_ref, rs_ref, s0_ref, s1_ref, wout_ref, bout_ref, o_ref):
    d = (s1_ref[0, 0] - s0_ref[0, 0]) / N_S
    w0 = 1.0 / (1.0 + jnp.exp(jnp.full((1, 128), d, jnp.float32)))
    mix = ss_ref[...] * w0 + rs_ref[...] * (1.0 - w0)
    o_ref[...] = jnp.dot(mix, wout_ref[...],
                         preferred_element_type=jnp.float32) + bout_ref[...]


def _final(out_ss, out_rs, s_ss, s_rs, wout, bout):
    return pl.pallas_call(
        _final_body,
        grid=(N_S // BLK,),
        in_specs=[
            pl.BlockSpec((BLK, DH), lambda i: (i, 0)),
            pl.BlockSpec((BLK, DH), lambda i: (i, 0)),
            pl.BlockSpec(memory_space=pltpu.SMEM),
            pl.BlockSpec(memory_space=pltpu.SMEM),
            pl.BlockSpec((DH, 128), lambda i: (0, 0)),
            pl.BlockSpec((1, 128), lambda i: (0, 0)),
        ],
        out_specs=pl.BlockSpec((BLK, 128), lambda i: (i, 0)),
        out_shape=jax.ShapeDtypeStruct((N_S, 128), jnp.float32),
    )(out_ss, out_rs, s_ss, s_rs, wout, bout)


def _att_mat(att):
    rows = jnp.arange(DH)
    return jnp.zeros((DH, 16), jnp.float32).at[rows, rows // D].set(
        att.reshape(DH))


def kernel(x_SUBJECT, x_REGION, edge_index_SUBJECT__to__SUBJECT,
           edge_index_REGION__in__SUBJECT,
           W_proj_SUBJECT, b_proj_SUBJECT, W_proj_REGION, b_proj_REGION,
           att_src_S2S, att_dst_S2S, att_src_R2S, att_dst_R2S,
           W_k, b_k, q, W_out, b_out):
    ei_ss = edge_index_SUBJECT__to__SUBJECT
    ei_rs = edge_index_REGION__in__SUBJECT

    a_s = jnp.concatenate(
        [_att_mat(att_src_S2S), _att_mat(att_dst_S2S), _att_mat(att_dst_R2S),
         jnp.zeros((DH, 128 - 48), jnp.float32)], axis=1)
    a_r = jnp.concatenate(
        [_att_mat(att_src_R2S), jnp.zeros((DH, 128 - 16), jnp.float32)],
        axis=1)
    cols = jnp.arange(128)
    r16 = jnp.zeros((16, 128), jnp.float32).at[cols // D, cols].set(1.0)
    wout_pad = jnp.zeros((DH, 128), jnp.float32).at[:, :2].set(W_out)
    bout_pad = jnp.zeros((1, 128), jnp.float32).at[0, :2].set(b_out)

    h_S, aS = _proj(x_SUBJECT, W_proj_SUBJECT, b_proj_SUBJECT, a_s)
    h_R, aR = _proj(x_REGION, W_proj_REGION, b_proj_REGION, a_r)

    psum_ss, pden_ss = _edge_sc(ei_ss[0], ei_ss[1],
                                aS[:, 0:16], aS[:, 16:32], h_S)
    psum_rs, pden_rs = _edge_sc(ei_rs[0], ei_rs[1],
                                aR[:, 0:16], aS[:, 32:48], h_R)

    out_ss, s_ss = _comb(psum_ss[:N_S], psum_ss[NP:NP + N_S],
                         pden_ss[:N_S], pden_ss[NP:NP + N_S],
                         r16, W_k, b_k.reshape(1, DH), q.reshape(1, DH))
    out_rs, s_rs = _comb(psum_rs[:N_S], psum_rs[NP:NP + N_S],
                         pden_rs[:N_S], pden_rs[NP:NP + N_S],
                         r16, W_k, b_k.reshape(1, DH), q.reshape(1, DH))

    return _final(out_ss, out_rs, s_ss, s_rs, wout_pad, bout_pad)[:, :2]

# --- scband reference (transcript-rebuilt; emitter-appended) ---
"""Pipeline reference for scband-bnnhan-65438121722569 (READ-ONLY COPY).

The authoritative reference and input builder live on the scoring server;
editing this copy changes nothing except your own understanding.
"""

import jax, jax.numpy as jnp
import numpy as np

N_S = 10000
N_R = 10000
E = 320000
DIN = 128
DH = 128
H = 8
D = DH // H
DOUT = 2
NEG_SLOPE = 0.2


def setup_inputs(seed: int = 0):
    key = jax.random.key(seed)
    ks = jax.random.split(key, 20)
    inp = {}
    inp["x_SUBJECT"] = jax.random.normal(ks[0], (N_S, DIN), jnp.float32)
    inp["x_REGION"] = jax.random.normal(ks[1], (N_R, DIN), jnp.float32)
    inp["edge_index_SUBJECT__to__SUBJECT"] = jax.random.randint(ks[2], (2, E), 0, N_S, jnp.int32)
    inp["edge_index_REGION__in__SUBJECT"] = jax.random.randint(ks[3], (2, E), 0, N_R, jnp.int32)
    # per-node-type projection (PyG HANConv self.proj)
    inp["W_proj_SUBJECT"] = jax.random.normal(ks[4], (DIN, DH), jnp.float32) * 0.05
    inp["b_proj_SUBJECT"] = jnp.zeros((DH,), jnp.float32)
    inp["W_proj_REGION"] = jax.random.normal(ks[5], (DIN, DH), jnp.float32) * 0.05
    inp["b_proj_REGION"] = jnp.zeros((DH,), jnp.float32)
    # per-edge-type node-level attention vectors (lin_src / lin_dst), shape [1, H, D]
    inp["att_src_S2S"] = jax.random.normal(ks[6], (1, H, D), jnp.float32) * 0.05
    inp["att_dst_S2S"] = jax.random.normal(ks[7], (1, H, D), jnp.float32) * 0.05
    inp["att_src_R2S"] = jax.random.normal(ks[8], (1, H, D), jnp.float32) * 0.05
    inp["att_dst_R2S"] = jax.random.normal(ks[9], (1, H, D), jnp.float32) * 0.05
    # semantic-level attention (k_lin and q)
    inp["W_k"] = jax.random.normal(ks[10], (DH, DH), jnp.float32) * 0.05
    inp["b_k"] = jnp.zeros((DH,), jnp.float32)
    inp["q"] = jax.random.normal(ks[11], (DH,), jnp.float32) * 0.05
    # final classifier linear
    inp["W_out"] = jax.random.normal(ks[12], (DH, DOUT), jnp.float32) * 0.05
    inp["b_out"] = jnp.zeros((DOUT,), jnp.float32)
    return inp


def _han_edge(x_src_hd, x_dst_hd, src, dst, att_src, att_dst, n_dst):
    # node-level (GAT-style) attention for one edge type
    alpha_src = (x_src_hd * att_src).sum(-1)  # [N_src, H]
    alpha_dst = (x_dst_hd * att_dst).sum(-1)  # [N_dst, H]
    alpha = alpha_src[src] + alpha_dst[dst]   # [E, H]
    alpha = jnp.where(alpha > 0, alpha, NEG_SLOPE * alpha)  # leaky_relu
    amax = jax.ops.segment_max(jax.lax.stop_gradient(alpha), dst, num_segments=n_dst)
    amax = jnp.where(jnp.isfinite(amax), amax, 0.0)
    ex = jnp.exp(alpha - amax[dst])
    denom = jax.ops.segment_sum(ex, dst, num_segments=n_dst)
    a = ex / (denom[dst] + 1e-16)             # softmax over incoming edges per dst
    msg = x_src_hd[src] * a[:, :, None]       # [E, H, D]
    out = jax.ops.segment_sum(msg, dst, num_segments=n_dst)  # [N_dst, H, D]
    return out.reshape(n_dst, H * D)


def reference(x_SUBJECT, x_REGION, edge_index_SUBJECT__to__SUBJECT, edge_index_REGION__in__SUBJECT,
              W_proj_SUBJECT, b_proj_SUBJECT, W_proj_REGION, b_proj_REGION,
              att_src_S2S, att_dst_S2S, att_src_R2S, att_dst_R2S,
              W_k, b_k, q, W_out, b_out):
    ei_ss = edge_index_SUBJECT__to__SUBJECT
    ei_rs = edge_index_REGION__in__SUBJECT
    # per-node-type projection
    h_S = (x_SUBJECT @ W_proj_SUBJECT + b_proj_SUBJECT).reshape(-1, H, D)
    h_R = (x_REGION @ W_proj_REGION + b_proj_REGION).reshape(-1, H, D)
    # per-edge-type message passing (dropout disabled: eval mode)
    out_ss = jax.nn.relu(_han_edge(h_S, h_S, ei_ss[0], ei_ss[1], att_src_S2S, att_dst_S2S, N_S))
    out_rs = jax.nn.relu(_han_edge(h_R, h_S, ei_rs[0], ei_rs[1], att_src_R2S, att_dst_R2S, N_S))
    # semantic-level attention (group)
    outs = jnp.stack([out_ss, out_rs])                     # [2, N_S, DH]
    attn_score = (q * jnp.tanh(outs @ W_k + b_k).mean(axis=1)).sum(-1)  # [2]
    attn = jax.nn.softmax(attn_score, axis=0)
    out_subject = (attn[:, None, None] * outs).sum(0)      # [N_S, DH]
    # final linear head on 'SUBJECT'
    return out_subject @ W_out + b_out

if __name__ == "__main__":
    import jax
    _d = setup_inputs()
    print(jax.jit(kernel)(*tuple(_d.values())))

</pallas_src>

<mosaic_0001>
#map = affine_map<(d0, d1) -> (0)>
#map1 = affine_map<(d0, d1) -> (0, 0)>
module attributes {stable_mosaic.version = 14 : i64} {
  func.func @_edge_sc_body(%arg0: i32, %arg1: i32, %arg2: memref<320000xi32, #tpu.memory_space<hbm>>, %arg3: memref<320000xi32, #tpu.memory_space<hbm>>, %arg4: memref<10000x16xf32, #tpu.memory_space<hbm>>, %arg5: memref<10000x16xf32, #tpu.memory_space<hbm>>, %arg6: memref<10000x128xf32, #tpu.memory_space<hbm>>, %arg7: memref<20480x128xf32, #tpu.memory_space<hbm>>, %arg8: memref<20480x16xf32, #tpu.memory_space<hbm>>, %arg9: memref<4x40xi32, #tpu.memory_space<vmem>>, %arg10: memref<4x40xi32, #tpu.memory_space<vmem>>, %arg11: memref<80x16xf32, #tpu.memory_space<vmem>>, %arg12: memref<80x16xf32, #tpu.memory_space<vmem>>, %arg13: memref<80x128xf32, #tpu.memory_space<vmem>>, %arg14: memref<80x16xf32, #tpu.memory_space<vmem>>, %arg15: memref<80x128xf32, #tpu.memory_space<vmem>>, %arg16: memref<10240x128xf32, #tpu.memory_space<vmem_shared>>, %arg17: memref<10240x16xf32, #tpu.memory_space<vmem_shared>>, %arg18: memref<!tpu.dma_semaphore, #tpu.memory_space<semaphore_mem>>, %arg19: memref<!tpu.dma_semaphore, #tpu.memory_space<semaphore_mem>>, %arg20: memref<!tpu.dma_semaphore, #tpu.memory_space<semaphore_mem>>) attributes {dimension_semantics = [#tpu.dimension_semantics<core_parallel>, #tpu.dimension_semantics<subcore_parallel>], iteration_bounds = array<i64: 2, 16>, scalar_prefetch = 0 : i64, scratch_operands = 12 : i64, tpu.core_type = #tpu.core_type<sc_vector_subcore>, window_params = [{transform_indices = #map}, {transform_indices = #map}, {transform_indices = #map1}, {transform_indices = #map1}, {transform_indices = #map1}, {transform_indices = #map1}, {transform_indices = #map1}]} {
    %mul3A = arith.constant 2 : i32
    %mul3A_0 = arith.muli %arg1, %mul3A : i32
    %add3A = arith.addi %mul3A_0, %arg0 : i32
    %mul3A_1 = arith.constant 10000 : i32
    %mul3A_2 = arith.muli %add3A, %mul3A_1 : i32
    %broadcast_in_dim3A = arith.constant 0.000000e+00 : f32
    %broadcast_in_dim3A_3 = vector.broadcast %broadcast_in_dim3A : f32 to vector<16xf32>
    %iota3A = tpu.iota {dimensions = array<i32: 0>} : vector<16xi32>
    %lt3A = arith.constant 8 : i32
    %lt3A_4 = vector.broadcast %lt3A : i32 to vector<16xi32>
    %lt3A_5 = arith.cmpi slt, %iota3A, %lt3A_4 : vector<16xi32>
    %jit3A = arith.constant 1.000000e+00 : f32
    %jit3A_6 = arith.constant 0.000000e+00 : f32
    %broadcast_in_dim3A_7 = vector.broadcast %jit3A : f32 to vector<16xf32>
    %broadcast_in_dim3A_8 = vector.broadcast %jit3A_6 : f32 to vector<16xf32>
    %select_n3A = arith.select %lt3A_5, %broadcast_in_dim3A_7, %broadcast_in_dim3A_8 : vector<16xi1>, vector<16xf32>
    %mul3A_9 = arith.constant 0 : i32
    %mul3A_10 = vector.broadcast %mul3A_9 : i32 to vector<16xi32>
    %mul3A_11 = arith.muli %iota3A, %mul3A_10 : vector<16xi32>
    %add3A_12 = arith.constant 0 : i32
    %add3A_13 = vector.broadcast %add3A_12 : i32 to vector<16xi32>
    %add3A_14 = arith.addi %mul3A_11, %add3A_13 : vector<16xi32>
    %reshape3A = vector.shape_cast %add3A_14 : vector<16xi32> to vector<16x1xi32>
    %mul3A_15 = arith.constant 0 : i32
    %mul3A_16 = vector.broadcast %mul3A_15 : i32 to vector<16xi32>
    %mul3A_17 = arith.muli %iota3A, %mul3A_16 : vector<16xi32>
    %add3A_18 = arith.constant 1 : i32
    %add3A_19 = vector.broadcast %add3A_18 : i32 to vector<16xi32>
    %add3A_20 = arith.addi %mul3A_17, %add3A_19 : vector<16xi32>
    %reshape3A_21 = vector.shape_cast %add3A_20 : vector<16xi32> to vector<16x1xi32>
    %mul3A_22 = arith.constant 0 : i32
    %mul3A_23 = vector.broadcast %mul3A_22 : i32 to vector<16xi32>
    %mul3A_24 = arith.muli %iota3A, %mul3A_23 : vector<16xi32>
    %add3A_25 = arith.constant 2 : i32
    %add3A_26 = vector.broadcast %add3A_25 : i32 to vector<16xi32>
    %add3A_27 = arith.addi %mul3A_24, %add3A_26 : vector<16xi32>
    %reshape3A_28 = vector.shape_cast %add3A_27 : vector<16xi32> to vector<16x1xi32>
    %mul3A_29 = arith.constant 0 : i32
    %mul3A_30 = vector.broadcast %mul3A_29 : i32 to vector<16xi32>
    %mul3A_31 = arith.muli %iota3A, %mul3A_30 : vector<16xi32>
    %add3A_32 = arith.constant 3 : i32
    %add3A_33 = vector.broadcast %add3A_32 : i32 to vector<16xi32>
    %add3A_34 = arith.addi %mul3A_31, %add3A_33 : vector<16xi32>
    %reshape3A_35 = vector.shape_cast %add3A_34 : vector<16xi32> to vector<16x1xi32>
    %mul3A_36 = arith.constant 0 : i32
    %mul3A_37 = vector.broadcast %mul3A_36 : i32 to vector<16xi32>
    %mul3A_38 = arith.muli %iota3A, %mul3A_37 : vector<16xi32>
    %add3A_39 = arith.constant 4 : i32
    %add3A_40 = vector.broadcast %add3A_39 : i32 to vector<16xi32>
    %add3A_41 = arith.addi %mul3A_38, %add3A_40 : vector<16xi32>
    %reshape3A_42 = vector.shape_cast %add3A_41 : vector<16xi32> to vector<16x1xi32>
    %mul3A_43 = arith.constant 0 : i32
    %mul3A_44 = vector.broadcast %mul3A_43 : i32 to vector<16xi32>
    %mul3A_45 = arith.muli %iota3A, %mul3A_44 : vector<16xi32>
    %add3A_46 = arith.constant 5 : i32
    %add3A_47 = vector.broadcast %add3A_46 : i32 to vector<16xi32>
    %add3A_48 = arith.addi %mul3A_45, %add3A_47 : vector<16xi32>
    %reshape3A_49 = vector.shape_cast %add3A_48 : vector<16xi32> to vector<16x1xi32>
    %mul3A_50 = arith.constant 0 : i32
    %mul3A_51 = vector.broadcast %mul3A_50 : i32 to vector<16xi32>
    %mul3A_52 = arith.muli %iota3A, %mul3A_51 : vector<16xi32>
    %add3A_53 = arith.constant 6 : i32
    %add3A_54 = vector.broadcast %add3A_53 : i32 to vector<16xi32>
    %add3A_55 = arith.addi %mul3A_52, %add3A_54 : vector<16xi32>
    %reshape3A_56 = vector.shape_cast %add3A_55 : vector<16xi32> to vector<16x1xi32>
    %mul3A_57 = arith.constant 0 : i32
    %mul3A_58 = vector.broadcast %mul3A_57 : i32 to vector<16xi32>
    %mul3A_59 = arith.muli %iota3A, %mul3A_58 : vector<16xi32>
    %add3A_60 = arith.constant 7 : i32
    %add3A_61 = vector.broadcast %add3A_60 : i32 to vector<16xi32>
    %add3A_62 = arith.addi %mul3A_59, %add3A_61 : vector<16xi32>
    %reshape3A_63 = vector.shape_cast %add3A_62 : vector<16xi32> to vector<16x1xi32>
    %scan3A = arith.constant 0 : i32
    %scan3A_64 = arith.constant 0 : i32
    %scan3A_65 = arith.constant 40 : i32
    %scan3A_66 = arith.addi %scan3A_64, %scan3A_65 : i32
    %scan3A_67 = arith.constant 1 : i32
    scf.for %scan3A_232 = %scan3A_64 to %scan3A_66 step %scan3A_67  : i32 {
      %swap3A = arith.index_cast %scan3A_232 : i32 to index
      %swap3A_233 = arith.constant 0 : index
      %swap3A_234 = tpu.vector_load %arg15[%swap3A, %swap3A_233] {strides = array<i32>} : memref<80x128xf32, #tpu.memory_space<vmem>>, vector<16xf32>,
      tpu.vector_store %arg15[%swap3A, %swap3A_233], %broadcast_in_dim3A_3 {strides = array<i32>} : memref<80x128xf32, #tpu.memory_space<vmem>>, vector<16xf32>,
      %swap3A_235 = arith.index_cast %scan3A_232 : i32 to index
      %swap3A_236 = arith.constant 16 : index
      %swap3A_237 = tpu.vector_load %arg15[%swap3A_235, %swap3A_236] {strides = array<i32>} : memref<80x128xf32, #tpu.memory_space<vmem>>, vector<16xf32>,
      tpu.vector_store %arg15[%swap3A_235, %swap3A_236], %broadcast_in_dim3A_3 {strides = array<i32>} : memref<80x128xf32, #tpu.memory_space<vmem>>, vector<16xf32>,
      %swap3A_238 = arith.index_cast %scan3A_232 : i32 to index
      %swap3A_239 = arith.constant 32 : index
      %swap3A_240 = tpu.vector_load %arg15[%swap3A_238, %swap3A_239] {strides = array<i32>} : memref<80x128xf32, #tpu.memory_space<vmem>>, vector<16xf32>,
      tpu.vector_store %arg15[%swap3A_238, %swap3A_239], %broadcast_in_dim3A_3 {strides = array<i32>} : memref<80x128xf32, #tpu.memory_space<vmem>>, vector<16xf32>,
      %swap3A_241 = arith.index_cast %scan3A_232 : i32 to index
      %swap3A_242 = arith.constant 48 : index
      %swap3A_243 = tpu.vector_load %arg15[%swap3A_241, %swap3A_242] {strides = array<i32>} : memref<80x128xf32, #tpu.memory_space<vmem>>, vector<16xf32>,
      tpu.vector_store %arg15[%swap3A_241, %swap3A_242], %broadcast_in_dim3A_3 {strides = array<i32>} : memref<80x128xf32, #tpu.memory_space<vmem>>, vector<16xf32>,
      %swap3A_244 = arith.index_cast %scan3A_232 : i32 to index
      %swap3A_245 = arith.constant 64 : index
      %swap3A_246 = tpu.vector_load %arg15[%swap3A_244, %swap3A_245] {strides = array<i32>} : memref<80x128xf32, #tpu.memory_space<vmem>>, vector<16xf32>,
      tpu.vector_store %arg15[%swap3A_244, %swap3A_245], %broadcast_in_dim3A_3 {strides = array<i32>} : memref<80x128xf32, #tpu.memory_space<vmem>>, vector<16xf32>,
      %swap3A_247 = arith.index_cast %scan3A_232 : i32 to index
      %swap3A_248 = arith.constant 80 : index
      %swap3A_249 = tpu.vector_load %arg15[%swap3A_247, %swap3A_248] {strides = array<i32>} : memref<80x128xf32, #tpu.memory_space<vmem>>, vector<16xf32>,
      tpu.vector_store %arg15[%swap3A_247, %swap3A_248], %broadcast_in_dim3A_3 {strides = array<i32>} : memref<80x128xf32, #tpu.memory_space<vmem>>, vector<16xf32>,
      %swap3A_250 = arith.index_cast %scan3A_232 : i32 to index
      %swap3A_251 = arith.constant 96 : index
      %swap3A_252 = tpu.vector_load %arg15[%swap3A_250, %swap3A_251] {strides = array<i32>} : memref<80x128xf32, #tpu.memory_space<vmem>>, vector<16xf32>,
      tpu.vector_store %arg15[%swap3A_250, %swap3A_251], %broadcast_in_dim3A_3 {strides = array<i32>} : memref<80x128xf32, #tpu.memory_space<vmem>>, vector<16xf32>,
      %swap3A_253 = arith.index_cast %scan3A_232 : i32 to index
      %swap3A_254 = arith.constant 112 : index
      %swap3A_255 = tpu.vector_load %arg15[%swap3A_253, %swap3A_254] {strides = array<i32>} : memref<80x128xf32, #tpu.memory_space<vmem>>, vector<16xf32>,
      tpu.vector_store %arg15[%swap3A_253, %swap3A_254], %broadcast_in_dim3A_3 {strides = array<i32>} : memref<80x128xf32, #tpu.memory_space<vmem>>, vector<16xf32>,
      %swap3A_256 = arith.index_cast %scan3A_232 : i32 to index
      %swap3A_257 = arith.constant 0 : index
      %swap3A_258 = tpu.vector_load %arg14[%swap3A_256, %swap3A_257] {strides = array<i32>} : memref<80x16xf32, #tpu.memory_space<vmem>>, vector<16xf32>,
      tpu.vector_store %arg14[%swap3A_256, %swap3A_257], %broadcast_in_dim3A_3 {strides = array<i32>} : memref<80x16xf32, #tpu.memory_space<vmem>>, vector<16xf32>,
    }
    %scan3A_68 = arith.constant 40 : i32
    %scan3A_69 = arith.constant 0 : i32
    %scan3A_70 = arith.constant 0 : i32
    %scan3A_71 = arith.constant 16 : i32
    %scan3A_72 = arith.addi %scan3A_70, %scan3A_71 : i32
    %scan3A_73 = arith.constant 1 : i32
    scf.for %scan3A_232 = %scan3A_70 to %scan3A_72 step %scan3A_73  : i32 {
      %mul3A_233 = arith.constant 640 : i32
      %mul3A_234 = arith.muli %arg1, %mul3A_233 : i32
      %mul3A_235 = arith.constant 40 : i32
      %mul3A_236 = arith.muli %scan3A_232, %mul3A_235 : i32
      %add3A_237 = arith.addi %mul3A_234, %mul3A_236 : i32
      "tpu.region"() ({
        %run_scoped3A = tpu.sem_alloc : memref<!tpu.dma_semaphore, #tpu.memory_space<semaphore_mem>>
        %dma_start3A_238 = arith.constant 0 : i32
        %dma_start3A_239 = arith.constant 0 : i32
        %dma_start3A_240 = tpu.memref_slice %arg15[%dma_start3A_238, %dma_start3A_239] : memref<80x128xf32, #tpu.memory_space<vmem>> -> memref<40x128xf32, #tpu.memory_space<vmem>>
        %dma_start3A_241 = arith.constant 0 : i32
        %dma_start3A_242 = tpu.memref_slice %arg16[%add3A_237, %dma_start3A_241] : memref<10240x128xf32, #tpu.memory_space<vmem_shared>> -> memref<40x128xf32, #tpu.memory_space<vmem_shared>>
        %dma_start3A_243 = arith.constant 0 : i32
        %dma_start3A_244 = tpu.memref_slice %arg16[%add3A_237, %dma_start3A_243] : memref<10240x128xf32, #tpu.memory_space<vmem_shared>> -> memref<40x128xf32, #tpu.memory_space<vmem_shared>>
        %dma_start3A_245 = arith.constant 0 : i32
        %dma_start3A_246 = arith.constant 0 : i32
        %dma_start3A_247 = tpu.memref_slice %arg15[%dma_start3A_245, %dma_start3A_246] : memref<80x128xf32, #tpu.memory_space<vmem>> -> memref<40x128xf32, #tpu.memory_space<vmem>>
        tpu.enqueue_dma source(%dma_start3A_247 : memref<40x128xf32, #tpu.memory_space<vmem>>) target(%dma_start3A_244 : memref<40x128xf32, #tpu.memory_space<vmem_shared>>) target_semaphore(%run_scoped3A : memref<!tpu.dma_semaphore, #tpu.memory_space<semaphore_mem>>)
        %dma_wait3A_248 = arith.constant 0 : i32
        %dma_wait3A_249 = arith.constant 0 : i32
        %dma_wait3A_250 = tpu.memref_slice %arg15[%dma_wait3A_248, %dma_wait3A_249] : memref<80x128xf32, #tpu.memory_space<vmem>> -> memref<40x128xf32, #tpu.memory_space<vmem>>
        %dma_wait3A_251 = arith.constant 0 : i32
        %dma_wait3A_252 = tpu.memref_slice %arg16[%add3A_237, %dma_wait3A_251] : memref<10240x128xf32, #tpu.memory_space<vmem_shared>> -> memref<40x128xf32, #tpu.memory_space<vmem_shared>>
        %dma_wait3A_253 = arith.constant 0 : i32
        %dma_wait3A_254 = tpu.memref_slice %arg16[%add3A_237, %dma_wait3A_253] : memref<10240x128xf32, #tpu.memory_space<vmem_shared>> -> memref<40x128xf32, #tpu.memory_space<vmem_shared>>
        %dma_wait3A_255 = arith.constant 0 : i32
        %dma_wait3A_256 = arith.constant 0 : i32
        %dma_wait3A_257 = tpu.memref_slice %arg15[%dma_wait3A_255, %dma_wait3A_256] : memref<80x128xf32, #tpu.memory_space<vmem>> -> memref<40x128xf32, #tpu.memory_space<vmem>>
        tpu.wait_dma2 semaphore(%run_scoped3A : memref<!tpu.dma_semaphore, #tpu.memory_space<semaphore_mem>>) src(%dma_wait3A_257 : memref<40x128xf32, #tpu.memory_space<vmem>>) dst(%dma_wait3A_254 : memref<40x128xf32, #tpu.memory_space<vmem_shared>>)
        tpu.yield
      }) : () -> ()
      "tpu.region"() ({
        %run_scoped3A = tpu.sem_alloc : memref<!tpu.dma_semaphore, #tpu.memory_space<semaphore_mem>>
        %dma_start3A_238 = arith.constant 0 : i32
        %dma_start3A_239 = arith.constant 0 : i32
        %dma_start3A_240 = tpu.memref_slice %arg14[%dma_start3A_238, %dma_start3A_239] : memref<80x16xf32, #tpu.memory_space<vmem>> -> memref<40x16xf32, #tpu.memory_space<vmem>>
        %dma_start3A_241 = arith.constant 0 : i32
        %dma_start3A_242 = tpu.memref_slice %arg17[%add3A_237, %dma_start3A_241] : memref<10240x16xf32, #tpu.memory_space<vmem_shared>> -> memref<40x16xf32, #tpu.memory_space<vmem_shared>>
        %dma_start3A_243 = arith.constant 0 : i32
        %dma_start3A_244 = tpu.memref_slice %arg17[%add3A_237, %dma_start3A_243] : memref<10240x16xf32, #tpu.memory_space<vmem_shared>> -> memref<40x16xf32, #tpu.memory_space<vmem_shared>>
        %dma_start3A_245 = arith.constant 0 : i32
        %dma_start3A_246 = arith.constant 0 : i32
        %dma_start3A_247 = tpu.memref_slice %arg14[%dma_start3A_245, %dma_start3A_246] : memref<80x16xf32, #tpu.memory_space<vmem>> -> memref<40x16xf32, #tpu.memory_space<vmem>>
        tpu.enqueue_dma source(%dma_start3A_247 : memref<40x16xf32, #tpu.memory_space<vmem>>) target(%dma_start3A_244 : memref<40x16xf32, #tpu.memory_space<vmem_shared>>) target_semaphore(%run_scoped3A : memref<!tpu.dma_semaphore, #tpu.memory_space<semaphore_mem>>)
        %dma_wait3A_248 = arith.constant 0 : i32
        %dma_wait3A_249 = arith.constant 0 : i32
        %dma_wait3A_250 = tpu.memref_slice %arg14[%dma_wait3A_248, %dma_wait3A_249] : memref<80x16xf32, #tpu.memory_space<vmem>> -> memref<40x16xf32, #tpu.memory_space<vmem>>
        %dma_wait3A_251 = arith.constant 0 : i32
        %dma_wait3A_252 = tpu.memref_slice %arg17[%add3A_237, %dma_wait3A_251] : memref<10240x16xf32, #tpu.memory_space<vmem_shared>> -> memref<40x16xf32, #tpu.memory_space<vmem_shared>>
        %dma_wait3A_253 = arith.constant 0 : i32
        %dma_wait3A_254 = tpu.memref_slice %arg17[%add3A_237, %dma_wait3A_253] : memref<10240x16xf32, #tpu.memory_space<vmem_shared>> -> memref<40x16xf32, #tpu.memory_space<vmem_shared>>
        %dma_wait3A_255 = arith.constant 0 : i32
        %dma_wait3A_256 = arith.constant 0 : i32
        %dma_wait3A_257 = tpu.memref_slice %arg14[%dma_wait3A_255, %dma_wait3A_256] : memref<80x16xf32, #tpu.memory_space<vmem>> -> memref<40x16xf32, #tpu.memory_space<vmem>>
        tpu.wait_dma2 semaphore(%run_scoped3A : memref<!tpu.dma_semaphore, #tpu.memory_space<semaphore_mem>>) src(%dma_wait3A_257 : memref<40x16xf32, #tpu.memory_space<vmem>>) dst(%dma_wait3A_254 : memref<40x16xf32, #tpu.memory_space<vmem_shared>>)
        tpu.yield
      }) : () -> ()
    }
    %scan3A_74 = arith.constant 16 : i32
    %barrier3A = arith.constant 0 : index
    tpu.barrier barrier_id(%barrier3A)
    %rem3A = arith.constant 0 : i32
    %rem3A_75 = arith.constant 4 : i32
    %rem3A_76 = arith.remsi %rem3A, %rem3A_75 : i32
    %add3A_77 = arith.constant 0 : i32
    %add3A_78 = arith.addi %mul3A_2, %add3A_77 : i32
    %dma_start3A = arith.constant 0 : i32
    %dma_start3A_79 = tpu.memref_slice %arg9[%rem3A_76, %dma_start3A] : memref<4x40xi32, #tpu.memory_space<vmem>> -> memref<1x40xi32, #tpu.memory_space<vmem>>
    %dma_start3A_80 = tpu.memref_squeeze %dma_start3A_79 : memref<1x40xi32, #tpu.memory_space<vmem>> -> memref<40xi32, #tpu.memory_space<vmem>>
    %dma_start3A_81 = tpu.memref_slice %arg2[%add3A_78] : memref<320000xi32, #tpu.memory_space<hbm>> -> memref<40xi32, #tpu.memory_space<hbm>>
    %dma_start3A_82 = arith.constant 0 : i32
    %dma_start3A_83 = tpu.memref_slice %arg9[%rem3A_76, %dma_start3A_82] : memref<4x40xi32, #tpu.memory_space<vmem>> -> memref<1x40xi32, #tpu.memory_space<vmem>>
    %dma_start3A_84 = tpu.memref_squeeze %dma_start3A_83 : memref<1x40xi32, #tpu.memory_space<vmem>> -> memref<40xi32, #tpu.memory_space<vmem>>
    %dma_start3A_85 = tpu.memref_slice %arg2[%add3A_78] : memref<320000xi32, #tpu.memory_space<hbm>> -> memref<40xi32, #tpu.memory_space<hbm>>
    tpu.enqueue_dma source(%dma_start3A_85 : memref<40xi32, #tpu.memory_space<hbm>>) target(%dma_start3A_84 : memref<40xi32, #tpu.memory_space<vmem>>) target_semaphore(%arg18 : memref<!tpu.dma_semaphore, #tpu.memory_space<semaphore_mem>>)
    %dma_start3A_86 = arith.constant 0 : i32
    %dma_start3A_87 = tpu.memref_slice %arg10[%rem3A_76, %dma_start3A_86] : memref<4x40xi32, #tpu.memory_space<vmem>> -> memref<1x40xi32, #tpu.memory_space<vmem>>
    %dma_start3A_88 = tpu.memref_squeeze %dma_start3A_87 : memref<1x40xi32, #tpu.memory_space<vmem>> -> memref<40xi32, #tpu.memory_space<vmem>>
    %dma_start3A_89 = tpu.memref_slice %arg3[%add3A_78] : memref<320000xi32, #tpu.memory_space<hbm>> -> memref<40xi32, #tpu.memory_space<hbm>>
    %dma_start3A_90 = arith.constant 0 : i32
    %dma_start3A_91 = tpu.memref_slice %arg10[%rem3A_76, %dma_start3A_90] : memref<4x40xi32, #tpu.memory_space<vmem>> -> memref<1x40xi32, #tpu.memory_space<vmem>>
    %dma_start3A_92 = tpu.memref_squeeze %dma_start3A_91 : memref<1x40xi32, #tpu.memory_space<vmem>> -> memref<40xi32, #tpu.memory_space<vmem>>
    %dma_start3A_93 = tpu.memref_slice %arg3[%add3A_78] : memref<320000xi32, #tpu.memory_space<hbm>> -> memref<40xi32, #tpu.memory_space<hbm>>
    tpu.enqueue_dma source(%dma_start3A_93 : memref<40xi32, #tpu.memory_space<hbm>>) target(%dma_start3A_92 : memref<40xi32, #tpu.memory_space<vmem>>) target_semaphore(%arg18 : memref<!tpu.dma_semaphore, #tpu.memory_space<semaphore_mem>>)
    %dma_wait3A = arith.constant 0 : i32
    %dma_wait3A_94 = arith.constant 0 : i32
    %dma_wait3A_95 = tpu.memref_slice %arg9[%dma_wait3A, %dma_wait3A_94] : memref<4x40xi32, #tpu.memory_space<vmem>> -> memref<1x40xi32, #tpu.memory_space<vmem>>
    %dma_wait3A_96 = tpu.memref_squeeze %dma_wait3A_95 : memref<1x40xi32, #tpu.memory_space<vmem>> -> memref<40xi32, #tpu.memory_space<vmem>>
    %dma_wait3A_97 = arith.constant 0 : i32
    %dma_wait3A_98 = tpu.memref_slice %arg2[%dma_wait3A_97] : memref<320000xi32, #tpu.memory_space<hbm>> -> memref<40xi32, #tpu.memory_space<hbm>>
    %dma_wait3A_99 = arith.constant 0 : i32
    %dma_wait3A_100 = tpu.memref_slice %arg9[%dma_wait3A, %dma_wait3A_99] : memref<4x40xi32, #tpu.memory_space<vmem>> -> memref<1x40xi32, #tpu.memory_space<vmem>>
    %dma_wait3A_101 = tpu.memref_squeeze %dma_wait3A_100 : memref<1x40xi32, #tpu.memory_space<vmem>> -> memref<40xi32, #tpu.memory_space<vmem>>
    %dma_wait3A_102 = arith.constant 0 : i32
    %dma_wait3A_103 = tpu.memref_slice %arg2[%dma_wait3A_102] : memref<320000xi32, #tpu.memory_space<hbm>> -> memref<40xi32, #tpu.memory_space<hbm>>
    tpu.wait_dma2 semaphore(%arg18 : memref<!tpu.dma_semaphore, #tpu.memory_space<semaphore_mem>>) src(%dma_wait3A_103 : memref<40xi32, #tpu.memory_space<hbm>>) dst(%dma_wait3A_101 : memref<40xi32, #tpu.memory_space<vmem>>)
    %dma_wait3A_104 = arith.constant 0 : i32
    %dma_wait3A_105 = arith.constant 0 : i32
    %dma_wait3A_106 = tpu.memref_slice %arg10[%dma_wait3A_104, %dma_wait3A_105] : memref<4x40xi32, #tpu.memory_space<vmem>> -> memref<1x40xi32, #tpu.memory_space<vmem>>
    %dma_wait3A_107 = tpu.memref_squeeze %dma_wait3A_106 : memref<1x40xi32, #tpu.memory_space<vmem>> -> memref<40xi32, #tpu.memory_space<vmem>>
    %dma_wait3A_108 = arith.constant 0 : i32
    %dma_wait3A_109 = tpu.memref_slice %arg3[%dma_wait3A_108] : memref<320000xi32, #tpu.memory_space<hbm>> -> memref<40xi32, #tpu.memory_space<hbm>>
    %dma_wait3A_110 = arith.constant 0 : i32
    %dma_wait3A_111 = tpu.memref_slice %arg10[%dma_wait3A_104, %dma_wait3A_110] : memref<4x40xi32, #tpu.memory_space<vmem>> -> memref<1x40xi32, #tpu.memory_space<vmem>>
    %dma_wait3A_112 = tpu.memref_squeeze %dma_wait3A_111 : memref<1x40xi32, #tpu.memory_space<vmem>> -> memref<40xi32, #tpu.memory_space<vmem>>
    %dma_wait3A_113 = arith.constant 0 : i32
    %dma_wait3A_114 = tpu.memref_slice %arg3[%dma_wait3A_113] : memref<320000xi32, #tpu.memory_space<hbm>> -> memref<40xi32, #tpu.memory_space<hbm>>
    tpu.wait_dma2 semaphore(%arg18 : memref<!tpu.dma_semaphore, #tpu.memory_space<semaphore_mem>>) src(%dma_wait3A_114 : memref<40xi32, #tpu.memory_space<hbm>>) dst(%dma_wait3A_112 : memref<40xi32, #tpu.memory_space<vmem>>)
    %rem3A_115 = arith.constant 0 : i32
    %rem3A_116 = arith.constant 4 : i32
    %rem3A_117 = arith.remsi %rem3A_115, %rem3A_116 : i32
    %rem3A_118 = arith.constant 0 : i32
    %rem3A_119 = arith.constant 2 : i32
    %rem3A_120 = arith.remsi %rem3A_118, %rem3A_119 : i32
    %mul3A_121 = arith.constant 40 : i32
    %mul3A_122 = arith.muli %rem3A_120, %mul3A_121 : i32
    %dma_start3A_123 = arith.constant 0 : i32
    %dma_start3A_124 = tpu.memref_slice %arg11[%mul3A_122, %dma_start3A_123] : memref<80x16xf32, #tpu.memory_space<vmem>> -> memref<40x16xf32, #tpu.memory_space<vmem>>
    %dma_start3A_125 = arith.constant 0 : i32
    %dma_start3A_126 = tpu.memref_slice %arg9[%rem3A_117, %dma_start3A_125] : memref<4x40xi32, #tpu.memory_space<vmem>> -> memref<1x40xi32, #tpu.memory_space<vmem>>
    %dma_start3A_127 = tpu.memref_squeeze %dma_start3A_126 : memref<1x40xi32, #tpu.memory_space<vmem>> -> memref<40xi32, #tpu.memory_space<vmem>>
    %dma_start3A_128 = arith.constant 0 : i32
    %dma_start3A_129 = arith.constant 0 : i32
    %dma_start3A_130 = tpu.memref_slice %arg4[%dma_start3A_128, %dma_start3A_129] : memref<10000x16xf32, #tpu.memory_space<hbm>> -> memref<10000x16xf32, #tpu.memory_space<hbm>>
    tpu.enqueue_indirect_dma source(%dma_start3A_130 : memref<10000x16xf32, #tpu.memory_space<hbm>>) target(%dma_start3A_124 : memref<40x16xf32, #tpu.memory_space<vmem>>) offsets(%dma_start3A_127 : memref<40xi32, #tpu.memory_space<vmem>>) semaphore(%arg19 : memref<!tpu.dma_semaphore, #tpu.memory_space<semaphore_mem>>)
    %dma_start3A_131 = arith.constant 0 : i32
    %dma_start3A_132 = tpu.memref_slice %arg12[%mul3A_122, %dma_start3A_131] : memref<80x16xf32, #tpu.memory_space<vmem>> -> memref<40x16xf32, #tpu.memory_space<vmem>>
    %dma_start3A_133 = arith.constant 0 : i32
    %dma_start3A_134 = tpu.memref_slice %arg10[%rem3A_117, %dma_start3A_133] : memref<4x40xi32, #tpu.memory_space<vmem>> -> memref<1x40xi32, #tpu.memory_space<vmem>>
    %dma_start3A_135 = tpu.memref_squeeze %dma_start3A_134 : memref<1x40xi32, #tpu.memory_space<vmem>> -> memref<40xi32, #tpu.memory_space<vmem>>
    %dma_start3A_136 = arith.constant 0 : i32
    %dma_start3A_137 = arith.constant 0 : i32
    %dma_start3A_138 = tpu.memref_slice %arg5[%dma_start3A_136, %dma_start3A_137] : memref<10000x16xf32, #tpu.memory_space<hbm>> -> memref<10000x16xf32, #tpu.memory_space<hbm>>
    tpu.enqueue_indirect_dma source(%dma_start3A_138 : memref<10000x16xf32, #tpu.memory_space<hbm>>) target(%dma_start3A_132 : memref<40x16xf32, #tpu.memory_space<vmem>>) offsets(%dma_start3A_135 : memref<40xi32, #tpu.memory_space<vmem>>) semaphore(%arg19 : memref<!tpu.dma_semaphore, #tpu.memory_space<semaphore_mem>>)
    %dma_start3A_139 = arith.constant 0 : i32
    %dma_start3A_140 = tpu.memref_slice %arg13[%mul3A_122, %dma_start3A_139] : memref<80x128xf32, #tpu.memory_space<vmem>> -> memref<40x128xf32, #tpu.memory_space<vmem>>
    %dma_start3A_141 = arith.constant 0 : i32
    %dma_start3A_142 = tpu.memref_slice %arg9[%rem3A_117, %dma_start3A_141] : memref<4x40xi32, #tpu.memory_space<vmem>> -> memref<1x40xi32, #tpu.memory_space<vmem>>
    %dma_start3A_143 = tpu.memref_squeeze %dma_start3A_142 : memref<1x40xi32, #tpu.memory_space<vmem>> -> memref<40xi32, #tpu.memory_space<vmem>>
    %dma_start3A_144 = arith.constant 0 : i32
    %dma_start3A_145 = arith.constant 0 : i32
    %dma_start3A_146 = tpu.memref_slice %arg6[%dma_start3A_144, %dma_start3A_145] : memref<10000x128xf32, #tpu.memory_space<hbm>> -> memref<10000x128xf32, #tpu.memory_space<hbm>>
    tpu.enqueue_indirect_dma source(%dma_start3A_146 : memref<10000x128xf32, #tpu.memory_space<hbm>>) target(%dma_start3A_140 : memref<40x128xf32, #tpu.memory_space<vmem>>) offsets(%dma_start3A_143 : memref<40xi32, #tpu.memory_space<vmem>>) semaphore(%arg19 : memref<!tpu.dma_semaphore, #tpu.memory_space<semaphore_mem>>)
    %rem3A_147 = arith.constant 1 : i32
    %rem3A_148 = arith.constant 4 : i32
    %rem3A_149 = arith.remsi %rem3A_147, %rem3A_148 : i32
    %add3A_150 = arith.constant 40 : i32
    %add3A_151 = arith.addi %mul3A_2, %add3A_150 : i32
    %dma_start3A_152 = arith.constant 0 : i32
    %dma_start3A_153 = tpu.memref_slice %arg9[%rem3A_149, %dma_start3A_152] : memref<4x40xi32, #tpu.memory_space<vmem>> -> memref<1x40xi32, #tpu.memory_space<vmem>>
    %dma_start3A_154 = tpu.memref_squeeze %dma_start3A_153 : memref<1x40xi32, #tpu.memory_space<vmem>> -> memref<40xi32, #tpu.memory_space<vmem>>
    %dma_start3A_155 = tpu.memref_slice %arg2[%add3A_151] : memref<320000xi32, #tpu.memory_space<hbm>> -> memref<40xi32, #tpu.memory_space<hbm>>
    %dma_start3A_156 = arith.constant 0 : i32
    %dma_start3A_157 = tpu.memref_slice %arg9[%rem3A_149, %dma_start3A_156] : memref<4x40xi32, #tpu.memory_space<vmem>> -> memref<1x40xi32, #tpu.memory_space<vmem>>
    %dma_start3A_158 = tpu.memref_squeeze %dma_start3A_157 : memref<1x40xi32, #tpu.memory_space<vmem>> -> memref<40xi32, #tpu.memory_space<vmem>>
    %dma_start3A_159 = tpu.memref_slice %arg2[%add3A_151] : memref<320000xi32, #tpu.memory_space<hbm>> -> memref<40xi32, #tpu.memory_space<hbm>>
    tpu.enqueue_dma source(%dma_start3A_159 : memref<40xi32, #tpu.memory_space<hbm>>) target(%dma_start3A_158 : memref<40xi32, #tpu.memory_space<vmem>>) target_semaphore(%arg18 : memref<!tpu.dma_semaphore, #tpu.memory_space<semaphore_mem>>)
    %dma_start3A_160 = arith.constant 0 : i32
    %dma_start3A_161 = tpu.memref_slice %arg10[%rem3A_149, %dma_start3A_160] : memref<4x40xi32, #tpu.memory_space<vmem>> -> memref<1x40xi32, #tpu.memory_space<vmem>>
    %dma_start3A_162 = tpu.memref_squeeze %dma_start3A_161 : memref<1x40xi32, #tpu.memory_space<vmem>> -> memref<40xi32, #tpu.memory_space<vmem>>
    %dma_start3A_163 = tpu.memref_slice %arg3[%add3A_151] : memref<320000xi32, #tpu.memory_space<hbm>> -> memref<40xi32, #tpu.memory_space<hbm>>
    %dma_start3A_164 = arith.constant 0 : i32
    %dma_start3A_165 = tpu.memref_slice %arg10[%rem3A_149, %dma_start3A_164] : memref<4x40xi32, #tpu.memory_space<vmem>> -> memref<1x40xi32, #tpu.memory_space<vmem>>
    %dma_start3A_166 = tpu.memref_squeeze %dma_start3A_165 : memref<1x40xi32, #tpu.memory_space<vmem>> -> memref<40xi32, #tpu.memory_space<vmem>>
    %dma_start3A_167 = tpu.memref_slice %arg3[%add3A_151] : memref<320000xi32, #tpu.memory_space<hbm>> -> memref<40xi32, #tpu.memory_space<hbm>>
    tpu.enqueue_dma source(%dma_start3A_167 : memref<40xi32, #tpu.memory_space<hbm>>) target(%dma_start3A_166 : memref<40xi32, #tpu.memory_space<vmem>>) target_semaphore(%arg18 : memref<!tpu.dma_semaphore, #tpu.memory_space<semaphore_mem>>)
    %scan3A_168 = arith.constant 0 : i32
    %scan3A_169 = arith.constant 0 : i32
    %scan3A_170 = arith.constant 250 : i32
    %scan3A_171 = arith.addi %scan3A_169, %scan3A_170 : i32
    %scan3A_172 = arith.constant 1 : i32
    scf.for %scan3A_232 = %scan3A_169 to %scan3A_171 step %scan3A_172  : i32 {
      %rem3A_233 = arith.constant 2 : i32
      %rem3A_234 = arith.remsi %scan3A_232, %rem3A_233 : i32
      %rem3A_235 = arith.constant 4 : i32
      %rem3A_236 = arith.remsi %scan3A_232, %rem3A_235 : i32
      %mul3A_237 = arith.constant 40 : i32
      %mul3A_238 = arith.muli %rem3A_234, %mul3A_237 : i32
      %dma_wait3A_239 = arith.constant 0 : i32
      %dma_wait3A_240 = arith.constant 0 : i32
      %dma_wait3A_241 = tpu.memref_slice %arg11[%dma_wait3A_239, %dma_wait3A_240] : memref<80x16xf32, #tpu.memory_space<vmem>> -> memref<40x16xf32, #tpu.memory_space<vmem>>
      %dma_wait3A_242 = arith.constant 0 : i32
      %dma_wait3A_243 = arith.constant 0 : i32
      %dma_wait3A_244 = tpu.memref_slice %arg4[%dma_wait3A_242, %dma_wait3A_243] : memref<10000x16xf32, #tpu.memory_space<hbm>> -> memref<40x16xf32, #tpu.memory_space<hbm>>
      %dma_wait3A_245 = arith.constant 0 : i32
      %dma_wait3A_246 = arith.constant 0 : i32
      %dma_wait3A_247 = tpu.memref_slice %arg11[%dma_wait3A_245, %dma_wait3A_246] : memref<80x16xf32, #tpu.memory_space<vmem>> -> memref<40x16xf32, #tpu.memory_space<vmem>>
      %dma_wait3A_248 = arith.constant 0 : i32
      %dma_wait3A_249 = arith.constant 0 : i32
      %dma_wait3A_250 = tpu.memref_slice %arg4[%dma_wait3A_248, %dma_wait3A_249] : memref<10000x16xf32, #tpu.memory_space<hbm>> -> memref<40x16xf32, #tpu.memory_space<hbm>>
      tpu.wait_dma2 semaphore(%arg19 : memref<!tpu.dma_semaphore, #tpu.memory_space<semaphore_mem>>) src(%dma_wait3A_250 : memref<40x16xf32, #tpu.memory_space<hbm>>) dst(%dma_wait3A_247 : memref<40x16xf32, #tpu.memory_space<vmem>>)
      %dma_wait3A_251 = arith.constant 0 : i32
      %dma_wait3A_252 = arith.constant 0 : i32
      %dma_wait3A_253 = tpu.memref_slice %arg12[%dma_wait3A_251, %dma_wait3A_252] : memref<80x16xf32, #tpu.memory_space<vmem>> -> memref<40x16xf32, #tpu.memory_space<vmem>>
      %dma_wait3A_254 = arith.constant 0 : i32
      %dma_wait3A_255 = arith.constant 0 : i32
      %dma_wait3A_256 = tpu.memref_slice %arg5[%dma_wait3A_254, %dma_wait3A_255] : memref<10000x16xf32, #tpu.memory_space<hbm>> -> memref<40x16xf32, #tpu.memory_space<hbm>>
      %dma_wait3A_257 = arith.constant 0 : i32
      %dma_wait3A_258 = arith.constant 0 : i32
      %dma_wait3A_259 = tpu.memref_slice %arg12[%dma_wait3A_257, %dma_wait3A_258] : memref<80x16xf32, #tpu.memory_space<vmem>> -> memref<40x16xf32, #tpu.memory_space<vmem>>
      %dma_wait3A_260 = arith.constant 0 : i32
      %dma_wait3A_261 = arith.constant 0 : i32
      %dma_wait3A_262 = tpu.memref_slice %arg5[%dma_wait3A_260, %dma_wait3A_261] : memref<10000x16xf32, #tpu.memory_space<hbm>> -> memref<40x16xf32, #tpu.memory_space<hbm>>
      tpu.wait_dma2 semaphore(%arg19 : memref<!tpu.dma_semaphore, #tpu.memory_space<semaphore_mem>>) src(%dma_wait3A_262 : memref<40x16xf32, #tpu.memory_space<hbm>>) dst(%dma_wait3A_259 : memref<40x16xf32, #tpu.memory_space<vmem>>)
      %dma_wait3A_263 = arith.constant 0 : i32
      %dma_wait3A_264 = arith.constant 0 : i32
      %dma_wait3A_265 = tpu.memref_slice %arg13[%dma_wait3A_263, %dma_wait3A_264] : memref<80x128xf32, #tpu.memory_space<vmem>> -> memref<40x128xf32, #tpu.memory_space<vmem>>
      %dma_wait3A_266 = arith.constant 0 : i32
      %dma_wait3A_267 = arith.constant 0 : i32
      %dma_wait3A_268 = tpu.memref_slice %arg6[%dma_wait3A_266, %dma_wait3A_267] : memref<10000x128xf32, #tpu.memory_space<hbm>> -> memref<40x128xf32, #tpu.memory_space<hbm>>
      %dma_wait3A_269 = arith.constant 0 : i32
      %dma_wait3A_270 = arith.constant 0 : i32
      %dma_wait3A_271 = tpu.memref_slice %arg13[%dma_wait3A_269, %dma_wait3A_270] : memref<80x128xf32, #tpu.memory_space<vmem>> -> memref<40x128xf32, #tpu.memory_space<vmem>>
      %dma_wait3A_272 = arith.constant 0 : i32
      %dma_wait3A_273 = arith.constant 0 : i32
      %dma_wait3A_274 = tpu.memref_slice %arg6[%dma_wait3A_272, %dma_wait3A_273] : memref<10000x128xf32, #tpu.memory_space<hbm>> -> memref<40x128xf32, #tpu.memory_space<hbm>>
      tpu.wait_dma2 semaphore(%arg19 : memref<!tpu.dma_semaphore, #tpu.memory_space<semaphore_mem>>) src(%dma_wait3A_274 : memref<40x128xf32, #tpu.memory_space<hbm>>) dst(%dma_wait3A_271 : memref<40x128xf32, #tpu.memory_space<vmem>>)
      %ge3A = arith.constant 2 : i32
      %ge3A_275 = arith.cmpi sge, %scan3A_232, %ge3A : i32
      %convert_element_type3A = arith.extui %ge3A_275 : i1 to i32
      %cond3A = arith.constant 0 : i32
      %cond3A_276 = arith.cmpi ne, %convert_element_type3A, %cond3A : i32
      scf.if %cond3A_276 {
        %dma_wait3A_309 = arith.constant 0 : i32
        %dma_wait3A_310 = arith.constant 0 : i32
        %dma_wait3A_311 = tpu.memref_slice %arg14[%dma_wait3A_309, %dma_wait3A_310] : memref<80x16xf32, #tpu.memory_space<vmem>> -> memref<40x16xf32, #tpu.memory_space<vmem>>
        %dma_wait3A_312 = arith.constant 0 : i32
        %dma_wait3A_313 = arith.constant 0 : i32
        %dma_wait3A_314 = tpu.memref_slice %arg4[%dma_wait3A_312, %dma_wait3A_313] : memref<10000x16xf32, #tpu.memory_space<hbm>> -> memref<40x16xf32, #tpu.memory_space<hbm>>
        %dma_wait3A_315 = arith.constant 0 : i32
        %dma_wait3A_316 = arith.constant 0 : i32
        %dma_wait3A_317 = tpu.memref_slice %arg14[%dma_wait3A_315, %dma_wait3A_316] : memref<80x16xf32, #tpu.memory_space<vmem>> -> memref<40x16xf32, #tpu.memory_space<vmem>>
        %dma_wait3A_318 = arith.constant 0 : i32
        %dma_wait3A_319 = arith.constant 0 : i32
        %dma_wait3A_320 = tpu.memref_slice %arg4[%dma_wait3A_318, %dma_wait3A_319] : memref<10000x16xf32, #tpu.memory_space<hbm>> -> memref<40x16xf32, #tpu.memory_space<hbm>>
        tpu.wait_dma2 semaphore(%arg20 : memref<!tpu.dma_semaphore, #tpu.memory_space<semaphore_mem>>) src(%dma_wait3A_320 : memref<40x16xf32, #tpu.memory_space<hbm>>) dst(%dma_wait3A_317 : memref<40x16xf32, #tpu.memory_space<vmem>>)
        %dma_wait3A_321 = arith.constant 0 : i32
        %dma_wait3A_322 = arith.constant 0 : i32
        %dma_wait3A_323 = tpu.memref_slice %arg15[%dma_wait3A_321, %dma_wait3A_322] : memref<80x128xf32, #tpu.memory_space<vmem>> -> memref<40x128xf32, #tpu.memory_space<vmem>>
        %dma_wait3A_324 = arith.constant 0 : i32
        %dma_wait3A_325 = arith.constant 0 : i32
        %dma_wait3A_326 = tpu.memref_slice %arg6[%dma_wait3A_324, %dma_wait3A_325] : memref<10000x128xf32, #tpu.memory_space<hbm>> -> memref<40x128xf32, #tpu.memory_space<hbm>>
        %dma_wait3A_327 = arith.constant 0 : i32
        %dma_wait3A_328 = arith.constant 0 : i32
        %dma_wait3A_329 = tpu.memref_slice %arg15[%dma_wait3A_327, %dma_wait3A_328] : memref<80x128xf32, #tpu.memory_space<vmem>> -> memref<40x128xf32, #tpu.memory_space<vmem>>
        %dma_wait3A_330 = arith.constant 0 : i32
        %dma_wait3A_331 = arith.constant 0 : i32
        %dma_wait3A_332 = tpu.memref_slice %arg6[%dma_wait3A_330, %dma_wait3A_331] : memref<10000x128xf32, #tpu.memory_space<hbm>> -> memref<40x128xf32, #tpu.memory_space<hbm>>
        tpu.wait_dma2 semaphore(%arg20 : memref<!tpu.dma_semaphore, #tpu.memory_space<semaphore_mem>>) src(%dma_wait3A_332 : memref<40x128xf32, #tpu.memory_space<hbm>>) dst(%dma_wait3A_329 : memref<40x128xf32, #tpu.memory_space<vmem>>)
      } else {
      }
      %add3A_277 = arith.constant 1 : i32
      %add3A_278 = arith.addi %scan3A_232, %add3A_277 : i32
      %lt3A_279 = arith.constant 250 : i32
      %lt3A_280 = arith.cmpi slt, %add3A_278, %lt3A_279 : i32
      %convert_element_type3A_281 = arith.extui %lt3A_280 : i1 to i32
      %cond3A_282 = arith.constant 0 : i32
      %cond3A_283 = arith.cmpi ne, %convert_element_type3A_281, %cond3A_282 : i32
      scf.if %cond3A_283 {
        %dma_wait3A_309 = arith.constant 0 : i32
        %dma_wait3A_310 = arith.constant 0 : i32
        %dma_wait3A_311 = tpu.memref_slice %arg9[%dma_wait3A_309, %dma_wait3A_310] : memref<4x40xi32, #tpu.memory_space<vmem>> -> memref<1x40xi32, #tpu.memory_space<vmem>>
        %dma_wait3A_312 = tpu.memref_squeeze %dma_wait3A_311 : memref<1x40xi32, #tpu.memory_space<vmem>> -> memref<40xi32, #tpu.memory_space<vmem>>
        %dma_wait3A_313 = arith.constant 0 : i32
        %dma_wait3A_314 = tpu.memref_slice %arg2[%dma_wait3A_313] : memref<320000xi32, #tpu.memory_space<hbm>> -> memref<40xi32, #tpu.memory_space<hbm>>
        %dma_wait3A_315 = arith.constant 0 : i32
        %dma_wait3A_316 = tpu.memref_slice %arg9[%dma_wait3A_309, %dma_wait3A_315] : memref<4x40xi32, #tpu.memory_space<vmem>> -> memref<1x40xi32, #tpu.memory_space<vmem>>
        %dma_wait3A_317 = tpu.memref_squeeze %dma_wait3A_316 : memref<1x40xi32, #tpu.memory_space<vmem>> -> memref<40xi32, #tpu.memory_space<vmem>>
        %dma_wait3A_318 = arith.constant 0 : i32
        %dma_wait3A_319 = tpu.memref_slice %arg2[%dma_wait3A_318] : memref<320000xi32, #tpu.memory_space<hbm>> -> memref<40xi32, #tpu.memory_space<hbm>>
        tpu.wait_dma2 semaphore(%arg18 : memref<!tpu.dma_semaphore, #tpu.memory_space<semaphore_mem>>) src(%dma_wait3A_319 : memref<40xi32, #tpu.memory_space<hbm>>) dst(%dma_wait3A_317 : memref<40xi32, #tpu.memory_space<vmem>>)
        %dma_wait3A_320 = arith.constant 0 : i32
        %dma_wait3A_321 = arith.constant 0 : i32
        %dma_wait3A_322 = tpu.memref_slice %arg10[%dma_wait3A_320, %dma_wait3A_321] : memref<4x40xi32, #tpu.memory_space<vmem>> -> memref<1x40xi32, #tpu.memory_space<vmem>>
        %dma_wait3A_323 = tpu.memref_squeeze %dma_wait3A_322 : memref<1x40xi32, #tpu.memory_space<vmem>> -> memref<40xi32, #tpu.memory_space<vmem>>
        %dma_wait3A_324 = arith.constant 0 : i32
        %dma_wait3A_325 = tpu.memref_slice %arg3[%dma_wait3A_324] : memref<320000xi32, #tpu.memory_space<hbm>> -> memref<40xi32, #tpu.memory_space<hbm>>
        %dma_wait3A_326 = arith.constant 0 : i32
        %dma_wait3A_327 = tpu.memref_slice %arg10[%dma_wait3A_320, %dma_wait3A_326] : memref<4x40xi32, #tpu.memory_space<vmem>> -> memref<1x40xi32, #tpu.memory_space<vmem>>
        %dma_wait3A_328 = tpu.memref_squeeze %dma_wait3A_327 : memref<1x40xi32, #tpu.memory_space<vmem>> -> memref<40xi32, #tpu.memory_space<vmem>>
        %dma_wait3A_329 = arith.constant 0 : i32
        %dma_wait3A_330 = tpu.memref_slice %arg3[%dma_wait3A_329] : memref<320000xi32, #tpu.memory_space<hbm>> -> memref<40xi32, #tpu.memory_space<hbm>>
        tpu.wait_dma2 semaphore(%arg18 : memref<!tpu.dma_semaphore, #tpu.memory_space<semaphore_mem>>) src(%dma_wait3A_330 : memref<40xi32, #tpu.memory_space<hbm>>) dst(%dma_wait3A_328 : memref<40xi32, #tpu.memory_space<vmem>>)
        %add3A_331 = arith.constant 1 : i32
        %add3A_332 = arith.addi %scan3A_232, %add3A_331 : i32
        %rem3A_333 = arith.constant 4 : i32
        %rem3A_334 = arith.remsi %add3A_332, %rem3A_333 : i32
        %rem3A_335 = arith.constant 2 : i32
        %rem3A_336 = arith.remsi %add3A_332, %rem3A_335 : i32
        %mul3A_337 = arith.constant 40 : i32
        %mul3A_338 = arith.muli %rem3A_336, %mul3A_337 : i32
        %dma_start3A_339 = arith.constant 0 : i32
        %dma_start3A_340 = tpu.memref_slice %arg11[%mul3A_338, %dma_start3A_339] : memref<80x16xf32, #tpu.memory_space<vmem>> -> memref<40x16xf32, #tpu.memory_space<vmem>>
        %dma_start3A_341 = arith.constant 0 : i32
        %dma_start3A_342 = tpu.memref_slice %arg9[%rem3A_334, %dma_start3A_341] : memref<4x40xi32, #tpu.memory_space<vmem>> -> memref<1x40xi32, #tpu.memory_space<vmem>>
        %dma_start3A_343 = tpu.memref_squeeze %dma_start3A_342 : memref<1x40xi32, #tpu.memory_space<vmem>> -> memref<40xi32, #tpu.memory_space<vmem>>
        %dma_start3A_344 = arith.constant 0 : i32
        %dma_start3A_345 = arith.constant 0 : i32
        %dma_start3A_346 = tpu.memref_slice %arg4[%dma_start3A_344, %dma_start3A_345] : memref<10000x16xf32, #tpu.memory_space<hbm>> -> memref<10000x16xf32, #tpu.memory_space<hbm>>
        tpu.enqueue_indirect_dma source(%dma_start3A_346 : memref<10000x16xf32, #tpu.memory_space<hbm>>) target(%dma_start3A_340 : memref<40x16xf32, #tpu.memory_space<vmem>>) offsets(%dma_start3A_343 : memref<40xi32, #tpu.memory_space<vmem>>) semaphore(%arg19 : memref<!tpu.dma_semaphore, #tpu.memory_space<semaphore_mem>>)
        %dma_start3A_347 = arith.constant 0 : i32
        %dma_start3A_348 = tpu.memref_slice %arg12[%mul3A_338, %dma_start3A_347] : memref<80x16xf32, #tpu.memory_space<vmem>> -> memref<40x16xf32, #tpu.memory_space<vmem>>
        %dma_start3A_349 = arith.constant 0 : i32
        %dma_start3A_350 = tpu.memref_slice %arg10[%rem3A_334, %dma_start3A_349] : memref<4x40xi32, #tpu.memory_space<vmem>> -> memref<1x40xi32, #tpu.memory_space<vmem>>
        %dma_start3A_351 = tpu.memref_squeeze %dma_start3A_350 : memref<1x40xi32, #tpu.memory_space<vmem>> -> memref<40xi32, #tpu.memory_space<vmem>>
        %dma_start3A_352 = arith.constant 0 : i32
        %dma_start3A_353 = arith.constant 0 : i32
        %dma_start3A_354 = tpu.memref_slice %arg5[%dma_start3A_352, %dma_start3A_353] : memref<10000x16xf32, #tpu.memory_space<hbm>> -> memref<10000x16xf32, #tpu.memory_space<hbm>>
        tpu.enqueue_indirect_dma source(%dma_start3A_354 : memref<10000x16xf32, #tpu.memory_space<hbm>>) target(%dma_start3A_348 : memref<40x16xf32, #tpu.memory_space<vmem>>) offsets(%dma_start3A_351 : memref<40xi32, #tpu.memory_space<vmem>>) semaphore(%arg19 : memref<!tpu.dma_semaphore, #tpu.memory_space<semaphore_mem>>)
        %dma_start3A_355 = arith.constant 0 : i32
        %dma_start3A_356 = tpu.memref_slice %arg13[%mul3A_338, %dma_start3A_355] : memref<80x128xf32, #tpu.memory_space<vmem>> -> memref<40x128xf32, #tpu.memory_space<vmem>>
        %dma_start3A_357 = arith.constant 0 : i32
        %dma_start3A_358 = tpu.memref_slice %arg9[%rem3A_334, %dma_start3A_357] : memref<4x40xi32, #tpu.memory_space<vmem>> -> memref<1x40xi32, #tpu.memory_space<vmem>>
        %dma_start3A_359 = tpu.memref_squeeze %dma_start3A_358 : memref<1x40xi32, #tpu.memory_space<vmem>> -> memref<40xi32, #tpu.memory_space<vmem>>
        %dma_start3A_360 = arith.constant 0 : i32
        %dma_start3A_361 = arith.constant 0 : i32
        %dma_start3A_362 = tpu.memref_slice %arg6[%dma_start3A_360, %dma_start3A_361] : memref<10000x128xf32, #tpu.memory_space<hbm>> -> memref<10000x128xf32, #tpu.memory_space<hbm>>
        tpu.enqueue_indirect_dma source(%dma_start3A_362 : memref<10000x128xf32, #tpu.memory_space<hbm>>) target(%dma_start3A_356 : memref<40x128xf32, #tpu.memory_space<vmem>>) offsets(%dma_start3A_359 : memref<40xi32, #tpu.memory_space<vmem>>) semaphore(%arg19 : memref<!tpu.dma_semaphore, #tpu.memory_space<semaphore_mem>>)
      } else {
      }
      %add3A_284 = arith.constant 2 : i32
      %add3A_285 = arith.addi %scan3A_232, %add3A_284 : i32
      %lt3A_286 = arith.constant 250 : i32
      %lt3A_287 = arith.cmpi slt, %add3A_285, %lt3A_286 : i32
      %convert_element_type3A_288 = arith.extui %lt3A_287 : i1 to i32
      %cond3A_289 = arith.constant 0 : i32
      %cond3A_290 = arith.cmpi ne, %convert_element_type3A_288, %cond3A_289 : i32
      scf.if %cond3A_290 {
        %add3A_309 = arith.constant 2 : i32
        %add3A_310 = arith.addi %scan3A_232, %add3A_309 : i32
        %rem3A_311 = arith.constant 4 : i32
        %rem3A_312 = arith.remsi %add3A_310, %rem3A_311 : i32
        %mul3A_313 = arith.constant 40 : i32
        %mul3A_314 = arith.muli %add3A_310, %mul3A_313 : i32
        %add3A_315 = arith.addi %mul3A_2, %mul3A_314 : i32
        %dma_start3A_316 = arith.constant 0 : i32
        %dma_start3A_317 = tpu.memref_slice %arg9[%rem3A_312, %dma_start3A_316] : memref<4x40xi32, #tpu.memory_space<vmem>> -> memref<1x40xi32, #tpu.memory_space<vmem>>
        %dma_start3A_318 = tpu.memref_squeeze %dma_start3A_317 : memref<1x40xi32, #tpu.memory_space<vmem>> -> memref<40xi32, #tpu.memory_space<vmem>>
        %dma_start3A_319 = tpu.memref_slice %arg2[%add3A_315] : memref<320000xi32, #tpu.memory_space<hbm>> -> memref<40xi32, #tpu.memory_space<hbm>>
        %dma_start3A_320 = arith.constant 0 : i32
        %dma_start3A_321 = tpu.memref_slice %arg9[%rem3A_312, %dma_start3A_320] : memref<4x40xi32, #tpu.memory_space<vmem>> -> memref<1x40xi32, #tpu.memory_space<vmem>>
        %dma_start3A_322 = tpu.memref_squeeze %dma_start3A_321 : memref<1x40xi32, #tpu.memory_space<vmem>> -> memref<40xi32, #tpu.memory_space<vmem>>
        %dma_start3A_323 = tpu.memref_slice %arg2[%add3A_315] : memref<320000xi32, #tpu.memory_space<hbm>> -> memref<40xi32, #tpu.memory_space<hbm>>
        tpu.enqueue_dma source(%dma_start3A_323 : memref<40xi32, #tpu.memory_space<hbm>>) target(%dma_start3A_322 : memref<40xi32, #tpu.memory_space<vmem>>) target_semaphore(%arg18 : memref<!tpu.dma_semaphore, #tpu.memory_space<semaphore_mem>>)
        %dma_start3A_324 = arith.constant 0 : i32
        %dma_start3A_325 = tpu.memref_slice %arg10[%rem3A_312, %dma_start3A_324] : memref<4x40xi32, #tpu.memory_space<vmem>> -> memref<1x40xi32, #tpu.memory_space<vmem>>
        %dma_start3A_326 = tpu.memref_squeeze %dma_start3A_325 : memref<1x40xi32, #tpu.memory_space<vmem>> -> memref<40xi32, #tpu.memory_space<vmem>>
        %dma_start3A_327 = tpu.memref_slice %arg3[%add3A_315] : memref<320000xi32, #tpu.memory_space<hbm>> -> memref<40xi32, #tpu.memory_space<hbm>>
        %dma_start3A_328 = arith.constant 0 : i32
        %dma_start3A_329 = tpu.memref_slice %arg10[%rem3A_312, %dma_start3A_328] : memref<4x40xi32, #tpu.memory_space<vmem>> -> memref<1x40xi32, #tpu.memory_space<vmem>>
        %dma_start3A_330 = tpu.memref_squeeze %dma_start3A_329 : memref<1x40xi32, #tpu.memory_space<vmem>> -> memref<40xi32, #tpu.memory_space<vmem>>
        %dma_start3A_331 = tpu.memref_slice %arg3[%add3A_315] : memref<320000xi32, #tpu.memory_space<hbm>> -> memref<40xi32, #tpu.memory_space<hbm>>
        tpu.enqueue_dma source(%dma_start3A_331 : memref<40xi32, #tpu.memory_space<hbm>>) target(%dma_start3A_330 : memref<40xi32, #tpu.memory_space<vmem>>) target_semaphore(%arg18 : memref<!tpu.dma_semaphore, #tpu.memory_space<semaphore_mem>>)
      } else {
      }
      %parallel_loop3A = arith.constant 0 : i32
      %parallel_loop3A_291 = arith.constant 40 : i32
      %parallel_loop3A_292 = arith.constant 1 : i32
      scf.for %parallel_loop3A_309 = %parallel_loop3A to %parallel_loop3A_291 step %parallel_loop3A_292  : i32 {
        %parallel_loop3A_310 = arith.addi %mul3A_238, %parallel_loop3A_309 : i32
        %parallel_loop3A_311 = arith.index_cast %parallel_loop3A_310 : i32 to index
        %parallel_loop3A_312 = arith.constant 0 : index
        %parallel_loop3A_313 = tpu.vector_load %arg11[%parallel_loop3A_311, %parallel_loop3A_312] {strides = array<i32>} : memref<80x16xf32, #tpu.memory_space<vmem>>, vector<16xf32>,
        %parallel_loop3A_314 = arith.index_cast %parallel_loop3A_310 : i32 to index
        %parallel_loop3A_315 = arith.constant 0 : index
        %parallel_loop3A_316 = tpu.vector_load %arg12[%parallel_loop3A_314, %parallel_loop3A_315] {strides = array<i32>} : memref<80x16xf32, #tpu.memory_space<vmem>>, vector<16xf32>,
        %parallel_loop3A_317 = arith.addf %parallel_loop3A_313, %parallel_loop3A_316 : vector<16xf32>
        %parallel_loop3A_318 = arith.constant 0.000000e+00 : f32
        %parallel_loop3A_319 = vector.broadcast %parallel_loop3A_318 : f32 to vector<16xf32>
        %parallel_loop3A_320 = arith.cmpf ogt, %parallel_loop3A_317, %parallel_loop3A_319 : vector<16xf32>
        %parallel_loop3A_321 = arith.constant 2.000000e-01 : f32
        %parallel_loop3A_322 = vector.broadcast %parallel_loop3A_321 : f32 to vector<16xf32>
        %parallel_loop3A_323 = arith.mulf %parallel_loop3A_322, %parallel_loop3A_317 : vector<16xf32>
        %parallel_loop3A_324 = arith.select %parallel_loop3A_320, %parallel_loop3A_317, %parallel_loop3A_323 : vector<16xi1>, vector<16xf32>
        %parallel_loop3A_325 = math.exp %parallel_loop3A_324 : vector<16xf32>
        %parallel_loop3A_326 = arith.mulf %parallel_loop3A_325, %select_n3A : vector<16xf32>
        %parallel_loop3A_327 = arith.index_cast %parallel_loop3A_310 : i32 to index
        %parallel_loop3A_328 = arith.constant 0 : index
        %parallel_loop3A_329 = tpu.vector_load %arg14[%parallel_loop3A_327, %parallel_loop3A_328] {strides = array<i32>} : memref<80x16xf32, #tpu.memory_space<vmem>>, vector<16xf32>,
        tpu.vector_store %arg14[%parallel_loop3A_327, %parallel_loop3A_328], %parallel_loop3A_326 {strides = array<i32>} : memref<80x16xf32, #tpu.memory_space<vmem>>, vector<16xf32>,
        %parallel_loop3A_330 = vector.shape_cast %reshape3A : vector<16x1xi32> to vector<16xi32>
        %parallel_loop3A_331 = tpu.dynamic_gather %parallel_loop3A_326[%parallel_loop3A_330] in [0] : vector<16xf32>, vector<16xi32> -> vector<16xf32>
        %parallel_loop3A_332 = arith.index_cast %parallel_loop3A_310 : i32 to index
        %parallel_loop3A_333 = arith.constant 0 : index
        %parallel_loop3A_334 = tpu.vector_load %arg13[%parallel_loop3A_332, %parallel_loop3A_333] {strides = array<i32>} : memref<80x128xf32, #tpu.memory_space<vmem>>, vector<16xf32>,
        %parallel_loop3A_335 = arith.mulf %parallel_loop3A_334, %parallel_loop3A_331 : vector<16xf32>
        %parallel_loop3A_336 = arith.index_cast %parallel_loop3A_310 : i32 to index
        %parallel_loop3A_337 = arith.constant 0 : index
        %parallel_loop3A_338 = tpu.vector_load %arg15[%parallel_loop3A_336, %parallel_loop3A_337] {strides = array<i32>} : memref<80x128xf32, #tpu.memory_space<vmem>>, vector<16xf32>,
        tpu.vector_store %arg15[%parallel_loop3A_336, %parallel_loop3A_337], %parallel_loop3A_335 {strides = array<i32>} : memref<80x128xf32, #tpu.memory_space<vmem>>, vector<16xf32>,
        %parallel_loop3A_339 = vector.shape_cast %reshape3A_21 : vector<16x1xi32> to vector<16xi32>
        %parallel_loop3A_340 = tpu.dynamic_gather %parallel_loop3A_326[%parallel_loop3A_339] in [0] : vector<16xf32>, vector<16xi32> -> vector<16xf32>
        %parallel_loop3A_341 = arith.index_cast %parallel_loop3A_310 : i32 to index
        %parallel_loop3A_342 = arith.constant 16 : index
        %parallel_loop3A_343 = tpu.vector_load %arg13[%parallel_loop3A_341, %parallel_loop3A_342] {strides = array<i32>} : memref<80x128xf32, #tpu.memory_space<vmem>>, vector<16xf32>,
        %parallel_loop3A_344 = arith.mulf %parallel_loop3A_343, %parallel_loop3A_340 : vector<16xf32>
        %parallel_loop3A_345 = arith.index_cast %parallel_loop3A_310 : i32 to index
        %parallel_loop3A_346 = arith.constant 16 : index
        %parallel_loop3A_347 = tpu.vector_load %arg15[%parallel_loop3A_345, %parallel_loop3A_346] {strides = array<i32>} : memref<80x128xf32, #tpu.memory_space<vmem>>, vector<16xf32>,
        tpu.vector_store %arg15[%parallel_loop3A_345, %parallel_loop3A_346], %parallel_loop3A_344 {strides = array<i32>} : memref<80x128xf32, #tpu.memory_space<vmem>>, vector<16xf32>,
        %parallel_loop3A_348 = vector.shape_cast %reshape3A_28 : vector<16x1xi32> to vector<16xi32>
        %parallel_loop3A_349 = tpu.dynamic_gather %parallel_loop3A_326[%parallel_loop3A_348] in [0] : vector<16xf32>, vector<16xi32> -> vector<16xf32>
        %parallel_loop3A_350 = arith.index_cast %parallel_loop3A_310 : i32 to index
        %parallel_loop3A_351 = arith.constant 32 : index
        %parallel_loop3A_352 = tpu.vector_load %arg13[%parallel_loop3A_350, %parallel_loop3A_351] {strides = array<i32>} : memref<80x128xf32, #tpu.memory_space<vmem>>, vector<16xf32>,
        %parallel_loop3A_353 = arith.mulf %parallel_loop3A_352, %parallel_loop3A_349 : vector<16xf32>
        %parallel_loop3A_354 = arith.index_cast %parallel_loop3A_310 : i32 to index
        %parallel_loop3A_355 = arith.constant 32 : index
        %parallel_loop3A_356 = tpu.vector_load %arg15[%parallel_loop3A_354, %parallel_loop3A_355] {strides = array<i32>} : memref<80x128xf32, #tpu.memory_space<vmem>>, vector<16xf32>,
        tpu.vector_store %arg15[%parallel_loop3A_354, %parallel_loop3A_355], %parallel_loop3A_353 {strides = array<i32>} : memref<80x128xf32, #tpu.memory_space<vmem>>, vector<16xf32>,
        %parallel_loop3A_357 = vector.shape_cast %reshape3A_35 : vector<16x1xi32> to vector<16xi32>
        %parallel_loop3A_358 = tpu.dynamic_gather %parallel_loop3A_326[%parallel_loop3A_357] in [0] : vector<16xf32>, vector<16xi32> -> vector<16xf32>
        %parallel_loop3A_359 = arith.index_cast %parallel_loop3A_310 : i32 to index
        %parallel_loop3A_360 = arith.constant 48 : index
        %parallel_loop3A_361 = tpu.vector_load %arg13[%parallel_loop3A_359, %parallel_loop3A_360] {strides = array<i32>} : memref<80x128xf32, #tpu.memory_space<vmem>>, vector<16xf32>,
        %parallel_loop3A_362 = arith.mulf %parallel_loop3A_361, %parallel_loop3A_358 : vector<16xf32>
        %parallel_loop3A_363 = arith.index_cast %parallel_loop3A_310 : i32 to index
        %parallel_loop3A_364 = arith.constant 48 : index
        %parallel_loop3A_365 = tpu.vector_load %arg15[%parallel_loop3A_363, %parallel_loop3A_364] {strides = array<i32>} : memref<80x128xf32, #tpu.memory_space<vmem>>, vector<16xf32>,
        tpu.vector_store %arg15[%parallel_loop3A_363, %parallel_loop3A_364], %parallel_loop3A_362 {strides = array<i32>} : memref<80x128xf32, #tpu.memory_space<vmem>>, vector<16xf32>,
        %parallel_loop3A_366 = vector.shape_cast %reshape3A_42 : vector<16x1xi32> to vector<16xi32>
        %parallel_loop3A_367 = tpu.dynamic_gather %parallel_loop3A_326[%parallel_loop3A_366] in [0] : vector<16xf32>, vector<16xi32> -> vector<16xf32>
        %parallel_loop3A_368 = arith.index_cast %parallel_loop3A_310 : i32 to index
        %parallel_loop3A_369 = arith.constant 64 : index
        %parallel_loop3A_370 = tpu.vector_load %arg13[%parallel_loop3A_368, %parallel_loop3A_369] {strides = array<i32>} : memref<80x128xf32, #tpu.memory_space<vmem>>, vector<16xf32>,
        %parallel_loop3A_371 = arith.mulf %parallel_loop3A_370, %parallel_loop3A_367 : vector<16xf32>
        %parallel_loop3A_372 = arith.index_cast %parallel_loop3A_310 : i32 to index
        %parallel_loop3A_373 = arith.constant 64 : index
        %parallel_loop3A_374 = tpu.vector_load %arg15[%parallel_loop3A_372, %parallel_loop3A_373] {strides = array<i32>} : memref<80x128xf32, #tpu.memory_space<vmem>>, vector<16xf32>,
        tpu.vector_store %arg15[%parallel_loop3A_372, %parallel_loop3A_373], %parallel_loop3A_371 {strides = array<i32>} : memref<80x128xf32, #tpu.memory_space<vmem>>, vector<16xf32>,
        %parallel_loop3A_375 = vector.shape_cast %reshape3A_49 : vector<16x1xi32> to vector<16xi32>
        %parallel_loop3A_376 = tpu.dynamic_gather %parallel_loop3A_326[%parallel_loop3A_375] in [0] : vector<16xf32>, vector<16xi32> -> vector<16xf32>
        %parallel_loop3A_377 = arith.index_cast %parallel_loop3A_310 : i32 to index
        %parallel_loop3A_378 = arith.constant 80 : index
        %parallel_loop3A_379 = tpu.vector_load %arg13[%parallel_loop3A_377, %parallel_loop3A_378] {strides = array<i32>} : memref<80x128xf32, #tpu.memory_space<vmem>>, vector<16xf32>,
        %parallel_loop3A_380 = arith.mulf %parallel_loop3A_379, %parallel_loop3A_376 : vector<16xf32>
        %parallel_loop3A_381 = arith.index_cast %parallel_loop3A_310 : i32 to index
        %parallel_loop3A_382 = arith.constant 80 : index
        %parallel_loop3A_383 = tpu.vector_load %arg15[%parallel_loop3A_381, %parallel_loop3A_382] {strides = array<i32>} : memref<80x128xf32, #tpu.memory_space<vmem>>, vector<16xf32>,
        tpu.vector_store %arg15[%parallel_loop3A_381, %parallel_loop3A_382], %parallel_loop3A_380 {strides = array<i32>} : memref<80x128xf32, #tpu.memory_space<vmem>>, vector<16xf32>,
        %parallel_loop3A_384 = vector.shape_cast %reshape3A_56 : vector<16x1xi32> to vector<16xi32>
        %parallel_loop3A_385 = tpu.dynamic_gather %parallel_loop3A_326[%parallel_loop3A_384] in [0] : vector<16xf32>, vector<16xi32> -> vector<16xf32>
        %parallel_loop3A_386 = arith.index_cast %parallel_loop3A_310 : i32 to index
        %parallel_loop3A_387 = arith.constant 96 : index
        %parallel_loop3A_388 = tpu.vector_load %arg13[%parallel_loop3A_386, %parallel_loop3A_387] {strides = array<i32>} : memref<80x128xf32, #tpu.memory_space<vmem>>, vector<16xf32>,
        %parallel_loop3A_389 = arith.mulf %parallel_loop3A_388, %parallel_loop3A_385 : vector<16xf32>
        %parallel_loop3A_390 = arith.index_cast %parallel_loop3A_310 : i32 to index
        %parallel_loop3A_391 = arith.constant 96 : index
        %parallel_loop3A_392 = tpu.vector_load %arg15[%parallel_loop3A_390, %parallel_loop3A_391] {strides = array<i32>} : memref<80x128xf32, #tpu.memory_space<vmem>>, vector<16xf32>,
        tpu.vector_store %arg15[%parallel_loop3A_390, %parallel_loop3A_391], %parallel_loop3A_389 {strides = array<i32>} : memref<80x128xf32, #tpu.memory_space<vmem>>, vector<16xf32>,
        %parallel_loop3A_393 = vector.shape_cast %reshape3A_63 : vector<16x1xi32> to vector<16xi32>
        %parallel_loop3A_394 = tpu.dynamic_gather %parallel_loop3A_326[%parallel_loop3A_393] in [0] : vector<16xf32>, vector<16xi32> -> vector<16xf32>
        %parallel_loop3A_395 = arith.index_cast %parallel_loop3A_310 : i32 to index
        %parallel_loop3A_396 = arith.constant 112 : index
        %parallel_loop3A_397 = tpu.vector_load %arg13[%parallel_loop3A_395, %parallel_loop3A_396] {strides = array<i32>} : memref<80x128xf32, #tpu.memory_space<vmem>>, vector<16xf32>,
        %parallel_loop3A_398 = arith.mulf %parallel_loop3A_397, %parallel_loop3A_394 : vector<16xf32>
        %parallel_loop3A_399 = arith.index_cast %parallel_loop3A_310 : i32 to index
        %parallel_loop3A_400 = arith.constant 112 : index
        %parallel_loop3A_401 = tpu.vector_load %arg15[%parallel_loop3A_399, %parallel_loop3A_400] {strides = array<i32>} : memref<80x128xf32, #tpu.memory_space<vmem>>, vector<16xf32>,
        tpu.vector_store %arg15[%parallel_loop3A_399, %parallel_loop3A_400], %parallel_loop3A_398 {strides = array<i32>} : memref<80x128xf32, #tpu.memory_space<vmem>>, vector<16xf32>,
      } {sc.loop_unroll_factor = 4 : i64, sc.parallel_access}
      %dma_start3A_293 = arith.constant 0 : i32
      %dma_start3A_294 = tpu.memref_slice %arg14[%mul3A_238, %dma_start3A_293] : memref<80x16xf32, #tpu.memory_space<vmem>> -> memref<40x16xf32, #tpu.memory_space<vmem>>
      %dma_start3A_295 = arith.constant 0 : i32
      %dma_start3A_296 = tpu.memref_slice %arg10[%rem3A_236, %dma_start3A_295] : memref<4x40xi32, #tpu.memory_space<vmem>> -> memref<1x40xi32, #tpu.memory_space<vmem>>
      %dma_start3A_297 = tpu.memref_squeeze %dma_start3A_296 : memref<1x40xi32, #tpu.memory_space<vmem>> -> memref<40xi32, #tpu.memory_space<vmem>>
      %dma_start3A_298 = arith.constant 0 : i32
      %dma_start3A_299 = arith.constant 0 : i32
      %dma_start3A_300 = tpu.memref_slice %arg17[%dma_start3A_298, %dma_start3A_299] : memref<10240x16xf32, #tpu.memory_space<vmem_shared>> -> memref<10240x16xf32, #tpu.memory_space<vmem_shared>>
      tpu.enqueue_indirect_dma source(%dma_start3A_294 : memref<40x16xf32, #tpu.memory_space<vmem>>) target(%dma_start3A_300 : memref<10240x16xf32, #tpu.memory_space<vmem_shared>>) offsets(%dma_start3A_297 : memref<40xi32, #tpu.memory_space<vmem>>) semaphore(%arg20 : memref<!tpu.dma_semaphore, #tpu.memory_space<semaphore_mem>>) {add = true}
      %dma_start3A_301 = arith.constant 0 : i32
      %dma_start3A_302 = tpu.memref_slice %arg15[%mul3A_238, %dma_start3A_301] : memref<80x128xf32, #tpu.memory_space<vmem>> -> memref<40x128xf32, #tpu.memory_space<vmem>>
      %dma_start3A_303 = arith.constant 0 : i32
      %dma_start3A_304 = tpu.memref_slice %arg10[%rem3A_236, %dma_start3A_303] : memref<4x40xi32, #tpu.memory_space<vmem>> -> memref<1x40xi32, #tpu.memory_space<vmem>>
      %dma_start3A_305 = tpu.memref_squeeze %dma_start3A_304 : memref<1x40xi32, #tpu.memory_space<vmem>> -> memref<40xi32, #tpu.memory_space<vmem>>
      %dma_start3A_306 = arith.constant 0 : i32
      %dma_start3A_307 = arith.constant 0 : i32
      %dma_start3A_308 = tpu.memref_slice %arg16[%dma_start3A_306, %dma_start3A_307] : memref<10240x128xf32, #tpu.memory_space<vmem_shared>> -> memref<10240x128xf32, #tpu.memory_space<vmem_shared>>
      tpu.enqueue_indirect_dma source(%dma_start3A_302 : memref<40x128xf32, #tpu.memory_space<vmem>>) target(%dma_start3A_308 : memref<10240x128xf32, #tpu.memory_space<vmem_shared>>) offsets(%dma_start3A_305 : memref<40xi32, #tpu.memory_space<vmem>>) semaphore(%arg20 : memref<!tpu.dma_semaphore, #tpu.memory_space<semaphore_mem>>) {add = true}
    }
    %scan3A_173 = arith.constant 250 : i32
    %dma_wait3A_174 = arith.constant 0 : i32
    %dma_wait3A_175 = arith.constant 0 : i32
    %dma_wait3A_176 = tpu.memref_slice %arg14[%dma_wait3A_174, %dma_wait3A_175] : memref<80x16xf32, #tpu.memory_space<vmem>> -> memref<40x16xf32, #tpu.memory_space<vmem>>
    %dma_wait3A_177 = arith.constant 0 : i32
    %dma_wait3A_178 = arith.constant 0 : i32
    %dma_wait3A_179 = tpu.memref_slice %arg4[%dma_wait3A_177, %dma_wait3A_178] : memref<10000x16xf32, #tpu.memory_space<hbm>> -> memref<40x16xf32, #tpu.memory_space<hbm>>
    %dma_wait3A_180 = arith.constant 0 : i32
    %dma_wait3A_181 = arith.constant 0 : i32
    %dma_wait3A_182 = tpu.memref_slice %arg14[%dma_wait3A_180, %dma_wait3A_181] : memref<80x16xf32, #tpu.memory_space<vmem>> -> memref<40x16xf32, #tpu.memory_space<vmem>>
    %dma_wait3A_183 = arith.constant 0 : i32
    %dma_wait3A_184 = arith.constant 0 : i32
    %dma_wait3A_185 = tpu.memref_slice %arg4[%dma_wait3A_183, %dma_wait3A_184] : memref<10000x16xf32, #tpu.memory_space<hbm>> -> memref<40x16xf32, #tpu.memory_space<hbm>>
    tpu.wait_dma2 semaphore(%arg20 : memref<!tpu.dma_semaphore, #tpu.memory_space<semaphore_mem>>) src(%dma_wait3A_185 : memref<40x16xf32, #tpu.memory_space<hbm>>) dst(%dma_wait3A_182 : memref<40x16xf32, #tpu.memory_space<vmem>>)
    %dma_wait3A_186 = arith.constant 0 : i32
    %dma_wait3A_187 = arith.constant 0 : i32
    %dma_wait3A_188 = tpu.memref_slice %arg15[%dma_wait3A_186, %dma_wait3A_187] : memref<80x128xf32, #tpu.memory_space<vmem>> -> memref<40x128xf32, #tpu.memory_space<vmem>>
    %dma_wait3A_189 = arith.constant 0 : i32
    %dma_wait3A_190 = arith.constant 0 : i32
    %dma_wait3A_191 = tpu.memref_slice %arg6[%dma_wait3A_189, %dma_wait3A_190] : memref<10000x128xf32, #tpu.memory_space<hbm>> -> memref<40x128xf32, #tpu.memory_space<hbm>>
    %dma_wait3A_192 = arith.constant 0 : i32
    %dma_wait3A_193 = arith.constant 0 : i32
    %dma_wait3A_194 = tpu.memref_slice %arg15[%dma_wait3A_192, %dma_wait3A_193] : memref<80x128xf32, #tpu.memory_space<vmem>> -> memref<40x128xf32, #tpu.memory_space<vmem>>
    %dma_wait3A_195 = arith.constant 0 : i32
    %dma_wait3A_196 = arith.constant 0 : i32
    %dma_wait3A_197 = tpu.memref_slice %arg6[%dma_wait3A_195, %dma_wait3A_196] : memref<10000x128xf32, #tpu.memory_space<hbm>> -> memref<40x128xf32, #tpu.memory_space<hbm>>
    tpu.wait_dma2 semaphore(%arg20 : memref<!tpu.dma_semaphore, #tpu.memory_space<semaphore_mem>>) src(%dma_wait3A_197 : memref<40x128xf32, #tpu.memory_space<hbm>>) dst(%dma_wait3A_194 : memref<40x128xf32, #tpu.memory_space<vmem>>)
    %dma_wait3A_198 = arith.constant 0 : i32
    %dma_wait3A_199 = arith.constant 0 : i32
    %dma_wait3A_200 = tpu.memref_slice %arg14[%dma_wait3A_198, %dma_wait3A_199] : memref<80x16xf32, #tpu.memory_space<vmem>> -> memref<40x16xf32, #tpu.memory_space<vmem>>
    %dma_wait3A_201 = arith.constant 0 : i32
    %dma_wait3A_202 = arith.constant 0 : i32
    %dma_wait3A_203 = tpu.memref_slice %arg4[%dma_wait3A_201, %dma_wait3A_202] : memref<10000x16xf32, #tpu.memory_space<hbm>> -> memref<40x16xf32, #tpu.memory_space<hbm>>
    %dma_wait3A_204 = arith.constant 0 : i32
    %dma_wait3A_205 = arith.constant 0 : i32
    %dma_wait3A_206 = tpu.memref_slice %arg14[%dma_wait3A_204, %dma_wait3A_205] : memref<80x16xf32, #tpu.memory_space<vmem>> -> memref<40x16xf32, #tpu.memory_space<vmem>>
    %dma_wait3A_207 = arith.constant 0 : i32
    %dma_wait3A_208 = arith.constant 0 : i32
    %dma_wait3A_209 = tpu.memref_slice %arg4[%dma_wait3A_207, %dma_wait3A_208] : memref<10000x16xf32, #tpu.memory_space<hbm>> -> memref<40x16xf32, #tpu.memory_space<hbm>>
    tpu.wait_dma2 semaphore(%arg20 : memref<!tpu.dma_semaphore, #tpu.memory_space<semaphore_mem>>) src(%dma_wait3A_209 : memref<40x16xf32, #tpu.memory_space<hbm>>) dst(%dma_wait3A_206 : memref<40x16xf32, #tpu.memory_space<vmem>>)
    %dma_wait3A_210 = arith.constant 0 : i32
    %dma_wait3A_211 = arith.constant 0 : i32
    %dma_wait3A_212 = tpu.memref_slice %arg15[%dma_wait3A_210, %dma_wait3A_211] : memref<80x128xf32, #tpu.memory_space<vmem>> -> memref<40x128xf32, #tpu.memory_space<vmem>>
    %dma_wait3A_213 = arith.constant 0 : i32
    %dma_wait3A_214 = arith.constant 0 : i32
    %dma_wait3A_215 = tpu.memref_slice %arg6[%dma_wait3A_213, %dma_wait3A_214] : memref<10000x128xf32, #tpu.memory_space<hbm>> -> memref<40x128xf32, #tpu.memory_space<hbm>>
    %dma_wait3A_216 = arith.constant 0 : i32
    %dma_wait3A_217 = arith.constant 0 : i32
    %dma_wait3A_218 = tpu.memref_slice %arg15[%dma_wait3A_216, %dma_wait3A_217] : memref<80x128xf32, #tpu.memory_space<vmem>> -> memref<40x128xf32, #tpu.memory_space<vmem>>
    %dma_wait3A_219 = arith.constant 0 : i32
    %dma_wait3A_220 = arith.constant 0 : i32
    %dma_wait3A_221 = tpu.memref_slice %arg6[%dma_wait3A_219, %dma_wait3A_220] : memref<10000x128xf32, #tpu.memory_space<hbm>> -> memref<40x128xf32, #tpu.memory_space<hbm>>
    tpu.wait_dma2 semaphore(%arg20 : memref<!tpu.dma_semaphore, #tpu.memory_space<semaphore_mem>>) src(%dma_wait3A_221 : memref<40x128xf32, #tpu.memory_space<hbm>>) dst(%dma_wait3A_218 : memref<40x128xf32, #tpu.memory_space<vmem>>)
    %barrier3A_222 = arith.constant 0 : index
    tpu.barrier barrier_id(%barrier3A_222)
    %mul3A_223 = arith.constant 10240 : i32
    %mul3A_224 = arith.muli %arg0, %mul3A_223 : i32
    %mul3A_225 = arith.constant 640 : i32
    %mul3A_226 = arith.muli %arg1, %mul3A_225 : i32
    %add3A_227 = arith.addi %mul3A_224, %mul3A_226 : i32
    %mul3A_228 = arith.constant 640 : i32
    %mul3A_229 = arith.muli %arg1, %mul3A_228 : i32
    "tpu.region"() ({
      %run_scoped3A = tpu.sem_alloc : memref<!tpu.dma_semaphore, #tpu.memory_space<semaphore_mem>>
      %dma_start3A_232 = arith.constant 0 : i32
      %dma_start3A_233 = tpu.memref_slice %arg7[%add3A_227, %dma_start3A_232] : memref<20480x128xf32, #tpu.memory_space<hbm>> -> memref<640x128xf32, #tpu.memory_space<hbm>>
      %dma_start3A_234 = arith.constant 0 : i32
      %dma_start3A_235 = tpu.memref_slice %arg16[%mul3A_229, %dma_start3A_234] : memref<10240x128xf32, #tpu.memory_space<vmem_shared>> -> memref<640x128xf32, #tpu.memory_space<vmem_shared>>
      tpu.enqueue_dma source(%dma_start3A_235 : memref<640x128xf32, #tpu.memory_space<vmem_shared>>) target(%dma_start3A_233 : memref<640x128xf32, #tpu.memory_space<hbm>>) target_semaphore(%run_scoped3A : memref<!tpu.dma_semaphore, #tpu.memory_space<semaphore_mem>>)
      %dma_wait3A_236 = arith.constant 0 : i32
      %dma_wait3A_237 = tpu.memref_slice %arg7[%add3A_227, %dma_wait3A_236] : memref<20480x128xf32, #tpu.memory_space<hbm>> -> memref<640x128xf32, #tpu.memory_space<hbm>>
      %dma_wait3A_238 = arith.constant 0 : i32
      %dma_wait3A_239 = tpu.memref_slice %arg16[%mul3A_229, %dma_wait3A_238] : memref<10240x128xf32, #tpu.memory_space<vmem_shared>> -> memref<640x128xf32, #tpu.memory_space<vmem_shared>>
      tpu.wait_dma2 semaphore(%run_scoped3A : memref<!tpu.dma_semaphore, #tpu.memory_space<semaphore_mem>>) src(%dma_wait3A_239 : memref<640x128xf32, #tpu.memory_space<vmem_shared>>) dst(%dma_wait3A_237 : memref<640x128xf32, #tpu.memory_space<hbm>>)
      tpu.yield
    }) : () -> ()
    %mul3A_230 = arith.constant 640 : i32
    %mul3A_231 = arith.muli %arg1, %mul3A_230 : i32
    "tpu.region"() ({
      %run_scoped3A = tpu.sem_alloc : memref<!tpu.dma_semaphore, #tpu.memory_space<semaphore_mem>>
      %dma_start3A_232 = arith.constant 0 : i32
      %dma_start3A_233 = tpu.memref_slice %arg8[%add3A_227, %dma_start3A_232] : memref<20480x16xf32, #tpu.memory_space<hbm>> -> memref<640x16xf32, #tpu.memory_space<hbm>>
      %dma_start3A_234 = arith.constant 0 : i32
      %dma_start3A_235 = tpu.memref_slice %arg17[%mul3A_231, %dma_start3A_234] : memref<10240x16xf32, #tpu.memory_space<vmem_shared>> -> memref<640x16xf32, #tpu.memory_space<vmem_shared>>
      tpu.enqueue_dma source(%dma_start3A_235 : memref<640x16xf32, #tpu.memory_space<vmem_shared>>) target(%dma_start3A_233 : memref<640x16xf32, #tpu.memory_space<hbm>>) target_semaphore(%run_scoped3A : memref<!tpu.dma_semaphore, #tpu.memory_space<semaphore_mem>>)
      %dma_wait3A_236 = arith.constant 0 : i32
      %dma_wait3A_237 = tpu.memref_slice %arg8[%add3A_227, %dma_wait3A_236] : memref<20480x16xf32, #tpu.memory_space<hbm>> -> memref<640x16xf32, #tpu.memory_space<hbm>>
      %dma_wait3A_238 = arith.constant 0 : i32
      %dma_wait3A_239 = tpu.memref_slice %arg17[%mul3A_231, %dma_wait3A_238] : memref<10240x16xf32, #tpu.memory_space<vmem_shared>> -> memref<640x16xf32, #tpu.memory_space<vmem_shared>>
      tpu.wait_dma2 semaphore(%run_scoped3A : memref<!tpu.dma_semaphore, #tpu.memory_space<semaphore_mem>>) src(%dma_wait3A_239 : memref<640x16xf32, #tpu.memory_space<vmem_shared>>) dst(%dma_wait3A_237 : memref<640x16xf32, #tpu.memory_space<hbm>>)
      tpu.yield
    }) : () -> ()
    return
  }
}

#map = affine_map<(d0, d1) -> (0)>
#map1 = affine_map<(d0, d1) -> (0, 0)>
module attributes {stable_mosaic.version = 14 : i64} {
  func.func @_edge_sc_body(%arg0: i32, %arg1: i32, %arg2: memref<320000xi32, #tpu.memory_space<hbm>>, %arg3: memref<320000xi32, #tpu.memory_space<hbm>>, %arg4: memref<10000x16xf32, #tpu.memory_space<hbm>>, %arg5: memref<10000x16xf32, #tpu.memory_space<hbm>>, %arg6: memref<10000x128xf32, #tpu.memory_space<hbm>>, %arg7: memref<20480x128xf32, #tpu.memory_space<hbm>>, %arg8: memref<20480x16xf32, #tpu.memory_space<hbm>>, %arg9: memref<4x40xi32, #tpu.memory_space<vmem>>, %arg10: memref<4x40xi32, #tpu.memory_space<vmem>>, %arg11: memref<80x16xf32, #tpu.memory_space<vmem>>, %arg12: memref<80x16xf32, #tpu.memory_space<vmem>>, %arg13: memref<80x128xf32, #tpu.memory_space<vmem>>, %arg14: memref<80x16xf32, #tpu.memory_space<vmem>>, %arg15: memref<80x128xf32, #tpu.memory_space<vmem>>, %arg16: memref<10240x128xf32, #tpu.memory_space<vmem_shared>>, %arg17: memref<10240x16xf32, #tpu.memory_space<vmem_shared>>, %arg18: memref<!tpu.dma_semaphore, #tpu.memory_space<semaphore_mem>>, %arg19: memref<!tpu.dma_semaphore, #tpu.memory_space<semaphore_mem>>, %arg20: memref<!tpu.dma_semaphore, #tpu.memory_space<semaphore_mem>>) attributes {dimension_semantics = [#tpu.dimension_semantics<core_parallel>, #tpu.dimension_semantics<subcore_parallel>], iteration_bounds = array<i64: 2, 16>, scalar_prefetch = 0 : i64, scratch_operands = 12 : i64, tpu.core_type = #tpu.core_type<sc_vector_subcore>, window_params = [{transform_indices = #map}, {transform_indices = #map}, {transform_indices = #map1}, {transform_indices = #map1}, {transform_indices = #map1}, {transform_indices = #map1}, {transform_indices = #map1}]} {
    %mul3A = arith.constant 2 : i32
    %mul3A_0 = arith.muli %arg1, %mul3A : i32
    %add3A = arith.addi %mul3A_0, %arg0 : i32
    %mul3A_1 = arith.constant 10000 : i32
    %mul3A_2 = arith.muli %add3A, %mul3A_1 : i32
    %broadcast_in_dim3A = arith.constant 0.000000e+00 : f32
    %broadcast_in_dim3A_3 = vector.broadcast %broadcast_in_dim3A : f32 to vector<16xf32>
    %iota3A = tpu.iota {dimensions = array<i32: 0>} : vector<16xi32>
    %lt3A = arith.constant 8 : i32
    %lt3A_4 = vector.broadcast %lt3A : i32 to vector<16xi32>
    %lt3A_5 = arith.cmpi slt, %iota3A, %lt3A_4 : vector<16xi32>
    %jit3A = arith.constant 1.000000e+00 : f32
    %jit3A_6 = arith.constant 0.000000e+00 : f32
    %broadcast_in_dim3A_7 = vector.broadcast %jit3A : f32 to vector<16xf32>
    %broadcast_in_dim3A_8 = vector.broadcast %jit3A_6 : f32 to vector<16xf32>
    %select_n3A = arith.select %lt3A_5, %broadcast_in_dim3A_7, %broadcast_in_dim3A_8 : vector<16xi1>, vector<16xf32>
    %mul3A_9 = arith.constant 0 : i32
    %mul3A_10 = vector.broadcast %mul3A_9 : i32 to vector<16xi32>
    %mul3A_11 = arith.muli %iota3A, %mul3A_10 : vector<16xi32>
    %add3A_12 = arith.constant 0 : i32
    %add3A_13 = vector.broadcast %add3A_12 : i32 to vector<16xi32>
    %add3A_14 = arith.addi %mul3A_11, %add3A_13 : vector<16xi32>
    %reshape3A = vector.shape_cast %add3A_14 : vector<16xi32> to vector<16x1xi32>
    %mul3A_15 = arith.constant 0 : i32
    %mul3A_16 = vector.broadcast %mul3A_15 : i32 to vector<16xi32>
    %mul3A_17 = arith.muli %iota3A, %mul3A_16 : vector<16xi32>
    %add3A_18 = arith.constant 1 : i32
    %add3A_19 = vector.broadcast %add3A_18 : i32 to vector<16xi32>
    %add3A_20 = arith.addi %mul3A_17, %add3A_19 : vector<16xi32>
    %reshape3A_21 = vector.shape_cast %add3A_20 : vector<16xi32> to vector<16x1xi32>
    %mul3A_22 = arith.constant 0 : i32
    %mul3A_23 = vector.broadcast %mul3A_22 : i32 to vector<16xi32>
    %mul3A_24 = arith.muli %iota3A, %mul3A_23 : vector<16xi32>
    %add3A_25 = arith.constant 2 : i32
    %add3A_26 = vector.broadcast %add3A_25 : i32 to vector<16xi32>
    %add3A_27 = arith.addi %mul3A_24, %add3A_26 : vector<16xi32>
    %reshape3A_28 = vector.shape_cast %add3A_27 : vector<16xi32> to vector<16x1xi32>
    %mul3A_29 = arith.constant 0 : i32
    %mul3A_30 = vector.broadcast %mul3A_29 : i32 to vector<16xi32>
    %mul3A_31 = arith.muli %iota3A, %mul3A_30 : vector<16xi32>
    %add3A_32 = arith.constant 3 : i32
    %add3A_33 = vector.broadcast %add3A_32 : i32 to vector<16xi32>
    %add3A_34 = arith.addi %mul3A_31, %add3A_33 : vector<16xi32>
    %reshape3A_35 = vector.shape_cast %add3A_34 : vector<16xi32> to vector<16x1xi32>
    %mul3A_36 = arith.constant 0 : i32
    %mul3A_37 = vector.broadcast %mul3A_36 : i32 to vector<16xi32>
    %mul3A_38 = arith.muli %iota3A, %mul3A_37 : vector<16xi32>
    %add3A_39 = arith.constant 4 : i32
    %add3A_40 = vector.broadcast %add3A_39 : i32 to vector<16xi32>
    %add3A_41 = arith.addi %mul3A_38, %add3A_40 : vector<16xi32>
    %reshape3A_42 = vector.shape_cast %add3A_41 : vector<16xi32> to vector<16x1xi32>
    %mul3A_43 = arith.constant 0 : i32
    %mul3A_44 = vector.broadcast %mul3A_43 : i32 to vector<16xi32>
    %mul3A_45 = arith.muli %iota3A, %mul3A_44 : vector<16xi32>
    %add3A_46 = arith.constant 5 : i32
    %add3A_47 = vector.broadcast %add3A_46 : i32 to vector<16xi32>
    %add3A_48 = arith.addi %mul3A_45, %add3A_47 : vector<16xi32>
    %reshape3A_49 = vector.shape_cast %add3A_48 : vector<16xi32> to vector<16x1xi32>
    %mul3A_50 = arith.constant 0 : i32
    %mul3A_51 = vector.broadcast %mul3A_50 : i32 to vector<16xi32>
    %mul3A_52 = arith.muli %iota3A, %mul3A_51 : vector<16xi32>
    %add3A_53 = arith.constant 6 : i32
    %add3A_54 = vector.broadcast %add3A_53 : i32 to vector<16xi32>
    %add3A_55 = arith.addi %mul3A_52, %add3A_54 : vector<16xi32>
    %reshape3A_56 = vector.shape_cast %add3A_55 : vector<16xi32> to vector<16x1xi32>
    %mul3A_57 = arith.constant 0 : i32
    %mul3A_58 = vector.broadcast %mul3A_57 : i32 to vector<16xi32>
    %mul3A_59 = arith.muli %iota3A, %mul3A_58 : vector<16xi32>
    %add3A_60 = arith.constant 7 : i32
    %add3A_61 = vector.broadcast %add3A_60 : i32 to vector<16xi32>
    %add3A_62 = arith.addi %mul3A_59, %add3A_61 : vector<16xi32>
    %reshape3A_63 = vector.shape_cast %add3A_62 : vector<16xi32> to vector<16x1xi32>
    %scan3A = arith.constant 0 : i32
    %scan3A_64 = arith.constant 0 : i32
    %scan3A_65 = arith.constant 40 : i32
    %scan3A_66 = arith.addi %scan3A_64, %scan3A_65 : i32
    %scan3A_67 = arith.constant 1 : i32
    scf.for %scan3A_232 = %scan3A_64 to %scan3A_66 step %scan3A_67  : i32 {
      %swap3A = arith.index_cast %scan3A_232 : i32 to index
      %swap3A_233 = arith.constant 0 : index
      %swap3A_234 = tpu.vector_load %arg15[%swap3A, %swap3A_233] {strides = array<i32>} : memref<80x128xf32, #tpu.memory_space<vmem>>, vector<16xf32>,
      tpu.vector_store %arg15[%swap3A, %swap3A_233], %broadcast_in_dim3A_3 {strides = array<i32>} : memref<80x128xf32, #tpu.memory_space<vmem>>, vector<16xf32>,
      %swap3A_235 = arith.index_cast %scan3A_232 : i32 to index
      %swap3A_236 = arith.constant 16 : index
      %swap3A_237 = tpu.vector_load %arg15[%swap3A_235, %swap3A_236] {strides = array<i32>} : memref<80x128xf32, #tpu.memory_space<vmem>>, vector<16xf32>,
      tpu.vector_store %arg15[%swap3A_235, %swap3A_236], %broadcast_in_dim3A_3 {strides = array<i32>} : memref<80x128xf32, #tpu.memory_space<vmem>>, vector<16xf32>,
      %swap3A_238 = arith.index_cast %scan3A_232 : i32 to index
      %swap3A_239 = arith.constant 32 : index
      %swap3A_240 = tpu.vector_load %arg15[%swap3A_238, %swap3A_239] {strides = array<i32>} : memref<80x128xf32, #tpu.memory_space<vmem>>, vector<16xf32>,
      tpu.vector_store %arg15[%swap3A_238, %swap3A_239], %broadcast_in_dim3A_3 {strides = array<i32>} : memref<80x128xf32, #tpu.memory_space<vmem>>, vector<16xf32>,
      %swap3A_241 = arith.index_cast %scan3A_232 : i32 to index
      %swap3A_242 = arith.constant 48 : index
      %swap3A_243 = tpu.vector_load %arg15[%swap3A_241, %swap3A_242] {strides = array<i32>} : memref<80x128xf32, #tpu.memory_space<vmem>>, vector<16xf32>,
      tpu.vector_store %arg15[%swap3A_241, %swap3A_242], %broadcast_in_dim3A_3 {strides = array<i32>} : memref<80x128xf32, #tpu.memory_space<vmem>>, vector<16xf32>,
      %swap3A_244 = arith.index_cast %scan3A_232 : i32 to index
      %swap3A_245 = arith.constant 64 : index
      %swap3A_246 = tpu.vector_load %arg15[%swap3A_244, %swap3A_245] {strides = array<i32>} : memref<80x128xf32, #tpu.memory_space<vmem>>, vector<16xf32>,
      tpu.vector_store %arg15[%swap3A_244, %swap3A_245], %broadcast_in_dim3A_3 {strides = array<i32>} : memref<80x128xf32, #tpu.memory_space<vmem>>, vector<16xf32>,
      %swap3A_247 = arith.index_cast %scan3A_232 : i32 to index
      %swap3A_248 = arith.constant 80 : index
      %swap3A_249 = tpu.vector_load %arg15[%swap3A_247, %swap3A_248] {strides = array<i32>} : memref<80x128xf32, #tpu.memory_space<vmem>>, vector<16xf32>,
      tpu.vector_store %arg15[%swap3A_247, %swap3A_248], %broadcast_in_dim3A_3 {strides = array<i32>} : memref<80x128xf32, #tpu.memory_space<vmem>>, vector<16xf32>,
      %swap3A_250 = arith.index_cast %scan3A_232 : i32 to index
      %swap3A_251 = arith.constant 96 : index
      %swap3A_252 = tpu.vector_load %arg15[%swap3A_250, %swap3A_251] {strides = array<i32>} : memref<80x128xf32, #tpu.memory_space<vmem>>, vector<16xf32>,
      tpu.vector_store %arg15[%swap3A_250, %swap3A_251], %broadcast_in_dim3A_3 {strides = array<i32>} : memref<80x128xf32, #tpu.memory_space<vmem>>, vector<16xf32>,
      %swap3A_253 = arith.index_cast %scan3A_232 : i32 to index
      %swap3A_254 = arith.constant 112 : index
      %swap3A_255 = tpu.vector_load %arg15[%swap3A_253, %swap3A_254] {strides = array<i32>} : memref<80x128xf32, #tpu.memory_space<vmem>>, vector<16xf32>,
      tpu.vector_store %arg15[%swap3A_253, %swap3A_254], %broadcast_in_dim3A_3 {strides = array<i32>} : memref<80x128xf32, #tpu.memory_space<vmem>>, vector<16xf32>,
      %swap3A_256 = arith.index_cast %scan3A_232 : i32 to index
      %swap3A_257 = arith.constant 0 : index
      %swap3A_258 = tpu.vector_load %arg14[%swap3A_256, %swap3A_257] {strides = array<i32>} : memref<80x16xf32, #tpu.memory_space<vmem>>, vector<16xf32>,
      tpu.vector_store %arg14[%swap3A_256, %swap3A_257], %broadcast_in_dim3A_3 {strides = array<i32>} : memref<80x16xf32, #tpu.memory_space<vmem>>, vector<16xf32>,
    }
    %scan3A_68 = arith.constant 40 : i32
    %scan3A_69 = arith.constant 0 : i32
    %scan3A_70 = arith.constant 0 : i32
    %scan3A_71 = arith.constant 16 : i32
    %scan3A_72 = arith.addi %scan3A_70, %scan3A_71 : i32
    %scan3A_73 = arith.constant 1 : i32
    scf.for %scan3A_232 = %scan3A_70 to %scan3A_72 step %scan3A_73  : i32 {
      %mul3A_233 = arith.constant 640 : i32
      %mul3A_234 = arith.muli %arg1, %mul3A_233 : i32
      %mul3A_235 = arith.constant 40 : i32
      %mul3A_236 = arith.muli %scan3A_232, %mul3A_235 : i32
      %add3A_237 = arith.addi %mul3A_234, %mul3A_236 : i32
      "tpu.region"() ({
        %run_scoped3A = tpu.sem_alloc : memref<!tpu.dma_semaphore, #tpu.memory_space<semaphore_mem>>
        %dma_start3A_238 = arith.constant 0 : i32
        %dma_start3A_239 = arith.constant 0 : i32
        %dma_start3A_240 = tpu.memref_slice %arg15[%dma_start3A_238, %dma_start3A_239] : memref<80x128xf32, #tpu.memory_space<vmem>> -> memref<40x128xf32, #tpu.memory_space<vmem>>
        %dma_start3A_241 = arith.constant 0 : i32
        %dma_start3A_242 = tpu.memref_slice %arg16[%add3A_237, %dma_start3A_241] : memref<10240x128xf32, #tpu.memory_space<vmem_shared>> -> memref<40x128xf32, #tpu.memory_space<vmem_shared>>
        %dma_start3A_243 = arith.constant 0 : i32
        %dma_start3A_244 = tpu.memref_slice %arg16[%add3A_237, %dma_start3A_243] : memref<10240x128xf32, #tpu.memory_space<vmem_shared>> -> memref<40x128xf32, #tpu.memory_space<vmem_shared>>
        %dma_start3A_245 = arith.constant 0 : i32
        %dma_start3A_246 = arith.constant 0 : i32
        %dma_start3A_247 = tpu.memref_slice %arg15[%dma_start3A_245, %dma_start3A_246] : memref<80x128xf32, #tpu.memory_space<vmem>> -> memref<40x128xf32, #tpu.memory_space<vmem>>
        tpu.enqueue_dma source(%dma_start3A_247 : memref<40x128xf32, #tpu.memory_space<vmem>>) target(%dma_start3A_244 : memref<40x128xf32, #tpu.memory_space<vmem_shared>>) target_semaphore(%run_scoped3A : memref<!tpu.dma_semaphore, #tpu.memory_space<semaphore_mem>>)
        %dma_wait3A_248 = arith.constant 0 : i32
        %dma_wait3A_249 = arith.constant 0 : i32
        %dma_wait3A_250 = tpu.memref_slice %arg15[%dma_wait3A_248, %dma_wait3A_249] : memref<80x128xf32, #tpu.memory_space<vmem>> -> memref<40x128xf32, #tpu.memory_space<vmem>>
        %dma_wait3A_251 = arith.constant 0 : i32
        %dma_wait3A_252 = tpu.memref_slice %arg16[%add3A_237, %dma_wait3A_251] : memref<10240x128xf32, #tpu.memory_space<vmem_shared>> -> memref<40x128xf32, #tpu.memory_space<vmem_shared>>
        %dma_wait3A_253 = arith.constant 0 : i32
        %dma_wait3A_254 = tpu.memref_slice %arg16[%add3A_237, %dma_wait3A_253] : memref<10240x128xf32, #tpu.memory_space<vmem_shared>> -> memref<40x128xf32, #tpu.memory_space<vmem_shared>>
        %dma_wait3A_255 = arith.constant 0 : i32
        %dma_wait3A_256 = arith.constant 0 : i32
        %dma_wait3A_257 = tpu.memref_slice %arg15[%dma_wait3A_255, %dma_wait3A_256] : memref<80x128xf32, #tpu.memory_space<vmem>> -> memref<40x128xf32, #tpu.memory_space<vmem>>
        tpu.wait_dma2 semaphore(%run_scoped3A : memref<!tpu.dma_semaphore, #tpu.memory_space<semaphore_mem>>) src(%dma_wait3A_257 : memref<40x128xf32, #tpu.memory_space<vmem>>) dst(%dma_wait3A_254 : memref<40x128xf32, #tpu.memory_space<vmem_shared>>)
        tpu.yield
      }) : () -> ()
      "tpu.region"() ({
        %run_scoped3A = tpu.sem_alloc : memref<!tpu.dma_semaphore, #tpu.memory_space<semaphore_mem>>
        %dma_start3A_238 = arith.constant 0 : i32
        %dma_start3A_239 = arith.constant 0 : i32
        %dma_start3A_240 = tpu.memref_slice %arg14[%dma_start3A_238, %dma_start3A_239] : memref<80x16xf32, #tpu.memory_space<vmem>> -> memref<40x16xf32, #tpu.memory_space<vmem>>
        %dma_start3A_241 = arith.constant 0 : i32
        %dma_start3A_242 = tpu.memref_slice %arg17[%add3A_237, %dma_start3A_241] : memref<10240x16xf32, #tpu.memory_space<vmem_shared>> -> memref<40x16xf32, #tpu.memory_space<vmem_shared>>
        %dma_start3A_243 = arith.constant 0 : i32
        %dma_start3A_244 = tpu.memref_slice %arg17[%add3A_237, %dma_start3A_243] : memref<10240x16xf32, #tpu.memory_space<vmem_shared>> -> memref<40x16xf32, #tpu.memory_space<vmem_shared>>
        %dma_start3A_245 = arith.constant 0 : i32
        %dma_start3A_246 = arith.constant 0 : i32
        %dma_start3A_247 = tpu.memref_slice %arg14[%dma_start3A_245, %dma_start3A_246] : memref<80x16xf32, #tpu.memory_space<vmem>> -> memref<40x16xf32, #tpu.memory_space<vmem>>
        tpu.enqueue_dma source(%dma_start3A_247 : memref<40x16xf32, #tpu.memory_space<vmem>>) target(%dma_start3A_244 : memref<40x16xf32, #tpu.memory_space<vmem_shared>>) target_semaphore(%run_scoped3A : memref<!tpu.dma_semaphore, #tpu.memory_space<semaphore_mem>>)
        %dma_wait3A_248 = arith.constant 0 : i32
        %dma_wait3A_249 = arith.constant 0 : i32
        %dma_wait3A_250 = tpu.memref_slice %arg14[%dma_wait3A_248, %dma_wait3A_249] : memref<80x16xf32, #tpu.memory_space<vmem>> -> memref<40x16xf32, #tpu.memory_space<vmem>>
        %dma_wait3A_251 = arith.constant 0 : i32
        %dma_wait3A_252 = tpu.memref_slice %arg17[%add3A_237, %dma_wait3A_251] : memref<10240x16xf32, #tpu.memory_space<vmem_shared>> -> memref<40x16xf32, #tpu.memory_space<vmem_shared>>
        %dma_wait3A_253 = arith.constant 0 : i32
        %dma_wait3A_254 = tpu.memref_slice %arg17[%add3A_237, %dma_wait3A_253] : memref<10240x16xf32, #tpu.memory_space<vmem_shared>> -> memref<40x16xf32, #tpu.memory_space<vmem_shared>>
        %dma_wait3A_255 = arith.constant 0 : i32
        %dma_wait3A_256 = arith.constant 0 : i32
        %dma_wait3A_257 = tpu.memref_slice %arg14[%dma_wait3A_255, %dma_wait3A_256] : memref<80x16xf32, #tpu.memory_space<vmem>> -> memref<40x16xf32, #tpu.memory_space<vmem>>
        tpu.wait_dma2 semaphore(%run_scoped3A : memref<!tpu.dma_semaphore, #tpu.memory_space<semaphore_mem>>) src(%dma_wait3A_257 : memref<40x16xf32, #tpu.memory_space<vmem>>) dst(%dma_wait3A_254 : memref<40x16xf32, #tpu.memory_space<vmem_shared>>)
        tpu.yield
      }) : () -> ()
    }
    %scan3A_74 = arith.constant 16 : i32
    %barrier3A = arith.constant 0 : index
    tpu.barrier barrier_id(%barrier3A)
    %rem3A = arith.constant 0 : i32
    %rem3A_75 = arith.constant 4 : i32
    %rem3A_76 = arith.remsi %rem3A, %rem3A_75 : i32
    %add3A_77 = arith.constant 0 : i32
    %add3A_78 = arith.addi %mul3A_2, %add3A_77 : i32
    %dma_start3A = arith.constant 0 : i32
    %dma_start3A_79 = tpu.memref_slice %arg9[%rem3A_76, %dma_start3A] : memref<4x40xi32, #tpu.memory_space<vmem>> -> memref<1x40xi32, #tpu.memory_space<vmem>>
    %dma_start3A_80 = tpu.memref_squeeze %dma_start3A_79 : memref<1x40xi32, #tpu.memory_space<vmem>> -> memref<40xi32, #tpu.memory_space<vmem>>
    %dma_start3A_81 = tpu.memref_slice %arg2[%add3A_78] : memref<320000xi32, #tpu.memory_space<hbm>> -> memref<40xi32, #tpu.memory_space<hbm>>
    %dma_start3A_82 = arith.constant 0 : i32
    %dma_start3A_83 = tpu.memref_slice %arg9[%rem3A_76, %dma_start3A_82] : memref<4x40xi32, #tpu.memory_space<vmem>> -> memref<1x40xi32, #tpu.memory_space<vmem>>
    %dma_start3A_84 = tpu.memref_squeeze %dma_start3A_83 : memref<1x40xi32, #tpu.memory_space<vmem>> -> memref<40xi32, #tpu.memory_space<vmem>>
    %dma_start3A_85 = tpu.memref_slice %arg2[%add3A_78] : memref<320000xi32, #tpu.memory_space<hbm>> -> memref<40xi32, #tpu.memory_space<hbm>>
    tpu.enqueue_dma source(%dma_start3A_85 : memref<40xi32, #tpu.memory_space<hbm>>) target(%dma_start3A_84 : memref<40xi32, #tpu.memory_space<vmem>>) target_semaphore(%arg18 : memref<!tpu.dma_semaphore, #tpu.memory_space<semaphore_mem>>)
    %dma_start3A_86 = arith.constant 0 : i32
    %dma_start3A_87 = tpu.memref_slice %arg10[%rem3A_76, %dma_start3A_86] : memref<4x40xi32, #tpu.memory_space<vmem>> -> memref<1x40xi32, #tpu.memory_space<vmem>>
    %dma_start3A_88 = tpu.memref_squeeze %dma_start3A_87 : memref<1x40xi32, #tpu.memory_space<vmem>> -> memref<40xi32, #tpu.memory_space<vmem>>
    %dma_start3A_89 = tpu.memref_slice %arg3[%add3A_78] : memref<320000xi32, #tpu.memory_space<hbm>> -> memref<40xi32, #tpu.memory_space<hbm>>
    %dma_start3A_90 = arith.constant 0 : i32
    %dma_start3A_91 = tpu.memref_slice %arg10[%rem3A_76, %dma_start3A_90] : memref<4x40xi32, #tpu.memory_space<vmem>> -> memref<1x40xi32, #tpu.memory_space<vmem>>
    %dma_start3A_92 = tpu.memref_squeeze %dma_start3A_91 : memref<1x40xi32, #tpu.memory_space<vmem>> -> memref<40xi32, #tpu.memory_space<vmem>>
    %dma_start3A_93 = tpu.memref_slice %arg3[%add3A_78] : memref<320000xi32, #tpu.memory_space<hbm>> -> memref<40xi32, #tpu.memory_space<hbm>>
    tpu.enqueue_dma source(%dma_start3A_93 : memref<40xi32, #tpu.memory_space<hbm>>) target(%dma_start3A_92 : memref<40xi32, #tpu.memory_space<vmem>>) target_semaphore(%arg18 : memref<!tpu.dma_semaphore, #tpu.memory_space<semaphore_mem>>)
    %dma_wait3A = arith.constant 0 : i32
    %dma_wait3A_94 = arith.constant 0 : i32
    %dma_wait3A_95 = tpu.memref_slice %arg9[%dma_wait3A, %dma_wait3A_94] : memref<4x40xi32, #tpu.memory_space<vmem>> -> memref<1x40xi32, #tpu.memory_space<vmem>>
    %dma_wait3A_96 = tpu.memref_squeeze %dma_wait3A_95 : memref<1x40xi32, #tpu.memory_space<vmem>> -> memref<40xi32, #tpu.memory_space<vmem>>
    %dma_wait3A_97 = arith.constant 0 : i32
    %dma_wait3A_98 = tpu.memref_slice %arg2[%dma_wait3A_97] : memref<320000xi32, #tpu.memory_space<hbm>> -> memref<40xi32, #tpu.memory_space<hbm>>
    %dma_wait3A_99 = arith.constant 0 : i32
    %dma_wait3A_100 = tpu.memref_slice %arg9[%dma_wait3A, %dma_wait3A_99] : memref<4x40xi32, #tpu.memory_space<vmem>> -> memref<1x40xi32, #tpu.memory_space<vmem>>
    %dma_wait3A_101 = tpu.memref_squeeze %dma_wait3A_100 : memref<1x40xi32, #tpu.memory_space<vmem>> -> memref<40xi32, #tpu.memory_space<vmem>>
    %dma_wait3A_102 = arith.constant 0 : i32
    %dma_wait3A_103 = tpu.memref_slice %arg2[%dma_wait3A_102] : memref<320000xi32, #tpu.memory_space<hbm>> -> memref<40xi32, #tpu.memory_space<hbm>>
    tpu.wait_dma2 semaphore(%arg18 : memref<!tpu.dma_semaphore, #tpu.memory_space<semaphore_mem>>) src(%dma_wait3A_103 : memref<40xi32, #tpu.memory_space<hbm>>) dst(%dma_wait3A_101 : memref<40xi32, #tpu.memory_space<vmem>>)
    %dma_wait3A_104 = arith.constant 0 : i32
    %dma_wait3A_105 = arith.constant 0 : i32
    %dma_wait3A_106 = tpu.memref_slice %arg10[%dma_wait3A_104, %dma_wait3A_105] : memref<4x40xi32, #tpu.memory_space<vmem>> -> memref<1x40xi32, #tpu.memory_space<vmem>>
    %dma_wait3A_107 = tpu.memref_squeeze %dma_wait3A_106 : memref<1x40xi32, #tpu.memory_space<vmem>> -> memref<40xi32, #tpu.memory_space<vmem>>
    %dma_wait3A_108 = arith.constant 0 : i32
    %dma_wait3A_109 = tpu.memref_slice %arg3[%dma_wait3A_108] : memref<320000xi32, #tpu.memory_space<hbm>> -> memref<40xi32, #tpu.memory_space<hbm>>
    %dma_wait3A_110 = arith.constant 0 : i32
    %dma_wait3A_111 = tpu.memref_slice %arg10[%dma_wait3A_104, %dma_wait3A_110] : memref<4x40xi32, #tpu.memory_space<vmem>> -> memref<1x40xi32, #tpu.memory_space<vmem>>
    %dma_wait3A_112 = tpu.memref_squeeze %dma_wait3A_111 : memref<1x40xi32, #tpu.memory_space<vmem>> -> memref<40xi32, #tpu.memory_space<vmem>>
    %dma_wait3A_113 = arith.constant 0 : i32
    %dma_wait3A_114 = tpu.memref_slice %arg3[%dma_wait3A_113] : memref<320000xi32, #tpu.memory_space<hbm>> -> memref<40xi32, #tpu.memory_space<hbm>>
    tpu.wait_dma2 semaphore(%arg18 : memref<!tpu.dma_semaphore, #tpu.memory_space<semaphore_mem>>) src(%dma_wait3A_114 : memref<40xi32, #tpu.memory_space<hbm>>) dst(%dma_wait3A_112 : memref<40xi32, #tpu.memory_space<vmem>>)
    %rem3A_115 = arith.constant 0 : i32
    %rem3A_116 = arith.constant 4 : i32
    %rem3A_117 = arith.remsi %rem3A_115, %rem3A_116 : i32
    %rem3A_118 = arith.constant 0 : i32
    %rem3A_119 = arith.constant 2 : i32
    %rem3A_120 = arith.remsi %rem3A_118, %rem3A_119 : i32
    %mul3A_121 = arith.constant 40 : i32
    %mul3A_122 = arith.muli %rem3A_120, %mul3A_121 : i32
    %dma_start3A_123 = arith.constant 0 : i32
    %dma_start3A_124 = tpu.memref_slice %arg11[%mul3A_122, %dma_start3A_123] : memref<80x16xf32, #tpu.memory_space<vmem>> -> memref<40x16xf32, #tpu.memory_space<vmem>>
    %dma_start3A_125 = arith.constant 0 : i32
    %dma_start3A_126 = tpu.memref_slice %arg9[%rem3A_117, %dma_start3A_125] : memref<4x40xi32, #tpu.memory_space<vmem>> -> memref<1x40xi32, #tpu.memory_space<vmem>>
    %dma_start3A_127 = tpu.memref_squeeze %dma_start3A_126 : memref<1x40xi32, #tpu.memory_space<vmem>> -> memref<40xi32, #tpu.memory_space<vmem>>
    %dma_start3A_128 = arith.constant 0 : i32
    %dma_start3A_129 = arith.constant 0 : i32
    %dma_start3A_130 = tpu.memref_slice %arg4[%dma_start3A_128, %dma_start3A_129] : memref<10000x16xf32, #tpu.memory_space<hbm>> -> memref<10000x16xf32, #tpu.memory_space<hbm>>
    tpu.enqueue_indirect_dma source(%dma_start3A_130 : memref<10000x16xf32, #tpu.memory_space<hbm>>) target(%dma_start3A_124 : memref<40x16xf32, #tpu.memory_space<vmem>>) offsets(%dma_start3A_127 : memref<40xi32, #tpu.memory_space<vmem>>) semaphore(%arg19 : memref<!tpu.dma_semaphore, #tpu.memory_space<semaphore_mem>>)
    %dma_start3A_131 = arith.constant 0 : i32
    %dma_start3A_132 = tpu.memref_slice %arg12[%mul3A_122, %dma_start3A_131] : memref<80x16xf32, #tpu.memory_space<vmem>> -> memref<40x16xf32, #tpu.memory_space<vmem>>
    %dma_start3A_133 = arith.constant 0 : i32
    %dma_start3A_134 = tpu.memref_slice %arg10[%rem3A_117, %dma_start3A_133] : memref<4x40xi32, #tpu.memory_space<vmem>> -> memref<1x40xi32, #tpu.memory_space<vmem>>
    %dma_start3A_135 = tpu.memref_squeeze %dma_start3A_134 : memref<1x40xi32, #tpu.memory_space<vmem>> -> memref<40xi32, #tpu.memory_space<vmem>>
    %dma_start3A_136 = arith.constant 0 : i32
    %dma_start3A_137 = arith.constant 0 : i32
    %dma_start3A_138 = tpu.memref_slice %arg5[%dma_start3A_136, %dma_start3A_137] : memref<10000x16xf32, #tpu.memory_space<hbm>> -> memref<10000x16xf32, #tpu.memory_space<hbm>>
    tpu.enqueue_indirect_dma source(%dma_start3A_138 : memref<10000x16xf32, #tpu.memory_space<hbm>>) target(%dma_start3A_132 : memref<40x16xf32, #tpu.memory_space<vmem>>) offsets(%dma_start3A_135 : memref<40xi32, #tpu.memory_space<vmem>>) semaphore(%arg19 : memref<!tpu.dma_semaphore, #tpu.memory_space<semaphore_mem>>)
    %dma_start3A_139 = arith.constant 0 : i32
    %dma_start3A_140 = tpu.memref_slice %arg13[%mul3A_122, %dma_start3A_139] : memref<80x128xf32, #tpu.memory_space<vmem>> -> memref<40x128xf32, #tpu.memory_space<vmem>>
    %dma_start3A_141 = arith.constant 0 : i32
    %dma_start3A_142 = tpu.memref_slice %arg9[%rem3A_117, %dma_start3A_141] : memref<4x40xi32, #tpu.memory_space<vmem>> -> memref<1x40xi32, #tpu.memory_space<vmem>>
    %dma_start3A_143 = tpu.memref_squeeze %dma_start3A_142 : memref<1x40xi32, #tpu.memory_space<vmem>> -> memref<40xi32, #tpu.memory_space<vmem>>
    %dma_start3A_144 = arith.constant 0 : i32
    %dma_start3A_145 = arith.constant 0 : i32
    %dma_start3A_146 = tpu.memref_slice %arg6[%dma_start3A_144, %dma_start3A_145] : memref<10000x128xf32, #tpu.memory_space<hbm>> -> memref<10000x128xf32, #tpu.memory_space<hbm>>
    tpu.enqueue_indirect_dma source(%dma_start3A_146 : memref<10000x128xf32, #tpu.memory_space<hbm>>) target(%dma_start3A_140 : memref<40x128xf32, #tpu.memory_space<vmem>>) offsets(%dma_start3A_143 : memref<40xi32, #tpu.memory_space<vmem>>) semaphore(%arg19 : memref<!tpu.dma_semaphore, #tpu.memory_space<semaphore_mem>>)
    %rem3A_147 = arith.constant 1 : i32
    %rem3A_148 = arith.constant 4 : i32
    %rem3A_149 = arith.remsi %rem3A_147, %rem3A_148 : i32
    %add3A_150 = arith.constant 40 : i32
    %add3A_151 = arith.addi %mul3A_2, %add3A_150 : i32
    %dma_start3A_152 = arith.constant 0 : i32
    %dma_start3A_153 = tpu.memref_slice %arg9[%rem3A_149, %dma_start3A_152] : memref<4x40xi32, #tpu.memory_space<vmem>> -> memref<1x40xi32, #tpu.memory_space<vmem>>
    %dma_start3A_154 = tpu.memref_squeeze %dma_start3A_153 : memref<1x40xi32, #tpu.memory_space<vmem>> -> memref<40xi32, #tpu.memory_space<vmem>>
    %dma_start3A_155 = tpu.memref_slice %arg2[%add3A_151] : memref<320000xi32, #tpu.memory_space<hbm>> -> memref<40xi32, #tpu.memory_space<hbm>>
    %dma_start3A_156 = arith.constant 0 : i32
    %dma_start3A_157 = tpu.memref_slice %arg9[%rem3A_149, %dma_start3A_156] : memref<4x40xi32, #tpu.memory_space<vmem>> -> memref<1x40xi32, #tpu.memory_space<vmem>>
    %dma_start3A_158 = tpu.memref_squeeze %dma_start3A_157 : memref<1x40xi32, #tpu.memory_space<vmem>> -> memref<40xi32, #tpu.memory_space<vmem>>
    %dma_start3A_159 = tpu.memref_slice %arg2[%add3A_151] : memref<320000xi32, #tpu.memory_space<hbm>> -> memref<40xi32, #tpu.memory_space<hbm>>
    tpu.enqueue_dma source(%dma_start3A_159 : memref<40xi32, #tpu.memory_space<hbm>>) target(%dma_start3A_158 : memref<40xi32, #tpu.memory_space<vmem>>) target_semaphore(%arg18 : memref<!tpu.dma_semaphore, #tpu.memory_space<semaphore_mem>>)
    %dma_start3A_160 = arith.constant 0 : i32
    %dma_start3A_161 = tpu.memref_slice %arg10[%rem3A_149, %dma_start3A_160] : memref<4x40xi32, #tpu.memory_space<vmem>> -> memref<1x40xi32, #tpu.memory_space<vmem>>
    %dma_start3A_162 = tpu.memref_squeeze %dma_start3A_161 : memref<1x40xi32, #tpu.memory_space<vmem>> -> memref<40xi32, #tpu.memory_space<vmem>>
    %dma_start3A_163 = tpu.memref_slice %arg3[%add3A_151] : memref<320000xi32, #tpu.memory_space<hbm>> -> memref<40xi32, #tpu.memory_space<hbm>>
    %dma_start3A_164 = arith.constant 0 : i32
    %dma_start3A_165 = tpu.memref_slice %arg10[%rem3A_149, %dma_start3A_164] : memref<4x40xi32, #tpu.memory_space<vmem>> -> memref<1x40xi32, #tpu.memory_space<vmem>>
    %dma_start3A_166 = tpu.memref_squeeze %dma_start3A_165 : memref<1x40xi32, #tpu.memory_space<vmem>> -> memref<40xi32, #tpu.memory_space<vmem>>
    %dma_start3A_167 = tpu.memref_slice %arg3[%add3A_151] : memref<320000xi32, #tpu.memory_space<hbm>> -> memref<40xi32, #tpu.memory_space<hbm>>
    tpu.enqueue_dma source(%dma_start3A_167 : memref<40xi32, #tpu.memory_space<hbm>>) target(%dma_start3A_166 : memref<40xi32, #tpu.memory_space<vmem>>) target_semaphore(%arg18 : memref<!tpu.dma_semaphore, #tpu.memory_space<semaphore_mem>>)
    %scan3A_168 = arith.constant 0 : i32
    %scan3A_169 = arith.constant 0 : i32
    %scan3A_170 = arith.constant 250 : i32
    %scan3A_171 = arith.addi %scan3A_169, %scan3A_170 : i32
    %scan3A_172 = arith.constant 1 : i32
    scf.for %scan3A_232 = %scan3A_169 to %scan3A_171 step %scan3A_172  : i32 {
      %rem3A_233 = arith.constant 2 : i32
      %rem3A_234 = arith.remsi %scan3A_232, %rem3A_233 : i32
      %rem3A_235 = arith.constant 4 : i32
      %rem3A_236 = arith.remsi %scan3A_232, %rem3A_235 : i32
      %mul3A_237 = arith.constant 40 : i32
      %mul3A_238 = arith.muli %rem3A_234, %mul3A_237 : i32
      %dma_wait3A_239 = arith.constant 0 : i32
      %dma_wait3A_240 = arith.constant 0 : i32
      %dma_wait3A_241 = tpu.memref_slice %arg11[%dma_wait3A_239, %dma_wait3A_240] : memref<80x16xf32, #tpu.memory_space<vmem>> -> memref<40x16xf32, #tpu.memory_space<vmem>>
      %dma_wait3A_242 = arith.constant 0 : i32
      %dma_wait3A_243 = arith.constant 0 : i32
      %dma_wait3A_244 = tpu.memref_slice %arg4[%dma_wait3A_242, %dma_wait3A_243] : memref<10000x16xf32, #tpu.memory_space<hbm>> -> memref<40x16xf32, #tpu.memory_space<hbm>>
      %dma_wait3A_245 = arith.constant 0 : i32
      %dma_wait3A_246 = arith.constant 0 : i32
      %dma_wait3A_247 = tpu.memref_slice %arg11[%dma_wait3A_245, %dma_wait3A_246] : memref<80x16xf32, #tpu.memory_space<vmem>> -> memref<40x16xf32, #tpu.memory_space<vmem>>
      %dma_wait3A_248 = arith.constant 0 : i32
      %dma_wait3A_249 = arith.constant 0 : i32
      %dma_wait3A_250 = tpu.memref_slice %arg4[%dma_wait3A_248, %dma_wait3A_249] : memref<10000x16xf32, #tpu.memory_space<hbm>> -> memref<40x16xf32, #tpu.memory_space<hbm>>
      tpu.wait_dma2 semaphore(%arg19 : memref<!tpu.dma_semaphore, #tpu.memory_space<semaphore_mem>>) src(%dma_wait3A_250 : memref<40x16xf32, #tpu.memory_space<hbm>>) dst(%dma_wait3A_247 : memref<40x16xf32, #tpu.memory_space<vmem>>)
      %dma_wait3A_251 = arith.constant 0 : i32
      %dma_wait3A_252 = arith.constant 0 : i32
      %dma_wait3A_253 = tpu.memref_slice %arg12[%dma_wait3A_251, %dma_wait3A_252] : memref<80x16xf32, #tpu.memory_space<vmem>> -> memref<40x16xf32, #tpu.memory_space<vmem>>
      %dma_wait3A_254 = arith.constant 0 : i32
      %dma_wait3A_255 = arith.constant 0 : i32
      %dma_wait3A_256 = tpu.memref_slice %arg5[%dma_wait3A_254, %dma_wait3A_255] : memref<10000x16xf32, #tpu.memory_space<hbm>> -> memref<40x16xf32, #tpu.memory_space<hbm>>
      %dma_wait3A_257 = arith.constant 0 : i32
      %dma_wait3A_258 = arith.constant 0 : i32
      %dma_wait3A_259 = tpu.memref_slice %arg12[%dma_wait3A_257, %dma_wait3A_258] : memref<80x16xf32, #tpu.memory_space<vmem>> -> memref<40x16xf32, #tpu.memory_space<vmem>>
      %dma_wait3A_260 = arith.constant 0 : i32
      %dma_wait3A_261 = arith.constant 0 : i32
      %dma_wait3A_262 = tpu.memref_slice %arg5[%dma_wait3A_260, %dma_wait3A_261] : memref<10000x16xf32, #tpu.memory_space<hbm>> -> memref<40x16xf32, #tpu.memory_space<hbm>>
      tpu.wait_dma2 semaphore(%arg19 : memref<!tpu.dma_semaphore, #tpu.memory_space<semaphore_mem>>) src(%dma_wait3A_262 : memref<40x16xf32, #tpu.memory_space<hbm>>) dst(%dma_wait3A_259 : memref<40x16xf32, #tpu.memory_space<vmem>>)
      %dma_wait3A_263 = arith.constant 0 : i32
      %dma_wait3A_264 = arith.constant 0 : i32
      %dma_wait3A_265 = tpu.memref_slice %arg13[%dma_wait3A_263, %dma_wait3A_264] : memref<80x128xf32, #tpu.memory_space<vmem>> -> memref<40x128xf32, #tpu.memory_space<vmem>>
      %dma_wait3A_266 = arith.constant 0 : i32
      %dma_wait3A_267 = arith.constant 0 : i32
      %dma_wait3A_268 = tpu.memref_slice %arg6[%dma_wait3A_266, %dma_wait3A_267] : memref<10000x128xf32, #tpu.memory_space<hbm>> -> memref<40x128xf32, #tpu.memory_space<hbm>>
      %dma_wait3A_269 = arith.constant 0 : i32
      %dma_wait3A_270 = arith.constant 0 : i32
      %dma_wait3A_271 = tpu.memref_slice %arg13[%dma_wait3A_269, %dma_wait3A_270] : memref<80x128xf32, #tpu.memory_space<vmem>> -> memref<40x128xf32, #tpu.memory_space<vmem>>
      %dma_wait3A_272 = arith.constant 0 : i32
      %dma_wait3A_273 = arith.constant 0 : i32
      %dma_wait3A_274 = tpu.memref_slice %arg6[%dma_wait3A_272, %dma_wait3A_273] : memref<10000x128xf32, #tpu.memory_space<hbm>> -> memref<40x128xf32, #tpu.memory_space<hbm>>
      tpu.wait_dma2 semaphore(%arg19 : memref<!tpu.dma_semaphore, #tpu.memory_space<semaphore_mem>>) src(%dma_wait3A_274 : memref<40x128xf32, #tpu.memory_space<hbm>>) dst(%dma_wait3A_271 : memref<40x128xf32, #tpu.memory_space<vmem>>)
      %ge3A = arith.constant 2 : i32
      %ge3A_275 = arith.cmpi sge, %scan3A_232, %ge3A : i32
      %convert_element_type3A = arith.extui %ge3A_275 : i1 to i32
      %cond3A = arith.constant 0 : i32
      %cond3A_276 = arith.cmpi ne, %convert_element_type3A, %cond3A : i32
      scf.if %cond3A_276 {
        %dma_wait3A_309 = arith.constant 0 : i32
        %dma_wait3A_310 = arith.constant 0 : i32
        %dma_wait3A_311 = tpu.memref_slice %arg14[%dma_wait3A_309, %dma_wait3A_310] : memref<80x16xf32, #tpu.memory_space<vmem>> -> memref<40x16xf32, #tpu.memory_space<vmem>>
        %dma_wait3A_312 = arith.constant 0 : i32
        %dma_wait3A_313 = arith.constant 0 : i32
        %dma_wait3A_314 = tpu.memref_slice %arg4[%dma_wait3A_312, %dma_wait3A_313] : memref<10000x16xf32, #tpu.memory_space<hbm>> -> memref<40x16xf32, #tpu.memory_space<hbm>>
        %dma_wait3A_315 = arith.constant 0 : i32
        %dma_wait3A_316 = arith.constant 0 : i32
        %dma_wait3A_317 = tpu.memref_slice %arg14[%dma_wait3A_315, %dma_wait3A_316] : memref<80x16xf32, #tpu.memory_space<vmem>> -> memref<40x16xf32, #tpu.memory_space<vmem>>
        %dma_wait3A_318 = arith.constant 0 : i32
        %dma_wait3A_319 = arith.constant 0 : i32
        %dma_wait3A_320 = tpu.memref_slice %arg4[%dma_wait3A_318, %dma_wait3A_319] : memref<10000x16xf32, #tpu.memory_space<hbm>> -> memref<40x16xf32, #tpu.memory_space<hbm>>
        tpu.wait_dma2 semaphore(%arg20 : memref<!tpu.dma_semaphore, #tpu.memory_space<semaphore_mem>>) src(%dma_wait3A_320 : memref<40x16xf32, #tpu.memory_space<hbm>>) dst(%dma_wait3A_317 : memref<40x16xf32, #tpu.memory_space<vmem>>)
        %dma_wait3A_321 = arith.constant 0 : i32
        %dma_wait3A_322 = arith.constant 0 : i32
        %dma_wait3A_323 = tpu.memref_slice %arg15[%dma_wait3A_321, %dma_wait3A_322] : memref<80x128xf32, #tpu.memory_space<vmem>> -> memref<40x128xf32, #tpu.memory_space<vmem>>
        %dma_wait3A_324 = arith.constant 0 : i32
        %dma_wait3A_325 = arith.constant 0 : i32
        %dma_wait3A_326 = tpu.memref_slice %arg6[%dma_wait3A_324, %dma_wait3A_325] : memref<10000x128xf32, #tpu.memory_space<hbm>> -> memref<40x128xf32, #tpu.memory_space<hbm>>
        %dma_wait3A_327 = arith.constant 0 : i32
        %dma_wait3A_328 = arith.constant 0 : i32
        %dma_wait3A_329 = tpu.memref_slice %arg15[%dma_wait3A_327, %dma_wait3A_328] : memref<80x128xf32, #tpu.memory_space<vmem>> -> memref<40x128xf32, #tpu.memory_space<vmem>>
        %dma_wait3A_330 = arith.constant 0 : i32
        %dma_wait3A_331 = arith.constant 0 : i32
        %dma_wait3A_332 = tpu.memref_slice %arg6[%dma_wait3A_330, %dma_wait3A_331] : memref<10000x128xf32, #tpu.memory_space<hbm>> -> memref<40x128xf32, #tpu.memory_space<hbm>>
        tpu.wait_dma2 semaphore(%arg20 : memref<!tpu.dma_semaphore, #tpu.memory_space<semaphore_mem>>) src(%dma_wait3A_332 : memref<40x128xf32, #tpu.memory_space<hbm>>) dst(%dma_wait3A_329 : memref<40x128xf32, #tpu.memory_space<vmem>>)
      } else {
      }
      %add3A_277 = arith.constant 1 : i32
      %add3A_278 = arith.addi %scan3A_232, %add3A_277 : i32
      %lt3A_279 = arith.constant 250 : i32
      %lt3A_280 = arith.cmpi slt, %add3A_278, %lt3A_279 : i32
      %convert_element_type3A_281 = arith.extui %lt3A_280 : i1 to i32
      %cond3A_282 = arith.constant 0 : i32
      %cond3A_283 = arith.cmpi ne, %convert_element_type3A_281, %cond3A_282 : i32
      scf.if %cond3A_283 {
        %dma_wait3A_309 = arith.constant 0 : i32
        %dma_wait3A_310 = arith.constant 0 : i32
        %dma_wait3A_311 = tpu.memref_slice %arg9[%dma_wait3A_309, %dma_wait3A_310] : memref<4x40xi32, #tpu.memory_space<vmem>> -> memref<1x40xi32, #tpu.memory_space<vmem>>
        %dma_wait3A_312 = tpu.memref_squeeze %dma_wait3A_311 : memref<1x40xi32, #tpu.memory_space<vmem>> -> memref<40xi32, #tpu.memory_space<vmem>>
        %dma_wait3A_313 = arith.constant 0 : i32
        %dma_wait3A_314 = tpu.memref_slice %arg2[%dma_wait3A_313] : memref<320000xi32, #tpu.memory_space<hbm>> -> memref<40xi32, #tpu.memory_space<hbm>>
        %dma_wait3A_315 = arith.constant 0 : i32
        %dma_wait3A_316 = tpu.memref_slice %arg9[%dma_wait3A_309, %dma_wait3A_315] : memref<4x40xi32, #tpu.memory_space<vmem>> -> memref<1x40xi32, #tpu.memory_space<vmem>>
        %dma_wait3A_317 = tpu.memref_squeeze %dma_wait3A_316 : memref<1x40xi32, #tpu.memory_space<vmem>> -> memref<40xi32, #tpu.memory_space<vmem>>
        %dma_wait3A_318 = arith.constant 0 : i32
        %dma_wait3A_319 = tpu.memref_slice %arg2[%dma_wait3A_318] : memref<320000xi32, #tpu.memory_space<hbm>> -> memref<40xi32, #tpu.memory_space<hbm>>
        tpu.wait_dma2 semaphore(%arg18 : memref<!tpu.dma_semaphore, #tpu.memory_space<semaphore_mem>>) src(%dma_wait3A_319 : memref<40xi32, #tpu.memory_space<hbm>>) dst(%dma_wait3A_317 : memref<40xi32, #tpu.memory_space<vmem>>)
        %dma_wait3A_320 = arith.constant 0 : i32
        %dma_wait3A_321 = arith.constant 0 : i32
        %dma_wait3A_322 = tpu.memref_slice %arg10[%dma_wait3A_320, %dma_wait3A_321] : memref<4x40xi32, #tpu.memory_space<vmem>> -> memref<1x40xi32, #tpu.memory_space<vmem>>
        %dma_wait3A_323 = tpu.memref_squeeze %dma_wait3A_322 : memref<1x40xi32, #tpu.memory_space<vmem>> -> memref<40xi32, #tpu.memory_space<vmem>>
        %dma_wait3A_324 = arith.constant 0 : i32
        %dma_wait3A_325 = tpu.memref_slice %arg3[%dma_wait3A_324] : memref<320000xi32, #tpu.memory_space<hbm>> -> memref<40xi32, #tpu.memory_space<hbm>>
        %dma_wait3A_326 = arith.constant 0 : i32
        %dma_wait3A_327 = tpu.memref_slice %arg10[%dma_wait3A_320, %dma_wait3A_326] : memref<4x40xi32, #tpu.memory_space<vmem>> -> memref<1x40xi32, #tpu.memory_space<vmem>>
        %dma_wait3A_328 = tpu.memref_squeeze %dma_wait3A_327 : memref<1x40xi32, #tpu.memory_space<vmem>> -> memref<40xi32, #tpu.memory_space<vmem>>
        %dma_wait3A_329 = arith.constant 0 : i32
        %dma_wait3A_330 = tpu.memref_slice %arg3[%dma_wait3A_329] : memref<320000xi32, #tpu.memory_space<hbm>> -> memref<40xi32, #tpu.memory_space<hbm>>
        tpu.wait_dma2 semaphore(%arg18 : memref<!tpu.dma_semaphore, #tpu.memory_space<semaphore_mem>>) src(%dma_wait3A_330 : memref<40xi32, #tpu.memory_space<hbm>>) dst(%dma_wait3A_328 : memref<40xi32, #tpu.memory_space<vmem>>)
        %add3A_331 = arith.constant 1 : i32
        %add3A_332 = arith.addi %scan3A_232, %add3A_331 : i32
        %rem3A_333 = arith.constant 4 : i32
        %rem3A_334 = arith.remsi %add3A_332, %rem3A_333 : i32
        %rem3A_335 = arith.constant 2 : i32
        %rem3A_336 = arith.remsi %add3A_332, %rem3A_335 : i32
        %mul3A_337 = arith.constant 40 : i32
        %mul3A_338 = arith.muli %rem3A_336, %mul3A_337 : i32
        %dma_start3A_339 = arith.constant 0 : i32
        %dma_start3A_340 = tpu.memref_slice %arg11[%mul3A_338, %dma_start3A_339] : memref<80x16xf32, #tpu.memory_space<vmem>> -> memref<40x16xf32, #tpu.memory_space<vmem>>
        %dma_start3A_341 = arith.constant 0 : i32
        %dma_start3A_342 = tpu.memref_slice %arg9[%rem3A_334, %dma_start3A_341] : memref<4x40xi32, #tpu.memory_space<vmem>> -> memref<1x40xi32, #tpu.memory_space<vmem>>
        %dma_start3A_343 = tpu.memref_squeeze %dma_start3A_342 : memref<1x40xi32, #tpu.memory_space<vmem>> -> memref<40xi32, #tpu.memory_space<vmem>>
        %dma_start3A_344 = arith.constant 0 : i32
        %dma_start3A_345 = arith.constant 0 : i32
        %dma_start3A_346 = tpu.memref_slice %arg4[%dma_start3A_344, %dma_start3A_345] : memref<10000x16xf32, #tpu.memory_space<hbm>> -> memref<10000x16xf32, #tpu.memory_space<hbm>>
        tpu.enqueue_indirect_dma source(%dma_start3A_346 : memref<10000x16xf32, #tpu.memory_space<hbm>>) target(%dma_start3A_340 : memref<40x16xf32, #tpu.memory_space<vmem>>) offsets(%dma_start3A_343 : memref<40xi32, #tpu.memory_space<vmem>>) semaphore(%arg19 : memref<!tpu.dma_semaphore, #tpu.memory_space<semaphore_mem>>)
        %dma_start3A_347 = arith.constant 0 : i32
        %dma_start3A_348 = tpu.memref_slice %arg12[%mul3A_338, %dma_start3A_347] : memref<80x16xf32, #tpu.memory_space<vmem>> -> memref<40x16xf32, #tpu.memory_space<vmem>>
        %dma_start3A_349 = arith.constant 0 : i32
        %dma_start3A_350 = tpu.memref_slice %arg10[%rem3A_334, %dma_start3A_349] : memref<4x40xi32, #tpu.memory_space<vmem>> -> memref<1x40xi32, #tpu.memory_space<vmem>>
        %dma_start3A_351 = tpu.memref_squeeze %dma_start3A_350 : memref<1x40xi32, #tpu.memory_space<vmem>> -> memref<40xi32, #tpu.memory_space<vmem>>
        %dma_start3A_352 = arith.constant 0 : i32
        %dma_start3A_353 = arith.constant 0 : i32
        %dma_start3A_354 = tpu.memref_slice %arg5[%dma_start3A_352, %dma_start3A_353] : memref<10000x16xf32, #tpu.memory_space<hbm>> -> memref<10000x16xf32, #tpu.memory_space<hbm>>
        tpu.enqueue_indirect_dma source(%dma_start3A_354 : memref<10000x16xf32, #tpu.memory_space<hbm>>) target(%dma_start3A_348 : memref<40x16xf32, #tpu.memory_space<vmem>>) offsets(%dma_start3A_351 : memref<40xi32, #tpu.memory_space<vmem>>) semaphore(%arg19 : memref<!tpu.dma_semaphore, #tpu.memory_space<semaphore_mem>>)
        %dma_start3A_355 = arith.constant 0 : i32
        %dma_start3A_356 = tpu.memref_slice %arg13[%mul3A_338, %dma_start3A_355] : memref<80x128xf32, #tpu.memory_space<vmem>> -> memref<40x128xf32, #tpu.memory_space<vmem>>
        %dma_start3A_357 = arith.constant 0 : i32
        %dma_start3A_358 = tpu.memref_slice %arg9[%rem3A_334, %dma_start3A_357] : memref<4x40xi32, #tpu.memory_space<vmem>> -> memref<1x40xi32, #tpu.memory_space<vmem>>
        %dma_start3A_359 = tpu.memref_squeeze %dma_start3A_358 : memref<1x40xi32, #tpu.memory_space<vmem>> -> memref<40xi32, #tpu.memory_space<vmem>>
        %dma_start3A_360 = arith.constant 0 : i32
        %dma_start3A_361 = arith.constant 0 : i32
        %dma_start3A_362 = tpu.memref_slice %arg6[%dma_start3A_360, %dma_start3A_361] : memref<10000x128xf32, #tpu.memory_space<hbm>> -> memref<10000x128xf32, #tpu.memory_space<hbm>>
        tpu.enqueue_indirect_dma source(%dma_start3A_362 : memref<10000x128xf32, #tpu.memory_space<hbm>>) target(%dma_start3A_356 : memref<40x128xf32, #tpu.memory_space<vmem>>) offsets(%dma_start3A_359 : memref<40xi32, #tpu.memory_space<vmem>>) semaphore(%arg19 : memref<!tpu.dma_semaphore, #tpu.memory_space<semaphore_mem>>)
      } else {
      }
      %add3A_284 = arith.constant 2 : i32
      %add3A_285 = arith.addi %scan3A_232, %add3A_284 : i32
      %lt3A_286 = arith.constant 250 : i32
      %lt3A_287 = arith.cmpi slt, %add3A_285, %lt3A_286 : i32
      %convert_element_type3A_288 = arith.extui %lt3A_287 : i1 to i32
      %cond3A_289 = arith.constant 0 : i32
      %cond3A_290 = arith.cmpi ne, %convert_element_type3A_288, %cond3A_289 : i32
      scf.if %cond3A_290 {
        %add3A_309 = arith.constant 2 : i32
        %add3A_310 = arith.addi %scan3A_232, %add3A_309 : i32
        %rem3A_311 = arith.constant 4 : i32
        %rem3A_312 = arith.remsi %add3A_310, %rem3A_311 : i32
        %mul3A_313 = arith.constant 40 : i32
        %mul3A_314 = arith.muli %add3A_310, %mul3A_313 : i32
        %add3A_315 = arith.addi %mul3A_2, %mul3A_314 : i32
        %dma_start3A_316 = arith.constant 0 : i32
        %dma_start3A_317 = tpu.memref_slice %arg9[%rem3A_312, %dma_start3A_316] : memref<4x40xi32, #tpu.memory_space<vmem>> -> memref<1x40xi32, #tpu.memory_space<vmem>>
        %dma_start3A_318 = tpu.memref_squeeze %dma_start3A_317 : memref<1x40xi32, #tpu.memory_space<vmem>> -> memref<40xi32, #tpu.memory_space<vmem>>
        %dma_start3A_319 = tpu.memref_slice %arg2[%add3A_315] : memref<320000xi32, #tpu.memory_space<hbm>> -> memref<40xi32, #tpu.memory_space<hbm>>
        %dma_start3A_320 = arith.constant 0 : i32
        %dma_start3A_321 = tpu.memref_slice %arg9[%rem3A_312, %dma_start3A_320] : memref<4x40xi32, #tpu.memory_space<vmem>> -> memref<1x40xi32, #tpu.memory_space<vmem>>
        %dma_start3A_322 = tpu.memref_squeeze %dma_start3A_321 : memref<1x40xi32, #tpu.memory_space<vmem>> -> memref<40xi32, #tpu.memory_space<vmem>>
        %dma_start3A_323 = tpu.memref_slice %arg2[%add3A_315] : memref<320000xi32, #tpu.memory_space<hbm>> -> memref<40xi32, #tpu.memory_space<hbm>>
        tpu.enqueue_dma source(%dma_start3A_323 : memref<40xi32, #tpu.memory_space<hbm>>) target(%dma_start3A_322 : memref<40xi32, #tpu.memory_space<vmem>>) target_semaphore(%arg18 : memref<!tpu.dma_semaphore, #tpu.memory_space<semaphore_mem>>)
        %dma_start3A_324 = arith.constant 0 : i32
        %dma_start3A_325 = tpu.memref_slice %arg10[%rem3A_312, %dma_start3A_324] : memref<4x40xi32, #tpu.memory_space<vmem>> -> memref<1x40xi32, #tpu.memory_space<vmem>>
        %dma_start3A_326 = tpu.memref_squeeze %dma_start3A_325 : memref<1x40xi32, #tpu.memory_space<vmem>> -> memref<40xi32, #tpu.memory_space<vmem>>
        %dma_start3A_327 = tpu.memref_slice %arg3[%add3A_315] : memref<320000xi32, #tpu.memory_space<hbm>> -> memref<40xi32, #tpu.memory_space<hbm>>
        %dma_start3A_328 = arith.constant 0 : i32
        %dma_start3A_329 = tpu.memref_slice %arg10[%rem3A_312, %dma_start3A_328] : memref<4x40xi32, #tpu.memory_space<vmem>> -> memref<1x40xi32, #tpu.memory_space<vmem>>
        %dma_start3A_330 = tpu.memref_squeeze %dma_start3A_329 : memref<1x40xi32, #tpu.memory_space<vmem>> -> memref<40xi32, #tpu.memory_space<vmem>>
        %dma_start3A_331 = tpu.memref_slice %arg3[%add3A_315] : memref<320000xi32, #tpu.memory_space<hbm>> -> memref<40xi32, #tpu.memory_space<hbm>>
        tpu.enqueue_dma source(%dma_start3A_331 : memref<40xi32, #tpu.memory_space<hbm>>) target(%dma_start3A_330 : memref<40xi32, #tpu.memory_space<vmem>>) target_semaphore(%arg18 : memref<!tpu.dma_semaphore, #tpu.memory_space<semaphore_mem>>)
      } else {
      }
      %parallel_loop3A = arith.constant 0 : i32
      %parallel_loop3A_291 = arith.constant 40 : i32
      %parallel_loop3A_292 = arith.constant 1 : i32
      scf.for %parallel_loop3A_309 = %parallel_loop3A to %parallel_loop3A_291 step %parallel_loop3A_292  : i32 {
        %parallel_loop3A_310 = arith.addi %mul3A_238, %parallel_loop3A_309 : i32
        %parallel_loop3A_311 = arith.index_cast %parallel_loop3A_310 : i32 to index
        %parallel_loop3A_312 = arith.constant 0 : index
        %parallel_loop3A_313 = tpu.vector_load %arg11[%parallel_loop3A_311, %parallel_loop3A_312] {strides = array<i32>} : memref<80x16xf32, #tpu.memory_space<vmem>>, vector<16xf32>,
        %parallel_loop3A_314 = arith.index_cast %parallel_loop3A_310 : i32 to index
        %parallel_loop3A_315 = arith.constant 0 : index
        %parallel_loop3A_316 = tpu.vector_load %arg12[%parallel_loop3A_314, %parallel_loop3A_315] {strides = array<i32>} : memref<80x16xf32, #tpu.memory_space<vmem>>, vector<16xf32>,
        %parallel_loop3A_317 = arith.addf %parallel_loop3A_313, %parallel_loop3A_316 : vector<16xf32>
        %parallel_loop3A_318 = arith.constant 0.000000e+00 : f32
        %parallel_loop3A_319 = vector.broadcast %parallel_loop3A_318 : f32 to vector<16xf32>
        %parallel_loop3A_320 = arith.cmpf ogt, %parallel_loop3A_317, %parallel_loop3A_319 : vector<16xf32>
        %parallel_loop3A_321 = arith.constant 2.000000e-01 : f32
        %parallel_loop3A_322 = vector.broadcast %parallel_loop3A_321 : f32 to vector<16xf32>
        %parallel_loop3A_323 = arith.mulf %parallel_loop3A_322, %parallel_loop3A_317 : vector<16xf32>
        %parallel_loop3A_324 = arith.select %parallel_loop3A_320, %parallel_loop3A_317, %parallel_loop3A_323 : vector<16xi1>, vector<16xf32>
        %parallel_loop3A_325 = math.exp %parallel_loop3A_324 : vector<16xf32>
        %parallel_loop3A_326 = arith.mulf %parallel_loop3A_325, %select_n3A : vector<16xf32>
        %parallel_loop3A_327 = arith.index_cast %parallel_loop3A_310 : i32 to index
        %parallel_loop3A_328 = arith.constant 0 : index
        %parallel_loop3A_329 = tpu.vector_load %arg14[%parallel_loop3A_327, %parallel_loop3A_328] {strides = array<i32>} : memref<80x16xf32, #tpu.memory_space<vmem>>, vector<16xf32>,
        tpu.vector_store %arg14[%parallel_loop3A_327, %parallel_loop3A_328], %parallel_loop3A_326 {strides = array<i32>} : memref<80x16xf32, #tpu.memory_space<vmem>>, vector<16xf32>,
        %parallel_loop3A_330 = vector.shape_cast %reshape3A : vector<16x1xi32> to vector<16xi32>
        %parallel_loop3A_331 = tpu.dynamic_gather %parallel_loop3A_326[%parallel_loop3A_330] in [0] : vector<16xf32>, vector<16xi32> -> vector<16xf32>
        %parallel_loop3A_332 = arith.index_cast %parallel_loop3A_310 : i32 to index
        %parallel_loop3A_333 = arith.constant 0 : index
        %parallel_loop3A_334 = tpu.vector_load %arg13[%parallel_loop3A_332, %parallel_loop3A_333] {strides = array<i32>} : memref<80x128xf32, #tpu.memory_space<vmem>>, vector<16xf32>,
        %parallel_loop3A_335 = arith.mulf %parallel_loop3A_334, %parallel_loop3A_331 : vector<16xf32>
        %parallel_loop3A_336 = arith.index_cast %parallel_loop3A_310 : i32 to index
        %parallel_loop3A_337 = arith.constant 0 : index
        %parallel_loop3A_338 = tpu.vector_load %arg15[%parallel_loop3A_336, %parallel_loop3A_337] {strides = array<i32>} : memref<80x128xf32, #tpu.memory_space<vmem>>, vector<16xf32>,
        tpu.vector_store %arg15[%parallel_loop3A_336, %parallel_loop3A_337], %parallel_loop3A_335 {strides = array<i32>} : memref<80x128xf32, #tpu.memory_space<vmem>>, vector<16xf32>,
        %parallel_loop3A_339 = vector.shape_cast %reshape3A_21 : vector<16x1xi32> to vector<16xi32>
        %parallel_loop3A_340 = tpu.dynamic_gather %parallel_loop3A_326[%parallel_loop3A_339] in [0] : vector<16xf32>, vector<16xi32> -> vector<16xf32>
        %parallel_loop3A_341 = arith.index_cast %parallel_loop3A_310 : i32 to index
        %parallel_loop3A_342 = arith.constant 16 : index
        %parallel_loop3A_343 = tpu.vector_load %arg13[%parallel_loop3A_341, %parallel_loop3A_342] {strides = array<i32>} : memref<80x128xf32, #tpu.memory_space<vmem>>, vector<16xf32>,
        %parallel_loop3A_344 = arith.mulf %parallel_loop3A_343, %parallel_loop3A_340 : vector<16xf32>
        %parallel_loop3A_345 = arith.index_cast %parallel_loop3A_310 : i32 to index
        %parallel_loop3A_346 = arith.constant 16 : index
        %parallel_loop3A_347 = tpu.vector_load %arg15[%parallel_loop3A_345, %parallel_loop3A_346] {strides = array<i32>} : memref<80x128xf32, #tpu.memory_space<vmem>>, vector<16xf32>,
        tpu.vector_store %arg15[%parallel_loop3A_345, %parallel_loop3A_346], %parallel_loop3A_344 {strides = array<i32>} : memref<80x128xf32, #tpu.memory_space<vmem>>, vector<16xf32>,
        %parallel_loop3A_348 = vector.shape_cast %reshape3A_28 : vector<16x1xi32> to vector<16xi32>
        %parallel_loop3A_349 = tpu.dynamic_gather %parallel_loop3A_326[%parallel_loop3A_348] in [0] : vector<16xf32>, vector<16xi32> -> vector<16xf32>
        %parallel_loop3A_350 = arith.index_cast %parallel_loop3A_310 : i32 to index
        %parallel_loop3A_351 = arith.constant 32 : index
        %parallel_loop3A_352 = tpu.vector_load %arg13[%parallel_loop3A_350, %parallel_loop3A_351] {strides = array<i32>} : memref<80x128xf32, #tpu.memory_space<vmem>>, vector<16xf32>,
        %parallel_loop3A_353 = arith.mulf %parallel_loop3A_352, %parallel_loop3A_349 : vector<16xf32>
        %parallel_loop3A_354 = arith.index_cast %parallel_loop3A_310 : i32 to index
        %parallel_loop3A_355 = arith.constant 32 : index
        %parallel_loop3A_356 = tpu.vector_load %arg15[%parallel_loop3A_354, %parallel_loop3A_355] {strides = array<i32>} : memref<80x128xf32, #tpu.memory_space<vmem>>, vector<16xf32>,
        tpu.vector_store %arg15[%parallel_loop3A_354, %parallel_loop3A_355], %parallel_loop3A_353 {strides = array<i32>} : memref<80x128xf32, #tpu.memory_space<vmem>>, vector<16xf32>,
        %parallel_loop3A_357 = vector.shape_cast %reshape3A_35 : vector<16x1xi32> to vector<16xi32>
        %parallel_loop3A_358 = tpu.dynamic_gather %parallel_loop3A_326[%parallel_loop3A_357] in [0] : vector<16xf32>, vector<16xi32> -> vector<16xf32>
        %parallel_loop3A_359 = arith.index_cast %parallel_loop3A_310 : i32 to index
        %parallel_loop3A_360 = arith.constant 48 : index
        %parallel_loop3A_361 = tpu.vector_load %arg13[%parallel_loop3A_359, %parallel_loop3A_360] {strides = array<i32>} : memref<80x128xf32, #tpu.memory_space<vmem>>, vector<16xf32>,
        %parallel_loop3A_362 = arith.mulf %parallel_loop3A_361, %parallel_loop3A_358 : vector<16xf32>
        %parallel_loop3A_363 = arith.index_cast %parallel_loop3A_310 : i32 to index
        %parallel_loop3A_364 = arith.constant 48 : index
        %parallel_loop3A_365 = tpu.vector_load %arg15[%parallel_loop3A_363, %parallel_loop3A_364] {strides = array<i32>} : memref<80x128xf32, #tpu.memory_space<vmem>>, vector<16xf32>,
        tpu.vector_store %arg15[%parallel_loop3A_363, %parallel_loop3A_364], %parallel_loop3A_362 {strides = array<i32>} : memref<80x128xf32, #tpu.memory_space<vmem>>, vector<16xf32>,
        %parallel_loop3A_366 = vector.shape_cast %reshape3A_42 : vector<16x1xi32> to vector<16xi32>
        %parallel_loop3A_367 = tpu.dynamic_gather %parallel_loop3A_326[%parallel_loop3A_366] in [0] : vector<16xf32>, vector<16xi32> -> vector<16xf32>
        %parallel_loop3A_368 = arith.index_cast %parallel_loop3A_310 : i32 to index
        %parallel_loop3A_369 = arith.constant 64 : index
        %parallel_loop3A_370 = tpu.vector_load %arg13[%parallel_loop3A_368, %parallel_loop3A_369] {strides = array<i32>} : memref<80x128xf32, #tpu.memory_space<vmem>>, vector<16xf32>,
        %parallel_loop3A_371 = arith.mulf %parallel_loop3A_370, %parallel_loop3A_367 : vector<16xf32>
        %parallel_loop3A_372 = arith.index_cast %parallel_loop3A_310 : i32 to index
        %parallel_loop3A_373 = arith.constant 64 : index
        %parallel_loop3A_374 = tpu.vector_load %arg15[%parallel_loop3A_372, %parallel_loop3A_373] {strides = array<i32>} : memref<80x128xf32, #tpu.memory_space<vmem>>, vector<16xf32>,
        tpu.vector_store %arg15[%parallel_loop3A_372, %parallel_loop3A_373], %parallel_loop3A_371 {strides = array<i32>} : memref<80x128xf32, #tpu.memory_space<vmem>>, vector<16xf32>,
        %parallel_loop3A_375 = vector.shape_cast %reshape3A_49 : vector<16x1xi32> to vector<16xi32>
        %parallel_loop3A_376 = tpu.dynamic_gather %parallel_loop3A_326[%parallel_loop3A_375] in [0] : vector<16xf32>, vector<16xi32> -> vector<16xf32>
        %parallel_loop3A_377 = arith.index_cast %parallel_loop3A_310 : i32 to index
        %parallel_loop3A_378 = arith.constant 80 : index
        %parallel_loop3A_379 = tpu.vector_load %arg13[%parallel_loop3A_377, %parallel_loop3A_378] {strides = array<i32>} : memref<80x128xf32, #tpu.memory_space<vmem>>, vector<16xf32>,
        %parallel_loop3A_380 = arith.mulf %parallel_loop3A_379, %parallel_loop3A_376 : vector<16xf32>
        %parallel_loop3A_381 = arith.index_cast %parallel_loop3A_310 : i32 to index
        %parallel_loop3A_382 = arith.constant 80 : index
        %parallel_loop3A_383 = tpu.vector_load %arg15[%parallel_loop3A_381, %parallel_loop3A_382] {strides = array<i32>} : memref<80x128xf32, #tpu.memory_space<vmem>>, vector<16xf32>,
        tpu.vector_store %arg15[%parallel_loop3A_381, %parallel_loop3A_382], %parallel_loop3A_380 {strides = array<i32>} : memref<80x128xf32, #tpu.memory_space<vmem>>, vector<16xf32>,
        %parallel_loop3A_384 = vector.shape_cast %reshape3A_56 : vector<16x1xi32> to vector<16xi32>
        %parallel_loop3A_385 = tpu.dynamic_gather %parallel_loop3A_326[%parallel_loop3A_384] in [0] : vector<16xf32>, vector<16xi32> -> vector<16xf32>
        %parallel_loop3A_386 = arith.index_cast %parallel_loop3A_310 : i32 to index
        %parallel_loop3A_387 = arith.constant 96 : index
        %parallel_loop3A_388 = tpu.vector_load %arg13[%parallel_loop3A_386, %parallel_loop3A_387] {strides = array<i32>} : memref<80x128xf32, #tpu.memory_space<vmem>>, vector<16xf32>,
        %parallel_loop3A_389 = arith.mulf %parallel_loop3A_388, %parallel_loop3A_385 : vector<16xf32>
        %parallel_loop3A_390 = arith.index_cast %parallel_loop3A_310 : i32 to index
        %parallel_loop3A_391 = arith.constant 96 : index
        %parallel_loop3A_392 = tpu.vector_load %arg15[%parallel_loop3A_390, %parallel_loop3A_391] {strides = array<i32>} : memref<80x128xf32, #tpu.memory_space<vmem>>, vector<16xf32>,
        tpu.vector_store %arg15[%parallel_loop3A_390, %parallel_loop3A_391], %parallel_loop3A_389 {strides = array<i32>} : memref<80x128xf32, #tpu.memory_space<vmem>>, vector<16xf32>,
        %parallel_loop3A_393 = vector.shape_cast %reshape3A_63 : vector<16x1xi32> to vector<16xi32>
        %parallel_loop3A_394 = tpu.dynamic_gather %parallel_loop3A_326[%parallel_loop3A_393] in [0] : vector<16xf32>, vector<16xi32> -> vector<16xf32>
        %parallel_loop3A_395 = arith.index_cast %parallel_loop3A_310 : i32 to index
        %parallel_loop3A_396 = arith.constant 112 : index
        %parallel_loop3A_397 = tpu.vector_load %arg13[%parallel_loop3A_395, %parallel_loop3A_396] {strides = array<i32>} : memref<80x128xf32, #tpu.memory_space<vmem>>, vector<16xf32>,
        %parallel_loop3A_398 = arith.mulf %parallel_loop3A_397, %parallel_loop3A_394 : vector<16xf32>
        %parallel_loop3A_399 = arith.index_cast %parallel_loop3A_310 : i32 to index
        %parallel_loop3A_400 = arith.constant 112 : index
        %parallel_loop3A_401 = tpu.vector_load %arg15[%parallel_loop3A_399, %parallel_loop3A_400] {strides = array<i32>} : memref<80x128xf32, #tpu.memory_space<vmem>>, vector<16xf32>,
        tpu.vector_store %arg15[%parallel_loop3A_399, %parallel_loop3A_400], %parallel_loop3A_398 {strides = array<i32>} : memref<80x128xf32, #tpu.memory_space<vmem>>, vector<16xf32>,
      } {sc.loop_unroll_factor = 4 : i64, sc.parallel_access}
      %dma_start3A_293 = arith.constant 0 : i32
      %dma_start3A_294 = tpu.memref_slice %arg14[%mul3A_238, %dma_start3A_293] : memref<80x16xf32, #tpu.memory_space<vmem>> -> memref<40x16xf32, #tpu.memory_space<vmem>>
      %dma_start3A_295 = arith.constant 0 : i32
      %dma_start3A_296 = tpu.memref_slice %arg10[%rem3A_236, %dma_start3A_295] : memref<4x40xi32, #tpu.memory_space<vmem>> -> memref<1x40xi32, #tpu.memory_space<vmem>>
      %dma_start3A_297 = tpu.memref_squeeze %dma_start3A_296 : memref<1x40xi32, #tpu.memory_space<vmem>> -> memref<40xi32, #tpu.memory_space<vmem>>
      %dma_start3A_298 = arith.constant 0 : i32
      %dma_start3A_299 = arith.constant 0 : i32
      %dma_start3A_300 = tpu.memref_slice %arg17[%dma_start3A_298, %dma_start3A_299] : memref<10240x16xf32, #tpu.memory_space<vmem_shared>> -> memref<10240x16xf32, #tpu.memory_space<vmem_shared>>
      tpu.enqueue_indirect_dma source(%dma_start3A_294 : memref<40x16xf32, #tpu.memory_space<vmem>>) target(%dma_start3A_300 : memref<10240x16xf32, #tpu.memory_space<vmem_shared>>) offsets(%dma_start3A_297 : memref<40xi32, #tpu.memory_space<vmem>>) semaphore(%arg20 : memref<!tpu.dma_semaphore, #tpu.memory_space<semaphore_mem>>) {add = true}
      %dma_start3A_301 = arith.constant 0 : i32
      %dma_start3A_302 = tpu.memref_slice %arg15[%mul3A_238, %dma_start3A_301] : memref<80x128xf32, #tpu.memory_space<vmem>> -> memref<40x128xf32, #tpu.memory_space<vmem>>
      %dma_start3A_303 = arith.constant 0 : i32
      %dma_start3A_304 = tpu.memref_slice %arg10[%rem3A_236, %dma_start3A_303] : memref<4x40xi32, #tpu.memory_space<vmem>> -> memref<1x40xi32, #tpu.memory_space<vmem>>
      %dma_start3A_305 = tpu.memref_squeeze %dma_start3A_304 : memref<1x40xi32, #tpu.memory_space<vmem>> -> memref<40xi32, #tpu.memory_space<vmem>>
      %dma_start3A_306 = arith.constant 0 : i32
      %dma_start3A_307 = arith.constant 0 : i32
      %dma_start3A_308 = tpu.memref_slice %arg16[%dma_start3A_306, %dma_start3A_307] : memref<10240x128xf32, #tpu.memory_space<vmem_shared>> -> memref<10240x128xf32, #tpu.memory_space<vmem_shared>>
      tpu.enqueue_indirect_dma source(%dma_start3A_302 : memref<40x128xf32, #tpu.memory_space<vmem>>) target(%dma_start3A_308 : memref<10240x128xf32, #tpu.memory_space<vmem_shared>>) offsets(%dma_start3A_305 : memref<40xi32, #tpu.memory_space<vmem>>) semaphore(%arg20 : memref<!tpu.dma_semaphore, #tpu.memory_space<semaphore_mem>>) {add = true}
    }
    %scan3A_173 = arith.constant 250 : i32
    %dma_wait3A_174 = arith.constant 0 : i32
    %dma_wait3A_175 = arith.constant 0 : i32
    %dma_wait3A_176 = tpu.memref_slice %arg14[%dma_wait3A_174, %dma_wait3A_175] : memref<80x16xf32, #tpu.memory_space<vmem>> -> memref<40x16xf32, #tpu.memory_space<vmem>>
    %dma_wait3A_177 = arith.constant 0 : i32
    %dma_wait3A_178 = arith.constant 0 : i32
    %dma_wait3A_179 = tpu.memref_slice %arg4[%dma_wait3A_177, %dma_wait3A_178] : memref<10000x16xf32, #tpu.memory_space<hbm>> -> memref<40x16xf32, #tpu.memory_space<hbm>>
    %dma_wait3A_180 = arith.constant 0 : i32
    %dma_wait3A_181 = arith.constant 0 : i32
    %dma_wait3A_182 = tpu.memref_slice %arg14[%dma_wait3A_180, %dma_wait3A_181] : memref<80x16xf32, #tpu.memory_space<vmem>> -> memref<40x16xf32, #tpu.memory_space<vmem>>
    %dma_wait3A_183 = arith.constant 0 : i32
    %dma_wait3A_184 = arith.constant 0 : i32
    %dma_wait3A_185 = tpu.memref_slice %arg4[%dma_wait3A_183, %dma_wait3A_184] : memref<10000x16xf32, #tpu.memory_space<hbm>> -> memref<40x16xf32, #tpu.memory_space<hbm>>
    tpu.wait_dma2 semaphore(%arg20 : memref<!tpu.dma_semaphore, #tpu.memory_space<semaphore_mem>>) src(%dma_wait3A_185 : memref<40x16xf32, #tpu.memory_space<hbm>>) dst(%dma_wait3A_182 : memref<40x16xf32, #tpu.memory_space<vmem>>)
    %dma_wait3A_186 = arith.constant 0 : i32
    %dma_wait3A_187 = arith.constant 0 : i32
    %dma_wait3A_188 = tpu.memref_slice %arg15[%dma_wait3A_186, %dma_wait3A_187] : memref<80x128xf32, #tpu.memory_space<vmem>> -> memref<40x128xf32, #tpu.memory_space<vmem>>
    %dma_wait3A_189 = arith.constant 0 : i32
    %dma_wait3A_190 = arith.constant 0 : i32
    %dma_wait3A_191 = tpu.memref_slice %arg6[%dma_wait3A_189, %dma_wait3A_190] : memref<10000x128xf32, #tpu.memory_space<hbm>> -> memref<40x128xf32, #tpu.memory_space<hbm>>
    %dma_wait3A_192 = arith.constant 0 : i32
    %dma_wait3A_193 = arith.constant 0 : i32
    %dma_wait3A_194 = tpu.memref_slice %arg15[%dma_wait3A_192, %dma_wait3A_193] : memref<80x128xf32, #tpu.memory_space<vmem>> -> memref<40x128xf32, #tpu.memory_space<vmem>>
    %dma_wait3A_195 = arith.constant 0 : i32
    %dma_wait3A_196 = arith.constant 0 : i32
    %dma_wait3A_197 = tpu.memref_slice %arg6[%dma_wait3A_195, %dma_wait3A_196] : memref<10000x128xf32, #tpu.memory_space<hbm>> -> memref<40x128xf32, #tpu.memory_space<hbm>>
    tpu.wait_dma2 semaphore(%arg20 : memref<!tpu.dma_semaphore, #tpu.memory_space<semaphore_mem>>) src(%dma_wait3A_197 : memref<40x128xf32, #tpu.memory_space<hbm>>) dst(%dma_wait3A_194 : memref<40x128xf32, #tpu.memory_space<vmem>>)
    %dma_wait3A_198 = arith.constant 0 : i32
    %dma_wait3A_199 = arith.constant 0 : i32
    %dma_wait3A_200 = tpu.memref_slice %arg14[%dma_wait3A_198, %dma_wait3A_199] : memref<80x16xf32, #tpu.memory_space<vmem>> -> memref<40x16xf32, #tpu.memory_space<vmem>>
    %dma_wait3A_201 = arith.constant 0 : i32
    %dma_wait3A_202 = arith.constant 0 : i32
    %dma_wait3A_203 = tpu.memref_slice %arg4[%dma_wait3A_201, %dma_wait3A_202] : memref<10000x16xf32, #tpu.memory_space<hbm>> -> memref<40x16xf32, #tpu.memory_space<hbm>>
    %dma_wait3A_204 = arith.constant 0 : i32
    %dma_wait3A_205 = arith.constant 0 : i32
    %dma_wait3A_206 = tpu.memref_slice %arg14[%dma_wait3A_204, %dma_wait3A_205] : memref<80x16xf32, #tpu.memory_space<vmem>> -> memref<40x16xf32, #tpu.memory_space<vmem>>
    %dma_wait3A_207 = arith.constant 0 : i32
    %dma_wait3A_208 = arith.constant 0 : i32
    %dma_wait3A_209 = tpu.memref_slice %arg4[%dma_wait3A_207, %dma_wait3A_208] : memref<10000x16xf32, #tpu.memory_space<hbm>> -> memref<40x16xf32, #tpu.memory_space<hbm>>
    tpu.wait_dma2 semaphore(%arg20 : memref<!tpu.dma_semaphore, #tpu.memory_space<semaphore_mem>>) src(%dma_wait3A_209 : memref<40x16xf32, #tpu.memory_space<hbm>>) dst(%dma_wait3A_206 : memref<40x16xf32, #tpu.memory_space<vmem>>)
    %dma_wait3A_210 = arith.constant 0 : i32
    %dma_wait3A_211 = arith.constant 0 : i32
    %dma_wait3A_212 = tpu.memref_slice %arg15[%dma_wait3A_210, %dma_wait3A_211] : memref<80x128xf32, #tpu.memory_space<vmem>> -> memref<40x128xf32, #tpu.memory_space<vmem>>
    %dma_wait3A_213 = arith.constant 0 : i32
    %dma_wait3A_214 = arith.constant 0 : i32
    %dma_wait3A_215 = tpu.memref_slice %arg6[%dma_wait3A_213, %dma_wait3A_214] : memref<10000x128xf32, #tpu.memory_space<hbm>> -> memref<40x128xf32, #tpu.memory_space<hbm>>
    %dma_wait3A_216 = arith.constant 0 : i32
    %dma_wait3A_217 = arith.constant 0 : i32
    %dma_wait3A_218 = tpu.memref_slice %arg15[%dma_wait3A_216, %dma_wait3A_217] : memref<80x128xf32, #tpu.memory_space<vmem>> -> memref<40x128xf32, #tpu.memory_space<vmem>>
    %dma_wait3A_219 = arith.constant 0 : i32
    %dma_wait3A_220 = arith.constant 0 : i32
    %dma_wait3A_221 = tpu.memref_slice %arg6[%dma_wait3A_219, %dma_wait3A_220] : memref<10000x128xf32, #tpu.memory_space<hbm>> -> memref<40x128xf32, #tpu.memory_space<hbm>>
    tpu.wait_dma2 semaphore(%arg20 : memref<!tpu.dma_semaphore, #tpu.memory_space<semaphore_mem>>) src(%dma_wait3A_221 : memref<40x128xf32, #tpu.memory_space<hbm>>) dst(%dma_wait3A_218 : memref<40x128xf32, #tpu.memory_space<vmem>>)
    %barrier3A_222 = arith.constant 0 : index
    tpu.barrier barrier_id(%barrier3A_222)
    %mul3A_223 = arith.constant 10240 : i32
    %mul3A_224 = arith.muli %arg0, %mul3A_223 : i32
    %mul3A_225 = arith.constant 640 : i32
    %mul3A_226 = arith.muli %arg1, %mul3A_225 : i32
    %add3A_227 = arith.addi %mul3A_224, %mul3A_226 : i32
    %mul3A_228 = arith.constant 640 : i32
    %mul3A_229 = arith.muli %arg1, %mul3A_228 : i32
    "tpu.region"() ({
      %run_scoped3A = tpu.sem_alloc : memref<!tpu.dma_semaphore, #tpu.memory_space<semaphore_mem>>
      %dma_start3A_232 = arith.constant 0 : i32
      %dma_start3A_233 = tpu.memref_slice %arg7[%add3A_227, %dma_start3A_232] : memref<20480x128xf32, #tpu.memory_space<hbm>> -> memref<640x128xf32, #tpu.memory_space<hbm>>
      %dma_start3A_234 = arith.constant 0 : i32
      %dma_start3A_235 = tpu.memref_slice %arg16[%mul3A_229, %dma_start3A_234] : memref<10240x128xf32, #tpu.memory_space<vmem_shared>> -> memref<640x128xf32, #tpu.memory_space<vmem_shared>>
      tpu.enqueue_dma source(%dma_start3A_235 : memref<640x128xf32, #tpu.memory_space<vmem_shared>>) target(%dma_start3A_233 : memref<640x128xf32, #tpu.memory_space<hbm>>) target_semaphore(%run_scoped3A : memref<!tpu.dma_semaphore, #tpu.memory_space<semaphore_mem>>)
      %dma_wait3A_236 = arith.constant 0 : i32
      %dma_wait3A_237 = tpu.memref_slice %arg7[%add3A_227, %dma_wait3A_236] : memref<20480x128xf32, #tpu.memory_space<hbm>> -> memref<640x128xf32, #tpu.memory_space<hbm>>
      %dma_wait3A_238 = arith.constant 0 : i32
      %dma_wait3A_239 = tpu.memref_slice %arg16[%mul3A_229, %dma_wait3A_238] : memref<10240x128xf32, #tpu.memory_space<vmem_shared>> -> memref<640x128xf32, #tpu.memory_space<vmem_shared>>
      tpu.wait_dma2 semaphore(%run_scoped3A : memref<!tpu.dma_semaphore, #tpu.memory_space<semaphore_mem>>) src(%dma_wait3A_239 : memref<640x128xf32, #tpu.memory_space<vmem_shared>>) dst(%dma_wait3A_237 : memref<640x128xf32, #tpu.memory_space<hbm>>)
      tpu.yield
    }) : () -> ()
    %mul3A_230 = arith.constant 640 : i32
    %mul3A_231 = arith.muli %arg1, %mul3A_230 : i32
    "tpu.region"() ({
      %run_scoped3A = tpu.sem_alloc : memref<!tpu.dma_semaphore, #tpu.memory_space<semaphore_mem>>
      %dma_start3A_232 = arith.constant 0 : i32
      %dma_start3A_233 = tpu.memref_slice %arg8[%add3A_227, %dma_start3A_232] : memref<20480x16xf32, #tpu.memory_space<hbm>> -> memref<640x16xf32, #tpu.memory_space<hbm>>
      %dma_start3A_234 = arith.constant 0 : i32
      %dma_start3A_235 = tpu.memref_slice %arg17[%mul3A_231, %dma_start3A_234] : memref<10240x16xf32, #tpu.memory_space<vmem_shared>> -> memref<640x16xf32, #tpu.memory_space<vmem_shared>>
      tpu.enqueue_dma source(%dma_start3A_235 : memref<640x16xf32, #tpu.memory_space<vmem_shared>>) target(%dma_start3A_233 : memref<640x16xf32, #tpu.memory_space<hbm>>) target_semaphore(%run_scoped3A : memref<!tpu.dma_semaphore, #tpu.memory_space<semaphore_mem>>)
      %dma_wait3A_236 = arith.constant 0 : i32
      %dma_wait3A_237 = tpu.memref_slice %arg8[%add3A_227, %dma_wait3A_236] : memref<20480x16xf32, #tpu.memory_space<hbm>> -> memref<640x16xf32, #tpu.memory_space<hbm>>
      %dma_wait3A_238 = arith.constant 0 : i32
      %dma_wait3A_239 = tpu.memref_slice %arg17[%mul3A_231, %dma_wait3A_238] : memref<10240x16xf32, #tpu.memory_space<vmem_shared>> -> memref<640x16xf32, #tpu.memory_space<vmem_shared>>
      tpu.wait_dma2 semaphore(%run_scoped3A : memref<!tpu.dma_semaphore, #tpu.memory_space<semaphore_mem>>) src(%dma_wait3A_239 : memref<640x16xf32, #tpu.memory_space<vmem_shared>>) dst(%dma_wait3A_237 : memref<640x16xf32, #tpu.memory_space<hbm>>)
      tpu.yield
    }) : () -> ()
    return
  }
}

module attributes {stable_mosaic.version = 14 : i64} {
  func.func @_proj_body(%arg0: i32, %arg1: memref<400x128xf32, #tpu.memory_space<vmem>>, %arg2: memref<128x128xf32, #tpu.memory_space<vmem>>, %arg3: memref<1x128xf32, #tpu.memory_space<vmem>>, %arg4: memref<128x128xf32, #tpu.memory_space<vmem>>, %arg5: memref<400x128xf32, #tpu.memory_space<vmem>>, %arg6: memref<400x128xf32, #tpu.memory_space<vmem>>) attributes {dimension_semantics = [#tpu.dimension_semantics<arbitrary>], iteration_bounds = array<i64: 25>, scalar_prefetch = 0 : i64, scratch_operands = 0 : i64, tpu.core_type = #tpu.core_type<tc>, window_params = [{transform_indices = @transform_0, window_bounds = array<i64: 400, 128>}, {pipeline_mode = #tpu.pipeline_mode<synchronous>, transform_indices = @transform_1, window_bounds = array<i64: 128, 128>}, {pipeline_mode = #tpu.pipeline_mode<synchronous>, transform_indices = @transform_2, window_bounds = array<i64: 1, 128>}, {pipeline_mode = #tpu.pipeline_mode<synchronous>, transform_indices = @transform_3, window_bounds = array<i64: 128, 128>}, {transform_indices = @transform_4, window_bounds = array<i64: 400, 128>}, {transform_indices = @transform_5, window_bounds = array<i64: 400, 128>}]} {
    %get3A = arith.constant 0 : index
    %get3A_0 = arith.constant 0 : index
    %get3A_1 = vector.load %arg1[%get3A, %get3A_0] : memref<400x128xf32, #tpu.memory_space<vmem>>, vector<400x128xf32>
    %get3A_2 = arith.constant 0 : index
    %get3A_3 = arith.constant 0 : index
    %get3A_4 = vector.load %arg2[%get3A_2, %get3A_3] : memref<128x128xf32, #tpu.memory_space<vmem>>, vector<128x128xf32>
    %dot_general3A = arith.constant dense<0.000000e+00> : vector<400x128xf32>
    %dot_general3A_5 = tpu.matmul %get3A_1, %get3A_4, %dot_general3A {dimension_numbers = #tpu.dot_dimension_numbers<[1], [0], [0], [1], [0, 0, 1, 1], [], []>, transpose_lhs_hint = false} : vector<400x128xf32>, vector<128x128xf32>, vector<400x128xf32> -> vector<400x128xf32>
    %get3A_6 = arith.constant 0 : index
    %get3A_7 = arith.constant 0 : index
    %get3A_8 = vector.load %arg3[%get3A_6, %get3A_7] : memref<1x128xf32, #tpu.memory_space<vmem>>, vector<1x128xf32>
    %add3A = vector.broadcast %get3A_8 : vector<1x128xf32> to vector<400x128xf32>
    %add3A_9 = arith.addf %dot_general3A_5, %add3A : vector<400x128xf32>
    %swap3A = arith.constant 0 : index
    %swap3A_10 = arith.constant 0 : index
    %swap3A_11 = vector.load %arg5[%swap3A, %swap3A_10] : memref<400x128xf32, #tpu.memory_space<vmem>>, vector<400x128xf32>
    tpu.vector_store %arg5[%swap3A, %swap3A_10], %add3A_9 {strides = array<i32>} : memref<400x128xf32, #tpu.memory_space<vmem>>, vector<400x128xf32>,
    %get3A_12 = arith.constant 0 : index
    %get3A_13 = arith.constant 0 : index
    %get3A_14 = vector.load %arg4[%get3A_12, %get3A_13] : memref<128x128xf32, #tpu.memory_space<vmem>>, vector<128x128xf32>
    %dot_general3A_15 = arith.constant dense<0.000000e+00> : vector<400x128xf32>
    %dot_general3A_16 = tpu.matmul %add3A_9, %get3A_14, %dot_general3A_15 {dimension_numbers = #tpu.dot_dimension_numbers<[1], [0], [0], [1], [0, 0, 1, 1], [], []>, transpose_lhs_hint = false} : vector<400x128xf32>, vector<128x128xf32>, vector<400x128xf32> -> vector<400x128xf32>
    %swap3A_17 = arith.constant 0 : index
    %swap3A_18 = arith.constant 0 : index
    %swap3A_19 = vector.load %arg6[%swap3A_17, %swap3A_18] : memref<400x128xf32, #tpu.memory_space<vmem>>, vector<400x128xf32>
    tpu.vector_store %arg6[%swap3A_17, %swap3A_18], %dot_general3A_16 {strides = array<i32>} : memref<400x128xf32, #tpu.memory_space<vmem>>, vector<400x128xf32>,
    return
  }
  func.func @transform_0(%arg0: i32) -> (i32, i32) {
    %c0_i32 = arith.constant 0 : i32
    %c0_i32_0 = arith.constant 0 : i32
    return %arg0, %c0_i32 : i32, i32
  }
  func.func @transform_1(%arg0: i32) -> (i32, i32) {
    %c0_i32 = arith.constant 0 : i32
    %c0_i32_0 = arith.constant 0 : i32
    %c0_i32_1 = arith.constant 0 : i32
    return %c0_i32, %c0_i32_0 : i32, i32
  }
  func.func @transform_2(%arg0: i32) -> (i32, i32) {
    %c0_i32 = arith.constant 0 : i32
    %c0_i32_0 = arith.constant 0 : i32
    %c0_i32_1 = arith.constant 0 : i32
    return %c0_i32, %c0_i32_0 : i32, i32
  }
  func.func @transform_3(%arg0: i32) -> (i32, i32) {
    %c0_i32 = arith.constant 0 : i32
    %c0_i32_0 = arith.constant 0 : i32
    %c0_i32_1 = arith.constant 0 : i32
    return %c0_i32, %c0_i32_0 : i32, i32
  }
  func.func @transform_4(%arg0: i32) -> (i32, i32) {
    %c0_i32 = arith.constant 0 : i32
    %c0_i32_0 = arith.constant 0 : i32
    return %arg0, %c0_i32 : i32, i32
  }
  func.func @transform_5(%arg0: i32) -> (i32, i32) {
    %c0_i32 = arith.constant 0 : i32
    %c0_i32_0 = arith.constant 0 : i32
    return %arg0, %c0_i32 : i32, i32
  }
}

module attributes {stable_mosaic.version = 14 : i64} {
  func.func @_comb_body(%arg0: i32, %arg1: memref<400x128xf32, #tpu.memory_space<vmem>>, %arg2: memref<400x128xf32, #tpu.memory_space<vmem>>, %arg3: memref<400x16xf32, #tpu.memory_space<vmem>>, %arg4: memref<400x16xf32, #tpu.memory_space<vmem>>, %arg5: memref<16x128xf32, #tpu.memory_space<vmem>>, %arg6: memref<128x128xf32, #tpu.memory_space<vmem>>, %arg7: memref<1x128xf32, #tpu.memory_space<vmem>>, %arg8: memref<1x128xf32, #tpu.memory_space<vmem>>, %arg9: memref<400x128xf32, #tpu.memory_space<vmem>>, %arg10: memref<1x1xf32, #tpu.memory_space<smem>>) attributes {dimension_semantics = [#tpu.dimension_semantics<arbitrary>], iteration_bounds = array<i64: 25>, scalar_prefetch = 0 : i64, scratch_operands = 0 : i64, tpu.core_type = #tpu.core_type<tc>, window_params = [{transform_indices = @transform_0, window_bounds = array<i64: 400, 128>}, {transform_indices = @transform_1, window_bounds = array<i64: 400, 128>}, {transform_indices = @transform_2, window_bounds = array<i64: 400, 16>}, {transform_indices = @transform_3, window_bounds = array<i64: 400, 16>}, {pipeline_mode = #tpu.pipeline_mode<synchronous>, transform_indices = @transform_4, window_bounds = array<i64: 16, 128>}, {pipeline_mode = #tpu.pipeline_mode<synchronous>, transform_indices = @transform_5, window_bounds = array<i64: 128, 128>}, {pipeline_mode = #tpu.pipeline_mode<synchronous>, transform_indices = @transform_6, window_bounds = array<i64: 1, 128>}, {pipeline_mode = #tpu.pipeline_mode<synchronous>, transform_indices = @transform_7, window_bounds = array<i64: 1, 128>}, {transform_indices = @transform_8, window_bounds = array<i64: 400, 128>}, {transform_indices = @transform_9, window_bounds = array<i64: 1, 1>}]} {
    %get3A = arith.constant 0 : index
    %get3A_0 = arith.constant 0 : index
    %get3A_1 = vector.load %arg3[%get3A, %get3A_0] : memref<400x16xf32, #tpu.memory_space<vmem>>, vector<400x16xf32>
    %get3A_2 = arith.constant 0 : index
    %get3A_3 = arith.constant 0 : index
    %get3A_4 = vector.load %arg4[%get3A_2, %get3A_3] : memref<400x16xf32, #tpu.memory_space<vmem>>, vector<400x16xf32>
    %add3A = arith.addf %get3A_1, %get3A_4 : vector<400x16xf32>
    %get3A_5 = arith.constant 0 : index
    %get3A_6 = arith.constant 0 : index
    %get3A_7 = vector.load %arg5[%get3A_5, %get3A_6] : memref<16x128xf32, #tpu.memory_space<vmem>>, vector<16x128xf32>
    %dot_general3A = arith.constant dense<0.000000e+00> : vector<400x128xf32>
    %dot_general3A_8 = tpu.matmul %add3A, %get3A_7, %dot_general3A {dimension_numbers = #tpu.dot_dimension_numbers<[1], [0], [0], [1], [0, 0, 1, 1], [], []>, transpose_lhs_hint = false} : vector<400x16xf32>, vector<16x128xf32>, vector<400x128xf32> -> vector<400x128xf32>
    %add3A_9 = arith.constant 1.000000e-16 : f32
    %add3A_10 = vector.broadcast %add3A_9 : f32 to vector<400x128xf32>
    %add3A_11 = arith.addf %dot_general3A_8, %add3A_10 : vector<400x128xf32>
    %get3A_12 = arith.constant 0 : index
    %get3A_13 = arith.constant 0 : index
    %get3A_14 = vector.load %arg1[%get3A_12, %get3A_13] : memref<400x128xf32, #tpu.memory_space<vmem>>, vector<400x128xf32>
    %get3A_15 = arith.constant 0 : index
    %get3A_16 = arith.constant 0 : index
    %get3A_17 = vector.load %arg2[%get3A_15, %get3A_16] : memref<400x128xf32, #tpu.memory_space<vmem>>, vector<400x128xf32>
    %add3A_18 = arith.addf %get3A_14, %get3A_17 : vector<400x128xf32>
    %div3A = arith.divf %add3A_18, %add3A_11 : vector<400x128xf32>
    %max3A = arith.constant 0.000000e+00 : f32
    %max3A_19 = vector.broadcast %max3A : f32 to vector<400x128xf32>
    %max3A_20 = arith.maximumf %div3A, %max3A_19 : vector<400x128xf32>
    %swap3A = arith.constant 0 : index
    %swap3A_21 = arith.constant 0 : index
    %swap3A_22 = vector.load %arg9[%swap3A, %swap3A_21] : memref<400x128xf32, #tpu.memory_space<vmem>>, vector<400x128xf32>
    tpu.vector_store %arg9[%swap3A, %swap3A_21], %max3A_20 {strides = array<i32>} : memref<400x128xf32, #tpu.memory_space<vmem>>, vector<400x128xf32>,
    %get3A_23 = arith.constant 0 : index
    %get3A_24 = arith.constant 0 : index
    %get3A_25 = vector.load %arg6[%get3A_23, %get3A_24] : memref<128x128xf32, #tpu.memory_space<vmem>>, vector<128x128xf32>
    %dot_general3A_26 = arith.constant dense<0.000000e+00> : vector<400x128xf32>
    %dot_general3A_27 = tpu.matmul %max3A_20, %get3A_25, %dot_general3A_26 {dimension_numbers = #tpu.dot_dimension_numbers<[1], [0], [0], [1], [0, 0, 1, 1], [], []>, transpose_lhs_hint = false} : vector<400x128xf32>, vector<128x128xf32>, vector<400x128xf32> -> vector<400x128xf32>
    %get3A_28 = arith.constant 0 : index
    %get3A_29 = arith.constant 0 : index
    %get3A_30 = vector.load %arg7[%get3A_28, %get3A_29] : memref<1x128xf32, #tpu.memory_space<vmem>>, vector<1x128xf32>
    %add3A_31 = vector.broadcast %get3A_30 : vector<1x128xf32> to vector<400x128xf32>
    %add3A_32 = arith.addf %dot_general3A_27, %add3A_31 : vector<400x128xf32>
    %tanh3A = math.tanh %add3A_32 : vector<400x128xf32>
    %eq3A = arith.constant 0 : i32
    %eq3A_33 = arith.cmpi eq, %arg0, %eq3A : i32
    %convert_element_type3A = arith.extui %eq3A_33 : i1 to i32
    %cond3A = arith.constant 0 : i32
    %cond3A_34 = arith.cmpi ne, %convert_element_type3A, %cond3A : i32
    scf.if %cond3A_34 {
      %swap3A_50 = arith.constant 0.000000e+00 : f32
      %swap3A_51 = arith.constant 0 : index
      %swap3A_52 = arith.constant 0 : index
      %swap3A_53 = memref.load %arg10[%swap3A_51, %swap3A_52] : memref<1x1xf32, #tpu.memory_space<smem>>
      memref.store %swap3A_50, %arg10[%swap3A_51, %swap3A_52] : memref<1x1xf32, #tpu.memory_space<smem>>
    } else {
    }
    %get3A_35 = arith.constant 0 : index
    %get3A_36 = arith.constant 0 : index
    %get3A_37 = memref.load %arg10[%get3A_35, %get3A_36] : memref<1x1xf32, #tpu.memory_space<smem>>
    %get3A_38 = arith.constant 0 : index
    %get3A_39 = arith.constant 0 : index
    %get3A_40 = vector.load %arg8[%get3A_38, %get3A_39] : memref<1x128xf32, #tpu.memory_space<vmem>>, vector<1x128xf32>
    %mul3A = vector.broadcast %get3A_40 : vector<1x128xf32> to vector<400x128xf32>
    %mul3A_41 = arith.mulf %tanh3A, %mul3A : vector<400x128xf32>
    %reduce_sum3A = vector.shape_cast %mul3A_41 : vector<400x128xf32> to vector<1x400x128xf32>
    %reduce_sum3A_42 = arith.constant dense<0.000000e+00> : vector<1xf32>
    %reduce_sum3A_43 = vector.multi_reduction <add>, %reduce_sum3A, %reduce_sum3A_42 [1, 2] : vector<1x400x128xf32> to vector<1xf32>
    %reduce_sum3A_44 = vector.shape_cast %reduce_sum3A_43 : vector<1xf32> to vector<1x1x1xf32>
    %reduce_sum3A_45 = vector.extract %reduce_sum3A_44[0, 0, 0] : f32 from vector<1x1x1xf32>
    %add3A_46 = arith.addf %get3A_37, %reduce_sum3A_45 : f32
    %swap3A_47 = arith.constant 0 : index
    %swap3A_48 = arith.constant 0 : index
    %swap3A_49 = memref.load %arg10[%swap3A_47, %swap3A_48] : memref<1x1xf32, #tpu.memory_space<smem>>
    memref.store %add3A_46, %arg10[%swap3A_47, %swap3A_48] : memref<1x1xf32, #tpu.memory_space<smem>>
    return
  }
  func.func @transform_0(%arg0: i32) -> (i32, i32) {
    %c0_i32 = arith.constant 0 : i32
    %c0_i32_0 = arith.constant 0 : i32
    return %arg0, %c0_i32 : i32, i32
  }
  func.func @transform_1(%arg0: i32) -> (i32, i32) {
    %c0_i32 = arith.constant 0 : i32
    %c0_i32_0 = arith.constant 0 : i32
    return %arg0, %c0_i32 : i32, i32
  }
  func.func @transform_2(%arg0: i32) -> (i32, i32) {
    %c0_i32 = arith.constant 0 : i32
    %c0_i32_0 = arith.constant 0 : i32
    return %arg0, %c0_i32 : i32, i32
  }
  func.func @transform_3(%arg0: i32) -> (i32, i32) {
    %c0_i32 = arith.constant 0 : i32
    %c0_i32_0 = arith.constant 0 : i32
    return %arg0, %c0_i32 : i32, i32
  }
  func.func @transform_4(%arg0: i32) -> (i32, i32) {
    %c0_i32 = arith.constant 0 : i32
    %c0_i32_0 = arith.constant 0 : i32
    %c0_i32_1 = arith.constant 0 : i32
    return %c0_i32, %c0_i32_0 : i32, i32
  }
  func.func @transform_5(%arg0: i32) -> (i32, i32) {
    %c0_i32 = arith.constant 0 : i32
    %c0_i32_0 = arith.constant 0 : i32
    %c0_i32_1 = arith.constant 0 : i32
    return %c0_i32, %c0_i32_0 : i32, i32
  }
  func.func @transform_6(%arg0: i32) -> (i32, i32) {
    %c0_i32 = arith.constant 0 : i32
    %c0_i32_0 = arith.constant 0 : i32
    %c0_i32_1 = arith.constant 0 : i32
    return %c0_i32, %c0_i32_0 : i32, i32
  }
  func.func @transform_7(%arg0: i32) -> (i32, i32) {
    %c0_i32 = arith.constant 0 : i32
    %c0_i32_0 = arith.constant 0 : i32
    %c0_i32_1 = arith.constant 0 : i32
    return %c0_i32, %c0_i32_0 : i32, i32
  }
  func.func @transform_8(%arg0: i32) -> (i32, i32) {
    %c0_i32 = arith.constant 0 : i32
    %c0_i32_0 = arith.constant 0 : i32
    return %arg0, %c0_i32 : i32, i32
  }
  func.func @transform_9(%arg0: i32) -> (i32, i32) {
    %c0_i32 = arith.constant 0 : i32
    %c0_i32_0 = arith.constant 0 : i32
    %c0_i32_1 = arith.constant 0 : i32
    return %c0_i32, %c0_i32_0 : i32, i32
  }
}

module attributes {stable_mosaic.version = 14 : i64} {
  func.func @_final_body(%arg0: i32, %arg1: memref<400x128xf32, #tpu.memory_space<vmem>>, %arg2: memref<400x128xf32, #tpu.memory_space<vmem>>, %arg3: memref<1x1xf32, #tpu.memory_space<smem>>, %arg4: memref<1x1xf32, #tpu.memory_space<smem>>, %arg5: memref<128x128xf32, #tpu.memory_space<vmem>>, %arg6: memref<1x128xf32, #tpu.memory_space<vmem>>, %arg7: memref<400x128xf32, #tpu.memory_space<vmem>>) attributes {dimension_semantics = [#tpu.dimension_semantics<arbitrary>], iteration_bounds = array<i64: 25>, scalar_prefetch = 0 : i64, scratch_operands = 0 : i64, tpu.core_type = #tpu.core_type<tc>, window_params = [{transform_indices = @transform_0, window_bounds = array<i64: 400, 128>}, {transform_indices = @transform_1, window_bounds = array<i64: 400, 128>}, {transform_indices = @transform_2, window_bounds = array<i64: 1, 1>}, {transform_indices = @transform_3, window_bounds = array<i64: 1, 1>}, {pipeline_mode = #tpu.pipeline_mode<synchronous>, transform_indices = @transform_4, window_bounds = array<i64: 128, 128>}, {pipeline_mode = #tpu.pipeline_mode<synchronous>, transform_indices = @transform_5, window_bounds = array<i64: 1, 128>}, {transform_indices = @transform_6, window_bounds = array<i64: 400, 128>}]} {
    %get3A = arith.constant 0 : index
    %get3A_0 = arith.constant 0 : index
    %get3A_1 = memref.load %arg4[%get3A, %get3A_0] : memref<1x1xf32, #tpu.memory_space<smem>>
    %get3A_2 = arith.constant 0 : index
    %get3A_3 = arith.constant 0 : index
    %get3A_4 = memref.load %arg3[%get3A_2, %get3A_3] : memref<1x1xf32, #tpu.memory_space<smem>>
    %sub3A = arith.subf %get3A_1, %get3A_4 : f32
    %div3A = arith.constant 1.000000e+04 : f32
    %div3A_5 = arith.divf %sub3A, %div3A : f32
    %broadcast_in_dim3A = vector.broadcast %div3A_5 : f32 to vector<1x128xf32>
    %exp3A = math.exp %broadcast_in_dim3A : vector<1x128xf32>
    %add3A = arith.constant 1.000000e+00 : f32
    %add3A_6 = vector.broadcast %add3A : f32 to vector<1x128xf32>
    %add3A_7 = arith.addf %add3A_6, %exp3A : vector<1x128xf32>
    %div3A_8 = arith.constant 1.000000e+00 : f32
    %div3A_9 = vector.broadcast %div3A_8 : f32 to vector<1x128xf32>
    %div3A_10 = arith.divf %div3A_9, %add3A_7 : vector<1x128xf32>
    %get3A_11 = arith.constant 0 : index
    %get3A_12 = arith.constant 0 : index
    %get3A_13 = vector.load %arg1[%get3A_11, %get3A_12] : memref<400x128xf32, #tpu.memory_space<vmem>>, vector<400x128xf32>
    %mul3A = vector.broadcast %div3A_10 : vector<1x128xf32> to vector<400x128xf32>
    %mul3A_14 = arith.mulf %get3A_13, %mul3A : vector<400x128xf32>
    %get3A_15 = arith.constant 0 : index
    %get3A_16 = arith.constant 0 : index
    %get3A_17 = vector.load %arg2[%get3A_15, %get3A_16] : memref<400x128xf32, #tpu.memory_space<vmem>>, vector<400x128xf32>
    %sub3A_18 = arith.constant 1.000000e+00 : f32
    %sub3A_19 = vector.broadcast %sub3A_18 : f32 to vector<1x128xf32>
    %sub3A_20 = arith.subf %sub3A_19, %div3A_10 : vector<1x128xf32>
    %mul3A_21 = vector.broadcast %sub3A_20 : vector<1x128xf32> to vector<400x128xf32>
    %mul3A_22 = arith.mulf %get3A_17, %mul3A_21 : vector<400x128xf32>
    %add3A_23 = arith.addf %mul3A_14, %mul3A_22 : vector<400x128xf32>
    %get3A_24 = arith.constant 0 : index
    %get3A_25 = arith.constant 0 : index
    %get3A_26 = vector.load %arg5[%get3A_24, %get3A_25] : memref<128x128xf32, #tpu.memory_space<vmem>>, vector<128x128xf32>
    %dot_general3A = arith.constant dense<0.000000e+00> : vector<400x128xf32>
    %dot_general3A_27 = tpu.matmul %add3A_23, %get3A_26, %dot_general3A {dimension_numbers = #tpu.dot_dimension_numbers<[1], [0], [0], [1], [0, 0, 1, 1], [], []>, transpose_lhs_hint = false} : vector<400x128xf32>, vector<128x128xf32>, vector<400x128xf32> -> vector<400x128xf32>
    %get3A_28 = arith.constant 0 : index
    %get3A_29 = arith.constant 0 : index
    %get3A_30 = vector.load %arg6[%get3A_28, %get3A_29] : memref<1x128xf32, #tpu.memory_space<vmem>>, vector<1x128xf32>
    %add3A_31 = vector.broadcast %get3A_30 : vector<1x128xf32> to vector<400x128xf32>
    %add3A_32 = arith.addf %dot_general3A_27, %add3A_31 : vector<400x128xf32>
    %swap3A = arith.constant 0 : index
    %swap3A_33 = arith.constant 0 : index
    %swap3A_34 = vector.load %arg7[%swap3A, %swap3A_33] : memref<400x128xf32, #tpu.memory_space<vmem>>, vector<400x128xf32>
    tpu.vector_store %arg7[%swap3A, %swap3A_33], %add3A_32 {strides = array<i32>} : memref<400x128xf32, #tpu.memory_space<vmem>>, vector<400x128xf32>,
    return
  }
  func.func @transform_0(%arg0: i32) -> (i32, i32) {
    %c0_i32 = arith.constant 0 : i32
    %c0_i32_0 = arith.constant 0 : i32
    return %arg0, %c0_i32 : i32, i32
  }
  func.func @transform_1(%arg0: i32) -> (i32, i32) {
    %c0_i32 = arith.constant 0 : i32
    %c0_i32_0 = arith.constant 0 : i32
    return %arg0, %c0_i32 : i32, i32
  }
  func.func @transform_2(%arg0: i32) -> (i32, i32) {
    %c0_i32 = arith.constant 0 : i32
    %c0_i32_0 = arith.constant 0 : i32
    %c0_i32_1 = arith.constant 0 : i32
    return %c0_i32, %c0_i32_0 : i32, i32
  }
  func.func @transform_3(%arg0: i32) -> (i32, i32) {
    %c0_i32 = arith.constant 0 : i32
    %c0_i32_0 = arith.constant 0 : i32
    %c0_i32_1 = arith.constant 0 : i32
    return %c0_i32, %c0_i32_0 : i32, i32
  }
  func.func @transform_4(%arg0: i32) -> (i32, i32) {
    %c0_i32 = arith.constant 0 : i32
    %c0_i32_0 = arith.constant 0 : i32
    %c0_i32_1 = arith.constant 0 : i32
    return %c0_i32, %c0_i32_0 : i32, i32
  }
  func.func @transform_5(%arg0: i32) -> (i32, i32) {
    %c0_i32 = arith.constant 0 : i32
    %c0_i32_0 = arith.constant 0 : i32
    %c0_i32_1 = arith.constant 0 : i32
    return %c0_i32, %c0_i32_0 : i32, i32
  }
  func.func @transform_6(%arg0: i32) -> (i32, i32) {
    %c0_i32 = arith.constant 0 : i32
    %c0_i32_0 = arith.constant 0 : i32
    return %arg0, %c0_i32 : i32, i32
  }
}

</mosaic_0001>

<sc_bundles>
// kernel: kernel.12.cloned.1.call-start
scs
__scs_entry_jumppad:
0x0: {  	(pc) =	sbr.rel $0x88, $3  }
0x1: {  	(tag) =	ssettag $0x0;
	lr =	simm.s32 $0x1  }
0x2: {  	[smem:$0x3F90] =	sst lr;
	_ =	strace $0xD0000000  }
0x3: {  	_ = 	snop  }
0x4: {  	_ = 	snop  }
0x5: {  	_ = 	snop  }
0x6: {  	_ = 	snop  }
0x7: {  	_ = 	snop  }
__scs_overlays_trampoline_lowered:
0x8: {  	[smem:$0x3F9F] =	sst s0  }
0x9: {  	[smem:$0x3FA0] =	sst s1  }
0xa: {  	[smem:$0x3FA1] =	sst s2  }
0xb: {  	[smem:$0x3FA2] =	sst s3  }
0xc: {  	[smem:$0x3FA3] =	sst s4  }
0xd: {  	[smem:$0x3FA4] =	sst s5  }
0xe: {  	[smem:$0x3FA5] =	sst s6  }
0xf: {  	[smem:$0x3FA6] =	sst s7  }
0x10: {  	[smem:$0x3FA7] =	sst s8  }
0x11: {  	[smem:$0x3FA8] =	sst s9;
	s0 =	simm.s32 @!p0 $0x0  }
0x12: {  	s1 =	sld [smem:$0x3F8E];
	s0 =	simm.s32 @p0 $0x1  }
0x13: {  	[smem:$0x3FA9] =	sst s0;
	s0 =	simm.s32 @!p1 $0x0  }
0x14: {  	s2 =	sld [smem:$0x3F8D];
	s0 =	simm.s32 @p1 $0x1  }
0x15: {  	[smem:$0x3FAA] =	sst s0;
	s0 =	simm.s32 @!p2 $0x0  }
0x16: {  	s3 =	sld [smem:$0x3FDB];
	s0 =	simm.s32 @p2 $0x1  }
0x17: {  	s4 =	simm.s32 $0x1BF5;
	[smem:$0x3FAC] =	sst s0  }
0x18: {  	s0 =	sld [smem:$0x3F8F];
	_ =	swait.ge [sflag:s4], $0x0  }
0x19: {  	s7 =	sld [smem:$0x3F90]  }
0x1a: {  	s8 =	sadd.s32 $0xFFFFE003, lr  }
0x1b: {  	s9 =	sadd.s32 $0xFFFFFEF7, lr;
	s5 =	simm.s32 $0xFFFFFFFF;
	p2 =	slt.u32 s8, $0xFFFFF086  }
0x1c: {  	p1 =	slt.u32 s9, $0xF7A;
	s5 =	simm.s32 @!p2 $0x0  }
0x1d: {  	s5 =	simm.s32 @p1 $0x1;
	p0 =	seq.s32 s7, s2  }
0x1e: {  	s7 =	smul.u32 @!p0 $0xF7A, s2;
	p2 =	seq.s32 @!p0 s5, $0x0  }
0x1f: {  	s9 =	smul.u32 $0xF7A, s1;
	s8 =	simm.s32 @!p0 $0x1BF5;
	p2 =	por !p2, p0  }
0x20: {  	[sflag:s8] =	ssyncset.s32 @!p0 $0xFFFFF086;
	s6 =	sadd.s32 @!p0 s3, s7;
	s7 =	simm.s32 @!p0 $0x108  }
0x21: {  	s3 =	sadd.s32 s3, s9;
	s6 =	sadd.s32 @!p0 $0x88, s6;
	s7 =	simm.s32 @p2 $0x1082  }
0x22: {  	[simem:s7], [sflag:s8] =	dma.local @!p0 [hbm:s6], $0xF7A  }
0x23: {  	s9 =	sor.u32 $0xD0000000, s2;
	s6 =	simm.s32 $0x108;
	_ =	swait.ge @!p0 [sflag:s8], $0x0  }
0x24: {  	s3 =	sadd.s32 $0x88, s3;
	s6 =	simm.s32 @!p1 $0x1082;
	[sflag:s4] =	ssyncset.s32 $0xFFFFF086  }
0x25: {  	[simem:s6], [sflag:s4] =	dma.local [hbm:s3], $0xF7A  }
0x26: {  	[smem:$0x3F90] =	sst s1;
	(tag) =	ssettag s2;
	_ =	strace s9  }
0x27: {  	s1 =	sld [smem:$0x3FA0]  }
0x28: {  	s2 =	sld [smem:$0x3FA1]  }
0x29: {  	s4 =	sld [smem:$0x3FA3]  }
0x2a: {  	p0 =	seq.s32 s5, $0x0;
	s5 =	sld [smem:$0x3FA4]  }
0x2b: {  	s6 =	sld [smem:$0x3FA5]  }
0x2c: {  	s7 =	sld [smem:$0x3FA6]  }
0x2d: {  	s3 =	simm.s32 $0x108;
	s8 =	sld [smem:$0x3FA7]  }
0x2e: {  	s3 =	simm.s32 @!p0 $0x1082;
	s9 =	sld [smem:$0x3FA8]  }
0x2f: {  	lr =	sadd.s32 s0, s3;
	s0 =	sld [smem:$0x3F9F]  }
0x30: {  	s3 =	sld [smem:$0x3FA2]  }
0x31: {  	[smem:$0x3FAB] =	sst s10  }
0x32: {  	s10 =	sld [smem:$0x3FA9];
	_ =	sdelay $0x3  }
0x33: {  	p0 =	seq.s32 s10, $0x1;
	s10 =	sld [smem:$0x3FAB];
	_ =	sdelay $0x3  }
0x34: {  	[smem:$0x3FAB] =	sst s10  }
0x35: {  	s10 =	sld [smem:$0x3FAA];
	_ =	sdelay $0x3  }
0x36: {  	p1 =	seq.s32 s10, $0x1;
	s10 =	sld [smem:$0x3FAB];
	_ =	sdelay $0x3  }
0x37: {  	[smem:$0x3FAB] =	sst s10  }
0x38: {  	s10 =	sld [smem:$0x3FAC]  }
0x39: {  	_ = 	snop;
	(pc) =	sbr.ind lr, $3  }
0x3a: {  	_ = 	snop  }
0x3b: {  	_ = 	snop  }
0x3c: {  	p2 =	seq.s32 s10, $0x1;
	s10 =	sld [smem:$0x3FAB]  }
0x3d: {  	_ =	shalt  }
0x3e: {  	_ =	shalt  }
0x3f: {  	_ =	shalt  }
0x40: {  	_ =	shalt  }
0x41: {  	_ =	shalt  }
0x42: {  	_ =	shalt  }
0x43: {  	_ =	shalt  }
0x44: {  	_ =	shalt  }
0x45: {  	_ =	shalt  }
0x46: {  	_ =	shalt  }
0x47: {  	_ =	shalt  }
0x48: {  	_ =	shalt  }
0x49: {  	_ =	shalt  }
0x4a: {  	_ =	shalt  }
0x4b: {  	_ =	shalt  }
0x4c: {  	_ =	shalt  }
0x4d: {  	_ =	shalt  }
0x4e: {  	_ =	shalt  }
0x4f: {  	_ =	shalt  }
0x50: {  	_ =	shalt  }
0x51: {  	_ =	shalt  }
0x52: {  	_ =	shalt  }
0x53: {  	_ =	shalt  }
0x54: {  	_ =	shalt  }
0x55: {  	_ =	shalt  }
0x56: {  	_ =	shalt  }
0x57: {  	_ =	shalt  }
0x58: {  	_ =	shalt  }
0x59: {  	_ =	shalt  }
0x5a: {  	_ =	shalt  }
0x5b: {  	_ =	shalt  }
0x5c: {  	_ =	shalt  }
0x5d: {  	_ =	shalt  }
0x5e: {  	_ =	shalt  }
0x5f: {  	_ =	shalt  }
0x60: {  	_ =	shalt  }
0x61: {  	_ =	shalt  }
0x62: {  	_ =	shalt  }
0x63: {  	_ =	shalt  }
0x64: {  	_ =	shalt  }
0x65: {  	_ =	shalt  }
0x66: {  	_ =	shalt  }
0x67: {  	_ =	shalt  }
0x68: {  	_ =	shalt  }
0x69: {  	_ =	shalt  }
0x6a: {  	_ =	shalt  }
0x6b: {  	_ =	shalt  }
0x6c: {  	_ =	shalt  }
0x6d: {  	_ =	shalt  }
0x6e: {  	_ =	shalt  }
0x6f: {  	_ =	shalt  }
0x70: {  	_ =	shalt  }
0x71: {  	_ =	shalt  }
0x72: {  	_ =	shalt  }
0x73: {  	_ =	shalt  }
0x74: {  	_ =	shalt  }
0x75: {  	_ =	shalt  }
0x76: {  	_ =	shalt  }
0x77: {  	_ =	shalt  }
0x78: {  	_ =	shalt  }
0x79: {  	_ =	shalt  }
0x7a: {  	_ =	shalt  }
0x7b: {  	_ =	shalt  }
0x7c: {  	_ =	shalt  }
0x7d: {  	_ =	shalt  }
0x7e: {  	_ =	shalt  }
0x7f: {  	_ =	shalt  }
0x80: {  	_ =	shalt  }
0x81: {  	_ =	shalt  }
0x82: {  	_ =	shalt  }
0x83: {  	_ =	shalt  }
0x84: {  	_ =	shalt  }
0x85: {  	_ =	shalt  }
0x86: {  	_ =	shalt  }
0x87: {  	_ =	shalt  }
.Lfunc_end0:
.L_simem_size_0:
called_computation.1_lowered:
.L_overlay_start_0:
0x88: {  	s2 =	sld [smem:$0x3FD9]  }
0x89: {  	s3 =	sld [smem:$0x3FFE];
	_ =	sdelay $0x1  }
0x8a: {  	s1 =	srdreg.scid  }
0x8b: {  	s0 =	sand.u32 $0x1, s1  }
0x8c: {  	s17 =	sshll.u32 s0, $0xA;
	s2 =	sadd.s32 s3, s2  }
0x8d: {  	s2 =	sadd.s32 s2, s17  }
0x8e: {  	[smem:$0x3FB7] =	sst s2  }
0x8f: {  	_ = 	snop  }
0x90: {  	(tm) =	ssettm $0x1  }
0x91: {  	s18 =	sld [smem:$0x3FFB];
	_ =	sdelay $0x3  }
0x92: {  	_ =	strace s18  }
0x93: {  	s2 =	sld [smem:$0x3FFC];
	_ =	sdelay $0x3  }
0x94: {  	_ =	strace s2  }
0x95: {  	s2 =	sld [smem:$0x3FFD];
	_ =	sdelay $0x3  }
0x96: {  	_ =	strace s2  }
0x97: {  	_ =	strace $0x8FFFFFFF  }
0x98: {  	s19 =	sld [smem:$0x3FDB];
	_ =	sdelay $0x1  }
0x99: {  	s20 =	simm.s32 $_scs_section_size  }
0x9a: {  	s4 =	simm.s32 $_size__tile_overlayer_lowered;
	s5 =	simm.s32 $_tile_overlayer_lowered  }
0x9b: {  	s6 =	simm.s32 $0x1BFF;
	s21 =	sshll.u32 s5, $0x1;
	s3 =	sadd.s32 s20, s19  }
0x9c: {  	s22 =	simm.s32 $0x0;
	s4 =	sshll.u32 s4, $0x1;
	s5 =	sadd.s32 s21, s3  }
0x9d: {  	[timem:s22], [sflag:s6] =	dma.local [hbm:s5], s4  }
0x9e: {  	_ =	swait.ge [sflag:s6], s4  }
0x9f: {  	s4 =	ssub.s32 $0x0, s4;
	[sflag:s6] =	ssyncset.done $0x0  }
0xa0: {  	[sflag:s6] =	ssyncadd.s32 s4;
	_ =	sdelay $0x1  }
0xa1: {  	s23 =	simm.s32 $0x1B8B  }
0xa2: {  	_ =	swait.ge [sflag:s23], $0x1  }
0xa3: {  	[sflag:s23] =	ssyncset.done $0x0  }
0xa4: {  	[sflag:s23] =	ssyncadd.s32 $0xFFFFFFFF  }
0xa5: {  	s4 =	sld [smem:$0x0]  }
0xa6: {  	s5 =	sand.u32 $0xFFFFFFFE, s1  }
0xa7: {  	p0 =	sne.s32 s1, s5  }
0xa8: {  	s5 =	sshll.u32 @p0 s5, $0xE  }
0xa9: {  	s5 =	sadd.s32 @p0 $0x11B8D, s5;
	s6 =	sshll.u32 @p0 s4, $0x11  }
0xaa: {  	s5 =	sor.u32 @p0 s6, s5  }
0xab: {  	[sflag:s5] =	ssyncadd.remote.s32 @p0 $0x1;
	_ =	sdelay $0x1  }
0xac: {  	s5 =	simm.s32 @p0 $0x1B8D  }
0xad: {  	_ =	swait.eq @p0 [sflag:s5], $0x1  }
0xae: {  	[sflag:s5] =	ssyncadd.s32 @p0 $0xFFFFFFFF  }
0xaf: {  	s6 =	sshll.u32 @!p0 s1, $0xE  }
0xb0: {  	s6 =	sor.u32 @!p0 $0x4000, s6;
	s5 =	simm.s32 @!p0 $0x1B8D  }
0xb1: {  	s4 =	sshll.u32 @!p0 s4, $0x11;
	s6 =	sadd.s32 @!p0 $0x11B8D, s6;
	_ =	swait.eq @!p0 [sflag:s5], $0x1  }
0xb2: {  	s4 =	sor.u32 @!p0 s4, s6;
	[sflag:s5] =	ssyncadd.s32 @!p0 $0xFFFFFFFF  }
0xb3: {  	s25 =	simm.s32 $0x1B8E;
	s24 =	sld [smem:$0x3FFE];
	[sflag:s4] =	ssyncadd.remote.s32 @!p0 $0x1  }
0xb4: {  	s26 =	simm.s32 $execute0_lowered;
	[smem:$0x3FD2] =	sst s25  }
0xb5: {  	s5 =	sshll.u32 s26, $0x1;
	_ =	strace $0x80000049;
	[dreg:$0x1] =	wrdreg $0xFFFFFFFF  }
0xb6: {  	s28 =	simm.s32 $_size_execute0_lowered;
	s3 =	sadd.s32 s3, s5;
	[dreg:$0x0] =	wrdreg $0x0  }
0xb7: {  	s5 =	sshll.u32 s28, $0x1;
	[dreg:$0x2] =	wrdreg s3  }
0xb8: {  	[dreg:$0x3] =	wrdreg s5  }
0xb9: {  	[dreg:$0x4] =	wrdreg $0xC0  }
0xba: {  	_ =	task [dreg:s22], $0x5FFFF  }
0xbb: {  	[dreg:$0x1] =	wrdreg $0xFFFFFFFF  }
0xbc: {  	[dreg:$0x0] =	wrdreg $0x60  }
0xbd: {  	[dreg:$0x2] =	wrdreg s24  }
0xbe: {  	[dreg:$0x3] =	wrdreg $0x60400  }
0xbf: {  	[dreg:$0x4] =	wrdreg $0x1A0400  }
0xc0: {  	[dreg:$0x5] =	wrdreg $0xA  }
0xc1: {  	_ =	task.clear_ibuf [dreg:s22], $0x6FFFF;
	_ =	strace $0x90000049  }
0xc2: {  	s29 =	simm.s32 $0xA;
	_ =	strace $0x8000004B  }
0xc3: {  	_ =	swait.ge [sflag:s29], $0x1  }
0xc4: {  	[sflag:s29] =	ssyncadd.s32 $0xFFFFFFFF  }
0xc5: {  	_ =	strace $0x9000004B  }
0xc6: {  	_ =	sfence  }
0xc7: {  	s30 =	sld [smem:$0x0];
	_ =	sdelay $0x2  }
0xc8: {  	s31 =	sshll.u32 s1, $0xD;
	s1 =	sshrl.u32 s1, $0x2  }
0xc9: {  	s4 =	sand.u32 $0x4000, s31;
	s1 =	sadd.s32 s1, s30  }
0xca: {  	s0 =	sor.u32 s4, s0;
	s1 =	sshll.u32 s1, $0x11  }
0xcb: {  	s0 =	sor.u32 s1, s0  }
0xcc: {  	s0 =	sadd.s32 $0x8F2B, s0  }
0xcd: {  	[sflag:s0] =	ssyncadd.remote.s32 $0x1  }
0xce: {  	_ =	sfence.sel $0xFFFF  }
0xcf: {  	[dreg:$0x0] =	wrdreg $0xFFFFFFFF;
	(pc) =	sbr.abs _section_cstart, $3  }
0xd0: {  	[dreg:$0x1] =	wrdreg $0xFFFFFFFF  }
0xd1: {  	_ =	task.clear_ibuf [dreg:s22], $0x2FFFF;
	_ =	strace $0x9FFFFFFF  }
0xd2: {  	(tm) =	ssettm $0x7FFFFFFF  }
0xd3: {  	_ =	shalt  }
tec
execute0_lowered:
.L_overlay_start_1:
0x0: {  	(tag) =	ssettag $0x1  }
0x1: {  	s0 =	rddreg [dreg:$0x0]  }
0x2: {  	s1 =	rddreg [dreg:$0x1]  }
0x3: {  	s2 =	rddreg [dreg:$0x2]  }
0x4: {  	s14 =	simm.s32 $0x0;
	s3 =	srdreg.scid;
	s13 =	stileid.u32  }
0x5: {  	s31 =	simm.s32 $0x2;
	[smem:$0x7FF] =	sst s14;
	s3 =	sand.u32 $0x1, s3  }
0x6: {  	s4 =	smul.u32 $0x280, s13;
	s15 =	sadd.s32 $0xDC600, s0;
	s16 =	sadd.s32 $0xD2800, s0  }
0x7: {  	s7 =	sadd.s32 $0xC8800, s0;
	s8 =	sadd.s32 $0xCD800, s0;
	s12 =	smul.u32 $0x50000, s13  }
0x8: {  	s10 =	sshll.u32 s13, $0x1;
	s9 =	sadd.s32 $0xA1600, s0;
	s25 =	smul.u32 $0xA000, s13  }
0x9: {  	_ =	strace $0x8000004A;
	s5 =	smul.u32 $0x2800, s3;
	s18 =	sor.u32 s3, s10  }
0xa: {  	s3 =	ssub.s32 $0x2, s3;
	s10 =	smov.u32 s16;
	s6 =	smul.u32 $0x2710, s18  }
0xb: {  	s20 =	sshrl.u32 s3, $0x1;
	s28 =	sshrl.u32 s12, $0x2;
	s4 =	sadd.s32 s4, s5  }
0xc: {  	s29 =	sshrl.u32 s25, $0x2;
	s3 =	ssub.s32 s3, s20;
	s11 =	sshll.u32 s4, $0x4  }
0xd: {  	s4 =	sshll.u32 s4, $0x1;
	s21 =	sshrl.u32 s6, $0x3;
	[dreg:$0x5] =	wrdreg s6  }
0xe: {  	s23 =	sadd.s32 $0x28, s6;
	s30 =	smax.u32 s3, $0x1;
	s19 =	sadd.s32 s11, s0  }
0xf: {  	s0 =	sadd.s32 s4, s0;
	s22 =	sadd.s32 s15, s21;
	[dreg:$0xd] =	wrdreg s30  }
0x10: {  	s4 =	sadd.s32 s16, s21;
	s24 =	sshrl.u32 s23, $0x3;
	[dreg:$0x6] =	wrdreg s22  }
0x11: {  	s25 =	simm.s32 $0x28;
	[dreg:$0x7] =	wrdreg s4;
	s26 =	sadd.s32 s15, s24  }
0x12: {  	s18 =	sadd.s32 s29, s2;
	s4 =	sadd.s32 s16, s24;
	[dreg:$0x8] =	wrdreg s26  }
0x13: {  	v0 =	vimm.f32 $0.0e+00;
	vm0 =	vcmask $0x1F00;
	s20 =	simm.s32 $0x3840;
	s5 =	sadd.s32 $0xE6400, s19;
	[dreg:$0x9] =	wrdreg s4  }
0x14: {  	v2 =	vimm.s32 $0x0;
	v3 =	vimm.s32 $0x1;
	v4 =	vimm.s32 $0x2;
	s6 =	smov.u32 s15;
	s0 =	sadd.s32 $0x136400, s0;
	[dreg:$0xa] =	wrdreg s5  }
0x15: {  	v5 =	vimm.s32 $0x3;
	v6 =	vimm.s32 $0x4;
	v7 =	vimm.s32 $0x5;
	s21 =	simm.s32 $0x4;
	s5 =	sadd.s32 s28, s1;
	[dreg:$0xc] =	wrdreg s0  }
0x16: {  	v8 =	vimm.s32 $0x6;
	v9 =	vimm.s32 $0x7;
	v1 =	vsel vm0, $0x3F800000, v0;
	s22 =	simm.s32 $0x3340;
	s24 =	simm.s32 $0x1;
	[dreg:$0xb] =	wrdreg s5  }
.LBB2_1:
0x17: {  	s0 =	simm.s32 $0x3880  }
0x18: {  	[tilespmem:s0+$0xFFFFFFD0] =	vst v0  }
0x19: {  	[tilespmem:s0+$0xFFFFFFE0] =	vst v0  }
0x1a: {  	[tilespmem:s0+$0xFFFFFFF0] =	vst v0  }
0x1b: {  	[tilespmem:s0+$0x0] =	vst v0  }
0x1c: {  	[tilespmem:s0+$0x10] =	vst v0  }
0x1d: {  	[tilespmem:s0+$0x20] =	vst v0  }
0x1e: {  	[tilespmem:s0+$0x30] =	vst v0  }
0x1f: {  	s4 =	simm.s32 $0x0;
	s3 =	simm.s32 $0x40;
	[tilespmem:s0+$0xFFFFFFC0] =	vst v0  }
.LBB2_2:
0x20: {  	p0 =	sne.s32 s3, $0x9C0;
	[tilespmem:s4+$0x3340] =	vst v0;
	s0 =	sadd.s32 $0x80, s0  }
0x21: {  	[tilespmem:s0+$0xFFFFFFD0] =	vst v0  }
0x22: {  	[tilespmem:s0+$0xFFFFFFE0] =	vst v0  }
0x23: {  	[tilespmem:s0+$0xFFFFFFF0] =	vst v0  }
.Ltmp0:
0x24: {  	[tilespmem:s0+$0x0] =	vst v0;
	(pc) =	sbr.rel @p0 .LBB2_2-.Ltmp0, $4  }
0x25: {  	[tilespmem:s0+$0x10] =	vst v0  }
0x26: {  	[tilespmem:s0+$0x20] =	vst v0  }
0x27: {  	[tilespmem:s0+$0x30] =	vst v0  }
0x28: {  	s4 =	sshra.s32 s3, $0x2;
	s3 =	sadd.s32 $0x40, s3;
	[tilespmem:s0+$0xFFFFFFC0] =	vst v0  }
0x29: {  	[dreg:$0x4] =	wrdreg s14;
	[tilespmem:s4+$0x3340] =	vst v0  }
0x2a: {  	[spmem:s5] =	stream.linear.scatter [tilespmem:s20], [sflag:$0x4], $0x1400, $0x38;
	[tilespmem:$0x1C840] =	vst v63  }
0x2b: {  	_ =	swait.ge [sflag:s21], $0x1400  }
0x2c: {  	[sflag:s21] =	ssyncset.done $0x0  }
0x2d: {  	s0 =	sadd.s32 $0x0, s18;
	[sflag:s21] =	ssyncadd.s32 $0xFFFFEC00  }
0x2e: {  	[spmem:s0] =	stream.linear.scatter [tilespmem:s22], [sflag:$0x4], $0x280, $0x38;
	[tilespmem:$0x1C840] =	vst v63  }
0x2f: {  	_ =	swait.ge [sflag:s21], $0x280  }
0x30: {  	s3 =	smov.u32 s5;
	s0 =	simm.s32 $0xA00;
	[sflag:s21] =	ssyncset.done $0x0  }
.LBB2_4:
0x31: {  	p0 =	sne.s32 s0, $0x9600;
	[sflag:s21] =	ssyncadd.s32 $0xFFFFFD80;
	s3 =	sadd.s32 $0x1400, s3  }
0x32: {  	[spmem:s3] =	stream.linear.scatter [tilespmem:s20], [sflag:$0x4], $0x1400, $0x38;
	[tilespmem:$0x1C840] =	vst v63  }
0x33: {  	s4 =	smov.u32 s0;
	s0 =	sadd.s32 $0xA00, s0;
	_ =	swait.ge [sflag:s21], $0x1400  }
.Ltmp1:
0x34: {  	s4 =	sshra.s32 s4, $0x2;
	[sflag:s21] =	ssyncset.done $0x0;
	(pc) =	sbr.rel @p0 .LBB2_4-.Ltmp1, $4  }
0x35: {  	s4 =	sadd.s32 s4, s18;
	[sflag:s21] =	ssyncadd.s32 $0xFFFFEC00  }
0x36: {  	[spmem:s4] =	stream.linear.scatter [tilespmem:s22], [sflag:$0x4], $0x280, $0x38;
	[tilespmem:$0x1C840] =	vst v63  }
0x37: {  	_ =	swait.ge [sflag:s21], $0x280  }
0x38: {  	[sflag:s21] =	ssyncset.done $0x0  }
0x39: {  	[sflag:s21] =	ssyncadd.s32 $0xFFFFFD80  }
0x3a: {  	[bflag:$0x0] =	sbarrier.arrive $0xFFFF  }
0x3b: {  	s12 =	simm.s32 $0x0;
	s0 =	rddreg [dreg:$0x6]  }
0x3c: {  	[tilespmem:s12], [sflag:$0x1] =	stream.linear.gather [hbm4b:s0+s12], $0x28, $0x38;
	[tilespmem:$0x1C840] =	vst v63  }
0x3d: {  	s3 =	simm.s32 $0xA0;
	s17 =	rddreg [dreg:$0x7]  }
0x3e: {  	[tilespmem:s3], [sflag:$0x1] =	stream.linear.gather [hbm4b:s17+s12], $0x28, $0x38;
	[tilespmem:$0x1C840] =	vst v63  }
0x3f: {  	_ =	swait.ge [sflag:s24], $0x28  }
0x40: {  	[sflag:s24] =	ssyncset.done $0x0  }
0x41: {  	[sflag:s24] =	ssyncadd.s32 $0xFFFFFFD8  }
0x42: {  	_ =	swait.ge [sflag:s24], $0x28  }
0x43: {  	[sflag:s24] =	ssyncset.done $0x0  }
0x44: {  	s19 =	simm.s32 $0x140;
	[sflag:s24] =	ssyncadd.s32 $0xFFFFFFD8  }
0x45: {  	[tilespmem:s19], [sflag:$0x2] =	stream.indirect.gather [hbm4b:s7+s25], $0x10, s12, s25, $0xb8;
	[tilespmem:$0x1C840] =	vst v63  }
0x46: {  	s23 =	simm.s32 $0x640  }
0x47: {  	[tilespmem:s23], [sflag:$0x2] =	stream.indirect.gather [hbm4b:s8+s25], $0x10, s3, s25, $0xb8;
	[tilespmem:$0x1C840] =	vst v63  }
0x48: {  	s26 =	simm.s32 $0xB40  }
0x49: {  	[tilespmem:s26], [sflag:$0x2] =	stream.indirect.gather [hbm4b:s9+s25], $0x80, s12, s25, $0xb8;
	[tilespmem:$0x1C840] =	vst v63  }
0x4a: {  	s28 =	rddreg [dreg:$0x8]  }
0x4b: {  	[tilespmem:s25], [sflag:$0x1] =	stream.linear.gather [hbm4b:s28+s12], $0x28, $0x38;
	[tilespmem:$0x1C840] =	vst v63  }
0x4c: {  	s30 =	simm.s32 $0xC8;
	s29 =	rddreg [dreg:$0x9]  }
0x4d: {  	[tilespmem:s30], [sflag:$0x1] =	stream.linear.gather [hbm4b:s29+s12], $0x28, $0x38;
	[tilespmem:$0x1C840] =	vst v63  }
.LBB2_6:
0x4e: {  	_ =	swait.ge [sflag:s31], $0x280  }
0x4f: {  	[sflag:s31] =	ssyncset.done $0x0  }
0x50: {  	[sflag:s31] =	ssyncadd.s32 $0xFFFFFD80  }
0x51: {  	_ =	swait.ge [sflag:s31], $0x280  }
0x52: {  	[sflag:s31] =	ssyncset.done $0x0  }
0x53: {  	[sflag:s31] =	ssyncadd.s32 $0xFFFFFD80  }
0x54: {  	_ =	swait.ge [sflag:s31], $0x1400  }
0x55: {  	p0 =	slt.u32 s12, $0x2;
	[sflag:s31] =	ssyncset.done $0x0  }
0x56: {  	s0 =	simm.s32 @!p0 $0x3;
	p1 =	seq.s32 @!p0 s12, $0xF9;
	[sflag:s31] =	ssyncadd.s32 $0xFFFFEC00  }
0x57: {  	p1 =	por p0, !p1;
	_ =	swait.ge @!p0 [sflag:s0], $0x280  }
.Ltmp2:
0x58: {  	[sflag:s0] =	ssyncset.done @!p0 $0x0;
	(pc) =	sbr.rel @!p1 .LBB2_8-.Ltmp2, $4  }
0x59: {  	[sflag:s0] =	ssyncadd.s32 @!p0 $0xFFFFFD80  }
0x5a: {  	_ =	swait.ge @!p0 [sflag:s0], $0x1400  }
0x5b: {  	[sflag:s0] =	ssyncset.done @!p0 $0x0  }
0x5c: {  	s16 =	simm.s32 @!p0 $0xFA;
	[sflag:s0] =	ssyncadd.s32 @!p0 $0xFFFFEC00  }
0x5d: {  	_ =	swait.ge [sflag:s24], $0x28  }
0x5e: {  	s16 =	sadd.s32 $0x1, s12;
	[sflag:s24] =	ssyncset.done $0x0  }
0x5f: {  	s0 =	sand.u32 $0x1, s16;
	[sflag:s24] =	ssyncadd.s32 $0xFFFFFFD8  }
0x60: {  	s3 =	sand.u32 $0x3, s16;
	s4 =	smul.u32 $0x280, s0;
	_ =	swait.ge [sflag:s24], $0x28  }
0x61: {  	s3 =	smul.u32 $0x28, s3;
	[sflag:s24] =	ssyncset.done $0x0  }
0x62: {  	p0 =	sgt.u32 s12, $0xF7;
	s5 =	sadd.s32 $0x140, s4;
	[sflag:s24] =	ssyncadd.s32 $0xFFFFFFD8  }
0x63: {  	[tilespmem:s5], [sflag:$0x2] =	stream.indirect.gather [hbm4b:s7+s25], $0x10, s3, s25, $0xb8;
	[tilespmem:$0x1C840] =	vst v63  }
0x64: {  	s0 =	smul.u32 $0x5000, s0;
	s4 =	sadd.s32 $0x640, s4;
	s30 =	sadd.s32 $0xA0, s3  }
0x65: {  	[tilespmem:s4], [sflag:$0x2] =	stream.indirect.gather [hbm4b:s8+s25], $0x10, s30, s25, $0xb8;
	[tilespmem:$0x1C840] =	vst v63  }
0x66: {  	s0 =	sshrl.u32 s0, $0x2;
	s4 =	sadd.s32 @!p0 $0x2, s12  }
0x67: {  	s0 =	sadd.s32 $0xB40, s0;
	s5 =	smul.u32 @!p0 $0x28, s4  }
0x68: {  	[tilespmem:s0], [sflag:$0x2] =	stream.indirect.gather [hbm4b:s9+s25], $0x80, s3, s25, $0xb8;
	[tilespmem:$0x1C840] =	vst v63  }
0x69: {  	s3 =	rddreg [dreg:$0x5]  }
0x6a: {  	s0 =	sand.u32 @!p0 $0x3, s4;
	s3 =	sadd.s32 @!p0 s3, s5  }
0x6b: {  	s0 =	smul.u32 @!p0 $0x28, s0;
	s3 =	sshrl.u32 @!p0 s3, $0x3  }
0x6c: {  	s5 =	simm.s32 @!p0 $0x0;
	s4 =	sadd.s32 @!p0 s6, s3  }
0x6d: {  	[tilespmem:s0], [sflag:$0x1] =	stream.linear.gather @!p0 [hbm4b:s4+s5], $0x28, $0x38;
	[tilespmem:$0x1C840] =	vst v63  }
0x6e: {  	s16 =	simm.s32 @p0 $0xF9;
	s3 =	sadd.s32 @!p0 s10, s3;
	s0 =	sadd.s32 @!p0 $0xA0, s0  }
0x6f: {  	[tilespmem:s0], [sflag:$0x1] =	stream.linear.gather @!p0 [hbm4b:s3+s5], $0x28, $0x38;
	[tilespmem:$0x1C840] =	vst v63  }
.LBB2_8:
0x70: {  	s0 =	sand.u32 $0x1, s12  }
0x71: {  	s3 =	smul.u32 $0xA00, s0;
	_ =	sdelay $0x1  }
0x72: {  	s28 =	sshrl.u32 s3, $0x2  }
0x73: {  	s3 =	sadd.s32 $0x160, s28  }
0x74: {  	s5 =	sadd.s32 $0x660, s28;
	v10 =	vld [tilespmem:s3+$0x10]  }
0x75: {  	v11 =	vld [tilespmem:s5+$0x10];
	_ =	sdelay $0x4  }
0x76: {  	v10 =	vadd.f32 v11, v10;
	_ =	sdelay $0x1  }
0x77: {  	v11 =	vmul.f32 $2.000000030e-01, v10  }
0x78: {  	vm0 =	vgt.f32 v10, $0.0e+00  }
0x79: {  	v12 =	vld [tilespmem:s3+$0xFFFFFFF0];
	v10 =	vsel vm0, v10, v11  }
0x7a: {  	v11 =	vld [tilespmem:s5+$0xFFFFFFF0];
	v10 =	vmul.f32 $1.442695020e+00, v10;
	_ =	sdelay $0x1  }
0x7b: {  	(erf) = vpow2.f32 v10  }
0x7c: {  	v13 =	vld [tilespmem:s3+$0xFFFFFFE0]  }
0x7d: {  	v10 =	vld [tilespmem:s5+$0xFFFFFFE0]  }
0x7e: {  	v11 =	vadd.f32 v11, v12  }
0x7f: {  	v14 =	vld [tilespmem:s5+$0x0]  }
0x80: {  	v12 =	vld [tilespmem:s3+$0x0];
	v15 =	vmul.f32 $2.000000030e-01, v11  }
0x81: {  	vm10 =	vgt.f32 v11, $0.0e+00  }
0x82: {  	v13 =	vadd.f32 v10, v13;
	v10 =	vsel vm10, v11, v15  }
0x83: {  	v10 =	vmul.f32 $1.442695020e+00, v10  }
0x84: {  	s0 =	smul.u32 $0x5000, s0;
	v11 =	vmul.f32 $2.000000030e-01, v13;
	v15 =	vpop (erf)  }
0x85: {  	v12 =	vadd.f32 v14, v12;
	(erf) = vpow2.f32 v10;
	v10 =	vmul.f32 v1, v15  }
0x86: {  	s29 =	sshrl.u32 s0, $0x2;
	s26 =	sadd.s32 $0x3360, s28;
	vm11 =	vgt.f32 v13, $0.0e+00  }
0x87: {  	s15 =	sadd.s32 $0xC40, s29;
	v14 =	vmul.f32 $2.000000030e-01, v12;
	v11 =	vsel vm11, v13, v11;
	[tilespmem:s26+$0x10] =	vst v10  }
0x88: {  	vm12 =	vgt.f32 v12, $0.0e+00;
	v11 =	vmul.f32 $1.442695020e+00, v11;
	v13 =	vld [tilespmem:s15+$0x80]  }
0x89: {  	v12 =	vsel vm12, v12, v14  }
0x8a: {  	v12 =	vmul.f32 $1.442695020e+00, v12;
	(erf) = vpow2.f32 v11  }
0x8b: {  	v11 =	vperm.xlane v10, v2  }
0x8c: {  	(erf) = vpow2.f32 v12  }
0x8d: {  	v11 =	vmul.f32 v13, v11  }
0x8e: {  	s30 =	sadd.s32 $0x3940, s29;
	v12 =	vpop (erf)  }
0x8f: {  	v18 =	vmul.f32 v1, v12;
	[tilespmem:s30+$0x80] =	vst v11  }
0x90: {  	v11 =	vld [tilespmem:s15+$0x90]  }
0x91: {  	[tilespmem:s26+$0xFFFFFFF0] =	vst v18  }
0x92: {  	s4 =	sadd.s32 $0x40, s3;
	v12 =	vld [tilespmem:s15+$0xFFFFFF80]  }
0x93: {  	s5 =	sadd.s32 $0x40, s5;
	v15 =	vld [tilespmem:s4+$0x10];
	v14 =	vperm.xlane v10, v3;
	v13 =	vpop (erf)  }
0x94: {  	v19 =	vmul.f32 v1, v13;
	v13 =	vld [tilespmem:s5+$0x10]  }
0x95: {  	v17 =	vperm.xlane v18, v2;
	v16 =	vpop (erf);
	v11 =	vmul.f32 v11, v14  }
0x96: {  	v22 =	vmul.f32 v1, v16  }
0x97: {  	v23 =	vld [tilespmem:s4+$0xFFFFFFF0];
	v12 =	vmul.f32 v12, v17;
	[tilespmem:s30+$0x90] =	vst v11  }
0x98: {  	[tilespmem:s26+$0x0] =	vst v22;
	v11 =	vld [tilespmem:s15+$0xA0]  }
0x99: {  	v28 =	vld [tilespmem:s4+$0xFFFFFFE0];
	[tilespmem:s30+$0xFFFFFF80] =	vst v12;
	v12 =	vadd.f32 v13, v15  }
0x9a: {  	[tilespmem:s26+$0xFFFFFFE0] =	vst v19;
	v16 =	vld [tilespmem:s15+$0x0]  }
0x9b: {  	v14 =	vld [tilespmem:s15+$0xFFFFFF00];
	v17 =	vperm.xlane v10, v4;
	v20 =	vmul.f32 $2.000000030e-01, v12  }
0x9c: {  	v25 =	vld [tilespmem:s5+$0xFFFFFFF0];
	vm13 =	vgt.f32 v12, $0.0e+00  }
0x9d: {  	v24 =	vperm.xlane v22, v2;
	v15 =	vld [tilespmem:s5+$0xFFFFFFE0];
	v12 =	vsel vm13, v12, v20;
	v11 =	vmul.f32 v11, v17  }
0x9e: {  	v21 =	vperm.xlane v19, v2;
	v13 =	vld [tilespmem:s15+$0xFFFFFF90];
	v12 =	vmul.f32 $1.442695020e+00, v12  }
0x9f: {  	v16 =	vmul.f32 v16, v24;
	v17 =	vld [tilespmem:s4+$0x0];
	[tilespmem:s30+$0xA0] =	vst v11  }
0xa0: {  	v11 =	vmul.f32 v14, v21;
	(erf) = vpow2.f32 v12;
	v14 =	vld [tilespmem:s15+$0xB0]  }
0xa1: {  	v21 =	vld [tilespmem:s5+$0x0]  }
0xa2: {  	[tilespmem:s30+$0x0] =	vst v16  }
0xa3: {  	v31 =	vld [tilespmem:s15+$0x10];
	[tilespmem:s30+$0xFFFFFF00] =	vst v11;
	v11 =	vadd.f32 v25, v23;
	v23 =	vperm.xlane v10, v5  }
0xa4: {  	v26 =	vperm.xlane v18, v3;
	v12 =	vperm.xlane v22, v3;
	v16 =	vld [tilespmem:s15+$0xFFFFFF10]  }
0xa5: {  	v15 =	vadd.f32 v15, v28;
	v28 =	vmul.f32 $2.000000030e-01, v11;
	v14 =	vmul.f32 v14, v23  }
0xa6: {  	v13 =	vmul.f32 v13, v26;
	vm14 =	vgt.f32 v11, $0.0e+00;
	v21 =	vadd.f32 v21, v17  }
0xa7: {  	v20 =	vperm.xlane v19, v3;
	v23 =	vmul.f32 $2.000000030e-01, v15;
	v11 =	vsel vm14, v11, v28;
	[tilespmem:s30+$0xB0] =	vst v14  }
0xa8: {  	vm1 =	vgt.f32 v15, $0.0e+00;
	[tilespmem:s30+$0xFFFFFF90] =	vst v13;
	v13 =	vmul.f32 $2.000000030e-01, v21;
	v11 =	vmul.f32 $1.442695020e+00, v11;
	v14 =	vld [tilespmem:s15+$0xC0]  }
0xa9: {  	v26 =	vld [tilespmem:s15+$0xFFFFFFA0];
	vm15 =	vgt.f32 v21, $0.0e+00;
	v16 =	vmul.f32 v16, v20;
	v20 =	vmul.f32 v31, v12;
	v12 =	vpop (erf)  }
0xaa: {  	v15 =	vsel vm1, v15, v23;
	(erf) = vpow2.f32 v11;
	v12 =	vmul.f32 v1, v12  }
0xab: {  	s0 =	sadd.s32 $0x40, s26;
	v11 =	vsel vm15, v21, v13;
	v13 =	vmul.f32 $1.442695020e+00, v15;
	v15 =	vperm.xlane v10, v6;
	[tilespmem:s30+$0xFFFFFF10] =	vst v16  }
0xac: {  	s17 =	sadd.s32 $0x200, s15;
	v24 =	vperm.xlane v18, v4;
	v11 =	vmul.f32 $1.442695020e+00, v11;
	v16 =	vld [tilespmem:s15+$0xFFFFFF20];
	[tilespmem:s0+$0x10] =	vst v12  }
0xad: {  	[tilespmem:s30+$0x10] =	vst v20;
	(erf) = vpow2.f32 v13;
	v20 =	vld [tilespmem:s17+$0x80];
	v13 =	vmul.f32 v14, v15  }
0xae: {  	v27 =	vperm.xlane v19, v4;
	v21 =	vld [tilespmem:s15+$0x20];
	v15 =	vmul.f32 v26, v24  }
0xaf: {  	v30 =	vperm.xlane v19, v5;
	(erf) = vpow2.f32 v11;
	[tilespmem:s30+$0xC0] =	vst v13  }
0xb0: {  	v11 =	vperm.xlane v12, v2;
	[tilespmem:s30+$0xFFFFFFA0] =	vst v15;
	v15 =	vperm.xlane v19, v8  }
0xb1: {  	v29 =	vperm.xlane v22, v4;
	v16 =	vmul.f32 v16, v27;
	v24 =	vld [tilespmem:s15+$0xD0]  }
0xb2: {  	v25 =	vperm.xlane v18, v5;
	v26 =	vld [tilespmem:s15+$0xFFFFFFB0];
	[tilespmem:$0x1FFB0] =	vst v15;
	v11 =	vmul.f32 v20, v11  }
0xb3: {  	s3 =	sadd.s32 $0x200, s30;
	v17 =	vperm.xlane v19, v6;
	v20 =	vmul.f32 v21, v29;
	[tilespmem:s30+$0xFFFFFF20] =	vst v16  }
0xb4: {  	v27 =	vperm.xlane v10, v7;
	v21 =	vpop (erf);
	[tilespmem:s3+$0x80] =	vst v11;
	v11 =	vperm.xlane v19, v9  }
0xb5: {  	v23 =	vperm.xlane v18, v6;
	v37 =	vmul.f32 v1, v21;
	v28 =	vld [tilespmem:s15+$0xFFFFFF30];
	[tilespmem:s30+$0x20] =	vst v20  }
0xb6: {  	v31 =	vperm.xlane v18, v7;
	v24 =	vmul.f32 v24, v27;
	v27 =	vld [tilespmem:s17+$0x90];
	[tilespmem:$0x1FFC0] =	vst v11  }
0xb7: {  	v14 =	vperm.xlane v19, v7;
	v19 =	vmul.f32 v26, v25;
	v25 =	vpop (erf);
	[tilespmem:s0+$0xFFFFFFF0] =	vst v37  }
0xb8: {  	v29 =	vperm.xlane v18, v8;
	v34 =	vmul.f32 v1, v25;
	v25 =	vld [tilespmem:s17+$0xFFFFFF80];
	[tilespmem:s30+$0xD0] =	vst v24  }
0xb9: {  	v20 =	vperm.xlane v18, v9;
	v18 =	vpop (erf);
	[tilespmem:s30+$0xFFFFFFB0] =	vst v19;
	v19 =	vperm.xlane v12, v3  }
0xba: {  	v11 =	vperm.xlane v22, v9;
	v38 =	vmul.f32 v1, v18;
	v18 =	vld [tilespmem:s15+$0xE0]  }
0xbb: {  	v24 =	vperm.xlane v37, v2;
	v19 =	vmul.f32 v27, v19  }
0xbc: {  	s4 =	sadd.s32 $0x40, s4;
	v26 =	vld [tilespmem:s15+$0x30];
	[tilespmem:$0x1FFF0] =	vst v11  }
0xbd: {  	v40 =	vperm.xlane v10, v8;
	v24 =	vmul.f32 v25, v24;
	v25 =	vld [tilespmem:s4+$0x10];
	[tilespmem:s3+$0x90] =	vst v19  }
0xbe: {  	v33 =	vperm.xlane v22, v5;
	s5 =	sadd.s32 $0x40, s5;
	v59 =	vld [tilespmem:s17+$0xA0]  }
0xbf: {  	v35 =	vperm.xlane v22, v6;
	v18 =	vmul.f32 v18, v40;
	[tilespmem:s3+$0xFFFFFF80] =	vst v24;
	v24 =	vld [tilespmem:s5+$0x10]  }
0xc0: {  	v13 =	vperm.xlane v22, v7;
	v21 =	vperm.xlane v22, v8;
	v22 =	vld [tilespmem:s15+$0xFFFFFFC0]  }
0xc1: {  	v50 =	vld [tilespmem:s4+$0xFFFFFFF0];
	[tilespmem:s30+$0xE0] =	vst v18;
	v18 =	vperm.xlane v12, v4  }
0xc2: {  	[tilespmem:s0+$0xFFFFFFE0] =	vst v34;
	v60 =	vld [tilespmem:s5+$0xFFFFFFF0]  }
0xc3: {  	[tilespmem:s0+$0x0] =	vst v38;
	v36 =	vld [tilespmem:s17+$0xFFFFFF00];
	v40 =	vmul.f32 v59, v18  }
0xc4: {  	v39 =	vld [tilespmem:s17+$0x0];
	v24 =	vadd.f32 v24, v25  }
0xc5: {  	v10 =	vperm.xlane v10, v9;
	v46 =	vld [tilespmem:s17+$0xFFFFFF90];
	[tilespmem:s3+$0xA0] =	vst v40  }
0xc6: {  	v32 =	vperm.xlane v34, v2;
	v25 =	vmul.f32 $2.000000030e-01, v24;
	v40 =	vld [tilespmem:s17+$0xB0]  }
0xc7: {  	v30 =	vmul.f32 v28, v30;
	v27 =	vperm.xlane v38, v2;
	v48 =	vld [tilespmem:s15+$0xF0];
	vm4 =	vgt.f32 v24, $0.0e+00  }
0xc8: {  	v28 =	vld [tilespmem:s5+$0xFFFFFFE0];
	v19 =	vperm.xlane v37, v3;
	v47 =	vmul.f32 v36, v32;
	v24 =	vsel vm4, v24, v25  }
0xc9: {  	v52 =	vld [tilespmem:s4+$0x0];
	v25 =	vperm.xlane v12, v5;
	v24 =	vmul.f32 $1.442695020e+00, v24  }
0xca: {  	v27 =	vmul.f32 v39, v27;
	v46 =	vmul.f32 v46, v19;
	v19 =	vld [tilespmem:s4+$0xFFFFFFE0]  }
0xcb: {  	v53 =	vld [tilespmem:s5+$0x0];
	v39 =	vadd.f32 v60, v50;
	[tilespmem:s3+$0xFFFFFF00] =	vst v47;
	(erf) = vpow2.f32 v24;
	v24 =	vmul.f32 v40, v25  }
0xcc: {  	v61 =	vmul.f32 v22, v23;
	v22 =	vmul.f32 v48, v10;
	v10 =	vld [tilespmem:s17+$0xFFFFFF10]  }
0xcd: {  	v23 =	vmul.f32 $2.000000030e-01, v39;
	[tilespmem:s3+$0xB0] =	vst v24  }
0xce: {  	v44 =	vperm.xlane v37, v4;
	v11 =	vperm.xlane v38, v7;
	vm5 =	vgt.f32 v39, $0.0e+00;
	v24 =	vld [tilespmem:s17+$0xC0]  }
0xcf: {  	v41 =	vperm.xlane v34, v3;
	[tilespmem:s3+$0x0] =	vst v27;
	v63 =	vadd.f32 v28, v19;
	v19 =	vsel vm5, v39, v23  }
0xd0: {  	v49 =	vperm.xlane v37, v5;
	v23 =	vmul.f32 $1.442695020e+00, v19;
	[tilespmem:$0x1FFD0] =	vst v11  }
0xd1: {  	v62 =	vadd.f32 v53, v52;
	v53 =	vperm.xlane v12, v6;
	v10 =	vmul.f32 v10, v41;
	[tilespmem:s3+$0xFFFFFF90] =	vst v46  }
0xd2: {  	v51 =	vmul.f32 v26, v33;
	(erf) = vpow2.f32 v23;
	v27 =	vld [tilespmem:s17+$0x10];
	[tilespmem:s30+$0xFFFFFF30] =	vst v30  }
0xd3: {  	v48 =	vmul.f32 $2.000000030e-01, v63;
	[tilespmem:s3+$0xFFFFFF10] =	vst v10;
	v30 =	vld [tilespmem:s17+$0xFFFFFFA0];
	v10 =	vmul.f32 v24, v53  }
0xd4: {  	v42 =	vperm.xlane v34, v4;
	v52 =	vmul.f32 $2.000000030e-01, v62;
	vm7 =	vgt.f32 v63, $0.0e+00;
	[tilespmem:s30+$0x30] =	vst v51;
	v54 =	vld [tilespmem:s15+$0xFFFFFF40]  }
0xd5: {  	vm6 =	vgt.f32 v62, $0.0e+00;
	v39 =	vsel vm7, v63, v48;
	v55 =	vld [tilespmem:s15+$0x40];
	[tilespmem:s3+$0xC0] =	vst v10;
	v10 =	vperm.xlane v37, v8  }
0xd6: {  	v43 =	vperm.xlane v38, v3;
	v40 =	vsel vm6, v62, v52;
	v39 =	vmul.f32 $1.442695020e+00, v39;
	[tilespmem:s30+$0xFFFFFFC0] =	vst v61;
	v57 =	vld [tilespmem:s17+$0xFFFFFF20];
	v24 =	vpop (erf)  }
0xd7: {  	v40 =	vmul.f32 $1.442695020e+00, v40;
	v58 =	vld [tilespmem:s15+$0xFFFFFFD0];
	v24 =	vmul.f32 v1, v24;
	[tilespmem:$0x1FFE0] =	vst v10  }
0xd8: {  	s19 =	sadd.s32 $0x40, s5;
	s0 =	sadd.s32 $0x40, s0;
	(erf) = vpow2.f32 v39;
	v56 =	vmul.f32 v27, v43;
	v59 =	vld [tilespmem:s17+$0xD0]  }
0xd9: {  	s23 =	sadd.s32 $0x200, s17;
	(erf) = vpow2.f32 v40;
	v17 =	vmul.f32 v54, v17;
	[tilespmem:s0+$0x10] =	vst v24;
	v15 =	vld [tilespmem:s19+$0xFFFFFFF0]  }
0xda: {  	v45 =	vperm.xlane v38, v4;
	s4 =	sadd.s32 $0x40, s4;
	v10 =	vmul.f32 v30, v44;
	[tilespmem:s3+$0x10] =	vst v56;
	v60 =	vld [tilespmem:s23+$0x80]  }
0xdb: {  	v33 =	vperm.xlane v37, v6;
	v62 =	vpop (erf);
	[tilespmem:s30+$0xFFFFFF40] =	vst v17;
	v17 =	vmul.f32 v57, v42;
	v16 =	vld [tilespmem:s4+$0x0]  }
0xdc: {  	v26 =	vperm.xlane v38, v6;
	v43 =	vmul.f32 v1, v62;
	v41 =	vld [tilespmem:s17+$0x20];
	[tilespmem:s3+$0xFFFFFFA0] =	vst v10  }
0xdd: {  	v32 =	vperm.xlane v34, v5;
	v52 =	vld [tilespmem:s15+$0xFFFFFF50];
	[tilespmem:s3+$0xFFFFFF20] =	vst v17;
	v17 =	vperm.xlane v24, v2  }
0xde: {  	v63 =	vperm.xlane v12, v7;
	v10 =	vmul.f32 v55, v35;
	[tilespmem:s0+$0xFFFFFFF0] =	vst v43;
	v61 =	vld [tilespmem:s17+$0xFFFFFFB0]  }
0xdf: {  	v36 =	vperm.xlane v38, v5;
	v55 =	vld [tilespmem:s23+$0xFFFFFF80];
	v17 =	vmul.f32 v60, v17  }
0xe0: {  	s11 =	sadd.s32 $0x200, s3;
	v18 =	vperm.xlane v34, v6;
	[tilespmem:s30+$0x40] =	vst v10;
	v42 =	vld [tilespmem:s17+$0xFFFFFF30];
	v40 =	vmul.f32 v59, v63  }
0xe1: {  	v31 =	vmul.f32 v58, v31;
	v54 =	vpop (erf);
	v48 =	vld [tilespmem:s15+$0x50];
	v53 =	vmul.f32 v41, v45;
	[tilespmem:s11+$0x80] =	vst v17  }
0xe2: {  	v57 =	vpop (erf);
	v45 =	vmul.f32 v1, v54;
	[tilespmem:s3+$0xD0] =	vst v40;
	v17 =	vperm.xlane v43, v2;
	v59 =	vld [tilespmem:s23+$0x90]  }
0xe3: {  	v28 =	vperm.xlane v37, v7;
	[tilespmem:s30+$0xFFFFFFD0] =	vst v31;
	v44 =	vmul.f32 v1, v57;
	v58 =	vld [tilespmem:s17+$0xE0]  }
0xe4: {  	v56 =	vmul.f32 v61, v49;
	v49 =	vld [tilespmem:s15+$0xFFFFFFE0];
	[tilespmem:s0+$0xFFFFFFE0] =	vst v45;
	v17 =	vmul.f32 v55, v17  }
0xe5: {  	v25 =	vperm.xlane v34, v7;
	v31 =	vperm.xlane v24, v3;
	[tilespmem:s0+$0x0] =	vst v44;
	v62 =	vld [tilespmem:s23+$0xFFFFFF00]  }
0xe6: {  	v23 =	vperm.xlane v34, v8;
	v61 =	vperm.xlane v12, v8;
	v63 =	vld [tilespmem:s23+$0x0];
	[tilespmem:s11+$0xFFFFFF80] =	vst v17  }
0xe7: {  	v30 =	vperm.xlane v38, v8;
	v17 =	vld [tilespmem:s23+$0xFFFFFF90];
	v39 =	vmul.f32 v59, v31  }
0xe8: {  	v10 =	vperm.xlane v38, v9;
	v38 =	vmul.f32 v58, v61;
	v58 =	vld [tilespmem:s4+$0x10]  }
0xe9: {  	v34 =	vperm.xlane v34, v9;
	v35 =	vperm.xlane v37, v9;
	v61 =	vld [tilespmem:s19+$0x10];
	[tilespmem:s11+$0x90] =	vst v39  }
0xea: {  	v14 =	vmul.f32 v52, v14;
	v52 =	vperm.xlane v43, v3;
	[tilespmem:s3+$0xE0] =	vst v38;
	v39 =	vld [tilespmem:s23+$0xA0]  }
0xeb: {  	v40 =	vperm.xlane v43, v6;
	v12 =	vperm.xlane v12, v9;
	[tilespmem:s3+$0xFFFFFFB0] =	vst v56;
	v57 =	vld [tilespmem:s17+$0xF0]  }
0xec: {  	[tilespmem:s3+$0x20] =	vst v53;
	v37 =	vperm.xlane v45, v2;
	v60 =	vperm.xlane v44, v2;
	v47 =	vld [tilespmem:s17+$0xFFFFFFC0]  }
0xed: {  	v32 =	vmul.f32 v42, v32;
	v42 =	vperm.xlane v24, v4;
	[tilespmem:s30+$0xFFFFFF50] =	vst v14;
	v46 =	vld [tilespmem:s17+$0x30]  }
0xee: {  	v51 =	vperm.xlane v45, v3;
	v11 =	vld [tilespmem:s15+$0xFFFFFF60];
	v50 =	vmul.f32 v62, v37  }
0xef: {  	v62 =	vld [tilespmem:s19+$0xFFFFFFE0];
	v52 =	vmul.f32 v17, v52;
	v17 =	vmul.f32 v39, v42  }
0xf0: {  	v60 =	vmul.f32 v63, v60;
	v63 =	vld [tilespmem:s4+$0xFFFFFFF0];
	v42 =	vmul.f32 v57, v12;
	v12 =	vadd.f32 v61, v58  }
0xf1: {  	v53 =	vperm.xlane v45, v4;
	v33 =	vmul.f32 v47, v33;
	v47 =	vld [tilespmem:s19+$0x0];
	[tilespmem:s11+$0xA0] =	vst v17  }
0xf2: {  	v54 =	vperm.xlane v44, v3;
	[tilespmem:s11+$0xFFFFFF00] =	vst v50;
	v58 =	vmul.f32 $2.000000030e-01, v12;
	v61 =	vld [tilespmem:s23+$0xB0]  }
0xf3: {  	v41 =	vperm.xlane v44, v5;
	v14 =	vperm.xlane v45, v8;
	v50 =	vld [tilespmem:s23+$0xFFFFFF10];
	[tilespmem:s11+$0xFFFFFF90] =	vst v52;
	vm8 =	vgt.f32 v12, $0.0e+00  }
0xf4: {  	v56 =	vperm.xlane v44, v4;
	[tilespmem:s3+$0xFFFFFF30] =	vst v32;
	v46 =	vmul.f32 v46, v36;
	v32 =	vld [tilespmem:s23+$0xFFFFFFA0];
	v12 =	vsel vm8, v12, v58  }
0xf5: {  	[tilespmem:s11+$0x0] =	vst v60;
	v60 =	vperm.xlane v24, v5;
	v57 =	vld [tilespmem:s4+$0xFFFFFFE0];
	v58 =	vmul.f32 $1.442695020e+00, v12  }
0xf6: {  	v48 =	vmul.f32 v48, v13;
	v13 =	vperm.xlane v43, v8;
	v19 =	vld [tilespmem:$0x1FFB0];
	[tilespmem:s3+$0x30] =	vst v46  }
0xf7: {  	[tilespmem:s3+$0xFFFFFFC0] =	vst v33;
	v33 =	vld [tilespmem:s17+$0x40];
	(erf) = vpow2.f32 v58;
	v61 =	vmul.f32 v61, v60  }
0xf8: {  	v55 =	vperm.xlane v43, v4;
	v29 =	vmul.f32 v49, v29;
	v15 =	vadd.f32 v15, v63;
	v63 =	vld [tilespmem:s23+$0x10]  }
0xf9: {  	v31 =	vperm.xlane v45, v5;
	v16 =	vadd.f32 v47, v16;
	v50 =	vmul.f32 v50, v51;
	[tilespmem:s11+$0xB0] =	vst v61  }
0xfa: {  	v59 =	vperm.xlane v43, v5;
	v47 =	vmul.f32 $2.000000030e-01, v15;
	[tilespmem:s30+$0x50] =	vst v48;
	v60 =	vld [tilespmem:s23+$0xC0]  }
0xfb: {  	v49 =	vld [tilespmem:s17+$0xFFFFFF40];
	[tilespmem:s11+$0xFFFFFF10] =	vst v50;
	v32 =	vmul.f32 v32, v55;
	v52 =	vadd.f32 v62, v57;
	v57 =	vmul.f32 $2.000000030e-01, v16  }
0xfc: {  	s5 =	sadd.s32 $0x40, s4;
	vm9 =	vgt.f32 v15, $0.0e+00;
	[tilespmem:s30+$0xFFFFFFE0] =	vst v29;
	v11 =	vmul.f32 v11, v19;
	v26 =	vmul.f32 v33, v26  }
0xfd: {  	v27 =	vld [tilespmem:s5+$0x0];
	v15 =	vsel vm9, v15, v47;
	[tilespmem:s11+$0xFFFFFFA0] =	vst v32;
	v61 =	vmul.f32 v63, v54;
	v63 =	vperm.xlane v24, v6  }
0xfe: {  	vm10 =	vgt.f32 v16, $0.0e+00;
	v15 =	vmul.f32 $1.442695020e+00, v15;
	v48 =	vld [tilespmem:s17+$0xFFFFFFD0];
	v62 =	vmul.f32 $2.000000030e-01, v52;
	[tilespmem:s30+$0xFFFFFF60] =	vst v11  }
0xff: {  	vm11 =	vgt.f32 v52, $0.0e+00;
	v16 =	vsel vm10, v16, v57;
	v54 =	vld [tilespmem:s23+$0xFFFFFF20];
	[tilespmem:s3+$0x40] =	vst v26;
	v57 =	vmul.f32 v60, v63  }
0x100: {  	(erf) = vpow2.f32 v15;
	v52 =	vsel vm11, v52, v62;
	v29 =	vld [tilespmem:s15+$0xFFFFFF70];
	[tilespmem:s11+$0x10] =	vst v61;
	v58 =	vpop (erf);
	v60 =	vmul.f32 v49, v18  }
0x101: {  	v62 =	vmul.f32 $1.442695020e+00, v52;
	v11 =	vld [tilespmem:s23+$0x20];
	v18 =	vmul.f32 v1, v58;
	[tilespmem:s11+$0xC0] =	vst v57  }
0x102: {  	s0 =	sadd.s32 $0x40, s0;
	v37 =	vperm.xlane v44, v6;
	v36 =	vperm.xlane v45, v7;
	v61 =	vld [tilespmem:s15+$0xFFFFFFF0];
	[tilespmem:s3+$0xFFFFFF40] =	vst v60  }
0x103: {  	v38 =	vperm.xlane v45, v6;
	(erf) = vpow2.f32 v62;
	v63 =	vld [tilespmem:s23+$0xFFFFFFB0];
	[tilespmem:s0+$0x10] =	vst v18  }
0x104: {  	v17 =	vperm.xlane v44, v7;
	v15 =	vmul.f32 $1.442695020e+00, v16;
	v19 =	vld [tilespmem:$0x1FFC0]  }
0x105: {  	v12 =	vperm.xlane v44, v8;
	v52 =	vld [tilespmem:s15+$0x60];
	v54 =	vmul.f32 v54, v53  }
0x106: {  	s13 =	sadd.s32 $0x200, s23;
	(erf) = vpow2.f32 v15;
	v55 =	vmul.f32 v11, v56;
	v62 =	vld [tilespmem:s23+$0xD0]  }
0x107: {  	v28 =	vmul.f32 v48, v28;
	v49 =	vmul.f32 v61, v20;
	v56 =	vld [tilespmem:s13+$0x80];
	[tilespmem:s11+$0xFFFFFF20] =	vst v54  }
0x108: {  	v50 =	vld [tilespmem:s17+$0x50];
	v11 =	vperm.xlane v44, v9;
	v57 =	vperm.xlane v24, v7;
	[tilespmem:s11+$0x20] =	vst v55  }
0x109: {  	v47 =	vld [tilespmem:s17+$0xFFFFFF50];
	[tilespmem:s3+$0xFFFFFFD0] =	vst v28;
	v33 =	vmul.f32 v63, v59;
	v26 =	vmul.f32 v29, v19;
	v29 =	vpop (erf)  }
0x10a: {  	v58 =	vperm.xlane v18, v2;
	[tilespmem:s30+$0xF0] =	vst v22;
	v20 =	vld [tilespmem:s23+$0xFFFFFF30];
	v44 =	vmul.f32 v1, v29  }
0x10b: {  	v39 =	vperm.xlane v43, v7;
	v48 =	vld [tilespmem:s23+$0x30];
	[tilespmem:s11+$0xFFFFFFB0] =	vst v33;
	v32 =	vmul.f32 v62, v57  }
0x10c: {  	v16 =	vperm.xlane v45, v9;
	v51 =	vld [tilespmem:s17+$0xFFFFFFE0];
	v45 =	vmul.f32 v56, v58;
	v29 =	vpop (erf);
	[tilespmem:s0+$0xFFFFFFF0] =	vst v44  }
0x10d: {  	s14 =	sadd.s32 $0x200, s11;
	v15 =	vperm.xlane v43, v9;
	[tilespmem:s11+$0xD0] =	vst v32;
	v29 =	vmul.f32 v1, v29;
	v60 =	vld [tilespmem:s13+$0xFFFFFF80]  }
0x10e: {  	v21 =	vmul.f32 v52, v21;
	v22 =	vperm.xlane v24, v9;
	v62 =	vld [tilespmem:s23+$0xE0];
	[tilespmem:s14+$0x80] =	vst v45  }
0x10f: {  	v63 =	vperm.xlane v24, v8;
	v25 =	vmul.f32 v47, v25;
	v59 =	vpop (erf);
	v33 =	vld [tilespmem:s13+$0x90];
	[tilespmem:s0+$0xFFFFFFE0] =	vst v29  }
0x110: {  	v43 =	vmul.f32 v1, v59;
	v61 =	vperm.xlane v44, v2;
	v53 =	vld [tilespmem:s13+$0xFFFFFF00]  }
0x111: {  	v56 =	vld [tilespmem:s23+$0xFFFFFFC0];
	[tilespmem:s3+$0xFFFFFF50] =	vst v25;
	v25 =	vperm.xlane v18, v3;
	v20 =	vmul.f32 v20, v31  }
0x112: {  	v19 =	vld [tilespmem:s5+$0xFFFFFFF0];
	v41 =	vmul.f32 v48, v41;
	[tilespmem:s0+$0x0] =	vst v43;
	v32 =	vmul.f32 v60, v61  }
0x113: {  	v55 =	vperm.xlane v44, v3;
	v47 =	vperm.xlane v29, v2;
	v28 =	vld [tilespmem:s13+$0x0]  }
0x114: {  	v46 =	vmul.f32 v62, v63;
	v62 =	vld [tilespmem:s5+$0x10];
	v25 =	vmul.f32 v33, v25;
	[tilespmem:s14+$0xFFFFFF80] =	vst v32  }
0x115: {  	s19 =	sadd.s32 $0x40, s19;
	[tilespmem:s30+$0xFFFFFF70] =	vst v26;
	v57 =	vperm.xlane v44, v4;
	v47 =	vmul.f32 v53, v47;
	v53 =	vld [tilespmem:s13+$0xFFFFFF90]  }
0x116: {  	v31 =	vperm.xlane v44, v6;
	v26 =	vperm.xlane v44, v7;
	v63 =	vld [tilespmem:s19+$0x10];
	[tilespmem:s14+$0x90] =	vst v25  }
0x117: {  	[tilespmem:s3+$0xF0] =	vst v42;
	v54 =	vperm.xlane v29, v3;
	v52 =	vperm.xlane v43, v2;
	v48 =	vld [tilespmem:s13+$0xA0]  }
0x118: {  	[tilespmem:s30+$0x60] =	vst v21;
	v45 =	vperm.xlane v29, v4;
	v24 =	vperm.xlane v29, v7;
	v60 =	vld [tilespmem:s17+$0xFFFFFF60]  }
0x119: {  	v40 =	vmul.f32 v56, v40;
	v56 =	vld [tilespmem:s19+$0xFFFFFFE0];
	[tilespmem:s11+$0xE0] =	vst v46;
	v52 =	vmul.f32 v28, v52  }
0x11a: {  	[tilespmem:s14+$0xFFFFFF00] =	vst v47;
	v42 =	vmul.f32 v53, v55;
	v53 =	vperm.xlane v18, v4;
	v55 =	vld [tilespmem:s19+$0xFFFFFFF0]  }
0x11b: {  	v58 =	vperm.xlane v43, v3;
	v59 =	vperm.xlane v43, v4;
	v47 =	vadd.f32 v63, v62;
	v21 =	vld [tilespmem:$0x1FFD0]  }
0x11c: {  	v33 =	vperm.xlane v43, v5;
	[tilespmem:s14+$0x0] =	vst v52;
	v63 =	vld [tilespmem:s13+$0xFFFFFF10];
	v48 =	vmul.f32 v48, v53  }
0x11d: {  	[tilespmem:s11+$0xFFFFFF30] =	vst v20;
	v52 =	vmul.f32 v60, v23;
	v60 =	vmul.f32 $2.000000030e-01, v47;
	v53 =	vld [tilespmem:s19+$0x0]  }
0x11e: {  	v46 =	vperm.xlane v44, v5;
	v32 =	vperm.xlane v29, v5;
	vm12 =	vgt.f32 v47, $0.0e+00;
	[tilespmem:s14+$0xA0] =	vst v48;
	v48 =	vld [tilespmem:s5+$0xFFFFFFE0]  }
0x11f: {  	v28 =	vperm.xlane v29, v6;
	v47 =	vsel vm12, v47, v60;
	v55 =	vadd.f32 v55, v19;
	v19 =	vld [tilespmem:$0x1FFE0]  }
0x120: {  	v60 =	vperm.xlane v18, v5;
	v62 =	vld [tilespmem:s13+$0xB0];
	[tilespmem:s11+$0x30] =	vst v41;
	v41 =	vmul.f32 $1.442695020e+00, v47  }
0x121: {  	v61 =	vld [tilespmem:s23+$0xF0];
	v50 =	vmul.f32 v50, v21;
	v21 =	vperm.xlane v29, v8;
	[tilespmem:s14+$0xFFFFFF90] =	vst v42  }
0x122: {  	v54 =	vmul.f32 v63, v54;
	[tilespmem:s30+$0xFFFFFFF0] =	vst v49;
	v42 =	vld [tilespmem:s13+$0xFFFFFFA0];
	(erf) = vpow2.f32 v41  }
0x123: {  	[tilespmem:s11+$0xFFFFFFC0] =	vst v40;
	v27 =	vadd.f32 v53, v27;
	v53 =	vld [tilespmem:s23+$0xFFFFFF40];
	v48 =	vadd.f32 v56, v48;
	v56 =	vmul.f32 $2.000000030e-01, v55  }
0x124: {  	[tilespmem:s3+$0x50] =	vst v50;
	v51 =	vmul.f32 v51, v19;
	v19 =	vperm.xlane v29, v9;
	v29 =	vld [tilespmem:s13+$0x10]  }
0x125: {  	v25 =	vperm.xlane v43, v6;
	[tilespmem:s3+$0xFFFFFF60] =	vst v52;
	vm13 =	vgt.f32 v55, $0.0e+00;
	v41 =	vld [tilespmem:s23+$0x40];
	v40 =	vmul.f32 v62, v60  }
0x126: {  	v20 =	vperm.xlane v43, v8;
	v61 =	vmul.f32 v61, v22;
	[tilespmem:s14+$0xFFFFFF10] =	vst v54;
	v50 =	vld [tilespmem:s17+$0xFFFFFF70];
	v49 =	vsel vm13, v55, v56  }
0x127: {  	v60 =	vmul.f32 $2.000000030e-01, v48;
	v55 =	vld [tilespmem:s23+$0xFFFFFFD0];
	[tilespmem:s14+$0xB0] =	vst v40;
	v63 =	vmul.f32 $1.442695020e+00, v49  }
0x128: {  	[tilespmem:s11+$0xF0] =	vst v61;
	v62 =	vmul.f32 $2.000000030e-01, v27;
	vm15 =	vgt.f32 v48, $0.0e+00;
	v42 =	vmul.f32 v42, v57;
	v52 =	vld [tilespmem:s13+$0xC0]  }
0x129: {  	v56 =	vld [tilespmem:s13+$0xFFFFFF20];
	[tilespmem:s3+$0xFFFFFFE0] =	vst v51;
	v38 =	vmul.f32 v53, v38;
	v47 =	vsel vm15, v48, v60;
	v29 =	vmul.f32 v29, v58  }
0x12a: {  	vm14 =	vgt.f32 v27, $0.0e+00;
	v40 =	vld [tilespmem:s17+$0x60];
	v41 =	vmul.f32 v41, v37;
	[tilespmem:s14+$0xFFFFFFA0] =	vst v42;
	v47 =	vmul.f32 $1.442695020e+00, v47  }
0x12b: {  	v27 =	vsel vm14, v27, v62;
	v62 =	vld [tilespmem:s15+$0x70];
	(erf) = vpow2.f32 v63;
	v58 =	vperm.xlane v18, v6;
	v63 =	vpop (erf);
	[tilespmem:s14+$0x10] =	vst v29  }
0x12c: {  	v27 =	vmul.f32 $1.442695020e+00, v27;
	[tilespmem:s11+$0xFFFFFF40] =	vst v38;
	v37 =	vmul.f32 v1, v63;
	v29 =	vld [tilespmem:s13+$0x20]  }
0x12d: {  	s0 =	sadd.s32 $0x40, s0;
	v61 =	vld [tilespmem:s13+$0xFFFFFFB0];
	[tilespmem:s11+$0x40] =	vst v41;
	(erf) = vpow2.f32 v47;
	v47 =	vmul.f32 v52, v58  }
0x12e: {  	v60 =	vld [tilespmem:s17+$0xFFFFFFF0];
	v52 =	vmul.f32 v55, v39;
	v55 =	vmul.f32 v56, v45;
	[tilespmem:s0+$0x10] =	vst v37  }
0x12f: {  	v23 =	vperm.xlane v44, v8;
	v54 =	vld [tilespmem:s23+$0xFFFFFF50];
	(erf) = vpow2.f32 v27;
	[tilespmem:s14+$0xC0] =	vst v47  }
0x130: {  	v22 =	vperm.xlane v43, v7;
	v41 =	vmul.f32 v50, v34;
	[tilespmem:s14+$0xFFFFFF20] =	vst v55;
	v56 =	vld [tilespmem:s13+$0xD0]  }
0x131: {  	v27 =	vperm.xlane v44, v9;
	v29 =	vmul.f32 v29, v59;
	v59 =	vld [tilespmem:$0x1FFF0]  }
0x132: {  	s26 =	sadd.s32 $0x200, s13;
	v53 =	vmul.f32 v40, v30;
	v58 =	vmul.f32 v61, v46  }
0x133: {  	v30 =	vperm.xlane v43, v9;
	v57 =	vld [tilespmem:s26+$0x80];
	[tilespmem:s14+$0x20] =	vst v29;
	v29 =	vperm.xlane v18, v7  }
0x134: {  	v43 =	vmul.f32 v60, v35;
	v39 =	vld [tilespmem:s23+$0x50];
	v42 =	vmul.f32 v54, v36;
	v60 =	vpop (erf);
	[tilespmem:s14+$0xFFFFFFB0] =	vst v58  }
0x135: {  	v49 =	vld [tilespmem:s13+$0xFFFFFF30];
	[tilespmem:s11+$0xFFFFFFD0] =	vst v52;
	v34 =	vmul.f32 v1, v60;
	v45 =	vmul.f32 v56, v29  }
0x136: {  	[tilespmem:s3+$0xFFFFFF70] =	vst v41;
	v48 =	vld [tilespmem:s13+$0xFFFFFFC0];
	v61 =	vpop (erf);
	v38 =	vmul.f32 v62, v59;
	v62 =	vperm.xlane v37, v2  }
0x137: {  	v51 =	vld [tilespmem:s13+$0x30];
	v36 =	vmul.f32 v1, v61;
	[tilespmem:s0+$0xFFFFFFF0] =	vst v34;
	v50 =	vperm.xlane v34, v2  }
0x138: {  	v63 =	vpop (erf);
	v52 =	vperm.xlane v34, v3;
	v54 =	vld [tilespmem:s26+$0xFFFFFF80];
	[tilespmem:s14+$0xD0] =	vst v45;
	v35 =	vmul.f32 v57, v62  }
0x139: {  	s15 =	sadd.s32 $0x200, s14;
	v44 =	vperm.xlane v34, v4;
	v29 =	vmul.f32 v1, v63;
	[tilespmem:s0+$0xFFFFFFE0] =	vst v36;
	v56 =	vld [tilespmem:s13+$0xE0]  }
0x13a: {  	v61 =	vperm.xlane v37, v3;
	v41 =	vperm.xlane v34, v5;
	v58 =	vld [tilespmem:s26+$0xFFFFFF00];
	[tilespmem:s15+$0x80] =	vst v35  }
0x13b: {  	v55 =	vperm.xlane v36, v2;
	v46 =	vperm.xlane v36, v3;
	[tilespmem:s0+$0x0] =	vst v29;
	v59 =	vld [tilespmem:s26+$0x90]  }
0x13c: {  	[tilespmem:s11+$0xFFFFFF50] =	vst v42;
	v40 =	vperm.xlane v36, v4;
	v60 =	vld [tilespmem:s26+$0x0];
	v35 =	vperm.xlane v18, v8  }
0x13d: {  	[tilespmem:s3+$0x60] =	vst v53;
	v53 =	vperm.xlane v36, v5;
	v45 =	vld [tilespmem:s23+$0xFFFFFFE0];
	v54 =	vmul.f32 v54, v50  }
0x13e: {  	v47 =	vperm.xlane v29, v3;
	v50 =	vld [tilespmem:s23+$0xFFFFFF60];
	v62 =	vmul.f32 v56, v35  }
0x13f: {  	v57 =	vperm.xlane v29, v2;
	v55 =	vmul.f32 v58, v55;
	[tilespmem:s15+$0xFFFFFF80] =	vst v54;
	v35 =	vld [tilespmem:s17+$0x70]  }
0x140: {  	s4 =	simm.s32 $0x10;
	v42 =	vperm.xlane v29, v4;
	v56 =	vld [tilespmem:s26+$0xFFFFFF90];
	[tilespmem:s14+$0xE0] =	vst v62;
	v58 =	vmul.f32 v59, v61  }
0x141: {  	s5 =	sadd.s32 $0x40, s5;
	v54 =	vperm.xlane v29, v5;
	s17 =	sand.u32 $0x3, s12;
	v57 =	vmul.f32 v60, v57;
	s12 =	smov.u32 s26;
	[tilespmem:s15+$0xFFFFFF00] =	vst v55;
	v55 =	vld [tilespmem:s13+$0xF0]  }
.LBB2_9:
0x142: {  	v59 =	vld [tilespmem:s5+$0x10];
	[tilespmem:s15+$0x90] =	vst v58;
	v49 =	vmul.f32 v49, v32;
	v51 =	vmul.f32 v51, v33;
	v32 =	vmov v53  }
0x143: {  	v53 =	vperm.xlane v36, v6;
	v58 =	vperm.xlane v34, v6;
	s19 =	sadd.s32 $0x40, s19;
	[tilespmem:s15+$0x0] =	vst v57;
	v57 =	vld [tilespmem:s26+$0xA0];
	v33 =	vmov v54  }
0x144: {  	s4 =	sadd.s32 $0x4, s4;
	v60 =	vperm.xlane v29, v6;
	v54 =	vld [tilespmem:s19+$0x10];
	[tilespmem:s14+$0xFFFFFF30] =	vst v49;
	v49 =	vperm.xlane v18, v9;
	v18 =	vmov v37  }
0x145: {  	p0 =	slt.u32 s4, $0x24;
	v37 =	vld [tilespmem:s19+$0xFFFFFFE0];
	v52 =	vmul.f32 v56, v52;
	v56 =	vmul.f32 v48, v31;
	[tilespmem:s14+$0x30] =	vst v51;
	v31 =	vmov v58  }
0x146: {  	v58 =	vperm.xlane v18, v4;
	v51 =	vld [tilespmem:s5+$0xFFFFFFF0];
	v49 =	vmul.f32 v55, v49;
	[tilespmem:s3+$0xFFFFFFF0] =	vst v43  }
0x147: {  	v48 =	vperm.xlane v36, v7;
	v43 =	vld [tilespmem:s19+$0xFFFFFFF0];
	[tilespmem:s15+$0xFFFFFF90] =	vst v52;
	v52 =	vperm.xlane v34, v7  }
0x148: {  	v61 =	vperm.xlane v29, v7;
	v55 =	vld [tilespmem:s5+$0x0];
	v57 =	vmul.f32 v57, v58;
	[tilespmem:s14+$0xF0] =	vst v49  }
0x149: {  	v39 =	vmul.f32 v39, v17;
	v58 =	vperm.xlane v36, v8;
	v49 =	vld [tilespmem:s19+$0x0];
	v54 =	vadd.f32 v54, v59;
	[tilespmem:s14+$0xFFFFFFC0] =	vst v56  }
0x14a: {  	v62 =	vperm.xlane v29, v8;
	v17 =	vmovc v22;
	v22 =	vmov v61;
	v59 =	vperm.xlane v34, v8;
	v56 =	vld [tilespmem:s5+$0xFFFFFFE0];
	[tilespmem:s15+$0xA0] =	vst v57  }
0x14b: {  	v50 =	vmul.f32 v50, v14;
	v14 =	vmovc v21;
	v21 =	vmov v58;
	v57 =	vmul.f32 $2.000000030e-01, v54;
	v61 =	vld [tilespmem:s26+$0xB0];
	[tilespmem:s11+$0x50] =	vst v39  }
0x14c: {  	v45 =	vmul.f32 v45, v13;
	v13 =	vmovc v23;
	vm0 =	vgt.f32 v54, $0.0e+00;
	v39 =	vadd.f32 v43, v51;
	v43 =	vld [tilespmem:s26+$0xFFFFFF10];
	[tilespmem:s30+$0x70] =	vst v38;
	s30 =	smov.u32 s3;
	s3 =	smov.u32 s11;
	s11 =	smov.u32 s14  }
0x14d: {  	v36 =	vperm.xlane v36, v9;
	v34 =	vperm.xlane v34, v9;
	s14 =	smov.u32 s15;
	v57 =	vsel vm0, v54, v57;
	v38 =	vld [tilespmem:s26+$0x10];
	[tilespmem:s3+$0xFFFFFF60] =	vst v50  }
0x14e: {  	v23 =	vmovc v59;
	v54 =	vperm.xlane v18, v5;
	v49 =	vadd.f32 v49, v55;
	v50 =	vmul.f32 $1.442695020e+00, v57;
	v51 =	vld [tilespmem:s26+$0xFFFFFFA0];
	[tilespmem:s3+$0xFFFFFFE0] =	vst v45  }
0x14f: {  	vm0 =	vgt.f32 v39, $0.0e+00;
	v45 =	vmul.f32 $2.000000030e-01, v39;
	v37 =	vadd.f32 v37, v56;
	v55 =	vld [tilespmem:s13+$0xFFFFFF40]  }
0x150: {  	vm1 =	vgt.f32 v49, $0.0e+00;
	(erf) = vpow2.f32 v50;
	v50 =	vmul.f32 v61, v54;
	v54 =	vld [tilespmem:s13+$0x40]  }
0x151: {  	v57 =	vmul.f32 $2.000000030e-01, v49;
	vm2 =	vgt.f32 v37, $0.0e+00;
	v56 =	vmul.f32 $2.000000030e-01, v37;
	v58 =	vld [tilespmem:s13+$0xFFFFFFD0]  }
0x152: {  	v39 =	vsel vm0, v39, v45;
	v43 =	vmul.f32 v43, v46;
	v38 =	vmul.f32 v38, v47;
	[tilespmem:s15+$0xB0] =	vst v50;
	v45 =	vld [tilespmem:s23+$0x60]  }
0x153: {  	v39 =	vmul.f32 $1.442695020e+00, v39;
	v46 =	vsel vm1, v49, v57;
	v37 =	vsel vm2, v37, v56;
	v47 =	vld [tilespmem:s26+$0xC0]  }
0x154: {  	v46 =	vmul.f32 $1.442695020e+00, v46;
	v37 =	vmul.f32 $1.442695020e+00, v37;
	[tilespmem:s15+$0xFFFFFF10] =	vst v43;
	v43 =	vld [tilespmem:s23+$0xFFFFFF70]  }
0x155: {  	v44 =	vmul.f32 v51, v44;
	(erf) = vpow2.f32 v39;
	v39 =	vld [tilespmem:s26+$0xFFFFFF20];
	[tilespmem:s15+$0x10] =	vst v38  }
0x156: {  	v51 =	vperm.xlane v18, v6;
	(erf) = vpow2.f32 v37;
	v38 =	vld [tilespmem:s26+$0x20]  }
0x157: {  	(erf) = vpow2.f32 v46;
	[tilespmem:s15+$0xFFFFFFA0] =	vst v44;
	v44 =	vmul.f32 v55, v28;
	v46 =	vld [tilespmem:s23+$0xFFFFFFF0];
	v28 =	vmov v53  }
0x158: {  	v50 =	vmul.f32 v54, v25;
	v25 =	vmov v60;
	v49 =	vld [tilespmem:s26+$0xFFFFFFB0];
	v47 =	vmul.f32 v47, v51  }
0x159: {  	v53 =	vmul.f32 v45, v12;
	v37 =	vpop (erf);
	[tilespmem:s11+$0xFFFFFF40] =	vst v44;
	v44 =	vmul.f32 v58, v26;
	v26 =	vmov v52  }
0x15a: {  	v12 =	vmovc v20;
	v20 =	vmov v62;
	v37 =	vmul.f32 v1, v37;
	v40 =	vmul.f32 v39, v40;
	[tilespmem:s15+$0xC0] =	vst v47;
	v45 =	vld [tilespmem:s13+$0xFFFFFF50]  }
0x15b: {  	v29 =	vperm.xlane v29, v9;
	s0 =	sadd.s32 $0x40, s0;
	v42 =	vmul.f32 v38, v42;
	v47 =	vld [tilespmem:s26+$0xD0];
	[tilespmem:s11+$0x40] =	vst v50  }
0x15c: {  	v54 =	vmul.f32 v43, v16;
	v16 =	vmovc v19;
	v19 =	vmov v36;
	s26 =	sadd.s32 $0x200, s26;
	[tilespmem:s0+$0x10] =	vst v37;
	v39 =	vld [tilespmem:s13+$0x50];
	v43 =	vmul.f32 v46, v15  }
0x15d: {  	v38 =	vmul.f32 v35, v10;
	v15 =	vmovc v27;
	v27 =	vmov v34;
	v46 =	vld [tilespmem:s26+$0x80];
	[tilespmem:s15+$0xFFFFFF20] =	vst v40;
	v36 =	vmul.f32 v49, v41  }
0x15e: {  	v35 =	vperm.xlane v18, v7;
	v10 =	vmov v11;
	v11 =	vmov v30;
	v34 =	vpop (erf);
	v49 =	vld [tilespmem:s12+$0xFFFFFF30];
	[tilespmem:s15+$0x20] =	vst v42  }
0x15f: {  	v34 =	vmul.f32 v1, v34;
	v40 =	vpop (erf);
	[tilespmem:s15+$0xFFFFFFB0] =	vst v36;
	v51 =	vld [tilespmem:s12+$0x30];
	v41 =	vmul.f32 v45, v24;
	v24 =	vmov v48  }
0x160: {  	v30 =	vmov v29;
	v42 =	vperm.xlane v37, v2;
	v45 =	vpop (erf);
	v48 =	vld [tilespmem:s12+$0xFFFFFFC0];
	v35 =	vmul.f32 v47, v35;
	[tilespmem:s11+$0xFFFFFFD0] =	vst v44  }
0x161: {  	v36 =	vmul.f32 v1, v40;
	[tilespmem:s0+$0xFFFFFFF0] =	vst v34;
	v29 =	vmul.f32 v1, v45;
	v45 =	vld [tilespmem:s13+$0xFFFFFFE0]  }
0x162: {  	v50 =	vperm.xlane v34, v2;
	v55 =	vld [tilespmem:s26+$0xFFFFFF80];
	v40 =	vmul.f32 v46, v42;
	[tilespmem:s15+$0xD0] =	vst v35  }
0x163: {  	v56 =	vperm.xlane v36, v2;
	s15 =	sadd.s32 $0x200, s15;
	[tilespmem:s0+$0xFFFFFFE0] =	vst v36;
	v57 =	vperm.xlane v29, v2;
	v35 =	vld [tilespmem:s12+$0xE0]  }
0x164: {  	v52 =	vperm.xlane v34, v3;
	v46 =	vperm.xlane v36, v3;
	v58 =	vld [tilespmem:s26+$0xFFFFFF00];
	[tilespmem:s15+$0x80] =	vst v40  }
0x165: {  	v47 =	vperm.xlane v29, v3;
	v40 =	vperm.xlane v36, v4;
	[tilespmem:s0+$0x0] =	vst v29;
	v59 =	vld [tilespmem:s26+$0x90]  }
0x166: {  	v61 =	vperm.xlane v18, v8;
	v44 =	vperm.xlane v34, v4;
	v60 =	vld [tilespmem:s26+$0x0];
	[tilespmem:s11+$0xFFFFFF50] =	vst v41  }
.Ltmp3:
0x167: {  	v42 =	vperm.xlane v29, v4;
	v41 =	vmul.f32 v55, v50;
	v50 =	vld [tilespmem:s13+$0xFFFFFF60];
	[tilespmem:s3+$0x60] =	vst v53;
	(pc) =	sbr.rel @p0 .LBB2_9-.Ltmp3, $4  }
0x168: {  	v55 =	vperm.xlane v37, v3;
	v61 =	vmul.f32 v35, v61;
	[tilespmem:s3+$0xFFFFFF70] =	vst v54;
	v35 =	vld [tilespmem:s23+$0x70];
	s23 =	smov.u32 s13;
	s13 =	smov.u32 s12;
	s12 =	smov.u32 s26  }
0x169: {  	v53 =	vperm.xlane v36, v5;
	v54 =	vmul.f32 v58, v56;
	[tilespmem:s15+$0xFFFFFF80] =	vst v41  }
0x16a: {  	v41 =	vperm.xlane v34, v5;
	v56 =	vld [tilespmem:s26+$0xFFFFFF90];
	v58 =	vmul.f32 v59, v55;
	[tilespmem:s14+$0xE0] =	vst v61  }
0x16b: {  	s5 =	sadd.s32 $0x40, s5;
	[tilespmem:s15+$0xFFFFFF00] =	vst v54;
	v57 =	vmul.f32 v60, v57;
	v54 =	vperm.xlane v29, v5;
	v55 =	vld [tilespmem:s13+$0xF0]  }
0x16c: {  	v59 =	vld [tilespmem:s26+$0xFFFFFF10]  }
0x16d: {  	[tilespmem:s15+$0x0] =	vst v57  }
0x16e: {  	v60 =	vld [tilespmem:s26+$0x10];
	_ =	sdelay $0x1  }
0x16f: {  	[tilespmem:s15+$0x90] =	vst v58  }
0x170: {  	v58 =	vld [tilespmem:s26+$0xA0];
	v46 =	vmul.f32 v59, v46  }
0x171: {  	[tilespmem:s3+$0xFFFFFFF0] =	vst v43;
	v52 =	vmul.f32 v56, v52  }
0x172: {  	[tilespmem:s15+$0xFFFFFF10] =	vst v46;
	v60 =	vmul.f32 v60, v47  }
0x173: {  	v57 =	vperm.xlane v37, v4;
	[tilespmem:s15+$0xFFFFFF90] =	vst v52;
	v61 =	vld [tilespmem:s26+$0xFFFFFF20]  }
0x174: {  	v32 =	vmul.f32 v49, v32;
	v62 =	vld [tilespmem:s26+$0xFFFFFFA0];
	[tilespmem:s15+$0x10] =	vst v60  }
0x175: {  	[tilespmem:s30+$0x70] =	vst v38;
	v57 =	vmul.f32 v58, v57;
	v52 =	vld [tilespmem:s26+$0x20]  }
0x176: {  	v33 =	vmul.f32 v51, v33;
	[tilespmem:s14+$0xFFFFFF30] =	vst v32  }
0x177: {  	v31 =	vmul.f32 v48, v31;
	[tilespmem:s15+$0xA0] =	vst v57  }
0x178: {  	[tilespmem:s14+$0x30] =	vst v33;
	v56 =	vld [tilespmem:s26+$0xB0];
	v40 =	vmul.f32 v61, v40  }
0x179: {  	[tilespmem:s14+$0xFFFFFFC0] =	vst v31;
	v58 =	vmul.f32 v62, v44  }
0x17a: {  	[tilespmem:s15+$0xFFFFFF20] =	vst v40;
	v32 =	vmul.f32 v52, v42  }
0x17b: {  	v63 =	vperm.xlane v37, v5;
	v17 =	vmul.f32 v39, v17;
	[tilespmem:s15+$0xFFFFFFA0] =	vst v58;
	v60 =	vld [tilespmem:s12+$0xFFFFFF30]  }
0x17c: {  	v18 =	vperm.xlane v18, v9;
	v14 =	vmul.f32 v50, v14;
	v61 =	vld [tilespmem:s26+$0xFFFFFFB0];
	[tilespmem:s15+$0x20] =	vst v32  }
0x17d: {  	v13 =	vmul.f32 v45, v13;
	[tilespmem:s11+$0x50] =	vst v17;
	v57 =	vmul.f32 v56, v63;
	v63 =	vld [tilespmem:s12+$0x30]  }
0x17e: {  	[tilespmem:s11+$0xFFFFFF60] =	vst v14;
	v18 =	vmul.f32 v55, v18  }
0x17f: {  	[tilespmem:s11+$0xFFFFFFE0] =	vst v13;
	v43 =	vld [tilespmem:s13+$0x40]  }
0x180: {  	v49 =	vld [tilespmem:s13+$0xFFFFFFD0];
	[tilespmem:s14+$0xF0] =	vst v18;
	v33 =	vmul.f32 v60, v53  }
0x181: {  	v40 =	vld [tilespmem:s13+$0xFFFFFF40];
	[tilespmem:s15+$0xB0] =	vst v57;
	v18 =	vmul.f32 v61, v41  }
0x182: {  	v59 =	vld [tilespmem:s26+$0xC0];
	[tilespmem:s15+$0xFFFFFF30] =	vst v33;
	v44 =	vmul.f32 v63, v54  }
0x183: {  	v10 =	vmul.f32 v35, v10;
	[tilespmem:s15+$0xFFFFFFB0] =	vst v18;
	v46 =	vld [tilespmem:s12+$0xFFFFFF40]  }
0x184: {  	v25 =	vmul.f32 v43, v25;
	v48 =	vld [tilespmem:s12+$0xFFFFFFC0];
	[tilespmem:s15+$0x30] =	vst v44  }
0x185: {  	[tilespmem:s3+$0x70] =	vst v10;
	v26 =	vmul.f32 v49, v26;
	v62 =	vperm.xlane v37, v6;
	v52 =	vld [tilespmem:s12+$0x40]  }
0x186: {  	v51 =	vperm.xlane v36, v6;
	v55 =	vld [tilespmem:s23+$0x60];
	[tilespmem:s14+$0x40] =	vst v25;
	v47 =	vmul.f32 v40, v28  }
0x187: {  	[tilespmem:s14+$0xFFFFFFD0] =	vst v26;
	v57 =	vld [tilespmem:s23+$0xFFFFFF70];
	v53 =	vperm.xlane v34, v6;
	v42 =	vmul.f32 v59, v62  }
0x188: {  	v56 =	vperm.xlane v29, v6;
	v61 =	vld [tilespmem:s13+$0x50];
	[tilespmem:s14+$0xFFFFFF40] =	vst v47;
	v18 =	vmul.f32 v46, v51  }
0x189: {  	v54 =	vld [tilespmem:s13+$0xFFFFFF50];
	[tilespmem:s15+$0xC0] =	vst v42;
	v17 =	vmul.f32 v48, v53  }
0x18a: {  	v32 =	vld [tilespmem:s26+$0xD0];
	[tilespmem:s15+$0xFFFFFF40] =	vst v18;
	v14 =	vmul.f32 v52, v56  }
0x18b: {  	v12 =	vmul.f32 v55, v12;
	[tilespmem:s15+$0xFFFFFFC0] =	vst v17;
	v59 =	vld [tilespmem:s12+$0xFFFFFF50]  }
0x18c: {  	v16 =	vmul.f32 v57, v16;
	v60 =	vld [tilespmem:s12+$0xFFFFFFD0];
	[tilespmem:s15+$0x40] =	vst v14  }
0x18d: {  	v50 =	vperm.xlane v37, v7;
	[tilespmem:s11+$0x60] =	vst v12;
	v22 =	vmul.f32 v61, v22;
	v33 =	vld [tilespmem:s12+$0x50]  }
0x18e: {  	v39 =	vld [tilespmem:s23+$0xFFFFFFF0];
	v63 =	vperm.xlane v36, v7;
	[tilespmem:s11+$0xFFFFFF70] =	vst v16;
	v13 =	vmul.f32 v54, v24  }
0x18f: {  	v38 =	vperm.xlane v34, v7;
	v43 =	vld [tilespmem:s13+$0xFFFFFFE0];
	[tilespmem:s14+$0x50] =	vst v22;
	v32 =	vmul.f32 v32, v50  }
0x190: {  	v42 =	vperm.xlane v29, v7;
	v22 =	vld [tilespmem:s13+$0x60];
	[tilespmem:s14+$0xFFFFFF50] =	vst v13;
	v14 =	vmul.f32 v59, v63  }
0x191: {  	v41 =	vld [tilespmem:s13+$0xFFFFFF60];
	[tilespmem:s15+$0xD0] =	vst v32;
	v44 =	vmul.f32 v60, v38  }
0x192: {  	v58 =	vld [tilespmem:s12+$0xE0];
	[tilespmem:s15+$0xFFFFFF50] =	vst v14;
	v13 =	vmul.f32 v33, v42  }
0x193: {  	v47 =	vmul.f32 v39, v15;
	[tilespmem:s15+$0xFFFFFFD0] =	vst v44;
	v46 =	vld [tilespmem:s12+$0xFFFFFF60]  }
0x194: {  	v51 =	vmul.f32 v43, v23;
	v48 =	vld [tilespmem:s12+$0xFFFFFFE0];
	[tilespmem:s15+$0x50] =	vst v13  }
0x195: {  	v62 =	vperm.xlane v37, v8;
	[tilespmem:s11+$0xFFFFFFF0] =	vst v47;
	v20 =	vmul.f32 v22, v20;
	v52 =	vld [tilespmem:s12+$0x60]  }
0x196: {  	v57 =	vld [tilespmem:s23+$0x70];
	v50 =	vperm.xlane v36, v8;
	[tilespmem:s14+$0xFFFFFFE0] =	vst v51;
	v21 =	vmul.f32 v41, v21  }
0x197: {  	v53 =	vperm.xlane v34, v8;
	v56 =	vld [tilespmem:s13+$0xFFFFFFF0];
	[tilespmem:s14+$0x60] =	vst v20;
	v40 =	vmul.f32 v58, v62  }
0x198: {  	v55 =	vperm.xlane v29, v8;
	[tilespmem:s14+$0xFFFFFF60] =	vst v21;
	v58 =	vld [tilespmem:s13+$0x70];
	v12 =	vmul.f32 v46, v50  }
0x199: {  	v54 =	vld [tilespmem:s13+$0xFFFFFF70];
	[tilespmem:s15+$0xE0] =	vst v40;
	v15 =	vmul.f32 v48, v53  }
0x19a: {  	v45 =	vld [tilespmem:s12+$0xF0];
	[tilespmem:s15+$0xFFFFFF60] =	vst v12;
	v13 =	vmul.f32 v52, v55  }
0x19b: {  	v11 =	vmul.f32 v57, v11;
	[tilespmem:s15+$0xFFFFFFE0] =	vst v15;
	v12 =	vld [tilespmem:s12+$0xFFFFFF70]  }
0x19c: {  	v10 =	vmul.f32 v56, v27;
	v15 =	vld [tilespmem:s12+$0xFFFFFFF0];
	[tilespmem:s15+$0x60] =	vst v13  }
0x19d: {  	v49 =	vperm.xlane v37, v9;
	[tilespmem:s11+$0x70] =	vst v11;
	v63 =	vmul.f32 v58, v30;
	v60 =	vld [tilespmem:s12+$0x70]  }
0x19e: {  	v59 =	vperm.xlane v36, v9;
	[tilespmem:s14+$0xFFFFFFF0] =	vst v10;
	v14 =	vmul.f32 v54, v19  }
0x19f: {  	v61 =	vperm.xlane v34, v9;
	[tilespmem:s14+$0x70] =	vst v63;
	v16 =	vmul.f32 v45, v49  }
0x1a0: {  	v62 =	vperm.xlane v29, v9;
	[tilespmem:s14+$0xFFFFFF70] =	vst v14;
	v10 =	vmul.f32 v12, v59  }
0x1a1: {  	s0 =	smul.u32 $0xA0, s17;
	[tilespmem:s15+$0xF0] =	vst v16;
	v11 =	vmul.f32 v15, v61  }
0x1a2: {  	p0 =	slt.u32 s16, $0xFA;
	[tilespmem:s15+$0xFFFFFF70] =	vst v10;
	v10 =	vmul.f32 v60, v62  }
.Ltmp4:
0x1a3: {  	s0 =	sshrl.u32 s0, $0x2;
	[tilespmem:s15+$0xFFFFFFF0] =	vst v11;
	(pc) =	sbr.rel @p0 .LBB2_6-.Ltmp4, $4  }
0x1a4: {  	s28 =	sadd.s32 $0x3340, s28;
	s0 =	sadd.s32 $0xA0, s0;
	[tilespmem:s15+$0x70] =	vst v10  }
0x1a5: {  	[spmem:s2] =	stream.indirect.scatter.add.f32 [tilespmem:s28], [sflag:$0x3], $0x10, s0, s25, $0xb8;
	[tilespmem:$0x1C840] =	vst v63  }
0x1a6: {  	s30 =	sadd.s32 $0x3840, s29;
	s12 =	smov.u32 s16  }
0x1a7: {  	[spmem:s1] =	stream.indirect.scatter.add.f32 [tilespmem:s30], [sflag:$0x3], $0x80, s0, s25, $0xb8;
	[tilespmem:$0x1C840] =	vst v63  }
0x1a8: {  	s0 =	simm.s32 $0x3  }
0x1a9: {  	_ =	swait.ge [sflag:s0], $0x280  }
0x1aa: {  	[sflag:s0] =	ssyncset.done $0x0  }
0x1ab: {  	[sflag:s0] =	ssyncadd.s32 $0xFFFFFD80  }
0x1ac: {  	_ =	swait.ge [sflag:s0], $0x1400  }
0x1ad: {  	[sflag:s0] =	ssyncset.done $0x0  }
0x1ae: {  	[sflag:s0] =	ssyncadd.s32 $0xFFFFEC00  }
0x1af: {  	_ =	swait.ge [sflag:s0], $0x280  }
0x1b0: {  	[sflag:s0] =	ssyncset.done $0x0  }
0x1b1: {  	[sflag:s0] =	ssyncadd.s32 $0xFFFFFD80  }
0x1b2: {  	_ =	swait.ge [sflag:s0], $0x1400  }
0x1b3: {  	[sflag:s0] =	ssyncset.done $0x0  }
0x1b4: {  	[sflag:s0] =	ssyncadd.s32 $0xFFFFEC00  }
0x1b5: {  	s26 =	stileid.u32;
	[bflag:$0x0] =	sbarrier.arrive $0xFFFF  }
0x1b6: {  	s0 =	sshll.u32 s26, $0x6;
	s5 =	rddreg [dreg:$0xb]  }
0x1b7: {  	s0 =	sor.u32 $0x1C04, s0;
	s4 =	rddreg [dreg:$0xa];
	s3 =	sshrl.u32 s5, $0x3  }
0x1b8: {  	[hbm:s4], [sflag:s0] =	dma.local [spmem:s3], $0x2800  }
0x1b9: {  	_ =	swait.ge [sflag:s21], $0x2800  }
0x1ba: {  	[sflag:s21] =	ssyncset.done $0x0  }
0x1bb: {  	s28 =	sshrl.u32 s18, $0x3;
	s29 =	rddreg [dreg:$0xc];
	[sflag:s21] =	ssyncadd.s32 $0xFFFFD800  }
0x1bc: {  	[hbm:s29], [sflag:s0] =	dma.local [spmem:s28], $0x500  }
0x1bd: {  	_ =	swait.ge [sflag:s21], $0x500  }
0x1be: {  	s14 =	rddreg [dreg:$0x4]  }
0x1bf: {  	s30 =	rddreg [dreg:$0xd];
	s14 =	sadd.s32 $0x1, s14  }
0x1c0: {  	p0 =	sne.s32 s14, s30  }
.Ltmp5:
0x1c1: {  	_ = 	snop;
	(pc) =	sbr.rel @p0 .LBB2_1-.Ltmp5, $3  }
0x1c2: {  	_ =	sdelay $0x1  }
0x1c3: {  	[sflag:s21] =	ssyncset.done $0x0  }
0x1c4: {  	[sflag:s21] =	ssyncadd.s32 $0xFFFFFB00  }
0x1c5: {  	_ =	sfence.sel $0x180000  }
0x1c6: {  	[bflag:$0x0] =	sbarrier.arrive $0xFFFF  }
0x1c7: {  	_ =	strace $0x9000004A  }
0x1c8: {  	s0 =	stileid.u32;
	[bflag:$0x2] =	sbarrier.arrive $0xFFFF  }
0x1c9: {  	p0 =	sne.s32 s0, $0x0;
	s0 =	rddreg [dreg:$0x3]  }
0x1ca: {  	s0 =	sadd.s32 @!p0 $0x100000, s0  }
0x1cb: {  	[sflag:s0] =	ssyncadd.tile.s32 @!p0 $0x1;
	_ =	shalt  }
.Lfunc_end2:
_tile_overlayer_lowered:
.L_overlay_start_2:
0x1cc: {  	(tag) =	ssettag $0x2  }
0x1cd: {  	s0 =	rddreg [dreg:$0x0];
	s2 =	stileid.u32  }
0x1ce: {  	s1 =	rddreg [dreg:$0x1];
	p0 =	sne.s32 s2, $0x0  }
0x1cf: {  	s3 =	rddreg [dreg:$0x2];
	[bflag:$0x3] =	sbarrier.arrive $0xFFFF;
	s2 =	simm.s32 @!p0 $0x1C04  }
0x1d0: {  	[timem:s3], [sflag:s2] =	dma.local @!p0 [hbm:s0], s1  }
0x1d1: {  	s0 =	simm.s32 @!p0 $0x4  }
0x1d2: {  	_ =	swait.ge @!p0 [sflag:s0], s1  }
0x1d3: {  	s1 =	ssub.s32 @!p0 $0x0, s1;
	[sflag:s0] =	ssyncset.done @!p0 $0x0  }
0x1d4: {  	[sflag:s0] =	ssyncadd.s32 @!p0 s1  }
0x1d5: {  	[bflag:$0x3] =	sbarrier.arrive $0xFFFF  }
0x1d6: {  	_ =	shalt  }

// kernel: kernel.9.cloned.1.call-start
scs
__scs_entry_jumppad:
0x0: {  	(pc) =	sbr.rel $0x88, $3  }
0x1: {  	(tag) =	ssettag $0x0;
	lr =	simm.s32 $0x1  }
0x2: {  	[smem:$0x3F90] =	sst lr;
	_ =	strace $0xD0000000  }
0x3: {  	_ = 	snop  }
0x4: {  	_ = 	snop  }
0x5: {  	_ = 	snop  }
0x6: {  	_ = 	snop  }
0x7: {  	_ = 	snop  }
__scs_overlays_trampoline_lowered:
0x8: {  	[smem:$0x3F9F] =	sst s0  }
0x9: {  	[smem:$0x3FA0] =	sst s1  }
0xa: {  	[smem:$0x3FA1] =	sst s2  }
0xb: {  	[smem:$0x3FA2] =	sst s3  }
0xc: {  	[smem:$0x3FA3] =	sst s4  }
0xd: {  	[smem:$0x3FA4] =	sst s5  }
0xe: {  	[smem:$0x3FA5] =	sst s6  }
0xf: {  	[smem:$0x3FA6] =	sst s7  }
0x10: {  	[smem:$0x3FA7] =	sst s8  }
0x11: {  	[smem:$0x3FA8] =	sst s9;
	s0 =	simm.s32 @!p0 $0x0  }
0x12: {  	s1 =	sld [smem:$0x3F8E];
	s0 =	simm.s32 @p0 $0x1  }
0x13: {  	[smem:$0x3FA9] =	sst s0;
	s0 =	simm.s32 @!p1 $0x0  }
0x14: {  	s2 =	sld [smem:$0x3F8D];
	s0 =	simm.s32 @p1 $0x1  }
0x15: {  	[smem:$0x3FAA] =	sst s0;
	s0 =	simm.s32 @!p2 $0x0  }
0x16: {  	s3 =	sld [smem:$0x3FDB];
	s0 =	simm.s32 @p2 $0x1  }
0x17: {  	s4 =	simm.s32 $0x1BF5;
	[smem:$0x3FAC] =	sst s0  }
0x18: {  	s0 =	sld [smem:$0x3F8F];
	_ =	swait.ge [sflag:s4], $0x0  }
0x19: {  	s7 =	sld [smem:$0x3F90]  }
0x1a: {  	s8 =	sadd.s32 $0xFFFFE003, lr  }
0x1b: {  	s9 =	sadd.s32 $0xFFFFFEF7, lr;
	s5 =	simm.s32 $0xFFFFFFFF;
	p2 =	slt.u32 s8, $0xFFFFF086  }
0x1c: {  	p1 =	slt.u32 s9, $0xF7A;
	s5 =	simm.s32 @!p2 $0x0  }
0x1d: {  	s5 =	simm.s32 @p1 $0x1;
	p0 =	seq.s32 s7, s2  }
0x1e: {  	s7 =	smul.u32 @!p0 $0xF7A, s2;
	p2 =	seq.s32 @!p0 s5, $0x0  }
0x1f: {  	s9 =	smul.u32 $0xF7A, s1;
	s8 =	simm.s32 @!p0 $0x1BF5;
	p2 =	por !p2, p0  }
0x20: {  	[sflag:s8] =	ssyncset.s32 @!p0 $0xFFFFF086;
	s6 =	sadd.s32 @!p0 s3, s7;
	s7 =	simm.s32 @!p0 $0x108  }
0x21: {  	s3 =	sadd.s32 s3, s9;
	s6 =	sadd.s32 @!p0 $0x88, s6;
	s7 =	simm.s32 @p2 $0x1082  }
0x22: {  	[simem:s7], [sflag:s8] =	dma.local @!p0 [hbm:s6], $0xF7A  }
0x23: {  	s9 =	sor.u32 $0xD0000000, s2;
	s6 =	simm.s32 $0x108;
	_ =	swait.ge @!p0 [sflag:s8], $0x0  }
0x24: {  	s3 =	sadd.s32 $0x88, s3;
	s6 =	simm.s32 @!p1 $0x1082;
	[sflag:s4] =	ssyncset.s32 $0xFFFFF086  }
0x25: {  	[simem:s6], [sflag:s4] =	dma.local [hbm:s3], $0xF7A  }
0x26: {  	[smem:$0x3F90] =	sst s1;
	(tag) =	ssettag s2;
	_ =	strace s9  }
0x27: {  	s1 =	sld [smem:$0x3FA0]  }
0x28: {  	s2 =	sld [smem:$0x3FA1]  }
0x29: {  	s4 =	sld [smem:$0x3FA3]  }
0x2a: {  	p0 =	seq.s32 s5, $0x0;
	s5 =	sld [smem:$0x3FA4]  }
0x2b: {  	s6 =	sld [smem:$0x3FA5]  }
0x2c: {  	s7 =	sld [smem:$0x3FA6]  }
0x2d: {  	s3 =	simm.s32 $0x108;
	s8 =	sld [smem:$0x3FA7]  }
0x2e: {  	s3 =	simm.s32 @!p0 $0x1082;
	s9 =	sld [smem:$0x3FA8]  }
0x2f: {  	lr =	sadd.s32 s0, s3;
	s0 =	sld [smem:$0x3F9F]  }
0x30: {  	s3 =	sld [smem:$0x3FA2]  }
0x31: {  	[smem:$0x3FAB] =	sst s10  }
0x32: {  	s10 =	sld [smem:$0x3FA9];
	_ =	sdelay $0x3  }
0x33: {  	p0 =	seq.s32 s10, $0x1;
	s10 =	sld [smem:$0x3FAB];
	_ =	sdelay $0x3  }
0x34: {  	[smem:$0x3FAB] =	sst s10  }
0x35: {  	s10 =	sld [smem:$0x3FAA];
	_ =	sdelay $0x3  }
0x36: {  	p1 =	seq.s32 s10, $0x1;
	s10 =	sld [smem:$0x3FAB];
	_ =	sdelay $0x3  }
0x37: {  	[smem:$0x3FAB] =	sst s10  }
0x38: {  	s10 =	sld [smem:$0x3FAC]  }
0x39: {  	_ = 	snop;
	(pc) =	sbr.ind lr, $3  }
0x3a: {  	_ = 	snop  }
0x3b: {  	_ = 	snop  }
0x3c: {  	p2 =	seq.s32 s10, $0x1;
	s10 =	sld [smem:$0x3FAB]  }
0x3d: {  	_ =	shalt  }
0x3e: {  	_ =	shalt  }
0x3f: {  	_ =	shalt  }
0x40: {  	_ =	shalt  }
0x41: {  	_ =	shalt  }
0x42: {  	_ =	shalt  }
0x43: {  	_ =	shalt  }
0x44: {  	_ =	shalt  }
0x45: {  	_ =	shalt  }
0x46: {  	_ =	shalt  }
0x47: {  	_ =	shalt  }
0x48: {  	_ =	shalt  }
0x49: {  	_ =	shalt  }
0x4a: {  	_ =	shalt  }
0x4b: {  	_ =	shalt  }
0x4c: {  	_ =	shalt  }
0x4d: {  	_ =	shalt  }
0x4e: {  	_ =	shalt  }
0x4f: {  	_ =	shalt  }
0x50: {  	_ =	shalt  }
0x51: {  	_ =	shalt  }
0x52: {  	_ =	shalt  }
0x53: {  	_ =	shalt  }
0x54: {  	_ =	shalt  }
0x55: {  	_ =	shalt  }
0x56: {  	_ =	shalt  }
0x57: {  	_ =	shalt  }
0x58: {  	_ =	shalt  }
0x59: {  	_ =	shalt  }
0x5a: {  	_ =	shalt  }
0x5b: {  	_ =	shalt  }
0x5c: {  	_ =	shalt  }
0x5d: {  	_ =	shalt  }
0x5e: {  	_ =	shalt  }
0x5f: {  	_ =	shalt  }
0x60: {  	_ =	shalt  }
0x61: {  	_ =	shalt  }
0x62: {  	_ =	shalt  }
0x63: {  	_ =	shalt  }
0x64: {  	_ =	shalt  }
0x65: {  	_ =	shalt  }
0x66: {  	_ =	shalt  }
0x67: {  	_ =	shalt  }
0x68: {  	_ =	shalt  }
0x69: {  	_ =	shalt  }
0x6a: {  	_ =	shalt  }
0x6b: {  	_ =	shalt  }
0x6c: {  	_ =	shalt  }
0x6d: {  	_ =	shalt  }
0x6e: {  	_ =	shalt  }
0x6f: {  	_ =	shalt  }
0x70: {  	_ =	shalt  }
0x71: {  	_ =	shalt  }
0x72: {  	_ =	shalt  }
0x73: {  	_ =	shalt  }
0x74: {  	_ =	shalt  }
0x75: {  	_ =	shalt  }
0x76: {  	_ =	shalt  }
0x77: {  	_ =	shalt  }
0x78: {  	_ =	shalt  }
0x79: {  	_ =	shalt  }
0x7a: {  	_ =	shalt  }
0x7b: {  	_ =	shalt  }
0x7c: {  	_ =	shalt  }
0x7d: {  	_ =	shalt  }
0x7e: {  	_ =	shalt  }
0x7f: {  	_ =	shalt  }
0x80: {  	_ =	shalt  }
0x81: {  	_ =	shalt  }
0x82: {  	_ =	shalt  }
0x83: {  	_ =	shalt  }
0x84: {  	_ =	shalt  }
0x85: {  	_ =	shalt  }
0x86: {  	_ =	shalt  }
0x87: {  	_ =	shalt  }
.Lfunc_end0:
.L_simem_size_0:
called_computation_lowered:
.L_overlay_start_0:
0x88: {  	s2 =	sld [smem:$0x3FD9]  }
0x89: {  	s3 =	sld [smem:$0x3FFE];
	_ =	sdelay $0x1  }
0x8a: {  	s1 =	srdreg.scid  }
0x8b: {  	s0 =	sand.u32 $0x1, s1  }
0x8c: {  	s16 =	sshll.u32 s0, $0xA;
	s2 =	sadd.s32 s3, s2  }
0x8d: {  	s2 =	sadd.s32 s2, s16  }
0x8e: {  	[smem:$0x3FB7] =	sst s2  }
0x8f: {  	_ = 	snop  }
0x90: {  	(tm) =	ssettm $0x1  }
0x91: {  	s17 =	sld [smem:$0x3FFB];
	_ =	sdelay $0x3  }
0x92: {  	_ =	strace s17  }
0x93: {  	s2 =	sld [smem:$0x3FFC];
	_ =	sdelay $0x3  }
0x94: {  	_ =	strace s2  }
0x95: {  	s2 =	sld [smem:$0x3FFD];
	_ =	sdelay $0x3  }
0x96: {  	_ =	strace s2  }
0x97: {  	_ =	strace $0x8FFFFFFF  }
0x98: {  	s18 =	sld [smem:$0x3FDB];
	_ =	sdelay $0x1  }
0x99: {  	s19 =	simm.s32 $_scs_section_size  }
0x9a: {  	s4 =	simm.s32 $_size__tile_overlayer_lowered;
	s5 =	simm.s32 $_tile_overlayer_lowered  }
0x9b: {  	s22 =	simm.s32 $0x1BFF;
	s21 =	sshll.u32 s5, $0x1;
	s2 =	sadd.s32 s19, s18  }
0x9c: {  	s6 =	simm.s32 $0x0;
	s20 =	sshll.u32 s4, $0x1;
	s4 =	sadd.s32 s21, s2  }
0x9d: {  	[timem:s6], [sflag:s22] =	dma.local [hbm:s4], s20  }
0x9e: {  	_ =	swait.ge [sflag:s22], s20  }
0x9f: {  	s3 =	ssub.s32 $0x0, s20;
	[sflag:s22] =	ssyncset.done $0x0  }
0xa0: {  	[sflag:s22] =	ssyncadd.s32 s3;
	_ =	sdelay $0x1  }
0xa1: {  	s23 =	simm.s32 $0x1B8B  }
0xa2: {  	_ =	swait.ge [sflag:s23], $0x1  }
0xa3: {  	[sflag:s23] =	ssyncset.done $0x0  }
0xa4: {  	s25 =	simm.s32 $0x1B8E;
	s24 =	sld [smem:$0x3FFE];
	[sflag:s23] =	ssyncadd.s32 $0xFFFFFFFF  }
0xa5: {  	s26 =	simm.s32 $execute0_lowered;
	[smem:$0x3FD2] =	sst s25  }
0xa6: {  	s4 =	sshll.u32 s26, $0x1;
	_ =	strace $0x80000046;
	[dreg:$0x1] =	wrdreg $0xFFFFFFFF  }
0xa7: {  	s28 =	simm.s32 $_size_execute0_lowered;
	s2 =	sadd.s32 s2, s4;
	[dreg:$0x0] =	wrdreg $0x0  }
0xa8: {  	s4 =	sshll.u32 s28, $0x1;
	[dreg:$0x2] =	wrdreg s2  }
0xa9: {  	[dreg:$0x3] =	wrdreg s4  }
0xaa: {  	[dreg:$0x4] =	wrdreg $0xC0  }
0xab: {  	_ =	task [dreg:s6], $0x5FFFF  }
0xac: {  	[dreg:$0x1] =	wrdreg $0xFFFFFFFF  }
0xad: {  	[dreg:$0x0] =	wrdreg $0x60  }
0xae: {  	[dreg:$0x2] =	wrdreg s24  }
0xaf: {  	[dreg:$0x3] =	wrdreg $0x60400  }
0xb0: {  	[dreg:$0x4] =	wrdreg $0x1A0400  }
0xb1: {  	[dreg:$0x5] =	wrdreg $0x9  }
0xb2: {  	_ =	task.clear_ibuf [dreg:s6], $0x6FFFF;
	_ =	strace $0x90000046  }
0xb3: {  	s29 =	simm.s32 $0x9;
	_ =	strace $0x80000048  }
0xb4: {  	_ =	swait.ge [sflag:s29], $0x1  }
0xb5: {  	[sflag:s29] =	ssyncadd.s32 $0xFFFFFFFF  }
0xb6: {  	_ =	strace $0x90000048  }
0xb7: {  	_ =	sfence  }
0xb8: {  	s30 =	sld [smem:$0x0];
	_ =	sdelay $0x2  }
0xb9: {  	s31 =	sshll.u32 s1, $0xD;
	s1 =	sshrl.u32 s1, $0x2  }
0xba: {  	s3 =	sand.u32 $0x4000, s31;
	s1 =	sadd.s32 s1, s30  }
0xbb: {  	s0 =	sor.u32 s3, s0;
	s1 =	sshll.u32 s1, $0x11  }
0xbc: {  	s0 =	sor.u32 s1, s0  }
0xbd: {  	s0 =	sadd.s32 $0x8F2B, s0  }
0xbe: {  	[sflag:s0] =	ssyncadd.remote.s32 $0x1  }
0xbf: {  	_ =	sfence.sel $0xFFFF  }
0xc0: {  	[dreg:$0x0] =	wrdreg $0xFFFFFFFF;
	(pc) =	sbr.abs _section_cstart, $3  }
0xc1: {  	[dreg:$0x1] =	wrdreg $0xFFFFFFFF  }
0xc2: {  	_ =	task.clear_ibuf [dreg:s6], $0x2FFFF;
	_ =	strace $0x9FFFFFFF  }
0xc3: {  	(tm) =	ssettm $0x7FFFFFFF  }
tec
execute0_lowered:
.L_overlay_start_1:
0x0: {  	(tag) =	ssettag $0x1  }
0x1: {  	s0 =	rddreg [dreg:$0x0]  }
0x2: {  	s1 =	rddreg [dreg:$0x1]  }
0x3: {  	s2 =	rddreg [dreg:$0x2]  }
0x4: {  	s14 =	simm.s32 $0x0;
	s3 =	srdreg.scid;
	s13 =	stileid.u32  }
0x5: {  	s31 =	simm.s32 $0x2;
	[smem:$0x7FF] =	sst s14;
	s3 =	sand.u32 $0x1, s3  }
0x6: {  	s4 =	smul.u32 $0x280, s13;
	s15 =	sadd.s32 $0xC600, s0;
	s16 =	sadd.s32 $0x2800, s0  }
0x7: {  	s7 =	sadd.s32 $0x3D600, s0;
	s8 =	sadd.s32 $0x42600, s0;
	s12 =	smul.u32 $0x50000, s13  }
0x8: {  	s10 =	sshll.u32 s13, $0x1;
	s9 =	sadd.s32 $0x16400, s0;
	s25 =	smul.u32 $0xA000, s13  }
0x9: {  	_ =	strace $0x80000047;
	s5 =	smul.u32 $0x2800, s3;
	s18 =	sor.u32 s3, s10  }
0xa: {  	s3 =	ssub.s32 $0x2, s3;
	s10 =	smov.u32 s16;
	s6 =	smul.u32 $0x2710, s18  }
0xb: {  	s20 =	sshrl.u32 s3, $0x1;
	s28 =	sshrl.u32 s12, $0x2;
	s4 =	sadd.s32 s4, s5  }
0xc: {  	s29 =	sshrl.u32 s25, $0x2;
	s3 =	ssub.s32 s3, s20;
	s11 =	sshll.u32 s4, $0x4  }
0xd: {  	s4 =	sshll.u32 s4, $0x1;
	s21 =	sshrl.u32 s6, $0x3;
	[dreg:$0x5] =	wrdreg s6  }
0xe: {  	s23 =	sadd.s32 $0x28, s6;
	s30 =	smax.u32 s3, $0x1;
	s19 =	sadd.s32 s11, s0  }
0xf: {  	s0 =	sadd.s32 s4, s0;
	s22 =	sadd.s32 s15, s21;
	[dreg:$0xd] =	wrdreg s30  }
0x10: {  	s4 =	sadd.s32 s16, s21;
	s24 =	sshrl.u32 s23, $0x3;
	[dreg:$0x6] =	wrdreg s22  }
0x11: {  	s25 =	simm.s32 $0x28;
	[dreg:$0x7] =	wrdreg s4;
	s26 =	sadd.s32 s15, s24  }
0x12: {  	s18 =	sadd.s32 s29, s2;
	s4 =	sadd.s32 s16, s24;
	[dreg:$0x8] =	wrdreg s26  }
0x13: {  	v0 =	vimm.f32 $0.0e+00;
	vm0 =	vcmask $0x1F00;
	s20 =	simm.s32 $0x3840;
	s5 =	sadd.s32 $0x51600, s19;
	[dreg:$0x9] =	wrdreg s4  }
0x14: {  	v2 =	vimm.s32 $0x0;
	v3 =	vimm.s32 $0x1;
	v4 =	vimm.s32 $0x2;
	s6 =	smov.u32 s15;
	s0 =	sadd.s32 $0x47600, s0;
	[dreg:$0xa] =	wrdreg s5  }
0x15: {  	v5 =	vimm.s32 $0x3;
	v6 =	vimm.s32 $0x4;
	v7 =	vimm.s32 $0x5;
	s21 =	simm.s32 $0x4;
	s5 =	sadd.s32 s28, s1;
	[dreg:$0xc] =	wrdreg s0  }
0x16: {  	v8 =	vimm.s32 $0x6;
	v9 =	vimm.s32 $0x7;
	v1 =	vsel vm0, $0x3F800000, v0;
	s22 =	simm.s32 $0x3340;
	s24 =	simm.s32 $0x1;
	[dreg:$0xb] =	wrdreg s5  }
.LBB2_1:
0x17: {  	s0 =	simm.s32 $0x3880  }
0x18: {  	[tilespmem:s0+$0xFFFFFFD0] =	vst v0  }
0x19: {  	[tilespmem:s0+$0xFFFFFFE0] =	vst v0  }
0x1a: {  	[tilespmem:s0+$0xFFFFFFF0] =	vst v0  }
0x1b: {  	[tilespmem:s0+$0x0] =	vst v0  }
0x1c: {  	[tilespmem:s0+$0x10] =	vst v0  }
0x1d: {  	[tilespmem:s0+$0x20] =	vst v0  }
0x1e: {  	[tilespmem:s0+$0x30] =	vst v0  }
0x1f: {  	s4 =	simm.s32 $0x0;
	s3 =	simm.s32 $0x40;
	[tilespmem:s0+$0xFFFFFFC0] =	vst v0  }
.LBB2_2:
0x20: {  	p0 =	sne.s32 s3, $0x9C0;
	[tilespmem:s4+$0x3340] =	vst v0;
	s0 =	sadd.s32 $0x80, s0  }
0x21: {  	[tilespmem:s0+$0xFFFFFFD0] =	vst v0  }
0x22: {  	[tilespmem:s0+$0xFFFFFFE0] =	vst v0  }
0x23: {  	[tilespmem:s0+$0xFFFFFFF0] =	vst v0  }
.Ltmp0:
0x24: {  	[tilespmem:s0+$0x0] =	vst v0;
	(pc) =	sbr.rel @p0 .LBB2_2-.Ltmp0, $4  }
0x25: {  	[tilespmem:s0+$0x10] =	vst v0  }
0x26: {  	[tilespmem:s0+$0x20] =	vst v0  }
0x27: {  	[tilespmem:s0+$0x30] =	vst v0  }
0x28: {  	s4 =	sshra.s32 s3, $0x2;
	s3 =	sadd.s32 $0x40, s3;
	[tilespmem:s0+$0xFFFFFFC0] =	vst v0  }
0x29: {  	[dreg:$0x4] =	wrdreg s14;
	[tilespmem:s4+$0x3340] =	vst v0  }
0x2a: {  	[spmem:s5] =	stream.linear.scatter [tilespmem:s20], [sflag:$0x4], $0x1400, $0x38;
	[tilespmem:$0x1C840] =	vst v63  }
0x2b: {  	_ =	swait.ge [sflag:s21], $0x1400  }
0x2c: {  	[sflag:s21] =	ssyncset.done $0x0  }
0x2d: {  	s0 =	sadd.s32 $0x0, s18;
	[sflag:s21] =	ssyncadd.s32 $0xFFFFEC00  }
0x2e: {  	[spmem:s0] =	stream.linear.scatter [tilespmem:s22], [sflag:$0x4], $0x280, $0x38;
	[tilespmem:$0x1C840] =	vst v63  }
0x2f: {  	_ =	swait.ge [sflag:s21], $0x280  }
0x30: {  	s3 =	smov.u32 s5;
	s0 =	simm.s32 $0xA00;
	[sflag:s21] =	ssyncset.done $0x0  }
.LBB2_4:
0x31: {  	p0 =	sne.s32 s0, $0x9600;
	[sflag:s21] =	ssyncadd.s32 $0xFFFFFD80;
	s3 =	sadd.s32 $0x1400, s3  }
0x32: {  	[spmem:s3] =	stream.linear.scatter [tilespmem:s20], [sflag:$0x4], $0x1400, $0x38;
	[tilespmem:$0x1C840] =	vst v63  }
0x33: {  	s4 =	smov.u32 s0;
	s0 =	sadd.s32 $0xA00, s0;
	_ =	swait.ge [sflag:s21], $0x1400  }
.Ltmp1:
0x34: {  	s4 =	sshra.s32 s4, $0x2;
	[sflag:s21] =	ssyncset.done $0x0;
	(pc) =	sbr.rel @p0 .LBB2_4-.Ltmp1, $4  }
0x35: {  	s4 =	sadd.s32 s4, s18;
	[sflag:s21] =	ssyncadd.s32 $0xFFFFEC00  }
0x36: {  	[spmem:s4] =	stream.linear.scatter [tilespmem:s22], [sflag:$0x4], $0x280, $0x38;
	[tilespmem:$0x1C840] =	vst v63  }
0x37: {  	_ =	swait.ge [sflag:s21], $0x280  }
0x38: {  	[sflag:s21] =	ssyncset.done $0x0  }
0x39: {  	[sflag:s21] =	ssyncadd.s32 $0xFFFFFD80  }
0x3a: {  	[bflag:$0x0] =	sbarrier.arrive $0xFFFF  }
0x3b: {  	s12 =	simm.s32 $0x0;
	s0 =	rddreg [dreg:$0x6]  }
0x3c: {  	[tilespmem:s12], [sflag:$0x1] =	stream.linear.gather [hbm4b:s0+s12], $0x28, $0x38;
	[tilespmem:$0x1C840] =	vst v63  }
0x3d: {  	s3 =	simm.s32 $0xA0;
	s17 =	rddreg [dreg:$0x7]  }
0x3e: {  	[tilespmem:s3], [sflag:$0x1] =	stream.linear.gather [hbm4b:s17+s12], $0x28, $0x38;
	[tilespmem:$0x1C840] =	vst v63  }
0x3f: {  	_ =	swait.ge [sflag:s24], $0x28  }
0x40: {  	[sflag:s24] =	ssyncset.done $0x0  }
0x41: {  	[sflag:s24] =	ssyncadd.s32 $0xFFFFFFD8  }
0x42: {  	_ =	swait.ge [sflag:s24], $0x28  }
0x43: {  	[sflag:s24] =	ssyncset.done $0x0  }
0x44: {  	s19 =	simm.s32 $0x140;
	[sflag:s24] =	ssyncadd.s32 $0xFFFFFFD8  }
0x45: {  	[tilespmem:s19], [sflag:$0x2] =	stream.indirect.gather [hbm4b:s7+s25], $0x10, s12, s25, $0xb8;
	[tilespmem:$0x1C840] =	vst v63  }
0x46: {  	s23 =	simm.s32 $0x640  }
0x47: {  	[tilespmem:s23], [sflag:$0x2] =	stream.indirect.gather [hbm4b:s8+s25], $0x10, s3, s25, $0xb8;
	[tilespmem:$0x1C840] =	vst v63  }
0x48: {  	s26 =	simm.s32 $0xB40  }
0x49: {  	[tilespmem:s26], [sflag:$0x2] =	stream.indirect.gather [hbm4b:s9+s25], $0x80, s12, s25, $0xb8;
	[tilespmem:$0x1C840] =	vst v63  }
0x4a: {  	s28 =	rddreg [dreg:$0x8]  }
0x4b: {  	[tilespmem:s25], [sflag:$0x1] =	stream.linear.gather [hbm4b:s28+s12], $0x28, $0x38;
	[tilespmem:$0x1C840] =	vst v63  }
0x4c: {  	s30 =	simm.s32 $0xC8;
	s29 =	rddreg [dreg:$0x9]  }
0x4d: {  	[tilespmem:s30], [sflag:$0x1] =	stream.linear.gather [hbm4b:s29+s12], $0x28, $0x38;
	[tilespmem:$0x1C840] =	vst v63  }
.LBB2_6:
0x4e: {  	_ =	swait.ge [sflag:s31], $0x280  }
0x4f: {  	[sflag:s31] =	ssyncset.done $0x0  }
0x50: {  	[sflag:s31] =	ssyncadd.s32 $0xFFFFFD80  }
0x51: {  	_ =	swait.ge [sflag:s31], $0x280  }
0x52: {  	[sflag:s31] =	ssyncset.done $0x0  }
0x53: {  	[sflag:s31] =	ssyncadd.s32 $0xFFFFFD80  }
0x54: {  	_ =	swait.ge [sflag:s31], $0x1400  }
0x55: {  	p0 =	slt.u32 s12, $0x2;
	[sflag:s31] =	ssyncset.done $0x0  }
0x56: {  	s0 =	simm.s32 @!p0 $0x3;
	p1 =	seq.s32 @!p0 s12, $0xF9;
	[sflag:s31] =	ssyncadd.s32 $0xFFFFEC00  }
0x57: {  	p1 =	por p0, !p1;
	_ =	swait.ge @!p0 [sflag:s0], $0x280  }
.Ltmp2:
0x58: {  	[sflag:s0] =	ssyncset.done @!p0 $0x0;
	(pc) =	sbr.rel @!p1 .LBB2_8-.Ltmp2, $4  }
0x59: {  	[sflag:s0] =	ssyncadd.s32 @!p0 $0xFFFFFD80  }
0x5a: {  	_ =	swait.ge @!p0 [sflag:s0], $0x1400  }
0x5b: {  	[sflag:s0] =	ssyncset.done @!p0 $0x0  }
0x5c: {  	s16 =	simm.s32 @!p0 $0xFA;
	[sflag:s0] =	ssyncadd.s32 @!p0 $0xFFFFEC00  }
0x5d: {  	_ =	swait.ge [sflag:s24], $0x28  }
0x5e: {  	s16 =	sadd.s32 $0x1, s12;
	[sflag:s24] =	ssyncset.done $0x0  }
0x5f: {  	s0 =	sand.u32 $0x1, s16;
	[sflag:s24] =	ssyncadd.s32 $0xFFFFFFD8  }
0x60: {  	s3 =	sand.u32 $0x3, s16;
	s4 =	smul.u32 $0x280, s0;
	_ =	swait.ge [sflag:s24], $0x28  }
0x61: {  	s3 =	smul.u32 $0x28, s3;
	[sflag:s24] =	ssyncset.done $0x0  }
0x62: {  	p0 =	sgt.u32 s12, $0xF7;
	s5 =	sadd.s32 $0x140, s4;
	[sflag:s24] =	ssyncadd.s32 $0xFFFFFFD8  }
0x63: {  	[tilespmem:s5], [sflag:$0x2] =	stream.indirect.gather [hbm4b:s7+s25], $0x10, s3, s25, $0xb8;
	[tilespmem:$0x1C840] =	vst v63  }
0x64: {  	s0 =	smul.u32 $0x5000, s0;
	s4 =	sadd.s32 $0x640, s4;
	s30 =	sadd.s32 $0xA0, s3  }
0x65: {  	[tilespmem:s4], [sflag:$0x2] =	stream.indirect.gather [hbm4b:s8+s25], $0x10, s30, s25, $0xb8;
	[tilespmem:$0x1C840] =	vst v63  }
0x66: {  	s0 =	sshrl.u32 s0, $0x2;
	s4 =	sadd.s32 @!p0 $0x2, s12  }
0x67: {  	s0 =	sadd.s32 $0xB40, s0;
	s5 =	smul.u32 @!p0 $0x28, s4  }
0x68: {  	[tilespmem:s0], [sflag:$0x2] =	stream.indirect.gather [hbm4b:s9+s25], $0x80, s3, s25, $0xb8;
	[tilespmem:$0x1C840] =	vst v63  }
0x69: {  	s3 =	rddreg [dreg:$0x5]  }
0x6a: {  	s0 =	sand.u32 @!p0 $0x3, s4;
	s3 =	sadd.s32 @!p0 s3, s5  }
0x6b: {  	s0 =	smul.u32 @!p0 $0x28, s0;
	s3 =	sshrl.u32 @!p0 s3, $0x3  }
0x6c: {  	s5 =	simm.s32 @!p0 $0x0;
	s4 =	sadd.s32 @!p0 s6, s3  }
0x6d: {  	[tilespmem:s0], [sflag:$0x1] =	stream.linear.gather @!p0 [hbm4b:s4+s5], $0x28, $0x38;
	[tilespmem:$0x1C840] =	vst v63  }
0x6e: {  	s16 =	simm.s32 @p0 $0xF9;
	s3 =	sadd.s32 @!p0 s10, s3;
	s0 =	sadd.s32 @!p0 $0xA0, s0  }
0x6f: {  	[tilespmem:s0], [sflag:$0x1] =	stream.linear.gather @!p0 [hbm4b:s3+s5], $0x28, $0x38;
	[tilespmem:$0x1C840] =	vst v63  }
.LBB2_8:
0x70: {  	s0 =	sand.u32 $0x1, s12  }
0x71: {  	s3 =	smul.u32 $0xA00, s0;
	_ =	sdelay $0x1  }
0x72: {  	s28 =	sshrl.u32 s3, $0x2  }
0x73: {  	s3 =	sadd.s32 $0x160, s28  }
0x74: {  	s5 =	sadd.s32 $0x660, s28;
	v10 =	vld [tilespmem:s3+$0x10]  }
0x75: {  	v11 =	vld [tilespmem:s5+$0x10];
	_ =	sdelay $0x4  }
0x76: {  	v10 =	vadd.f32 v11, v10;
	_ =	sdelay $0x1  }
0x77: {  	v11 =	vmul.f32 $2.000000030e-01, v10  }
0x78: {  	vm0 =	vgt.f32 v10, $0.0e+00  }
0x79: {  	v12 =	vld [tilespmem:s3+$0xFFFFFFF0];
	v10 =	vsel vm0, v10, v11  }
0x7a: {  	v11 =	vld [tilespmem:s5+$0xFFFFFFF0];
	v10 =	vmul.f32 $1.442695020e+00, v10;
	_ =	sdelay $0x1  }
0x7b: {  	(erf) = vpow2.f32 v10  }
0x7c: {  	v13 =	vld [tilespmem:s3+$0xFFFFFFE0]  }
0x7d: {  	v10 =	vld [tilespmem:s5+$0xFFFFFFE0]  }
0x7e: {  	v11 =	vadd.f32 v11, v12  }
0x7f: {  	v14 =	vld [tilespmem:s5+$0x0]  }
0x80: {  	v12 =	vld [tilespmem:s3+$0x0];
	v15 =	vmul.f32 $2.000000030e-01, v11  }
0x81: {  	vm10 =	vgt.f32 v11, $0.0e+00  }
0x82: {  	v13 =	vadd.f32 v10, v13;
	v10 =	vsel vm10, v11, v15  }
0x83: {  	v10 =	vmul.f32 $1.442695020e+00, v10  }
0x84: {  	s0 =	smul.u32 $0x5000, s0;
	v11 =	vmul.f32 $2.000000030e-01, v13;
	v15 =	vpop (erf)  }
0x85: {  	v12 =	vadd.f32 v14, v12;
	(erf) = vpow2.f32 v10;
	v10 =	vmul.f32 v1, v15  }
0x86: {  	s29 =	sshrl.u32 s0, $0x2;
	s26 =	sadd.s32 $0x3360, s28;
	vm11 =	vgt.f32 v13, $0.0e+00  }
0x87: {  	s15 =	sadd.s32 $0xC40, s29;
	v14 =	vmul.f32 $2.000000030e-01, v12;
	v11 =	vsel vm11, v13, v11;
	[tilespmem:s26+$0x10] =	vst v10  }
0x88: {  	vm12 =	vgt.f32 v12, $0.0e+00;
	v11 =	vmul.f32 $1.442695020e+00, v11;
	v13 =	vld [tilespmem:s15+$0x80]  }
0x89: {  	v12 =	vsel vm12, v12, v14  }
0x8a: {  	v12 =	vmul.f32 $1.442695020e+00, v12;
	(erf) = vpow2.f32 v11  }
0x8b: {  	v11 =	vperm.xlane v10, v2  }
0x8c: {  	(erf) = vpow2.f32 v12  }
0x8d: {  	v11 =	vmul.f32 v13, v11  }
0x8e: {  	s30 =	sadd.s32 $0x3940, s29;
	v12 =	vpop (erf)  }
0x8f: {  	v18 =	vmul.f32 v1, v12;
	[tilespmem:s30+$0x80] =	vst v11  }
0x90: {  	v11 =	vld [tilespmem:s15+$0x90]  }
0x91: {  	[tilespmem:s26+$0xFFFFFFF0] =	vst v18  }
0x92: {  	s4 =	sadd.s32 $0x40, s3;
	v12 =	vld [tilespmem:s15+$0xFFFFFF80]  }
0x93: {  	s5 =	sadd.s32 $0x40, s5;
	v15 =	vld [tilespmem:s4+$0x10];
	v14 =	vperm.xlane v10, v3;
	v13 =	vpop (erf)  }
0x94: {  	v19 =	vmul.f32 v1, v13;
	v13 =	vld [tilespmem:s5+$0x10]  }
0x95: {  	v17 =	vperm.xlane v18, v2;
	v16 =	vpop (erf);
	v11 =	vmul.f32 v11, v14  }
0x96: {  	v22 =	vmul.f32 v1, v16  }
0x97: {  	v23 =	vld [tilespmem:s4+$0xFFFFFFF0];
	v12 =	vmul.f32 v12, v17;
	[tilespmem:s30+$0x90] =	vst v11  }
0x98: {  	[tilespmem:s26+$0x0] =	vst v22;
	v11 =	vld [tilespmem:s15+$0xA0]  }
0x99: {  	v28 =	vld [tilespmem:s4+$0xFFFFFFE0];
	[tilespmem:s30+$0xFFFFFF80] =	vst v12;
	v12 =	vadd.f32 v13, v15  }
0x9a: {  	[tilespmem:s26+$0xFFFFFFE0] =	vst v19;
	v16 =	vld [tilespmem:s15+$0x0]  }
0x9b: {  	v14 =	vld [tilespmem:s15+$0xFFFFFF00];
	v17 =	vperm.xlane v10, v4;
	v20 =	vmul.f32 $2.000000030e-01, v12  }
0x9c: {  	v25 =	vld [tilespmem:s5+$0xFFFFFFF0];
	vm13 =	vgt.f32 v12, $0.0e+00  }
0x9d: {  	v24 =	vperm.xlane v22, v2;
	v15 =	vld [tilespmem:s5+$0xFFFFFFE0];
	v12 =	vsel vm13, v12, v20;
	v11 =	vmul.f32 v11, v17  }
0x9e: {  	v21 =	vperm.xlane v19, v2;
	v13 =	vld [tilespmem:s15+$0xFFFFFF90];
	v12 =	vmul.f32 $1.442695020e+00, v12  }
0x9f: {  	v16 =	vmul.f32 v16, v24;
	v17 =	vld [tilespmem:s4+$0x0];
	[tilespmem:s30+$0xA0] =	vst v11  }
0xa0: {  	v11 =	vmul.f32 v14, v21;
	(erf) = vpow2.f32 v12;
	v14 =	vld [tilespmem:s15+$0xB0]  }
0xa1: {  	v21 =	vld [tilespmem:s5+$0x0]  }
0xa2: {  	[tilespmem:s30+$0x0] =	vst v16  }
0xa3: {  	v31 =	vld [tilespmem:s15+$0x10];
	[tilespmem:s30+$0xFFFFFF00] =	vst v11;
	v11 =	vadd.f32 v25, v23;
	v23 =	vperm.xlane v10, v5  }
0xa4: {  	v26 =	vperm.xlane v18, v3;
	v12 =	vperm.xlane v22, v3;
	v16 =	vld [tilespmem:s15+$0xFFFFFF10]  }
0xa5: {  	v15 =	vadd.f32 v15, v28;
	v28 =	vmul.f32 $2.000000030e-01, v11;
	v14 =	vmul.f32 v14, v23  }
0xa6: {  	v13 =	vmul.f32 v13, v26;
	vm14 =	vgt.f32 v11, $0.0e+00;
	v21 =	vadd.f32 v21, v17  }
0xa7: {  	v20 =	vperm.xlane v19, v3;
	v23 =	vmul.f32 $2.000000030e-01, v15;
	v11 =	vsel vm14, v11, v28;
	[tilespmem:s30+$0xB0] =	vst v14  }
0xa8: {  	vm1 =	vgt.f32 v15, $0.0e+00;
	[tilespmem:s30+$0xFFFFFF90] =	vst v13;
	v13 =	vmul.f32 $2.000000030e-01, v21;
	v11 =	vmul.f32 $1.442695020e+00, v11;
	v14 =	vld [tilespmem:s15+$0xC0]  }
0xa9: {  	v26 =	vld [tilespmem:s15+$0xFFFFFFA0];
	vm15 =	vgt.f32 v21, $0.0e+00;
	v16 =	vmul.f32 v16, v20;
	v20 =	vmul.f32 v31, v12;
	v12 =	vpop (erf)  }
0xaa: {  	v15 =	vsel vm1, v15, v23;
	(erf) = vpow2.f32 v11;
	v12 =	vmul.f32 v1, v12  }
0xab: {  	s0 =	sadd.s32 $0x40, s26;
	v11 =	vsel vm15, v21, v13;
	v13 =	vmul.f32 $1.442695020e+00, v15;
	v15 =	vperm.xlane v10, v6;
	[tilespmem:s30+$0xFFFFFF10] =	vst v16  }
0xac: {  	s17 =	sadd.s32 $0x200, s15;
	v24 =	vperm.xlane v18, v4;
	v11 =	vmul.f32 $1.442695020e+00, v11;
	v16 =	vld [tilespmem:s15+$0xFFFFFF20];
	[tilespmem:s0+$0x10] =	vst v12  }
0xad: {  	[tilespmem:s30+$0x10] =	vst v20;
	(erf) = vpow2.f32 v13;
	v20 =	vld [tilespmem:s17+$0x80];
	v13 =	vmul.f32 v14, v15  }
0xae: {  	v27 =	vperm.xlane v19, v4;
	v21 =	vld [tilespmem:s15+$0x20];
	v15 =	vmul.f32 v26, v24  }
0xaf: {  	v30 =	vperm.xlane v19, v5;
	(erf) = vpow2.f32 v11;
	[tilespmem:s30+$0xC0] =	vst v13  }
0xb0: {  	v11 =	vperm.xlane v12, v2;
	[tilespmem:s30+$0xFFFFFFA0] =	vst v15;
	v15 =	vperm.xlane v19, v8  }
0xb1: {  	v29 =	vperm.xlane v22, v4;
	v16 =	vmul.f32 v16, v27;
	v24 =	vld [tilespmem:s15+$0xD0]  }
0xb2: {  	v25 =	vperm.xlane v18, v5;
	v26 =	vld [tilespmem:s15+$0xFFFFFFB0];
	[tilespmem:$0x1FFB0] =	vst v15;
	v11 =	vmul.f32 v20, v11  }
0xb3: {  	s3 =	sadd.s32 $0x200, s30;
	v17 =	vperm.xlane v19, v6;
	v20 =	vmul.f32 v21, v29;
	[tilespmem:s30+$0xFFFFFF20] =	vst v16  }
0xb4: {  	v27 =	vperm.xlane v10, v7;
	v21 =	vpop (erf);
	[tilespmem:s3+$0x80] =	vst v11;
	v11 =	vperm.xlane v19, v9  }
0xb5: {  	v23 =	vperm.xlane v18, v6;
	v37 =	vmul.f32 v1, v21;
	v28 =	vld [tilespmem:s15+$0xFFFFFF30];
	[tilespmem:s30+$0x20] =	vst v20  }
0xb6: {  	v31 =	vperm.xlane v18, v7;
	v24 =	vmul.f32 v24, v27;
	v27 =	vld [tilespmem:s17+$0x90];
	[tilespmem:$0x1FFC0] =	vst v11  }
0xb7: {  	v14 =	vperm.xlane v19, v7;
	v19 =	vmul.f32 v26, v25;
	v25 =	vpop (erf);
	[tilespmem:s0+$0xFFFFFFF0] =	vst v37  }
0xb8: {  	v29 =	vperm.xlane v18, v8;
	v34 =	vmul.f32 v1, v25;
	v25 =	vld [tilespmem:s17+$0xFFFFFF80];
	[tilespmem:s30+$0xD0] =	vst v24  }
0xb9: {  	v20 =	vperm.xlane v18, v9;
	v18 =	vpop (erf);
	[tilespmem:s30+$0xFFFFFFB0] =	vst v19;
	v19 =	vperm.xlane v12, v3  }
0xba: {  	v11 =	vperm.xlane v22, v9;
	v38 =	vmul.f32 v1, v18;
	v18 =	vld [tilespmem:s15+$0xE0]  }
0xbb: {  	v24 =	vperm.xlane v37, v2;
	v19 =	vmul.f32 v27, v19  }
0xbc: {  	s4 =	sadd.s32 $0x40, s4;
	v26 =	vld [tilespmem:s15+$0x30];
	[tilespmem:$0x1FFF0] =	vst v11  }
0xbd: {  	v40 =	vperm.xlane v10, v8;
	v24 =	vmul.f32 v25, v24;
	v25 =	vld [tilespmem:s4+$0x10];
	[tilespmem:s3+$0x90] =	vst v19  }
0xbe: {  	v33 =	vperm.xlane v22, v5;
	s5 =	sadd.s32 $0x40, s5;
	v59 =	vld [tilespmem:s17+$0xA0]  }
0xbf: {  	v35 =	vperm.xlane v22, v6;
	v18 =	vmul.f32 v18, v40;
	[tilespmem:s3+$0xFFFFFF80] =	vst v24;
	v24 =	vld [tilespmem:s5+$0x10]  }
0xc0: {  	v13 =	vperm.xlane v22, v7;
	v21 =	vperm.xlane v22, v8;
	v22 =	vld [tilespmem:s15+$0xFFFFFFC0]  }
0xc1: {  	v50 =	vld [tilespmem:s4+$0xFFFFFFF0];
	[tilespmem:s30+$0xE0] =	vst v18;
	v18 =	vperm.xlane v12, v4  }
0xc2: {  	[tilespmem:s0+$0xFFFFFFE0] =	vst v34;
	v60 =	vld [tilespmem:s5+$0xFFFFFFF0]  }
0xc3: {  	[tilespmem:s0+$0x0] =	vst v38;
	v36 =	vld [tilespmem:s17+$0xFFFFFF00];
	v40 =	vmul.f32 v59, v18  }
0xc4: {  	v39 =	vld [tilespmem:s17+$0x0];
	v24 =	vadd.f32 v24, v25  }
0xc5: {  	v10 =	vperm.xlane v10, v9;
	v46 =	vld [tilespmem:s17+$0xFFFFFF90];
	[tilespmem:s3+$0xA0] =	vst v40  }
0xc6: {  	v32 =	vperm.xlane v34, v2;
	v25 =	vmul.f32 $2.000000030e-01, v24;
	v40 =	vld [tilespmem:s17+$0xB0]  }
0xc7: {  	v30 =	vmul.f32 v28, v30;
	v27 =	vperm.xlane v38, v2;
	v48 =	vld [tilespmem:s15+$0xF0];
	vm4 =	vgt.f32 v24, $0.0e+00  }
0xc8: {  	v28 =	vld [tilespmem:s5+$0xFFFFFFE0];
	v19 =	vperm.xlane v37, v3;
	v47 =	vmul.f32 v36, v32;
	v24 =	vsel vm4, v24, v25  }
0xc9: {  	v52 =	vld [tilespmem:s4+$0x0];
	v25 =	vperm.xlane v12, v5;
	v24 =	vmul.f32 $1.442695020e+00, v24  }
0xca: {  	v27 =	vmul.f32 v39, v27;
	v46 =	vmul.f32 v46, v19;
	v19 =	vld [tilespmem:s4+$0xFFFFFFE0]  }
0xcb: {  	v53 =	vld [tilespmem:s5+$0x0];
	v39 =	vadd.f32 v60, v50;
	[tilespmem:s3+$0xFFFFFF00] =	vst v47;
	(erf) = vpow2.f32 v24;
	v24 =	vmul.f32 v40, v25  }
0xcc: {  	v61 =	vmul.f32 v22, v23;
	v22 =	vmul.f32 v48, v10;
	v10 =	vld [tilespmem:s17+$0xFFFFFF10]  }
0xcd: {  	v23 =	vmul.f32 $2.000000030e-01, v39;
	[tilespmem:s3+$0xB0] =	vst v24  }
0xce: {  	v44 =	vperm.xlane v37, v4;
	v11 =	vperm.xlane v38, v7;
	vm5 =	vgt.f32 v39, $0.0e+00;
	v24 =	vld [tilespmem:s17+$0xC0]  }
0xcf: {  	v41 =	vperm.xlane v34, v3;
	[tilespmem:s3+$0x0] =	vst v27;
	v63 =	vadd.f32 v28, v19;
	v19 =	vsel vm5, v39, v23  }
0xd0: {  	v49 =	vperm.xlane v37, v5;
	v23 =	vmul.f32 $1.442695020e+00, v19;
	[tilespmem:$0x1FFD0] =	vst v11  }
0xd1: {  	v62 =	vadd.f32 v53, v52;
	v53 =	vperm.xlane v12, v6;
	v10 =	vmul.f32 v10, v41;
	[tilespmem:s3+$0xFFFFFF90] =	vst v46  }
0xd2: {  	v51 =	vmul.f32 v26, v33;
	(erf) = vpow2.f32 v23;
	v27 =	vld [tilespmem:s17+$0x10];
	[tilespmem:s30+$0xFFFFFF30] =	vst v30  }
0xd3: {  	v48 =	vmul.f32 $2.000000030e-01, v63;
	[tilespmem:s3+$0xFFFFFF10] =	vst v10;
	v30 =	vld [tilespmem:s17+$0xFFFFFFA0];
	v10 =	vmul.f32 v24, v53  }
0xd4: {  	v42 =	vperm.xlane v34, v4;
	v52 =	vmul.f32 $2.000000030e-01, v62;
	vm7 =	vgt.f32 v63, $0.0e+00;
	[tilespmem:s30+$0x30] =	vst v51;
	v54 =	vld [tilespmem:s15+$0xFFFFFF40]  }
0xd5: {  	vm6 =	vgt.f32 v62, $0.0e+00;
	v39 =	vsel vm7, v63, v48;
	v55 =	vld [tilespmem:s15+$0x40];
	[tilespmem:s3+$0xC0] =	vst v10;
	v10 =	vperm.xlane v37, v8  }
0xd6: {  	v43 =	vperm.xlane v38, v3;
	v40 =	vsel vm6, v62, v52;
	v39 =	vmul.f32 $1.442695020e+00, v39;
	[tilespmem:s30+$0xFFFFFFC0] =	vst v61;
	v57 =	vld [tilespmem:s17+$0xFFFFFF20];
	v24 =	vpop (erf)  }
0xd7: {  	v40 =	vmul.f32 $1.442695020e+00, v40;
	v58 =	vld [tilespmem:s15+$0xFFFFFFD0];
	v24 =	vmul.f32 v1, v24;
	[tilespmem:$0x1FFE0] =	vst v10  }
0xd8: {  	s19 =	sadd.s32 $0x40, s5;
	s0 =	sadd.s32 $0x40, s0;
	(erf) = vpow2.f32 v39;
	v56 =	vmul.f32 v27, v43;
	v59 =	vld [tilespmem:s17+$0xD0]  }
0xd9: {  	s23 =	sadd.s32 $0x200, s17;
	(erf) = vpow2.f32 v40;
	v17 =	vmul.f32 v54, v17;
	[tilespmem:s0+$0x10] =	vst v24;
	v15 =	vld [tilespmem:s19+$0xFFFFFFF0]  }
0xda: {  	v45 =	vperm.xlane v38, v4;
	s4 =	sadd.s32 $0x40, s4;
	v10 =	vmul.f32 v30, v44;
	[tilespmem:s3+$0x10] =	vst v56;
	v60 =	vld [tilespmem:s23+$0x80]  }
0xdb: {  	v33 =	vperm.xlane v37, v6;
	v62 =	vpop (erf);
	[tilespmem:s30+$0xFFFFFF40] =	vst v17;
	v17 =	vmul.f32 v57, v42;
	v16 =	vld [tilespmem:s4+$0x0]  }
0xdc: {  	v26 =	vperm.xlane v38, v6;
	v43 =	vmul.f32 v1, v62;
	v41 =	vld [tilespmem:s17+$0x20];
	[tilespmem:s3+$0xFFFFFFA0] =	vst v10  }
0xdd: {  	v32 =	vperm.xlane v34, v5;
	v52 =	vld [tilespmem:s15+$0xFFFFFF50];
	[tilespmem:s3+$0xFFFFFF20] =	vst v17;
	v17 =	vperm.xlane v24, v2  }
0xde: {  	v63 =	vperm.xlane v12, v7;
	v10 =	vmul.f32 v55, v35;
	[tilespmem:s0+$0xFFFFFFF0] =	vst v43;
	v61 =	vld [tilespmem:s17+$0xFFFFFFB0]  }
0xdf: {  	v36 =	vperm.xlane v38, v5;
	v55 =	vld [tilespmem:s23+$0xFFFFFF80];
	v17 =	vmul.f32 v60, v17  }
0xe0: {  	s11 =	sadd.s32 $0x200, s3;
	v18 =	vperm.xlane v34, v6;
	[tilespmem:s30+$0x40] =	vst v10;
	v42 =	vld [tilespmem:s17+$0xFFFFFF30];
	v40 =	vmul.f32 v59, v63  }
0xe1: {  	v31 =	vmul.f32 v58, v31;
	v54 =	vpop (erf);
	v48 =	vld [tilespmem:s15+$0x50];
	v53 =	vmul.f32 v41, v45;
	[tilespmem:s11+$0x80] =	vst v17  }
0xe2: {  	v57 =	vpop (erf);
	v45 =	vmul.f32 v1, v54;
	[tilespmem:s3+$0xD0] =	vst v40;
	v17 =	vperm.xlane v43, v2;
	v59 =	vld [tilespmem:s23+$0x90]  }
0xe3: {  	v28 =	vperm.xlane v37, v7;
	[tilespmem:s30+$0xFFFFFFD0] =	vst v31;
	v44 =	vmul.f32 v1, v57;
	v58 =	vld [tilespmem:s17+$0xE0]  }
0xe4: {  	v56 =	vmul.f32 v61, v49;
	v49 =	vld [tilespmem:s15+$0xFFFFFFE0];
	[tilespmem:s0+$0xFFFFFFE0] =	vst v45;
	v17 =	vmul.f32 v55, v17  }
0xe5: {  	v25 =	vperm.xlane v34, v7;
	v31 =	vperm.xlane v24, v3;
	[tilespmem:s0+$0x0] =	vst v44;
	v62 =	vld [tilespmem:s23+$0xFFFFFF00]  }
0xe6: {  	v23 =	vperm.xlane v34, v8;
	v61 =	vperm.xlane v12, v8;
	v63 =	vld [tilespmem:s23+$0x0];
	[tilespmem:s11+$0xFFFFFF80] =	vst v17  }
0xe7: {  	v30 =	vperm.xlane v38, v8;
	v17 =	vld [tilespmem:s23+$0xFFFFFF90];
	v39 =	vmul.f32 v59, v31  }
0xe8: {  	v10 =	vperm.xlane v38, v9;
	v38 =	vmul.f32 v58, v61;
	v58 =	vld [tilespmem:s4+$0x10]  }
0xe9: {  	v34 =	vperm.xlane v34, v9;
	v35 =	vperm.xlane v37, v9;
	v61 =	vld [tilespmem:s19+$0x10];
	[tilespmem:s11+$0x90] =	vst v39  }
0xea: {  	v14 =	vmul.f32 v52, v14;
	v52 =	vperm.xlane v43, v3;
	[tilespmem:s3+$0xE0] =	vst v38;
	v39 =	vld [tilespmem:s23+$0xA0]  }
0xeb: {  	v40 =	vperm.xlane v43, v6;
	v12 =	vperm.xlane v12, v9;
	[tilespmem:s3+$0xFFFFFFB0] =	vst v56;
	v57 =	vld [tilespmem:s17+$0xF0]  }
0xec: {  	[tilespmem:s3+$0x20] =	vst v53;
	v37 =	vperm.xlane v45, v2;
	v60 =	vperm.xlane v44, v2;
	v47 =	vld [tilespmem:s17+$0xFFFFFFC0]  }
0xed: {  	v32 =	vmul.f32 v42, v32;
	v42 =	vperm.xlane v24, v4;
	[tilespmem:s30+$0xFFFFFF50] =	vst v14;
	v46 =	vld [tilespmem:s17+$0x30]  }
0xee: {  	v51 =	vperm.xlane v45, v3;
	v11 =	vld [tilespmem:s15+$0xFFFFFF60];
	v50 =	vmul.f32 v62, v37  }
0xef: {  	v62 =	vld [tilespmem:s19+$0xFFFFFFE0];
	v52 =	vmul.f32 v17, v52;
	v17 =	vmul.f32 v39, v42  }
0xf0: {  	v60 =	vmul.f32 v63, v60;
	v63 =	vld [tilespmem:s4+$0xFFFFFFF0];
	v42 =	vmul.f32 v57, v12;
	v12 =	vadd.f32 v61, v58  }
0xf1: {  	v53 =	vperm.xlane v45, v4;
	v33 =	vmul.f32 v47, v33;
	v47 =	vld [tilespmem:s19+$0x0];
	[tilespmem:s11+$0xA0] =	vst v17  }
0xf2: {  	v54 =	vperm.xlane v44, v3;
	[tilespmem:s11+$0xFFFFFF00] =	vst v50;
	v58 =	vmul.f32 $2.000000030e-01, v12;
	v61 =	vld [tilespmem:s23+$0xB0]  }
0xf3: {  	v41 =	vperm.xlane v44, v5;
	v14 =	vperm.xlane v45, v8;
	v50 =	vld [tilespmem:s23+$0xFFFFFF10];
	[tilespmem:s11+$0xFFFFFF90] =	vst v52;
	vm8 =	vgt.f32 v12, $0.0e+00  }
0xf4: {  	v56 =	vperm.xlane v44, v4;
	[tilespmem:s3+$0xFFFFFF30] =	vst v32;
	v46 =	vmul.f32 v46, v36;
	v32 =	vld [tilespmem:s23+$0xFFFFFFA0];
	v12 =	vsel vm8, v12, v58  }
0xf5: {  	[tilespmem:s11+$0x0] =	vst v60;
	v60 =	vperm.xlane v24, v5;
	v57 =	vld [tilespmem:s4+$0xFFFFFFE0];
	v58 =	vmul.f32 $1.442695020e+00, v12  }
0xf6: {  	v48 =	vmul.f32 v48, v13;
	v13 =	vperm.xlane v43, v8;
	v19 =	vld [tilespmem:$0x1FFB0];
	[tilespmem:s3+$0x30] =	vst v46  }
0xf7: {  	[tilespmem:s3+$0xFFFFFFC0] =	vst v33;
	v33 =	vld [tilespmem:s17+$0x40];
	(erf) = vpow2.f32 v58;
	v61 =	vmul.f32 v61, v60  }
0xf8: {  	v55 =	vperm.xlane v43, v4;
	v29 =	vmul.f32 v49, v29;
	v15 =	vadd.f32 v15, v63;
	v63 =	vld [tilespmem:s23+$0x10]  }
0xf9: {  	v31 =	vperm.xlane v45, v5;
	v16 =	vadd.f32 v47, v16;
	v50 =	vmul.f32 v50, v51;
	[tilespmem:s11+$0xB0] =	vst v61  }
0xfa: {  	v59 =	vperm.xlane v43, v5;
	v47 =	vmul.f32 $2.000000030e-01, v15;
	[tilespmem:s30+$0x50] =	vst v48;
	v60 =	vld [tilespmem:s23+$0xC0]  }
0xfb: {  	v49 =	vld [tilespmem:s17+$0xFFFFFF40];
	[tilespmem:s11+$0xFFFFFF10] =	vst v50;
	v32 =	vmul.f32 v32, v55;
	v52 =	vadd.f32 v62, v57;
	v57 =	vmul.f32 $2.000000030e-01, v16  }
0xfc: {  	s5 =	sadd.s32 $0x40, s4;
	vm9 =	vgt.f32 v15, $0.0e+00;
	[tilespmem:s30+$0xFFFFFFE0] =	vst v29;
	v11 =	vmul.f32 v11, v19;
	v26 =	vmul.f32 v33, v26  }
0xfd: {  	v27 =	vld [tilespmem:s5+$0x0];
	v15 =	vsel vm9, v15, v47;
	[tilespmem:s11+$0xFFFFFFA0] =	vst v32;
	v61 =	vmul.f32 v63, v54;
	v63 =	vperm.xlane v24, v6  }
0xfe: {  	vm10 =	vgt.f32 v16, $0.0e+00;
	v15 =	vmul.f32 $1.442695020e+00, v15;
	v48 =	vld [tilespmem:s17+$0xFFFFFFD0];
	v62 =	vmul.f32 $2.000000030e-01, v52;
	[tilespmem:s30+$0xFFFFFF60] =	vst v11  }
0xff: {  	vm11 =	vgt.f32 v52, $0.0e+00;
	v16 =	vsel vm10, v16, v57;
	v54 =	vld [tilespmem:s23+$0xFFFFFF20];
	[tilespmem:s3+$0x40] =	vst v26;
	v57 =	vmul.f32 v60, v63  }
0x100: {  	(erf) = vpow2.f32 v15;
	v52 =	vsel vm11, v52, v62;
	v29 =	vld [tilespmem:s15+$0xFFFFFF70];
	[tilespmem:s11+$0x10] =	vst v61;
	v58 =	vpop (erf);
	v60 =	vmul.f32 v49, v18  }
0x101: {  	v62 =	vmul.f32 $1.442695020e+00, v52;
	v11 =	vld [tilespmem:s23+$0x20];
	v18 =	vmul.f32 v1, v58;
	[tilespmem:s11+$0xC0] =	vst v57  }
0x102: {  	s0 =	sadd.s32 $0x40, s0;
	v37 =	vperm.xlane v44, v6;
	v36 =	vperm.xlane v45, v7;
	v61 =	vld [tilespmem:s15+$0xFFFFFFF0];
	[tilespmem:s3+$0xFFFFFF40] =	vst v60  }
0x103: {  	v38 =	vperm.xlane v45, v6;
	(erf) = vpow2.f32 v62;
	v63 =	vld [tilespmem:s23+$0xFFFFFFB0];
	[tilespmem:s0+$0x10] =	vst v18  }
0x104: {  	v17 =	vperm.xlane v44, v7;
	v15 =	vmul.f32 $1.442695020e+00, v16;
	v19 =	vld [tilespmem:$0x1FFC0]  }
0x105: {  	v12 =	vperm.xlane v44, v8;
	v52 =	vld [tilespmem:s15+$0x60];
	v54 =	vmul.f32 v54, v53  }
0x106: {  	s13 =	sadd.s32 $0x200, s23;
	(erf) = vpow2.f32 v15;
	v55 =	vmul.f32 v11, v56;
	v62 =	vld [tilespmem:s23+$0xD0]  }
0x107: {  	v28 =	vmul.f32 v48, v28;
	v49 =	vmul.f32 v61, v20;
	v56 =	vld [tilespmem:s13+$0x80];
	[tilespmem:s11+$0xFFFFFF20] =	vst v54  }
0x108: {  	v50 =	vld [tilespmem:s17+$0x50];
	v11 =	vperm.xlane v44, v9;
	v57 =	vperm.xlane v24, v7;
	[tilespmem:s11+$0x20] =	vst v55  }
0x109: {  	v47 =	vld [tilespmem:s17+$0xFFFFFF50];
	[tilespmem:s3+$0xFFFFFFD0] =	vst v28;
	v33 =	vmul.f32 v63, v59;
	v26 =	vmul.f32 v29, v19;
	v29 =	vpop (erf)  }
0x10a: {  	v58 =	vperm.xlane v18, v2;
	[tilespmem:s30+$0xF0] =	vst v22;
	v20 =	vld [tilespmem:s23+$0xFFFFFF30];
	v44 =	vmul.f32 v1, v29  }
0x10b: {  	v39 =	vperm.xlane v43, v7;
	v48 =	vld [tilespmem:s23+$0x30];
	[tilespmem:s11+$0xFFFFFFB0] =	vst v33;
	v32 =	vmul.f32 v62, v57  }
0x10c: {  	v16 =	vperm.xlane v45, v9;
	v51 =	vld [tilespmem:s17+$0xFFFFFFE0];
	v45 =	vmul.f32 v56, v58;
	v29 =	vpop (erf);
	[tilespmem:s0+$0xFFFFFFF0] =	vst v44  }
0x10d: {  	s14 =	sadd.s32 $0x200, s11;
	v15 =	vperm.xlane v43, v9;
	[tilespmem:s11+$0xD0] =	vst v32;
	v29 =	vmul.f32 v1, v29;
	v60 =	vld [tilespmem:s13+$0xFFFFFF80]  }
0x10e: {  	v21 =	vmul.f32 v52, v21;
	v22 =	vperm.xlane v24, v9;
	v62 =	vld [tilespmem:s23+$0xE0];
	[tilespmem:s14+$0x80] =	vst v45  }
0x10f: {  	v63 =	vperm.xlane v24, v8;
	v25 =	vmul.f32 v47, v25;
	v59 =	vpop (erf);
	v33 =	vld [tilespmem:s13+$0x90];
	[tilespmem:s0+$0xFFFFFFE0] =	vst v29  }
0x110: {  	v43 =	vmul.f32 v1, v59;
	v61 =	vperm.xlane v44, v2;
	v53 =	vld [tilespmem:s13+$0xFFFFFF00]  }
0x111: {  	v56 =	vld [tilespmem:s23+$0xFFFFFFC0];
	[tilespmem:s3+$0xFFFFFF50] =	vst v25;
	v25 =	vperm.xlane v18, v3;
	v20 =	vmul.f32 v20, v31  }
0x112: {  	v19 =	vld [tilespmem:s5+$0xFFFFFFF0];
	v41 =	vmul.f32 v48, v41;
	[tilespmem:s0+$0x0] =	vst v43;
	v32 =	vmul.f32 v60, v61  }
0x113: {  	v55 =	vperm.xlane v44, v3;
	v47 =	vperm.xlane v29, v2;
	v28 =	vld [tilespmem:s13+$0x0]  }
0x114: {  	v46 =	vmul.f32 v62, v63;
	v62 =	vld [tilespmem:s5+$0x10];
	v25 =	vmul.f32 v33, v25;
	[tilespmem:s14+$0xFFFFFF80] =	vst v32  }
0x115: {  	s19 =	sadd.s32 $0x40, s19;
	[tilespmem:s30+$0xFFFFFF70] =	vst v26;
	v57 =	vperm.xlane v44, v4;
	v47 =	vmul.f32 v53, v47;
	v53 =	vld [tilespmem:s13+$0xFFFFFF90]  }
0x116: {  	v31 =	vperm.xlane v44, v6;
	v26 =	vperm.xlane v44, v7;
	v63 =	vld [tilespmem:s19+$0x10];
	[tilespmem:s14+$0x90] =	vst v25  }
0x117: {  	[tilespmem:s3+$0xF0] =	vst v42;
	v54 =	vperm.xlane v29, v3;
	v52 =	vperm.xlane v43, v2;
	v48 =	vld [tilespmem:s13+$0xA0]  }
0x118: {  	[tilespmem:s30+$0x60] =	vst v21;
	v45 =	vperm.xlane v29, v4;
	v24 =	vperm.xlane v29, v7;
	v60 =	vld [tilespmem:s17+$0xFFFFFF60]  }
0x119: {  	v40 =	vmul.f32 v56, v40;
	v56 =	vld [tilespmem:s19+$0xFFFFFFE0];
	[tilespmem:s11+$0xE0] =	vst v46;
	v52 =	vmul.f32 v28, v52  }
0x11a: {  	[tilespmem:s14+$0xFFFFFF00] =	vst v47;
	v42 =	vmul.f32 v53, v55;
	v53 =	vperm.xlane v18, v4;
	v55 =	vld [tilespmem:s19+$0xFFFFFFF0]  }
0x11b: {  	v58 =	vperm.xlane v43, v3;
	v59 =	vperm.xlane v43, v4;
	v47 =	vadd.f32 v63, v62;
	v21 =	vld [tilespmem:$0x1FFD0]  }
0x11c: {  	v33 =	vperm.xlane v43, v5;
	[tilespmem:s14+$0x0] =	vst v52;
	v63 =	vld [tilespmem:s13+$0xFFFFFF10];
	v48 =	vmul.f32 v48, v53  }
0x11d: {  	[tilespmem:s11+$0xFFFFFF30] =	vst v20;
	v52 =	vmul.f32 v60, v23;
	v60 =	vmul.f32 $2.000000030e-01, v47;
	v53 =	vld [tilespmem:s19+$0x0]  }
0x11e: {  	v46 =	vperm.xlane v44, v5;
	v32 =	vperm.xlane v29, v5;
	vm12 =	vgt.f32 v47, $0.0e+00;
	[tilespmem:s14+$0xA0] =	vst v48;
	v48 =	vld [tilespmem:s5+$0xFFFFFFE0]  }
0x11f: {  	v28 =	vperm.xlane v29, v6;
	v47 =	vsel vm12, v47, v60;
	v55 =	vadd.f32 v55, v19;
	v19 =	vld [tilespmem:$0x1FFE0]  }
0x120: {  	v60 =	vperm.xlane v18, v5;
	v62 =	vld [tilespmem:s13+$0xB0];
	[tilespmem:s11+$0x30] =	vst v41;
	v41 =	vmul.f32 $1.442695020e+00, v47  }
0x121: {  	v61 =	vld [tilespmem:s23+$0xF0];
	v50 =	vmul.f32 v50, v21;
	v21 =	vperm.xlane v29, v8;
	[tilespmem:s14+$0xFFFFFF90] =	vst v42  }
0x122: {  	v54 =	vmul.f32 v63, v54;
	[tilespmem:s30+$0xFFFFFFF0] =	vst v49;
	v42 =	vld [tilespmem:s13+$0xFFFFFFA0];
	(erf) = vpow2.f32 v41  }
0x123: {  	[tilespmem:s11+$0xFFFFFFC0] =	vst v40;
	v27 =	vadd.f32 v53, v27;
	v53 =	vld [tilespmem:s23+$0xFFFFFF40];
	v48 =	vadd.f32 v56, v48;
	v56 =	vmul.f32 $2.000000030e-01, v55  }
0x124: {  	[tilespmem:s3+$0x50] =	vst v50;
	v51 =	vmul.f32 v51, v19;
	v19 =	vperm.xlane v29, v9;
	v29 =	vld [tilespmem:s13+$0x10]  }
0x125: {  	v25 =	vperm.xlane v43, v6;
	[tilespmem:s3+$0xFFFFFF60] =	vst v52;
	vm13 =	vgt.f32 v55, $0.0e+00;
	v41 =	vld [tilespmem:s23+$0x40];
	v40 =	vmul.f32 v62, v60  }
0x126: {  	v20 =	vperm.xlane v43, v8;
	v61 =	vmul.f32 v61, v22;
	[tilespmem:s14+$0xFFFFFF10] =	vst v54;
	v50 =	vld [tilespmem:s17+$0xFFFFFF70];
	v49 =	vsel vm13, v55, v56  }
0x127: {  	v60 =	vmul.f32 $2.000000030e-01, v48;
	v55 =	vld [tilespmem:s23+$0xFFFFFFD0];
	[tilespmem:s14+$0xB0] =	vst v40;
	v63 =	vmul.f32 $1.442695020e+00, v49  }
0x128: {  	[tilespmem:s11+$0xF0] =	vst v61;
	v62 =	vmul.f32 $2.000000030e-01, v27;
	vm15 =	vgt.f32 v48, $0.0e+00;
	v42 =	vmul.f32 v42, v57;
	v52 =	vld [tilespmem:s13+$0xC0]  }
0x129: {  	v56 =	vld [tilespmem:s13+$0xFFFFFF20];
	[tilespmem:s3+$0xFFFFFFE0] =	vst v51;
	v38 =	vmul.f32 v53, v38;
	v47 =	vsel vm15, v48, v60;
	v29 =	vmul.f32 v29, v58  }
0x12a: {  	vm14 =	vgt.f32 v27, $0.0e+00;
	v40 =	vld [tilespmem:s17+$0x60];
	v41 =	vmul.f32 v41, v37;
	[tilespmem:s14+$0xFFFFFFA0] =	vst v42;
	v47 =	vmul.f32 $1.442695020e+00, v47  }
0x12b: {  	v27 =	vsel vm14, v27, v62;
	v62 =	vld [tilespmem:s15+$0x70];
	(erf) = vpow2.f32 v63;
	v58 =	vperm.xlane v18, v6;
	v63 =	vpop (erf);
	[tilespmem:s14+$0x10] =	vst v29  }
0x12c: {  	v27 =	vmul.f32 $1.442695020e+00, v27;
	[tilespmem:s11+$0xFFFFFF40] =	vst v38;
	v37 =	vmul.f32 v1, v63;
	v29 =	vld [tilespmem:s13+$0x20]  }
0x12d: {  	s0 =	sadd.s32 $0x40, s0;
	v61 =	vld [tilespmem:s13+$0xFFFFFFB0];
	[tilespmem:s11+$0x40] =	vst v41;
	(erf) = vpow2.f32 v47;
	v47 =	vmul.f32 v52, v58  }
0x12e: {  	v60 =	vld [tilespmem:s17+$0xFFFFFFF0];
	v52 =	vmul.f32 v55, v39;
	v55 =	vmul.f32 v56, v45;
	[tilespmem:s0+$0x10] =	vst v37  }
0x12f: {  	v23 =	vperm.xlane v44, v8;
	v54 =	vld [tilespmem:s23+$0xFFFFFF50];
	(erf) = vpow2.f32 v27;
	[tilespmem:s14+$0xC0] =	vst v47  }
0x130: {  	v22 =	vperm.xlane v43, v7;
	v41 =	vmul.f32 v50, v34;
	[tilespmem:s14+$0xFFFFFF20] =	vst v55;
	v56 =	vld [tilespmem:s13+$0xD0]  }
0x131: {  	v27 =	vperm.xlane v44, v9;
	v29 =	vmul.f32 v29, v59;
	v59 =	vld [tilespmem:$0x1FFF0]  }
0x132: {  	s26 =	sadd.s32 $0x200, s13;
	v53 =	vmul.f32 v40, v30;
	v58 =	vmul.f32 v61, v46  }
0x133: {  	v30 =	vperm.xlane v43, v9;
	v57 =	vld [tilespmem:s26+$0x80];
	[tilespmem:s14+$0x20] =	vst v29;
	v29 =	vperm.xlane v18, v7  }
0x134: {  	v43 =	vmul.f32 v60, v35;
	v39 =	vld [tilespmem:s23+$0x50];
	v42 =	vmul.f32 v54, v36;
	v60 =	vpop (erf);
	[tilespmem:s14+$0xFFFFFFB0] =	vst v58  }
0x135: {  	v49 =	vld [tilespmem:s13+$0xFFFFFF30];
	[tilespmem:s11+$0xFFFFFFD0] =	vst v52;
	v34 =	vmul.f32 v1, v60;
	v45 =	vmul.f32 v56, v29  }
0x136: {  	[tilespmem:s3+$0xFFFFFF70] =	vst v41;
	v48 =	vld [tilespmem:s13+$0xFFFFFFC0];
	v61 =	vpop (erf);
	v38 =	vmul.f32 v62, v59;
	v62 =	vperm.xlane v37, v2  }
0x137: {  	v51 =	vld [tilespmem:s13+$0x30];
	v36 =	vmul.f32 v1, v61;
	[tilespmem:s0+$0xFFFFFFF0] =	vst v34;
	v50 =	vperm.xlane v34, v2  }
0x138: {  	v63 =	vpop (erf);
	v52 =	vperm.xlane v34, v3;
	v54 =	vld [tilespmem:s26+$0xFFFFFF80];
	[tilespmem:s14+$0xD0] =	vst v45;
	v35 =	vmul.f32 v57, v62  }
0x139: {  	s15 =	sadd.s32 $0x200, s14;
	v44 =	vperm.xlane v34, v4;
	v29 =	vmul.f32 v1, v63;
	[tilespmem:s0+$0xFFFFFFE0] =	vst v36;
	v56 =	vld [tilespmem:s13+$0xE0]  }
0x13a: {  	v61 =	vperm.xlane v37, v3;
	v41 =	vperm.xlane v34, v5;
	v58 =	vld [tilespmem:s26+$0xFFFFFF00];
	[tilespmem:s15+$0x80] =	vst v35  }
0x13b: {  	v55 =	vperm.xlane v36, v2;
	v46 =	vperm.xlane v36, v3;
	[tilespmem:s0+$0x0] =	vst v29;
	v59 =	vld [tilespmem:s26+$0x90]  }
0x13c: {  	[tilespmem:s11+$0xFFFFFF50] =	vst v42;
	v40 =	vperm.xlane v36, v4;
	v60 =	vld [tilespmem:s26+$0x0];
	v35 =	vperm.xlane v18, v8  }
0x13d: {  	[tilespmem:s3+$0x60] =	vst v53;
	v53 =	vperm.xlane v36, v5;
	v45 =	vld [tilespmem:s23+$0xFFFFFFE0];
	v54 =	vmul.f32 v54, v50  }
0x13e: {  	v47 =	vperm.xlane v29, v3;
	v50 =	vld [tilespmem:s23+$0xFFFFFF60];
	v62 =	vmul.f32 v56, v35  }
0x13f: {  	v57 =	vperm.xlane v29, v2;
	v55 =	vmul.f32 v58, v55;
	[tilespmem:s15+$0xFFFFFF80] =	vst v54;
	v35 =	vld [tilespmem:s17+$0x70]  }
0x140: {  	s4 =	simm.s32 $0x10;
	v42 =	vperm.xlane v29, v4;
	v56 =	vld [tilespmem:s26+$0xFFFFFF90];
	[tilespmem:s14+$0xE0] =	vst v62;
	v58 =	vmul.f32 v59, v61  }
0x141: {  	s5 =	sadd.s32 $0x40, s5;
	v54 =	vperm.xlane v29, v5;
	s17 =	sand.u32 $0x3, s12;
	v57 =	vmul.f32 v60, v57;
	s12 =	smov.u32 s26;
	[tilespmem:s15+$0xFFFFFF00] =	vst v55;
	v55 =	vld [tilespmem:s13+$0xF0]  }
.LBB2_9:
0x142: {  	v59 =	vld [tilespmem:s5+$0x10];
	[tilespmem:s15+$0x90] =	vst v58;
	v49 =	vmul.f32 v49, v32;
	v51 =	vmul.f32 v51, v33;
	v32 =	vmov v53  }
0x143: {  	v53 =	vperm.xlane v36, v6;
	v58 =	vperm.xlane v34, v6;
	s19 =	sadd.s32 $0x40, s19;
	[tilespmem:s15+$0x0] =	vst v57;
	v57 =	vld [tilespmem:s26+$0xA0];
	v33 =	vmov v54  }
0x144: {  	s4 =	sadd.s32 $0x4, s4;
	v60 =	vperm.xlane v29, v6;
	v54 =	vld [tilespmem:s19+$0x10];
	[tilespmem:s14+$0xFFFFFF30] =	vst v49;
	v49 =	vperm.xlane v18, v9;
	v18 =	vmov v37  }
0x145: {  	p0 =	slt.u32 s4, $0x24;
	v37 =	vld [tilespmem:s19+$0xFFFFFFE0];
	v52 =	vmul.f32 v56, v52;
	v56 =	vmul.f32 v48, v31;
	[tilespmem:s14+$0x30] =	vst v51;
	v31 =	vmov v58  }
0x146: {  	v58 =	vperm.xlane v18, v4;
	v51 =	vld [tilespmem:s5+$0xFFFFFFF0];
	v49 =	vmul.f32 v55, v49;
	[tilespmem:s3+$0xFFFFFFF0] =	vst v43  }
0x147: {  	v48 =	vperm.xlane v36, v7;
	v43 =	vld [tilespmem:s19+$0xFFFFFFF0];
	[tilespmem:s15+$0xFFFFFF90] =	vst v52;
	v52 =	vperm.xlane v34, v7  }
0x148: {  	v61 =	vperm.xlane v29, v7;
	v55 =	vld [tilespmem:s5+$0x0];
	v57 =	vmul.f32 v57, v58;
	[tilespmem:s14+$0xF0] =	vst v49  }
0x149: {  	v39 =	vmul.f32 v39, v17;
	v58 =	vperm.xlane v36, v8;
	v49 =	vld [tilespmem:s19+$0x0];
	v54 =	vadd.f32 v54, v59;
	[tilespmem:s14+$0xFFFFFFC0] =	vst v56  }
0x14a: {  	v62 =	vperm.xlane v29, v8;
	v17 =	vmovc v22;
	v22 =	vmov v61;
	v59 =	vperm.xlane v34, v8;
	v56 =	vld [tilespmem:s5+$0xFFFFFFE0];
	[tilespmem:s15+$0xA0] =	vst v57  }
0x14b: {  	v50 =	vmul.f32 v50, v14;
	v14 =	vmovc v21;
	v21 =	vmov v58;
	v57 =	vmul.f32 $2.000000030e-01, v54;
	v61 =	vld [tilespmem:s26+$0xB0];
	[tilespmem:s11+$0x50] =	vst v39  }
0x14c: {  	v45 =	vmul.f32 v45, v13;
	v13 =	vmovc v23;
	vm0 =	vgt.f32 v54, $0.0e+00;
	v39 =	vadd.f32 v43, v51;
	v43 =	vld [tilespmem:s26+$0xFFFFFF10];
	[tilespmem:s30+$0x70] =	vst v38;
	s30 =	smov.u32 s3;
	s3 =	smov.u32 s11;
	s11 =	smov.u32 s14  }
0x14d: {  	v36 =	vperm.xlane v36, v9;
	v34 =	vperm.xlane v34, v9;
	s14 =	smov.u32 s15;
	v57 =	vsel vm0, v54, v57;
	v38 =	vld [tilespmem:s26+$0x10];
	[tilespmem:s3+$0xFFFFFF60] =	vst v50  }
0x14e: {  	v23 =	vmovc v59;
	v54 =	vperm.xlane v18, v5;
	v49 =	vadd.f32 v49, v55;
	v50 =	vmul.f32 $1.442695020e+00, v57;
	v51 =	vld [tilespmem:s26+$0xFFFFFFA0];
	[tilespmem:s3+$0xFFFFFFE0] =	vst v45  }
0x14f: {  	vm0 =	vgt.f32 v39, $0.0e+00;
	v45 =	vmul.f32 $2.000000030e-01, v39;
	v37 =	vadd.f32 v37, v56;
	v55 =	vld [tilespmem:s13+$0xFFFFFF40]  }
0x150: {  	vm1 =	vgt.f32 v49, $0.0e+00;
	(erf) = vpow2.f32 v50;
	v50 =	vmul.f32 v61, v54;
	v54 =	vld [tilespmem:s13+$0x40]  }
0x151: {  	v57 =	vmul.f32 $2.000000030e-01, v49;
	vm2 =	vgt.f32 v37, $0.0e+00;
	v56 =	vmul.f32 $2.000000030e-01, v37;
	v58 =	vld [tilespmem:s13+$0xFFFFFFD0]  }
0x152: {  	v39 =	vsel vm0, v39, v45;
	v43 =	vmul.f32 v43, v46;
	v38 =	vmul.f32 v38, v47;
	[tilespmem:s15+$0xB0] =	vst v50;
	v45 =	vld [tilespmem:s23+$0x60]  }
0x153: {  	v39 =	vmul.f32 $1.442695020e+00, v39;
	v46 =	vsel vm1, v49, v57;
	v37 =	vsel vm2, v37, v56;
	v47 =	vld [tilespmem:s26+$0xC0]  }
0x154: {  	v46 =	vmul.f32 $1.442695020e+00, v46;
	v37 =	vmul.f32 $1.442695020e+00, v37;
	[tilespmem:s15+$0xFFFFFF10] =	vst v43;
	v43 =	vld [tilespmem:s23+$0xFFFFFF70]  }
0x155: {  	v44 =	vmul.f32 v51, v44;
	(erf) = vpow2.f32 v39;
	v39 =	vld [tilespmem:s26+$0xFFFFFF20];
	[tilespmem:s15+$0x10] =	vst v38  }
0x156: {  	v51 =	vperm.xlane v18, v6;
	(erf) = vpow2.f32 v37;
	v38 =	vld [tilespmem:s26+$0x20]  }
0x157: {  	(erf) = vpow2.f32 v46;
	[tilespmem:s15+$0xFFFFFFA0] =	vst v44;
	v44 =	vmul.f32 v55, v28;
	v46 =	vld [tilespmem:s23+$0xFFFFFFF0];
	v28 =	vmov v53  }
0x158: {  	v50 =	vmul.f32 v54, v25;
	v25 =	vmov v60;
	v49 =	vld [tilespmem:s26+$0xFFFFFFB0];
	v47 =	vmul.f32 v47, v51  }
0x159: {  	v53 =	vmul.f32 v45, v12;
	v37 =	vpop (erf);
	[tilespmem:s11+$0xFFFFFF40] =	vst v44;
	v44 =	vmul.f32 v58, v26;
	v26 =	vmov v52  }
0x15a: {  	v12 =	vmovc v20;
	v20 =	vmov v62;
	v37 =	vmul.f32 v1, v37;
	v40 =	vmul.f32 v39, v40;
	[tilespmem:s15+$0xC0] =	vst v47;
	v45 =	vld [tilespmem:s13+$0xFFFFFF50]  }
0x15b: {  	v29 =	vperm.xlane v29, v9;
	s0 =	sadd.s32 $0x40, s0;
	v42 =	vmul.f32 v38, v42;
	v47 =	vld [tilespmem:s26+$0xD0];
	[tilespmem:s11+$0x40] =	vst v50  }
0x15c: {  	v54 =	vmul.f32 v43, v16;
	v16 =	vmovc v19;
	v19 =	vmov v36;
	s26 =	sadd.s32 $0x200, s26;
	[tilespmem:s0+$0x10] =	vst v37;
	v39 =	vld [tilespmem:s13+$0x50];
	v43 =	vmul.f32 v46, v15  }
0x15d: {  	v38 =	vmul.f32 v35, v10;
	v15 =	vmovc v27;
	v27 =	vmov v34;
	v46 =	vld [tilespmem:s26+$0x80];
	[tilespmem:s15+$0xFFFFFF20] =	vst v40;
	v36 =	vmul.f32 v49, v41  }
0x15e: {  	v35 =	vperm.xlane v18, v7;
	v10 =	vmov v11;
	v11 =	vmov v30;
	v34 =	vpop (erf);
	v49 =	vld [tilespmem:s12+$0xFFFFFF30];
	[tilespmem:s15+$0x20] =	vst v42  }
0x15f: {  	v34 =	vmul.f32 v1, v34;
	v40 =	vpop (erf);
	[tilespmem:s15+$0xFFFFFFB0] =	vst v36;
	v51 =	vld [tilespmem:s12+$0x30];
	v41 =	vmul.f32 v45, v24;
	v24 =	vmov v48  }
0x160: {  	v30 =	vmov v29;
	v42 =	vperm.xlane v37, v2;
	v45 =	vpop (erf);
	v48 =	vld [tilespmem:s12+$0xFFFFFFC0];
	v35 =	vmul.f32 v47, v35;
	[tilespmem:s11+$0xFFFFFFD0] =	vst v44  }
0x161: {  	v36 =	vmul.f32 v1, v40;
	[tilespmem:s0+$0xFFFFFFF0] =	vst v34;
	v29 =	vmul.f32 v1, v45;
	v45 =	vld [tilespmem:s13+$0xFFFFFFE0]  }
0x162: {  	v50 =	vperm.xlane v34, v2;
	v55 =	vld [tilespmem:s26+$0xFFFFFF80];
	v40 =	vmul.f32 v46, v42;
	[tilespmem:s15+$0xD0] =	vst v35  }
0x163: {  	v56 =	vperm.xlane v36, v2;
	s15 =	sadd.s32 $0x200, s15;
	[tilespmem:s0+$0xFFFFFFE0] =	vst v36;
	v57 =	vperm.xlane v29, v2;
	v35 =	vld [tilespmem:s12+$0xE0]  }
0x164: {  	v52 =	vperm.xlane v34, v3;
	v46 =	vperm.xlane v36, v3;
	v58 =	vld [tilespmem:s26+$0xFFFFFF00];
	[tilespmem:s15+$0x80] =	vst v40  }
0x165: {  	v47 =	vperm.xlane v29, v3;
	v40 =	vperm.xlane v36, v4;
	[tilespmem:s0+$0x0] =	vst v29;
	v59 =	vld [tilespmem:s26+$0x90]  }
0x166: {  	v61 =	vperm.xlane v18, v8;
	v44 =	vperm.xlane v34, v4;
	v60 =	vld [tilespmem:s26+$0x0];
	[tilespmem:s11+$0xFFFFFF50] =	vst v41  }
.Ltmp3:
0x167: {  	v42 =	vperm.xlane v29, v4;
	v41 =	vmul.f32 v55, v50;
	v50 =	vld [tilespmem:s13+$0xFFFFFF60];
	[tilespmem:s3+$0x60] =	vst v53;
	(pc) =	sbr.rel @p0 .LBB2_9-.Ltmp3, $4  }
0x168: {  	v55 =	vperm.xlane v37, v3;
	v61 =	vmul.f32 v35, v61;
	[tilespmem:s3+$0xFFFFFF70] =	vst v54;
	v35 =	vld [tilespmem:s23+$0x70];
	s23 =	smov.u32 s13;
	s13 =	smov.u32 s12;
	s12 =	smov.u32 s26  }
0x169: {  	v53 =	vperm.xlane v36, v5;
	v54 =	vmul.f32 v58, v56;
	[tilespmem:s15+$0xFFFFFF80] =	vst v41  }
0x16a: {  	v41 =	vperm.xlane v34, v5;
	v56 =	vld [tilespmem:s26+$0xFFFFFF90];
	v58 =	vmul.f32 v59, v55;
	[tilespmem:s14+$0xE0] =	vst v61  }
0x16b: {  	s5 =	sadd.s32 $0x40, s5;
	[tilespmem:s15+$0xFFFFFF00] =	vst v54;
	v57 =	vmul.f32 v60, v57;
	v54 =	vperm.xlane v29, v5;
	v55 =	vld [tilespmem:s13+$0xF0]  }
0x16c: {  	v59 =	vld [tilespmem:s26+$0xFFFFFF10]  }
0x16d: {  	[tilespmem:s15+$0x0] =	vst v57  }
0x16e: {  	v60 =	vld [tilespmem:s26+$0x10];
	_ =	sdelay $0x1  }
0x16f: {  	[tilespmem:s15+$0x90] =	vst v58  }
0x170: {  	v58 =	vld [tilespmem:s26+$0xA0];
	v46 =	vmul.f32 v59, v46  }
0x171: {  	[tilespmem:s3+$0xFFFFFFF0] =	vst v43;
	v52 =	vmul.f32 v56, v52  }
0x172: {  	[tilespmem:s15+$0xFFFFFF10] =	vst v46;
	v60 =	vmul.f32 v60, v47  }
0x173: {  	v57 =	vperm.xlane v37, v4;
	[tilespmem:s15+$0xFFFFFF90] =	vst v52;
	v61 =	vld [tilespmem:s26+$0xFFFFFF20]  }
0x174: {  	v32 =	vmul.f32 v49, v32;
	v62 =	vld [tilespmem:s26+$0xFFFFFFA0];
	[tilespmem:s15+$0x10] =	vst v60  }
0x175: {  	[tilespmem:s30+$0x70] =	vst v38;
	v57 =	vmul.f32 v58, v57;
	v52 =	vld [tilespmem:s26+$0x20]  }
0x176: {  	v33 =	vmul.f32 v51, v33;
	[tilespmem:s14+$0xFFFFFF30] =	vst v32  }
0x177: {  	v31 =	vmul.f32 v48, v31;
	[tilespmem:s15+$0xA0] =	vst v57  }
0x178: {  	[tilespmem:s14+$0x30] =	vst v33;
	v56 =	vld [tilespmem:s26+$0xB0];
	v40 =	vmul.f32 v61, v40  }
0x179: {  	[tilespmem:s14+$0xFFFFFFC0] =	vst v31;
	v58 =	vmul.f32 v62, v44  }
0x17a: {  	[tilespmem:s15+$0xFFFFFF20] =	vst v40;
	v32 =	vmul.f32 v52, v42  }
0x17b: {  	v63 =	vperm.xlane v37, v5;
	v17 =	vmul.f32 v39, v17;
	[tilespmem:s15+$0xFFFFFFA0] =	vst v58;
	v60 =	vld [tilespmem:s12+$0xFFFFFF30]  }
0x17c: {  	v18 =	vperm.xlane v18, v9;
	v14 =	vmul.f32 v50, v14;
	v61 =	vld [tilespmem:s26+$0xFFFFFFB0];
	[tilespmem:s15+$0x20] =	vst v32  }
0x17d: {  	v13 =	vmul.f32 v45, v13;
	[tilespmem:s11+$0x50] =	vst v17;
	v57 =	vmul.f32 v56, v63;
	v63 =	vld [tilespmem:s12+$0x30]  }
0x17e: {  	[tilespmem:s11+$0xFFFFFF60] =	vst v14;
	v18 =	vmul.f32 v55, v18  }
0x17f: {  	[tilespmem:s11+$0xFFFFFFE0] =	vst v13;
	v43 =	vld [tilespmem:s13+$0x40]  }
0x180: {  	v49 =	vld [tilespmem:s13+$0xFFFFFFD0];
	[tilespmem:s14+$0xF0] =	vst v18;
	v33 =	vmul.f32 v60, v53  }
0x181: {  	v40 =	vld [tilespmem:s13+$0xFFFFFF40];
	[tilespmem:s15+$0xB0] =	vst v57;
	v18 =	vmul.f32 v61, v41  }
0x182: {  	v59 =	vld [tilespmem:s26+$0xC0];
	[tilespmem:s15+$0xFFFFFF30] =	vst v33;
	v44 =	vmul.f32 v63, v54  }
0x183: {  	v10 =	vmul.f32 v35, v10;
	[tilespmem:s15+$0xFFFFFFB0] =	vst v18;
	v46 =	vld [tilespmem:s12+$0xFFFFFF40]  }
0x184: {  	v25 =	vmul.f32 v43, v25;
	v48 =	vld [tilespmem:s12+$0xFFFFFFC0];
	[tilespmem:s15+$0x30] =	vst v44  }
0x185: {  	[tilespmem:s3+$0x70] =	vst v10;
	v26 =	vmul.f32 v49, v26;
	v62 =	vperm.xlane v37, v6;
	v52 =	vld [tilespmem:s12+$0x40]  }
0x186: {  	v51 =	vperm.xlane v36, v6;
	v55 =	vld [tilespmem:s23+$0x60];
	[tilespmem:s14+$0x40] =	vst v25;
	v47 =	vmul.f32 v40, v28  }
0x187: {  	[tilespmem:s14+$0xFFFFFFD0] =	vst v26;
	v57 =	vld [tilespmem:s23+$0xFFFFFF70];
	v53 =	vperm.xlane v34, v6;
	v42 =	vmul.f32 v59, v62  }
0x188: {  	v56 =	vperm.xlane v29, v6;
	v61 =	vld [tilespmem:s13+$0x50];
	[tilespmem:s14+$0xFFFFFF40] =	vst v47;
	v18 =	vmul.f32 v46, v51  }
0x189: {  	v54 =	vld [tilespmem:s13+$0xFFFFFF50];
	[tilespmem:s15+$0xC0] =	vst v42;
	v17 =	vmul.f32 v48, v53  }
0x18a: {  	v32 =	vld [tilespmem:s26+$0xD0];
	[tilespmem:s15+$0xFFFFFF40] =	vst v18;
	v14 =	vmul.f32 v52, v56  }
0x18b: {  	v12 =	vmul.f32 v55, v12;
	[tilespmem:s15+$0xFFFFFFC0] =	vst v17;
	v59 =	vld [tilespmem:s12+$0xFFFFFF50]  }
0x18c: {  	v16 =	vmul.f32 v57, v16;
	v60 =	vld [tilespmem:s12+$0xFFFFFFD0];
	[tilespmem:s15+$0x40] =	vst v14  }
0x18d: {  	v50 =	vperm.xlane v37, v7;
	[tilespmem:s11+$0x60] =	vst v12;
	v22 =	vmul.f32 v61, v22;
	v33 =	vld [tilespmem:s12+$0x50]  }
0x18e: {  	v39 =	vld [tilespmem:s23+$0xFFFFFFF0];
	v63 =	vperm.xlane v36, v7;
	[tilespmem:s11+$0xFFFFFF70] =	vst v16;
	v13 =	vmul.f32 v54, v24  }
0x18f: {  	v38 =	vperm.xlane v34, v7;
	v43 =	vld [tilespmem:s13+$0xFFFFFFE0];
	[tilespmem:s14+$0x50] =	vst v22;
	v32 =	vmul.f32 v32, v50  }
0x190: {  	v42 =	vperm.xlane v29, v7;
	v22 =	vld [tilespmem:s13+$0x60];
	[tilespmem:s14+$0xFFFFFF50] =	vst v13;
	v14 =	vmul.f32 v59, v63  }
0x191: {  	v41 =	vld [tilespmem:s13+$0xFFFFFF60];
	[tilespmem:s15+$0xD0] =	vst v32;
	v44 =	vmul.f32 v60, v38  }
0x192: {  	v58 =	vld [tilespmem:s12+$0xE0];
	[tilespmem:s15+$0xFFFFFF50] =	vst v14;
	v13 =	vmul.f32 v33, v42  }
0x193: {  	v47 =	vmul.f32 v39, v15;
	[tilespmem:s15+$0xFFFFFFD0] =	vst v44;
	v46 =	vld [tilespmem:s12+$0xFFFFFF60]  }
0x194: {  	v51 =	vmul.f32 v43, v23;
	v48 =	vld [tilespmem:s12+$0xFFFFFFE0];
	[tilespmem:s15+$0x50] =	vst v13  }
0x195: {  	v62 =	vperm.xlane v37, v8;
	[tilespmem:s11+$0xFFFFFFF0] =	vst v47;
	v20 =	vmul.f32 v22, v20;
	v52 =	vld [tilespmem:s12+$0x60]  }
0x196: {  	v57 =	vld [tilespmem:s23+$0x70];
	v50 =	vperm.xlane v36, v8;
	[tilespmem:s14+$0xFFFFFFE0] =	vst v51;
	v21 =	vmul.f32 v41, v21  }
0x197: {  	v53 =	vperm.xlane v34, v8;
	v56 =	vld [tilespmem:s13+$0xFFFFFFF0];
	[tilespmem:s14+$0x60] =	vst v20;
	v40 =	vmul.f32 v58, v62  }
0x198: {  	v55 =	vperm.xlane v29, v8;
	[tilespmem:s14+$0xFFFFFF60] =	vst v21;
	v58 =	vld [tilespmem:s13+$0x70];
	v12 =	vmul.f32 v46, v50  }
0x199: {  	v54 =	vld [tilespmem:s13+$0xFFFFFF70];
	[tilespmem:s15+$0xE0] =	vst v40;
	v15 =	vmul.f32 v48, v53  }
0x19a: {  	v45 =	vld [tilespmem:s12+$0xF0];
	[tilespmem:s15+$0xFFFFFF60] =	vst v12;
	v13 =	vmul.f32 v52, v55  }
0x19b: {  	v11 =	vmul.f32 v57, v11;
	[tilespmem:s15+$0xFFFFFFE0] =	vst v15;
	v12 =	vld [tilespmem:s12+$0xFFFFFF70]  }
0x19c: {  	v10 =	vmul.f32 v56, v27;
	v15 =	vld [tilespmem:s12+$0xFFFFFFF0];
	[tilespmem:s15+$0x60] =	vst v13  }
0x19d: {  	v49 =	vperm.xlane v37, v9;
	[tilespmem:s11+$0x70] =	vst v11;
	v63 =	vmul.f32 v58, v30;
	v60 =	vld [tilespmem:s12+$0x70]  }
0x19e: {  	v59 =	vperm.xlane v36, v9;
	[tilespmem:s14+$0xFFFFFFF0] =	vst v10;
	v14 =	vmul.f32 v54, v19  }
0x19f: {  	v61 =	vperm.xlane v34, v9;
	[tilespmem:s14+$0x70] =	vst v63;
	v16 =	vmul.f32 v45, v49  }
0x1a0: {  	v62 =	vperm.xlane v29, v9;
	[tilespmem:s14+$0xFFFFFF70] =	vst v14;
	v10 =	vmul.f32 v12, v59  }
0x1a1: {  	s0 =	smul.u32 $0xA0, s17;
	[tilespmem:s15+$0xF0] =	vst v16;
	v11 =	vmul.f32 v15, v61  }
0x1a2: {  	p0 =	slt.u32 s16, $0xFA;
	[tilespmem:s15+$0xFFFFFF70] =	vst v10;
	v10 =	vmul.f32 v60, v62  }
.Ltmp4:
0x1a3: {  	s0 =	sshrl.u32 s0, $0x2;
	[tilespmem:s15+$0xFFFFFFF0] =	vst v11;
	(pc) =	sbr.rel @p0 .LBB2_6-.Ltmp4, $4  }
0x1a4: {  	s28 =	sadd.s32 $0x3340, s28;
	s0 =	sadd.s32 $0xA0, s0;
	[tilespmem:s15+$0x70] =	vst v10  }
0x1a5: {  	[spmem:s2] =	stream.indirect.scatter.add.f32 [tilespmem:s28], [sflag:$0x3], $0x10, s0, s25, $0xb8;
	[tilespmem:$0x1C840] =	vst v63  }
0x1a6: {  	s30 =	sadd.s32 $0x3840, s29;
	s12 =	smov.u32 s16  }
0x1a7: {  	[spmem:s1] =	stream.indirect.scatter.add.f32 [tilespmem:s30], [sflag:$0x3], $0x80, s0, s25, $0xb8;
	[tilespmem:$0x1C840] =	vst v63  }
0x1a8: {  	s0 =	simm.s32 $0x3  }
0x1a9: {  	_ =	swait.ge [sflag:s0], $0x280  }
0x1aa: {  	[sflag:s0] =	ssyncset.done $0x0  }
0x1ab: {  	[sflag:s0] =	ssyncadd.s32 $0xFFFFFD80  }
0x1ac: {  	_ =	swait.ge [sflag:s0], $0x1400  }
0x1ad: {  	[sflag:s0] =	ssyncset.done $0x0  }
0x1ae: {  	[sflag:s0] =	ssyncadd.s32 $0xFFFFEC00  }
0x1af: {  	_ =	swait.ge [sflag:s0], $0x280  }
0x1b0: {  	[sflag:s0] =	ssyncset.done $0x0  }
0x1b1: {  	[sflag:s0] =	ssyncadd.s32 $0xFFFFFD80  }
0x1b2: {  	_ =	swait.ge [sflag:s0], $0x1400  }
0x1b3: {  	[sflag:s0] =	ssyncset.done $0x0  }
0x1b4: {  	[sflag:s0] =	ssyncadd.s32 $0xFFFFEC00  }
0x1b5: {  	s26 =	stileid.u32;
	[bflag:$0x0] =	sbarrier.arrive $0xFFFF  }
0x1b6: {  	s0 =	sshll.u32 s26, $0x6;
	s5 =	rddreg [dreg:$0xb]  }
0x1b7: {  	s0 =	sor.u32 $0x1C04, s0;
	s4 =	rddreg [dreg:$0xa];
	s3 =	sshrl.u32 s5, $0x3  }
0x1b8: {  	[hbm:s4], [sflag:s0] =	dma.local [spmem:s3], $0x2800  }
0x1b9: {  	_ =	swait.ge [sflag:s21], $0x2800  }
0x1ba: {  	[sflag:s21] =	ssyncset.done $0x0  }
0x1bb: {  	s28 =	sshrl.u32 s18, $0x3;
	s29 =	rddreg [dreg:$0xc];
	[sflag:s21] =	ssyncadd.s32 $0xFFFFD800  }
0x1bc: {  	[hbm:s29], [sflag:s0] =	dma.local [spmem:s28], $0x500  }
0x1bd: {  	_ =	swait.ge [sflag:s21], $0x500  }
0x1be: {  	s14 =	rddreg [dreg:$0x4]  }
0x1bf: {  	s30 =	rddreg [dreg:$0xd];
	s14 =	sadd.s32 $0x1, s14  }
0x1c0: {  	p0 =	sne.s32 s14, s30  }
.Ltmp5:
0x1c1: {  	_ = 	snop;
	(pc) =	sbr.rel @p0 .LBB2_1-.Ltmp5, $3  }
0x1c2: {  	_ =	sdelay $0x1  }
0x1c3: {  	[sflag:s21] =	ssyncset.done $0x0  }
0x1c4: {  	[sflag:s21] =	ssyncadd.s32 $0xFFFFFB00  }
0x1c5: {  	_ =	sfence.sel $0x180000  }
0x1c6: {  	[bflag:$0x0] =	sbarrier.arrive $0xFFFF  }
0x1c7: {  	_ =	strace $0x90000047  }
0x1c8: {  	s0 =	stileid.u32;
	[bflag:$0x2] =	sbarrier.arrive $0xFFFF  }
0x1c9: {  	p0 =	sne.s32 s0, $0x0;
	s0 =	rddreg [dreg:$0x3]  }
0x1ca: {  	s0 =	sadd.s32 @!p0 $0x100000, s0  }
0x1cb: {  	[sflag:s0] =	ssyncadd.tile.s32 @!p0 $0x1;
	_ =	shalt  }
.Lfunc_end2:
_tile_overlayer_lowered:
.L_overlay_start_2:
0x1cc: {  	(tag) =	ssettag $0x2  }
0x1cd: {  	s0 =	rddreg [dreg:$0x0];
	s2 =	stileid.u32  }
0x1ce: {  	s1 =	rddreg [dreg:$0x1];
	p0 =	sne.s32 s2, $0x0  }
0x1cf: {  	s3 =	rddreg [dreg:$0x2];
	[bflag:$0x3] =	sbarrier.arrive $0xFFFF;
	s2 =	simm.s32 @!p0 $0x1C04  }
0x1d0: {  	[timem:s3], [sflag:s2] =	dma.local @!p0 [hbm:s0], s1  }
0x1d1: {  	s0 =	simm.s32 @!p0 $0x4  }
0x1d2: {  	_ =	swait.ge @!p0 [sflag:s0], s1  }
0x1d3: {  	s1 =	ssub.s32 @!p0 $0x0, s1;
	[sflag:s0] =	ssyncset.done @!p0 $0x0  }
0x1d4: {  	[sflag:s0] =	ssyncadd.s32 @!p0 s1  }
0x1d5: {  	[bflag:$0x3] =	sbarrier.arrive $0xFFFF  }
0x1d6: {  	_ =	shalt  }

</sc_bundles>
